<compile_context>
chip_gen: v7x
topology: tpu7x:2x2x1
jax: 0.10.2.dev20260603
libtpu: 0.0.44.dev20260713+nightly
codegen_flags: <defaults>
</compile_context>

<pallas_src>
import functools

import jax
import jax.numpy as jnp
from jax import lax
from jax.experimental import pallas as pl
from jax.experimental.pallas import tpu as pltpu
from jax.experimental.pallas import tpu_sc as plsc

N = 10000
E = 320000
D = 128
ALPHA = 0.2

NC = 2
NS = 16
NW = NC * NS
CH = 125
G = 8
NG = 10
NP = 10240
NPT = NP // NS
NPA = 10112
NPTA = NPA // NS


def _deg_body(ei_hbm, out_hbm, dst_v, ones_v, zeros_v, deg_sh, sem, sem2):
    c = lax.axis_index("c")
    s = lax.axis_index("s")
    wid = c * NS + s
    for i in range(128 // 16):
        ones_v[pl.ds(i * 16, 16)] = jnp.ones((16,), jnp.float32)
    for i in range(NPT // 16):
        zeros_v[pl.ds(i * 16, 16)] = jnp.zeros((16,), jnp.float32)
    pltpu.sync_copy(zeros_v, deg_sh.at[pl.ds(s * NPT, NPT)])
    pltpu.async_copy(ei_hbm.at[1, wid], dst_v, sem).wait()
    plsc.subcore_barrier()

    sems = (sem, sem2)

    def body(j, carry):
        for k in range(G):
            pltpu.async_copy(ones_v.at[pl.ds(0, CH)],
                             deg_sh.at[dst_v.at[j, k]], sems[k % 2],
                             add=True)
            if k >= 2:
                pltpu.make_async_copy(ones_v.at[pl.ds(0, CH)],
                                      deg_sh.at[dst_v.at[j, k - 2]],
                                      sems[k % 2]).wait()
        for k in range(G - 2, G):
            pltpu.make_async_copy(ones_v.at[pl.ds(0, CH)],
                                  deg_sh.at[dst_v.at[j, k]],
                                  sems[k % 2]).wait()
        return carry

    lax.fori_loop(0, NG, body, 0)
    plsc.subcore_barrier()
    pltpu.sync_copy(deg_sh.at[pl.ds(s * NPT, NPT)],
                    out_hbm.at[c, pl.ds(s * NPT, NPT)])


def _agg_body(y_hbm, ei_hbm, out_hbm,
              srcga, srcgb, dstga, dstgb, rows0, rows1, zeros_v, agg_sh,
              gsem0, gsem1, ssem0, ssem1, isema, isemb, zsem):
    c = lax.axis_index("c")
    s = lax.axis_index("s")
    wid = c * NS + s
    for i in range(8):
        for k in range(D // 16):
            zeros_v[i, pl.ds(k * 16, 16)] = jnp.zeros((16,), jnp.float32)
    for j in range(NPTA // 8):
        pltpu.async_copy(zeros_v, agg_sh.at[pl.ds(s * NPTA + j * 8, 8)],
                         zsem)
    pltpu.sync_copy(ei_hbm.at[0, wid, 0], srcga)
    pltpu.sync_copy(ei_hbm.at[1, wid, 0], dstga)
    for j in range(NPTA // 8):
        pltpu.make_async_copy(zeros_v,
                              agg_sh.at[pl.ds(s * NPTA + j * 8, 8)],
                              zsem).wait()
    plsc.subcore_barrier()

    def i_start(grp, srcg, dstg, isem):
        pltpu.async_copy(ei_hbm.at[0, wid, grp], srcg, isem)
        pltpu.async_copy(ei_hbm.at[1, wid, grp], dstg, isem)

    def i_wait(grp, srcg, dstg, isem):
        pltpu.make_async_copy(ei_hbm.at[0, wid, grp], srcg, isem).wait()
        pltpu.make_async_copy(ei_hbm.at[1, wid, grp], dstg, isem).wait()

    def g_start(srcg, k, rows, gsem):
        pltpu.async_copy(y_hbm.at[srcg.at[k]], rows, gsem)

    def g_wait(srcg, k, rows, gsem):
        pltpu.make_async_copy(y_hbm.at[srcg.at[k]], rows, gsem).wait()

    def sc_do(dstg, k, rows, ssem):
        pltpu.async_copy(rows, agg_sh.at[dstg.at[k]], ssem, add=True)
        pltpu.make_async_copy(rows, agg_sh.at[dstg.at[k]], ssem).wait()

    i_start(1, srcgb, dstgb, isemb)
    g_start(srcga, 0, rows0, gsem0)
    g_start(srcga, 1, rows1, gsem1)

    rows_ = (rows0, rows1)
    gsem_ = (gsem0, gsem1)
    ssem_ = (ssem0, ssem1)

    def body(u, carry):
        more = u < NG // 2 - 1
        for cidx in range(2 * G):
            b = cidx % 2
            srcg, dstg = (srcga, dstga) if cidx < G else (srcgb, dstgb)
            k = cidx % G
            g_wait(srcg, k, rows_[b], gsem_[b])
            sc_do(dstg, k, rows_[b], ssem_[b])
            nxt = cidx + 2
            if nxt == G - 2:
                i_wait(2 * u + 1, srcgb, dstgb, isemb)
            if nxt < 2 * G:
                nsrc = srcga if nxt < G else srcgb
                g_start(nsrc, nxt % G, rows_[b], gsem_[b])
            else:

                @pl.when(more)
                def _():
                    if nxt == 2 * G:
                        i_wait(2 * u + 2, srcga, dstga, isema)
                    g_start(srcga, nxt % G, rows_[b], gsem_[b])

            if cidx == G - 1:

                @pl.when(more)
                def _():
                    i_start(2 * u + 2, srcga, dstga, isema)

            if cidx == 2 * G - 1:

                @pl.when(more)
                def _():
                    i_start(2 * u + 3, srcgb, dstgb, isemb)

        return carry

    lax.fori_loop(0, NG // 2, body, 0)
    plsc.subcore_barrier()

    wchunks = [(k * 128, 128) for k in range(4)] + [(512, NPTA - 512)]
    for off, ln in wchunks:
        pltpu.async_copy(agg_sh.at[pl.ds(s * NPTA + off, ln)],
                         out_hbm.at[c, pl.ds(s * NPTA + off, ln)], zsem)
    for off, ln in wchunks:
        pltpu.make_async_copy(agg_sh.at[pl.ds(s * NPTA + off, ln)],
                              out_hbm.at[c, pl.ds(s * NPTA + off, ln)],
                              zsem).wait()


@functools.lru_cache(maxsize=None)
def _sc_kernels():
    mesh = plsc.VectorSubcoreMesh(
        core_axis_name="c", subcore_axis_name="s",
        num_cores=NC, num_subcores=NS)
    deg_kernel = pl.kernel(
        _deg_body,
        out_type=jax.ShapeDtypeStruct((NC, NP), jnp.float32),
        mesh=mesh,
        scratch_types=[
            pltpu.VMEM((NG, G, CH), jnp.int32),
            pltpu.VMEM((128,), jnp.float32),
            pltpu.VMEM((NPT,), jnp.float32),
            pltpu.VMEM_SHARED((NP,), jnp.float32),
            pltpu.SemaphoreType.DMA,
            pltpu.SemaphoreType.DMA,
        ],
    )
    agg_kernel = pl.kernel(
        _agg_body,
        out_type=jax.ShapeDtypeStruct((NC, NP, D), jnp.float32),
        mesh=mesh,
        scratch_types=[
            pltpu.VMEM((G, CH), jnp.int32),
            pltpu.VMEM((G, CH), jnp.int32),
            pltpu.VMEM((G, CH), jnp.int32),
            pltpu.VMEM((G, CH), jnp.int32),
            pltpu.VMEM((CH, D), jnp.float32),
            pltpu.VMEM((CH, D), jnp.float32),
            pltpu.VMEM((8, D), jnp.float32),
            pltpu.VMEM_SHARED((NPA, D), jnp.float32),
            pltpu.SemaphoreType.DMA,
            pltpu.SemaphoreType.DMA,
            pltpu.SemaphoreType.DMA,
            pltpu.SemaphoreType.DMA,
            pltpu.SemaphoreType.DMA,
            pltpu.SemaphoreType.DMA,
            pltpu.SemaphoreType.DMA,
        ],
    )
    return deg_kernel, agg_kernel


def _prep_body(degt_ref, x_ref, dinv_ref, y_ref):
    dinv = lax.rsqrt(degt_ref[:, 0:1] + degt_ref[:, 1:2] + 1.0)
    dinv_ref[...] = dinv
    y_ref[...] = x_ref[...] * dinv


def _prep(degt, x):
    blk = 2000
    grid = N // blk
    return pl.pallas_call(
        _prep_body,
        grid=(grid,),
        in_specs=[
            pl.BlockSpec((blk, NC), lambda i: (i, 0)),
            pl.BlockSpec((blk, D), lambda i: (i, 0)),
        ],
        out_specs=[
            pl.BlockSpec((blk, 1), lambda i: (i, 0)),
            pl.BlockSpec((blk, D), lambda i: (i, 0)),
        ],
        out_shape=[
            jax.ShapeDtypeStruct((N, 1), jnp.float32),
            jax.ShapeDtypeStruct((N, D), jnp.float32),
        ],
    )(degt, x)


def _final_body(p_ref, dinv_ref, x0_ref, x_ref, w_ref, o_ref):
    dv = dinv_ref[...]
    xv = x_ref[...]
    agg = (p_ref[0] + p_ref[1]) * dv + xv * (dv * dv)
    h = (1.0 - ALPHA) * agg + ALPHA * x0_ref[...]
    mm = jnp.dot(h, w_ref[...], preferred_element_type=jnp.float32)
    o_ref[...] = xv + jnp.maximum(mm, 0.0)


def _final(parts, dinv, x0, x, W1):
    blk = 2000
    grid = N // blk
    return pl.pallas_call(
        _final_body,
        grid=(grid,),
        in_specs=[
            pl.BlockSpec((NC, blk, D), lambda i: (0, i, 0)),
            pl.BlockSpec((blk, 1), lambda i: (i, 0)),
            pl.BlockSpec((blk, D), lambda i: (i, 0)),
            pl.BlockSpec((blk, D), lambda i: (i, 0)),
            pl.BlockSpec((D, D), lambda i: (0, 0)),
        ],
        out_specs=pl.BlockSpec((blk, D), lambda i: (i, 0)),
        out_shape=jax.ShapeDtypeStruct((N, D), jnp.float32),
    )(parts, dinv, x0, x, W1)


def kernel(x, x0, edge_index, W1):
    ei = edge_index.reshape(2, NW, NG, G, CH)
    deg_kernel, agg_kernel = _sc_kernels()
    degp = deg_kernel(ei)
    dinv, y = _prep(degp.T, x)
    parts = agg_kernel(y, ei)
    return _final(parts, dinv, x0, x, W1)

# --- scband reference (transcript-rebuilt; emitter-appended) ---
"""Pipeline reference for scband-gcn2-conv-layer-55765855371774 (READ-ONLY COPY).

The authoritative reference and input builder live on the scoring server;
editing this copy changes nothing except your own understanding.
"""

import jax, jax.numpy as jnp
import numpy as np

N = 10000
E = 320000
D = 128
ALPHA = 0.2

def setup_inputs(seed: int = 0) -> dict:
    key = jax.random.key(seed)
    k1, k2, k3, k4 = jax.random.split(key, 4)
    x = jax.random.normal(k1, (N, D), dtype=jnp.float32)
    x0 = jax.random.normal(k2, (N, D), dtype=jnp.float32)
    edge_index = jax.random.randint(k3, (2, E), 0, N, dtype=jnp.int32)
    W1 = jax.random.normal(k4, (D, D), dtype=jnp.float32) * (1.0 / np.sqrt(D))
    return {"x": x, "x0": x0, "edge_index": edge_index, "W1": W1}

def reference(x, x0, edge_index, W1):
    # PyG GCN2Conv with alpha=0.2, theta=None/layer=None -> beta=1.0, shared_weights=True
    n = x.shape[0]
    loop = jnp.arange(n, dtype=edge_index.dtype)
    src = jnp.concatenate([edge_index[0], loop])
    dst = jnp.concatenate([edge_index[1], loop])
    # gcn_norm with add_self_loops=True, edge weights = 1
    ones = jnp.ones(src.shape[0], dtype=x.dtype)
    deg = jax.ops.segment_sum(ones, dst, num_segments=n)
    dinv = jnp.where(deg > 0, jax.lax.rsqrt(deg), 0.0)
    norm = dinv[src] * dinv[dst]
    # propagate: out[dst] += norm * x[src]
    agg = jax.ops.segment_sum(norm[:, None] * x[src], dst, num_segments=n)
    h = (1.0 - ALPHA) * agg + ALPHA * x0
    # beta = 1.0 -> out = h @ W1 (the (1-beta)*h identity term vanishes)
    out = h @ W1
    # layer wrapper: relu, dropout (eval mode -> identity), residual
    out = jax.nn.relu(out)
    out = x + out
    return out

if __name__ == "__main__":
    import jax
    _d = setup_inputs()
    print(jax.jit(kernel)(*tuple(_d.values())))

</pallas_src>

<mosaic_0001>
#map = affine_map<(d0, d1) -> (0, 0, 0, 0, 0)>
#map1 = affine_map<(d0, d1) -> (0, 0)>
module attributes {stable_mosaic.version = 14 : i64} {
  func.func @_deg_body(%arg0: i32, %arg1: i32, %arg2: memref<2x32x10x8x125xi32, #tpu.memory_space<hbm>>, %arg3: memref<2x10240xf32, #tpu.memory_space<hbm>>, %arg4: memref<10x8x125xi32, #tpu.memory_space<vmem>>, %arg5: memref<128xf32, #tpu.memory_space<vmem>>, %arg6: memref<640xf32, #tpu.memory_space<vmem>>, %arg7: memref<10240xf32, #tpu.memory_space<vmem_shared>>, %arg8: memref<!tpu.dma_semaphore, #tpu.memory_space<semaphore_mem>>, %arg9: memref<!tpu.dma_semaphore, #tpu.memory_space<semaphore_mem>>) attributes {dimension_semantics = [#tpu.dimension_semantics<core_parallel>, #tpu.dimension_semantics<subcore_parallel>], iteration_bounds = array<i64: 2, 16>, scalar_prefetch = 0 : i64, scratch_operands = 6 : i64, tpu.core_type = #tpu.core_type<sc_vector_subcore>, window_params = [{transform_indices = #map}, {transform_indices = #map1}]} {
    %mul3A = arith.constant 16 : i32
    %mul3A_0 = arith.muli %arg0, %mul3A : i32
    %add3A = arith.addi %mul3A_0, %arg1 : i32
    %broadcast_in_dim3A = arith.constant 1.000000e+00 : f32
    %broadcast_in_dim3A_1 = vector.broadcast %broadcast_in_dim3A : f32 to vector<16xf32>
    %swap3A = arith.constant 0 : index
    %swap3A_2 = tpu.vector_load %arg5[%swap3A] {strides = array<i32>} : memref<128xf32, #tpu.memory_space<vmem>>, vector<16xf32>,
    %swap3A_3 = vector.shape_cast %swap3A_2 : vector<16xf32> to vector<16xf32>
    %swap3A_4 = vector.shape_cast %broadcast_in_dim3A_1 : vector<16xf32> to vector<16xf32>
    tpu.vector_store %arg5[%swap3A], %swap3A_4 {strides = array<i32>} : memref<128xf32, #tpu.memory_space<vmem>>, vector<16xf32>,
    %broadcast_in_dim3A_5 = arith.constant 1.000000e+00 : f32
    %broadcast_in_dim3A_6 = vector.broadcast %broadcast_in_dim3A_5 : f32 to vector<16xf32>
    %swap3A_7 = arith.constant 16 : index
    %swap3A_8 = tpu.vector_load %arg5[%swap3A_7] {strides = array<i32>} : memref<128xf32, #tpu.memory_space<vmem>>, vector<16xf32>,
    %swap3A_9 = vector.shape_cast %swap3A_8 : vector<16xf32> to vector<16xf32>
    %swap3A_10 = vector.shape_cast %broadcast_in_dim3A_6 : vector<16xf32> to vector<16xf32>
    tpu.vector_store %arg5[%swap3A_7], %swap3A_10 {strides = array<i32>} : memref<128xf32, #tpu.memory_space<vmem>>, vector<16xf32>,
    %broadcast_in_dim3A_11 = arith.constant 1.000000e+00 : f32
    %broadcast_in_dim3A_12 = vector.broadcast %broadcast_in_dim3A_11 : f32 to vector<16xf32>
    %swap3A_13 = arith.constant 32 : index
    %swap3A_14 = tpu.vector_load %arg5[%swap3A_13] {strides = array<i32>} : memref<128xf32, #tpu.memory_space<vmem>>, vector<16xf32>,
    %swap3A_15 = vector.shape_cast %swap3A_14 : vector<16xf32> to vector<16xf32>
    %swap3A_16 = vector.shape_cast %broadcast_in_dim3A_12 : vector<16xf32> to vector<16xf32>
    tpu.vector_store %arg5[%swap3A_13], %swap3A_16 {strides = array<i32>} : memref<128xf32, #tpu.memory_space<vmem>>, vector<16xf32>,
    %broadcast_in_dim3A_17 = arith.constant 1.000000e+00 : f32
    %broadcast_in_dim3A_18 = vector.broadcast %broadcast_in_dim3A_17 : f32 to vector<16xf32>
    %swap3A_19 = arith.constant 48 : index
    %swap3A_20 = tpu.vector_load %arg5[%swap3A_19] {strides = array<i32>} : memref<128xf32, #tpu.memory_space<vmem>>, vector<16xf32>,
    %swap3A_21 = vector.shape_cast %swap3A_20 : vector<16xf32> to vector<16xf32>
    %swap3A_22 = vector.shape_cast %broadcast_in_dim3A_18 : vector<16xf32> to vector<16xf32>
    tpu.vector_store %arg5[%swap3A_19], %swap3A_22 {strides = array<i32>} : memref<128xf32, #tpu.memory_space<vmem>>, vector<16xf32>,
    %broadcast_in_dim3A_23 = arith.constant 1.000000e+00 : f32
    %broadcast_in_dim3A_24 = vector.broadcast %broadcast_in_dim3A_23 : f32 to vector<16xf32>
    %swap3A_25 = arith.constant 64 : index
    %swap3A_26 = tpu.vector_load %arg5[%swap3A_25] {strides = array<i32>} : memref<128xf32, #tpu.memory_space<vmem>>, vector<16xf32>,
    %swap3A_27 = vector.shape_cast %swap3A_26 : vector<16xf32> to vector<16xf32>
    %swap3A_28 = vector.shape_cast %broadcast_in_dim3A_24 : vector<16xf32> to vector<16xf32>
    tpu.vector_store %arg5[%swap3A_25], %swap3A_28 {strides = array<i32>} : memref<128xf32, #tpu.memory_space<vmem>>, vector<16xf32>,
    %broadcast_in_dim3A_29 = arith.constant 1.000000e+00 : f32
    %broadcast_in_dim3A_30 = vector.broadcast %broadcast_in_dim3A_29 : f32 to vector<16xf32>
    %swap3A_31 = arith.constant 80 : index
    %swap3A_32 = tpu.vector_load %arg5[%swap3A_31] {strides = array<i32>} : memref<128xf32, #tpu.memory_space<vmem>>, vector<16xf32>,
    %swap3A_33 = vector.shape_cast %swap3A_32 : vector<16xf32> to vector<16xf32>
    %swap3A_34 = vector.shape_cast %broadcast_in_dim3A_30 : vector<16xf32> to vector<16xf32>
    tpu.vector_store %arg5[%swap3A_31], %swap3A_34 {strides = array<i32>} : memref<128xf32, #tpu.memory_space<vmem>>, vector<16xf32>,
    %broadcast_in_dim3A_35 = arith.constant 1.000000e+00 : f32
    %broadcast_in_dim3A_36 = vector.broadcast %broadcast_in_dim3A_35 : f32 to vector<16xf32>
    %swap3A_37 = arith.constant 96 : index
    %swap3A_38 = tpu.vector_load %arg5[%swap3A_37] {strides = array<i32>} : memref<128xf32, #tpu.memory_space<vmem>>, vector<16xf32>,
    %swap3A_39 = vector.shape_cast %swap3A_38 : vector<16xf32> to vector<16xf32>
    %swap3A_40 = vector.shape_cast %broadcast_in_dim3A_36 : vector<16xf32> to vector<16xf32>
    tpu.vector_store %arg5[%swap3A_37], %swap3A_40 {strides = array<i32>} : memref<128xf32, #tpu.memory_space<vmem>>, vector<16xf32>,
    %broadcast_in_dim3A_41 = arith.constant 1.000000e+00 : f32
    %broadcast_in_dim3A_42 = vector.broadcast %broadcast_in_dim3A_41 : f32 to vector<16xf32>
    %swap3A_43 = arith.constant 112 : index
    %swap3A_44 = tpu.vector_load %arg5[%swap3A_43] {strides = array<i32>} : memref<128xf32, #tpu.memory_space<vmem>>, vector<16xf32>,
    %swap3A_45 = vector.shape_cast %swap3A_44 : vector<16xf32> to vector<16xf32>
    %swap3A_46 = vector.shape_cast %broadcast_in_dim3A_42 : vector<16xf32> to vector<16xf32>
    tpu.vector_store %arg5[%swap3A_43], %swap3A_46 {strides = array<i32>} : memref<128xf32, #tpu.memory_space<vmem>>, vector<16xf32>,
    %broadcast_in_dim3A_47 = arith.constant 0.000000e+00 : f32
    %broadcast_in_dim3A_48 = vector.broadcast %broadcast_in_dim3A_47 : f32 to vector<16xf32>
    %swap3A_49 = arith.constant 0 : index
    %swap3A_50 = tpu.vector_load %arg6[%swap3A_49] {strides = array<i32>} : memref<640xf32, #tpu.memory_space<vmem>>, vector<16xf32>,
    %swap3A_51 = vector.shape_cast %swap3A_50 : vector<16xf32> to vector<16xf32>
    %swap3A_52 = vector.shape_cast %broadcast_in_dim3A_48 : vector<16xf32> to vector<16xf32>
    tpu.vector_store %arg6[%swap3A_49], %swap3A_52 {strides = array<i32>} : memref<640xf32, #tpu.memory_space<vmem>>, vector<16xf32>,
    %broadcast_in_dim3A_53 = arith.constant 0.000000e+00 : f32
    %broadcast_in_dim3A_54 = vector.broadcast %broadcast_in_dim3A_53 : f32 to vector<16xf32>
    %swap3A_55 = arith.constant 16 : index
    %swap3A_56 = tpu.vector_load %arg6[%swap3A_55] {strides = array<i32>} : memref<640xf32, #tpu.memory_space<vmem>>, vector<16xf32>,
    %swap3A_57 = vector.shape_cast %swap3A_56 : vector<16xf32> to vector<16xf32>
    %swap3A_58 = vector.shape_cast %broadcast_in_dim3A_54 : vector<16xf32> to vector<16xf32>
    tpu.vector_store %arg6[%swap3A_55], %swap3A_58 {strides = array<i32>} : memref<640xf32, #tpu.memory_space<vmem>>, vector<16xf32>,
    %broadcast_in_dim3A_59 = arith.constant 0.000000e+00 : f32
    %broadcast_in_dim3A_60 = vector.broadcast %broadcast_in_dim3A_59 : f32 to vector<16xf32>
    %swap3A_61 = arith.constant 32 : index
    %swap3A_62 = tpu.vector_load %arg6[%swap3A_61] {strides = array<i32>} : memref<640xf32, #tpu.memory_space<vmem>>, vector<16xf32>,
    %swap3A_63 = vector.shape_cast %swap3A_62 : vector<16xf32> to vector<16xf32>
    %swap3A_64 = vector.shape_cast %broadcast_in_dim3A_60 : vector<16xf32> to vector<16xf32>
    tpu.vector_store %arg6[%swap3A_61], %swap3A_64 {strides = array<i32>} : memref<640xf32, #tpu.memory_space<vmem>>, vector<16xf32>,
    %broadcast_in_dim3A_65 = arith.constant 0.000000e+00 : f32
    %broadcast_in_dim3A_66 = vector.broadcast %broadcast_in_dim3A_65 : f32 to vector<16xf32>
    %swap3A_67 = arith.constant 48 : index
    %swap3A_68 = tpu.vector_load %arg6[%swap3A_67] {strides = array<i32>} : memref<640xf32, #tpu.memory_space<vmem>>, vector<16xf32>,
    %swap3A_69 = vector.shape_cast %swap3A_68 : vector<16xf32> to vector<16xf32>
    %swap3A_70 = vector.shape_cast %broadcast_in_dim3A_66 : vector<16xf32> to vector<16xf32>
    tpu.vector_store %arg6[%swap3A_67], %swap3A_70 {strides = array<i32>} : memref<640xf32, #tpu.memory_space<vmem>>, vector<16xf32>,
    %broadcast_in_dim3A_71 = arith.constant 0.000000e+00 : f32
    %broadcast_in_dim3A_72 = vector.broadcast %broadcast_in_dim3A_71 : f32 to vector<16xf32>
    %swap3A_73 = arith.constant 64 : index
    %swap3A_74 = tpu.vector_load %arg6[%swap3A_73] {strides = array<i32>} : memref<640xf32, #tpu.memory_space<vmem>>, vector<16xf32>,
    %swap3A_75 = vector.shape_cast %swap3A_74 : vector<16xf32> to vector<16xf32>
    %swap3A_76 = vector.shape_cast %broadcast_in_dim3A_72 : vector<16xf32> to vector<16xf32>
    tpu.vector_store %arg6[%swap3A_73], %swap3A_76 {strides = array<i32>} : memref<640xf32, #tpu.memory_space<vmem>>, vector<16xf32>,
    %broadcast_in_dim3A_77 = arith.constant 0.000000e+00 : f32
    %broadcast_in_dim3A_78 = vector.broadcast %broadcast_in_dim3A_77 : f32 to vector<16xf32>
    %swap3A_79 = arith.constant 80 : index
    %swap3A_80 = tpu.vector_load %arg6[%swap3A_79] {strides = array<i32>} : memref<640xf32, #tpu.memory_space<vmem>>, vector<16xf32>,
    %swap3A_81 = vector.shape_cast %swap3A_80 : vector<16xf32> to vector<16xf32>
    %swap3A_82 = vector.shape_cast %broadcast_in_dim3A_78 : vector<16xf32> to vector<16xf32>
    tpu.vector_store %arg6[%swap3A_79], %swap3A_82 {strides = array<i32>} : memref<640xf32, #tpu.memory_space<vmem>>, vector<16xf32>,
    %broadcast_in_dim3A_83 = arith.constant 0.000000e+00 : f32
    %broadcast_in_dim3A_84 = vector.broadcast %broadcast_in_dim3A_83 : f32 to vector<16xf32>
    %swap3A_85 = arith.constant 96 : index
    %swap3A_86 = tpu.vector_load %arg6[%swap3A_85] {strides = array<i32>} : memref<640xf32, #tpu.memory_space<vmem>>, vector<16xf32>,
    %swap3A_87 = vector.shape_cast %swap3A_86 : vector<16xf32> to vector<16xf32>
    %swap3A_88 = vector.shape_cast %broadcast_in_dim3A_84 : vector<16xf32> to vector<16xf32>
    tpu.vector_store %arg6[%swap3A_85], %swap3A_88 {strides = array<i32>} : memref<640xf32, #tpu.memory_space<vmem>>, vector<16xf32>,
    %broadcast_in_dim3A_89 = arith.constant 0.000000e+00 : f32
    %broadcast_in_dim3A_90 = vector.broadcast %broadcast_in_dim3A_89 : f32 to vector<16xf32>
    %swap3A_91 = arith.constant 112 : index
    %swap3A_92 = tpu.vector_load %arg6[%swap3A_91] {strides = array<i32>} : memref<640xf32, #tpu.memory_space<vmem>>, vector<16xf32>,
    %swap3A_93 = vector.shape_cast %swap3A_92 : vector<16xf32> to vector<16xf32>
    %swap3A_94 = vector.shape_cast %broadcast_in_dim3A_90 : vector<16xf32> to vector<16xf32>
    tpu.vector_store %arg6[%swap3A_91], %swap3A_94 {strides = array<i32>} : memref<640xf32, #tpu.memory_space<vmem>>, vector<16xf32>,
    %broadcast_in_dim3A_95 = arith.constant 0.000000e+00 : f32
    %broadcast_in_dim3A_96 = vector.broadcast %broadcast_in_dim3A_95 : f32 to vector<16xf32>
    %swap3A_97 = arith.constant 128 : index
    %swap3A_98 = tpu.vector_load %arg6[%swap3A_97] {strides = array<i32>} : memref<640xf32, #tpu.memory_space<vmem>>, vector<16xf32>,
    %swap3A_99 = vector.shape_cast %swap3A_98 : vector<16xf32> to vector<16xf32>
    %swap3A_100 = vector.shape_cast %broadcast_in_dim3A_96 : vector<16xf32> to vector<16xf32>
    tpu.vector_store %arg6[%swap3A_97], %swap3A_100 {strides = array<i32>} : memref<640xf32, #tpu.memory_space<vmem>>, vector<16xf32>,
    %broadcast_in_dim3A_101 = arith.constant 0.000000e+00 : f32
    %broadcast_in_dim3A_102 = vector.broadcast %broadcast_in_dim3A_101 : f32 to vector<16xf32>
    %swap3A_103 = arith.constant 144 : index
    %swap3A_104 = tpu.vector_load %arg6[%swap3A_103] {strides = array<i32>} : memref<640xf32, #tpu.memory_space<vmem>>, vector<16xf32>,
    %swap3A_105 = vector.shape_cast %swap3A_104 : vector<16xf32> to vector<16xf32>
    %swap3A_106 = vector.shape_cast %broadcast_in_dim3A_102 : vector<16xf32> to vector<16xf32>
    tpu.vector_store %arg6[%swap3A_103], %swap3A_106 {strides = array<i32>} : memref<640xf32, #tpu.memory_space<vmem>>, vector<16xf32>,
    %broadcast_in_dim3A_107 = arith.constant 0.000000e+00 : f32
    %broadcast_in_dim3A_108 = vector.broadcast %broadcast_in_dim3A_107 : f32 to vector<16xf32>
    %swap3A_109 = arith.constant 160 : index
    %swap3A_110 = tpu.vector_load %arg6[%swap3A_109] {strides = array<i32>} : memref<640xf32, #tpu.memory_space<vmem>>, vector<16xf32>,
    %swap3A_111 = vector.shape_cast %swap3A_110 : vector<16xf32> to vector<16xf32>
    %swap3A_112 = vector.shape_cast %broadcast_in_dim3A_108 : vector<16xf32> to vector<16xf32>
    tpu.vector_store %arg6[%swap3A_109], %swap3A_112 {strides = array<i32>} : memref<640xf32, #tpu.memory_space<vmem>>, vector<16xf32>,
    %broadcast_in_dim3A_113 = arith.constant 0.000000e+00 : f32
    %broadcast_in_dim3A_114 = vector.broadcast %broadcast_in_dim3A_113 : f32 to vector<16xf32>
    %swap3A_115 = arith.constant 176 : index
    %swap3A_116 = tpu.vector_load %arg6[%swap3A_115] {strides = array<i32>} : memref<640xf32, #tpu.memory_space<vmem>>, vector<16xf32>,
    %swap3A_117 = vector.shape_cast %swap3A_116 : vector<16xf32> to vector<16xf32>
    %swap3A_118 = vector.shape_cast %broadcast_in_dim3A_114 : vector<16xf32> to vector<16xf32>
    tpu.vector_store %arg6[%swap3A_115], %swap3A_118 {strides = array<i32>} : memref<640xf32, #tpu.memory_space<vmem>>, vector<16xf32>,
    %broadcast_in_dim3A_119 = arith.constant 0.000000e+00 : f32
    %broadcast_in_dim3A_120 = vector.broadcast %broadcast_in_dim3A_119 : f32 to vector<16xf32>
    %swap3A_121 = arith.constant 192 : index
    %swap3A_122 = tpu.vector_load %arg6[%swap3A_121] {strides = array<i32>} : memref<640xf32, #tpu.memory_space<vmem>>, vector<16xf32>,
    %swap3A_123 = vector.shape_cast %swap3A_122 : vector<16xf32> to vector<16xf32>
    %swap3A_124 = vector.shape_cast %broadcast_in_dim3A_120 : vector<16xf32> to vector<16xf32>
    tpu.vector_store %arg6[%swap3A_121], %swap3A_124 {strides = array<i32>} : memref<640xf32, #tpu.memory_space<vmem>>, vector<16xf32>,
    %broadcast_in_dim3A_125 = arith.constant 0.000000e+00 : f32
    %broadcast_in_dim3A_126 = vector.broadcast %broadcast_in_dim3A_125 : f32 to vector<16xf32>
    %swap3A_127 = arith.constant 208 : index
    %swap3A_128 = tpu.vector_load %arg6[%swap3A_127] {strides = array<i32>} : memref<640xf32, #tpu.memory_space<vmem>>, vector<16xf32>,
    %swap3A_129 = vector.shape_cast %swap3A_128 : vector<16xf32> to vector<16xf32>
    %swap3A_130 = vector.shape_cast %broadcast_in_dim3A_126 : vector<16xf32> to vector<16xf32>
    tpu.vector_store %arg6[%swap3A_127], %swap3A_130 {strides = array<i32>} : memref<640xf32, #tpu.memory_space<vmem>>, vector<16xf32>,
    %broadcast_in_dim3A_131 = arith.constant 0.000000e+00 : f32
    %broadcast_in_dim3A_132 = vector.broadcast %broadcast_in_dim3A_131 : f32 to vector<16xf32>
    %swap3A_133 = arith.constant 224 : index
    %swap3A_134 = tpu.vector_load %arg6[%swap3A_133] {strides = array<i32>} : memref<640xf32, #tpu.memory_space<vmem>>, vector<16xf32>,
    %swap3A_135 = vector.shape_cast %swap3A_134 : vector<16xf32> to vector<16xf32>
    %swap3A_136 = vector.shape_cast %broadcast_in_dim3A_132 : vector<16xf32> to vector<16xf32>
    tpu.vector_store %arg6[%swap3A_133], %swap3A_136 {strides = array<i32>} : memref<640xf32, #tpu.memory_space<vmem>>, vector<16xf32>,
    %broadcast_in_dim3A_137 = arith.constant 0.000000e+00 : f32
    %broadcast_in_dim3A_138 = vector.broadcast %broadcast_in_dim3A_137 : f32 to vector<16xf32>
    %swap3A_139 = arith.constant 240 : index
    %swap3A_140 = tpu.vector_load %arg6[%swap3A_139] {strides = array<i32>} : memref<640xf32, #tpu.memory_space<vmem>>, vector<16xf32>,
    %swap3A_141 = vector.shape_cast %swap3A_140 : vector<16xf32> to vector<16xf32>
    %swap3A_142 = vector.shape_cast %broadcast_in_dim3A_138 : vector<16xf32> to vector<16xf32>
    tpu.vector_store %arg6[%swap3A_139], %swap3A_142 {strides = array<i32>} : memref<640xf32, #tpu.memory_space<vmem>>, vector<16xf32>,
    %broadcast_in_dim3A_143 = arith.constant 0.000000e+00 : f32
    %broadcast_in_dim3A_144 = vector.broadcast %broadcast_in_dim3A_143 : f32 to vector<16xf32>
    %swap3A_145 = arith.constant 256 : index
    %swap3A_146 = tpu.vector_load %arg6[%swap3A_145] {strides = array<i32>} : memref<640xf32, #tpu.memory_space<vmem>>, vector<16xf32>,
    %swap3A_147 = vector.shape_cast %swap3A_146 : vector<16xf32> to vector<16xf32>
    %swap3A_148 = vector.shape_cast %broadcast_in_dim3A_144 : vector<16xf32> to vector<16xf32>
    tpu.vector_store %arg6[%swap3A_145], %swap3A_148 {strides = array<i32>} : memref<640xf32, #tpu.memory_space<vmem>>, vector<16xf32>,
    %broadcast_in_dim3A_149 = arith.constant 0.000000e+00 : f32
    %broadcast_in_dim3A_150 = vector.broadcast %broadcast_in_dim3A_149 : f32 to vector<16xf32>
    %swap3A_151 = arith.constant 272 : index
    %swap3A_152 = tpu.vector_load %arg6[%swap3A_151] {strides = array<i32>} : memref<640xf32, #tpu.memory_space<vmem>>, vector<16xf32>,
    %swap3A_153 = vector.shape_cast %swap3A_152 : vector<16xf32> to vector<16xf32>
    %swap3A_154 = vector.shape_cast %broadcast_in_dim3A_150 : vector<16xf32> to vector<16xf32>
    tpu.vector_store %arg6[%swap3A_151], %swap3A_154 {strides = array<i32>} : memref<640xf32, #tpu.memory_space<vmem>>, vector<16xf32>,
    %broadcast_in_dim3A_155 = arith.constant 0.000000e+00 : f32
    %broadcast_in_dim3A_156 = vector.broadcast %broadcast_in_dim3A_155 : f32 to vector<16xf32>
    %swap3A_157 = arith.constant 288 : index
    %swap3A_158 = tpu.vector_load %arg6[%swap3A_157] {strides = array<i32>} : memref<640xf32, #tpu.memory_space<vmem>>, vector<16xf32>,
    %swap3A_159 = vector.shape_cast %swap3A_158 : vector<16xf32> to vector<16xf32>
    %swap3A_160 = vector.shape_cast %broadcast_in_dim3A_156 : vector<16xf32> to vector<16xf32>
    tpu.vector_store %arg6[%swap3A_157], %swap3A_160 {strides = array<i32>} : memref<640xf32, #tpu.memory_space<vmem>>, vector<16xf32>,
    %broadcast_in_dim3A_161 = arith.constant 0.000000e+00 : f32
    %broadcast_in_dim3A_162 = vector.broadcast %broadcast_in_dim3A_161 : f32 to vector<16xf32>
    %swap3A_163 = arith.constant 304 : index
    %swap3A_164 = tpu.vector_load %arg6[%swap3A_163] {strides = array<i32>} : memref<640xf32, #tpu.memory_space<vmem>>, vector<16xf32>,
    %swap3A_165 = vector.shape_cast %swap3A_164 : vector<16xf32> to vector<16xf32>
    %swap3A_166 = vector.shape_cast %broadcast_in_dim3A_162 : vector<16xf32> to vector<16xf32>
    tpu.vector_store %arg6[%swap3A_163], %swap3A_166 {strides = array<i32>} : memref<640xf32, #tpu.memory_space<vmem>>, vector<16xf32>,
    %broadcast_in_dim3A_167 = arith.constant 0.000000e+00 : f32
    %broadcast_in_dim3A_168 = vector.broadcast %broadcast_in_dim3A_167 : f32 to vector<16xf32>
    %swap3A_169 = arith.constant 320 : index
    %swap3A_170 = tpu.vector_load %arg6[%swap3A_169] {strides = array<i32>} : memref<640xf32, #tpu.memory_space<vmem>>, vector<16xf32>,
    %swap3A_171 = vector.shape_cast %swap3A_170 : vector<16xf32> to vector<16xf32>
    %swap3A_172 = vector.shape_cast %broadcast_in_dim3A_168 : vector<16xf32> to vector<16xf32>
    tpu.vector_store %arg6[%swap3A_169], %swap3A_172 {strides = array<i32>} : memref<640xf32, #tpu.memory_space<vmem>>, vector<16xf32>,
    %broadcast_in_dim3A_173 = arith.constant 0.000000e+00 : f32
    %broadcast_in_dim3A_174 = vector.broadcast %broadcast_in_dim3A_173 : f32 to vector<16xf32>
    %swap3A_175 = arith.constant 336 : index
    %swap3A_176 = tpu.vector_load %arg6[%swap3A_175] {strides = array<i32>} : memref<640xf32, #tpu.memory_space<vmem>>, vector<16xf32>,
    %swap3A_177 = vector.shape_cast %swap3A_176 : vector<16xf32> to vector<16xf32>
    %swap3A_178 = vector.shape_cast %broadcast_in_dim3A_174 : vector<16xf32> to vector<16xf32>
    tpu.vector_store %arg6[%swap3A_175], %swap3A_178 {strides = array<i32>} : memref<640xf32, #tpu.memory_space<vmem>>, vector<16xf32>,
    %broadcast_in_dim3A_179 = arith.constant 0.000000e+00 : f32
    %broadcast_in_dim3A_180 = vector.broadcast %broadcast_in_dim3A_179 : f32 to vector<16xf32>
    %swap3A_181 = arith.constant 352 : index
    %swap3A_182 = tpu.vector_load %arg6[%swap3A_181] {strides = array<i32>} : memref<640xf32, #tpu.memory_space<vmem>>, vector<16xf32>,
    %swap3A_183 = vector.shape_cast %swap3A_182 : vector<16xf32> to vector<16xf32>
    %swap3A_184 = vector.shape_cast %broadcast_in_dim3A_180 : vector<16xf32> to vector<16xf32>
    tpu.vector_store %arg6[%swap3A_181], %swap3A_184 {strides = array<i32>} : memref<640xf32, #tpu.memory_space<vmem>>, vector<16xf32>,
    %broadcast_in_dim3A_185 = arith.constant 0.000000e+00 : f32
    %broadcast_in_dim3A_186 = vector.broadcast %broadcast_in_dim3A_185 : f32 to vector<16xf32>
    %swap3A_187 = arith.constant 368 : index
    %swap3A_188 = tpu.vector_load %arg6[%swap3A_187] {strides = array<i32>} : memref<640xf32, #tpu.memory_space<vmem>>, vector<16xf32>,
    %swap3A_189 = vector.shape_cast %swap3A_188 : vector<16xf32> to vector<16xf32>
    %swap3A_190 = vector.shape_cast %broadcast_in_dim3A_186 : vector<16xf32> to vector<16xf32>
    tpu.vector_store %arg6[%swap3A_187], %swap3A_190 {strides = array<i32>} : memref<640xf32, #tpu.memory_space<vmem>>, vector<16xf32>,
    %broadcast_in_dim3A_191 = arith.constant 0.000000e+00 : f32
    %broadcast_in_dim3A_192 = vector.broadcast %broadcast_in_dim3A_191 : f32 to vector<16xf32>
    %swap3A_193 = arith.constant 384 : index
    %swap3A_194 = tpu.vector_load %arg6[%swap3A_193] {strides = array<i32>} : memref<640xf32, #tpu.memory_space<vmem>>, vector<16xf32>,
    %swap3A_195 = vector.shape_cast %swap3A_194 : vector<16xf32> to vector<16xf32>
    %swap3A_196 = vector.shape_cast %broadcast_in_dim3A_192 : vector<16xf32> to vector<16xf32>
    tpu.vector_store %arg6[%swap3A_193], %swap3A_196 {strides = array<i32>} : memref<640xf32, #tpu.memory_space<vmem>>, vector<16xf32>,
    %broadcast_in_dim3A_197 = arith.constant 0.000000e+00 : f32
    %broadcast_in_dim3A_198 = vector.broadcast %broadcast_in_dim3A_197 : f32 to vector<16xf32>
    %swap3A_199 = arith.constant 400 : index
    %swap3A_200 = tpu.vector_load %arg6[%swap3A_199] {strides = array<i32>} : memref<640xf32, #tpu.memory_space<vmem>>, vector<16xf32>,
    %swap3A_201 = vector.shape_cast %swap3A_200 : vector<16xf32> to vector<16xf32>
    %swap3A_202 = vector.shape_cast %broadcast_in_dim3A_198 : vector<16xf32> to vector<16xf32>
    tpu.vector_store %arg6[%swap3A_199], %swap3A_202 {strides = array<i32>} : memref<640xf32, #tpu.memory_space<vmem>>, vector<16xf32>,
    %broadcast_in_dim3A_203 = arith.constant 0.000000e+00 : f32
    %broadcast_in_dim3A_204 = vector.broadcast %broadcast_in_dim3A_203 : f32 to vector<16xf32>
    %swap3A_205 = arith.constant 416 : index
    %swap3A_206 = tpu.vector_load %arg6[%swap3A_205] {strides = array<i32>} : memref<640xf32, #tpu.memory_space<vmem>>, vector<16xf32>,
    %swap3A_207 = vector.shape_cast %swap3A_206 : vector<16xf32> to vector<16xf32>
    %swap3A_208 = vector.shape_cast %broadcast_in_dim3A_204 : vector<16xf32> to vector<16xf32>
    tpu.vector_store %arg6[%swap3A_205], %swap3A_208 {strides = array<i32>} : memref<640xf32, #tpu.memory_space<vmem>>, vector<16xf32>,
    %broadcast_in_dim3A_209 = arith.constant 0.000000e+00 : f32
    %broadcast_in_dim3A_210 = vector.broadcast %broadcast_in_dim3A_209 : f32 to vector<16xf32>
    %swap3A_211 = arith.constant 432 : index
    %swap3A_212 = tpu.vector_load %arg6[%swap3A_211] {strides = array<i32>} : memref<640xf32, #tpu.memory_space<vmem>>, vector<16xf32>,
    %swap3A_213 = vector.shape_cast %swap3A_212 : vector<16xf32> to vector<16xf32>
    %swap3A_214 = vector.shape_cast %broadcast_in_dim3A_210 : vector<16xf32> to vector<16xf32>
    tpu.vector_store %arg6[%swap3A_211], %swap3A_214 {strides = array<i32>} : memref<640xf32, #tpu.memory_space<vmem>>, vector<16xf32>,
    %broadcast_in_dim3A_215 = arith.constant 0.000000e+00 : f32
    %broadcast_in_dim3A_216 = vector.broadcast %broadcast_in_dim3A_215 : f32 to vector<16xf32>
    %swap3A_217 = arith.constant 448 : index
    %swap3A_218 = tpu.vector_load %arg6[%swap3A_217] {strides = array<i32>} : memref<640xf32, #tpu.memory_space<vmem>>, vector<16xf32>,
    %swap3A_219 = vector.shape_cast %swap3A_218 : vector<16xf32> to vector<16xf32>
    %swap3A_220 = vector.shape_cast %broadcast_in_dim3A_216 : vector<16xf32> to vector<16xf32>
    tpu.vector_store %arg6[%swap3A_217], %swap3A_220 {strides = array<i32>} : memref<640xf32, #tpu.memory_space<vmem>>, vector<16xf32>,
    %broadcast_in_dim3A_221 = arith.constant 0.000000e+00 : f32
    %broadcast_in_dim3A_222 = vector.broadcast %broadcast_in_dim3A_221 : f32 to vector<16xf32>
    %swap3A_223 = arith.constant 464 : index
    %swap3A_224 = tpu.vector_load %arg6[%swap3A_223] {strides = array<i32>} : memref<640xf32, #tpu.memory_space<vmem>>, vector<16xf32>,
    %swap3A_225 = vector.shape_cast %swap3A_224 : vector<16xf32> to vector<16xf32>
    %swap3A_226 = vector.shape_cast %broadcast_in_dim3A_222 : vector<16xf32> to vector<16xf32>
    tpu.vector_store %arg6[%swap3A_223], %swap3A_226 {strides = array<i32>} : memref<640xf32, #tpu.memory_space<vmem>>, vector<16xf32>,
    %broadcast_in_dim3A_227 = arith.constant 0.000000e+00 : f32
    %broadcast_in_dim3A_228 = vector.broadcast %broadcast_in_dim3A_227 : f32 to vector<16xf32>
    %swap3A_229 = arith.constant 480 : index
    %swap3A_230 = tpu.vector_load %arg6[%swap3A_229] {strides = array<i32>} : memref<640xf32, #tpu.memory_space<vmem>>, vector<16xf32>,
    %swap3A_231 = vector.shape_cast %swap3A_230 : vector<16xf32> to vector<16xf32>
    %swap3A_232 = vector.shape_cast %broadcast_in_dim3A_228 : vector<16xf32> to vector<16xf32>
    tpu.vector_store %arg6[%swap3A_229], %swap3A_232 {strides = array<i32>} : memref<640xf32, #tpu.memory_space<vmem>>, vector<16xf32>,
    %broadcast_in_dim3A_233 = arith.constant 0.000000e+00 : f32
    %broadcast_in_dim3A_234 = vector.broadcast %broadcast_in_dim3A_233 : f32 to vector<16xf32>
    %swap3A_235 = arith.constant 496 : index
    %swap3A_236 = tpu.vector_load %arg6[%swap3A_235] {strides = array<i32>} : memref<640xf32, #tpu.memory_space<vmem>>, vector<16xf32>,
    %swap3A_237 = vector.shape_cast %swap3A_236 : vector<16xf32> to vector<16xf32>
    %swap3A_238 = vector.shape_cast %broadcast_in_dim3A_234 : vector<16xf32> to vector<16xf32>
    tpu.vector_store %arg6[%swap3A_235], %swap3A_238 {strides = array<i32>} : memref<640xf32, #tpu.memory_space<vmem>>, vector<16xf32>,
    %broadcast_in_dim3A_239 = arith.constant 0.000000e+00 : f32
    %broadcast_in_dim3A_240 = vector.broadcast %broadcast_in_dim3A_239 : f32 to vector<16xf32>
    %swap3A_241 = arith.constant 512 : index
    %swap3A_242 = tpu.vector_load %arg6[%swap3A_241] {strides = array<i32>} : memref<640xf32, #tpu.memory_space<vmem>>, vector<16xf32>,
    %swap3A_243 = vector.shape_cast %swap3A_242 : vector<16xf32> to vector<16xf32>
    %swap3A_244 = vector.shape_cast %broadcast_in_dim3A_240 : vector<16xf32> to vector<16xf32>
    tpu.vector_store %arg6[%swap3A_241], %swap3A_244 {strides = array<i32>} : memref<640xf32, #tpu.memory_space<vmem>>, vector<16xf32>,
    %broadcast_in_dim3A_245 = arith.constant 0.000000e+00 : f32
    %broadcast_in_dim3A_246 = vector.broadcast %broadcast_in_dim3A_245 : f32 to vector<16xf32>
    %swap3A_247 = arith.constant 528 : index
    %swap3A_248 = tpu.vector_load %arg6[%swap3A_247] {strides = array<i32>} : memref<640xf32, #tpu.memory_space<vmem>>, vector<16xf32>,
    %swap3A_249 = vector.shape_cast %swap3A_248 : vector<16xf32> to vector<16xf32>
    %swap3A_250 = vector.shape_cast %broadcast_in_dim3A_246 : vector<16xf32> to vector<16xf32>
    tpu.vector_store %arg6[%swap3A_247], %swap3A_250 {strides = array<i32>} : memref<640xf32, #tpu.memory_space<vmem>>, vector<16xf32>,
    %broadcast_in_dim3A_251 = arith.constant 0.000000e+00 : f32
    %broadcast_in_dim3A_252 = vector.broadcast %broadcast_in_dim3A_251 : f32 to vector<16xf32>
    %swap3A_253 = arith.constant 544 : index
    %swap3A_254 = tpu.vector_load %arg6[%swap3A_253] {strides = array<i32>} : memref<640xf32, #tpu.memory_space<vmem>>, vector<16xf32>,
    %swap3A_255 = vector.shape_cast %swap3A_254 : vector<16xf32> to vector<16xf32>
    %swap3A_256 = vector.shape_cast %broadcast_in_dim3A_252 : vector<16xf32> to vector<16xf32>
    tpu.vector_store %arg6[%swap3A_253], %swap3A_256 {strides = array<i32>} : memref<640xf32, #tpu.memory_space<vmem>>, vector<16xf32>,
    %broadcast_in_dim3A_257 = arith.constant 0.000000e+00 : f32
    %broadcast_in_dim3A_258 = vector.broadcast %broadcast_in_dim3A_257 : f32 to vector<16xf32>
    %swap3A_259 = arith.constant 560 : index
    %swap3A_260 = tpu.vector_load %arg6[%swap3A_259] {strides = array<i32>} : memref<640xf32, #tpu.memory_space<vmem>>, vector<16xf32>,
    %swap3A_261 = vector.shape_cast %swap3A_260 : vector<16xf32> to vector<16xf32>
    %swap3A_262 = vector.shape_cast %broadcast_in_dim3A_258 : vector<16xf32> to vector<16xf32>
    tpu.vector_store %arg6[%swap3A_259], %swap3A_262 {strides = array<i32>} : memref<640xf32, #tpu.memory_space<vmem>>, vector<16xf32>,
    %broadcast_in_dim3A_263 = arith.constant 0.000000e+00 : f32
    %broadcast_in_dim3A_264 = vector.broadcast %broadcast_in_dim3A_263 : f32 to vector<16xf32>
    %swap3A_265 = arith.constant 576 : index
    %swap3A_266 = tpu.vector_load %arg6[%swap3A_265] {strides = array<i32>} : memref<640xf32, #tpu.memory_space<vmem>>, vector<16xf32>,
    %swap3A_267 = vector.shape_cast %swap3A_266 : vector<16xf32> to vector<16xf32>
    %swap3A_268 = vector.shape_cast %broadcast_in_dim3A_264 : vector<16xf32> to vector<16xf32>
    tpu.vector_store %arg6[%swap3A_265], %swap3A_268 {strides = array<i32>} : memref<640xf32, #tpu.memory_space<vmem>>, vector<16xf32>,
    %broadcast_in_dim3A_269 = arith.constant 0.000000e+00 : f32
    %broadcast_in_dim3A_270 = vector.broadcast %broadcast_in_dim3A_269 : f32 to vector<16xf32>
    %swap3A_271 = arith.constant 592 : index
    %swap3A_272 = tpu.vector_load %arg6[%swap3A_271] {strides = array<i32>} : memref<640xf32, #tpu.memory_space<vmem>>, vector<16xf32>,
    %swap3A_273 = vector.shape_cast %swap3A_272 : vector<16xf32> to vector<16xf32>
    %swap3A_274 = vector.shape_cast %broadcast_in_dim3A_270 : vector<16xf32> to vector<16xf32>
    tpu.vector_store %arg6[%swap3A_271], %swap3A_274 {strides = array<i32>} : memref<640xf32, #tpu.memory_space<vmem>>, vector<16xf32>,
    %broadcast_in_dim3A_275 = arith.constant 0.000000e+00 : f32
    %broadcast_in_dim3A_276 = vector.broadcast %broadcast_in_dim3A_275 : f32 to vector<16xf32>
    %swap3A_277 = arith.constant 608 : index
    %swap3A_278 = tpu.vector_load %arg6[%swap3A_277] {strides = array<i32>} : memref<640xf32, #tpu.memory_space<vmem>>, vector<16xf32>,
    %swap3A_279 = vector.shape_cast %swap3A_278 : vector<16xf32> to vector<16xf32>
    %swap3A_280 = vector.shape_cast %broadcast_in_dim3A_276 : vector<16xf32> to vector<16xf32>
    tpu.vector_store %arg6[%swap3A_277], %swap3A_280 {strides = array<i32>} : memref<640xf32, #tpu.memory_space<vmem>>, vector<16xf32>,
    %broadcast_in_dim3A_281 = arith.constant 0.000000e+00 : f32
    %broadcast_in_dim3A_282 = vector.broadcast %broadcast_in_dim3A_281 : f32 to vector<16xf32>
    %swap3A_283 = arith.constant 624 : index
    %swap3A_284 = tpu.vector_load %arg6[%swap3A_283] {strides = array<i32>} : memref<640xf32, #tpu.memory_space<vmem>>, vector<16xf32>,
    %swap3A_285 = vector.shape_cast %swap3A_284 : vector<16xf32> to vector<16xf32>
    %swap3A_286 = vector.shape_cast %broadcast_in_dim3A_282 : vector<16xf32> to vector<16xf32>
    tpu.vector_store %arg6[%swap3A_283], %swap3A_286 {strides = array<i32>} : memref<640xf32, #tpu.memory_space<vmem>>, vector<16xf32>,
    %mul3A_287 = arith.constant 640 : i32
    %mul3A_288 = arith.muli %arg1, %mul3A_287 : i32
    "tpu.region"() ({
      %run_scoped3A = tpu.sem_alloc : memref<!tpu.dma_semaphore, #tpu.memory_space<semaphore_mem>>
      %dma_start3A_319 = tpu.memref_slice %arg7[%mul3A_288] : memref<10240xf32, #tpu.memory_space<vmem_shared>> -> memref<640xf32, #tpu.memory_space<vmem_shared>>
      %dma_start3A_320 = tpu.memref_slice %arg7[%mul3A_288] : memref<10240xf32, #tpu.memory_space<vmem_shared>> -> memref<640xf32, #tpu.memory_space<vmem_shared>>
      tpu.enqueue_dma source(%arg6 : memref<640xf32, #tpu.memory_space<vmem>>) target(%dma_start3A_320 : memref<640xf32, #tpu.memory_space<vmem_shared>>) target_semaphore(%run_scoped3A : memref<!tpu.dma_semaphore, #tpu.memory_space<semaphore_mem>>)
      %dma_wait3A_321 = tpu.memref_slice %arg7[%mul3A_288] : memref<10240xf32, #tpu.memory_space<vmem_shared>> -> memref<640xf32, #tpu.memory_space<vmem_shared>>
      %dma_wait3A_322 = tpu.memref_slice %arg7[%mul3A_288] : memref<10240xf32, #tpu.memory_space<vmem_shared>> -> memref<640xf32, #tpu.memory_space<vmem_shared>>
      tpu.wait_dma2 semaphore(%run_scoped3A : memref<!tpu.dma_semaphore, #tpu.memory_space<semaphore_mem>>) src(%arg6 : memref<640xf32, #tpu.memory_space<vmem>>) dst(%dma_wait3A_322 : memref<640xf32, #tpu.memory_space<vmem_shared>>)
      tpu.yield
    }) : () -> ()
    %dma_start3A = arith.constant 1 : i32
    %dma_start3A_289 = arith.constant 0 : i32
    %dma_start3A_290 = arith.constant 0 : i32
    %dma_start3A_291 = arith.constant 0 : i32
    %dma_start3A_292 = tpu.memref_slice %arg2[%dma_start3A, %add3A, %dma_start3A_289, %dma_start3A_290, %dma_start3A_291] : memref<2x32x10x8x125xi32, #tpu.memory_space<hbm>> -> memref<1x1x10x8x125xi32, #tpu.memory_space<hbm>>
    %dma_start3A_293 = tpu.memref_squeeze %dma_start3A_292 : memref<1x1x10x8x125xi32, #tpu.memory_space<hbm>> -> memref<10x8x125xi32, #tpu.memory_space<hbm>>
    %dma_start3A_294 = arith.constant 0 : i32
    %dma_start3A_295 = arith.constant 0 : i32
    %dma_start3A_296 = arith.constant 0 : i32
    %dma_start3A_297 = tpu.memref_slice %arg2[%dma_start3A, %add3A, %dma_start3A_294, %dma_start3A_295, %dma_start3A_296] : memref<2x32x10x8x125xi32, #tpu.memory_space<hbm>> -> memref<1x1x10x8x125xi32, #tpu.memory_space<hbm>>
    %dma_start3A_298 = tpu.memref_squeeze %dma_start3A_297 : memref<1x1x10x8x125xi32, #tpu.memory_space<hbm>> -> memref<10x8x125xi32, #tpu.memory_space<hbm>>
    tpu.enqueue_dma source(%dma_start3A_298 : memref<10x8x125xi32, #tpu.memory_space<hbm>>) target(%arg4 : memref<10x8x125xi32, #tpu.memory_space<vmem>>) target_semaphore(%arg8 : memref<!tpu.dma_semaphore, #tpu.memory_space<semaphore_mem>>)
    %dma_wait3A = arith.constant 1 : i32
    %dma_wait3A_299 = arith.constant 0 : i32
    %dma_wait3A_300 = arith.constant 0 : i32
    %dma_wait3A_301 = arith.constant 0 : i32
    %dma_wait3A_302 = tpu.memref_slice %arg2[%dma_wait3A, %add3A, %dma_wait3A_299, %dma_wait3A_300, %dma_wait3A_301] : memref<2x32x10x8x125xi32, #tpu.memory_space<hbm>> -> memref<1x1x10x8x125xi32, #tpu.memory_space<hbm>>
    %dma_wait3A_303 = tpu.memref_squeeze %dma_wait3A_302 : memref<1x1x10x8x125xi32, #tpu.memory_space<hbm>> -> memref<10x8x125xi32, #tpu.memory_space<hbm>>
    %dma_wait3A_304 = arith.constant 0 : i32
    %dma_wait3A_305 = arith.constant 0 : i32
    %dma_wait3A_306 = arith.constant 0 : i32
    %dma_wait3A_307 = tpu.memref_slice %arg2[%dma_wait3A, %add3A, %dma_wait3A_304, %dma_wait3A_305, %dma_wait3A_306] : memref<2x32x10x8x125xi32, #tpu.memory_space<hbm>> -> memref<1x1x10x8x125xi32, #tpu.memory_space<hbm>>
    %dma_wait3A_308 = tpu.memref_squeeze %dma_wait3A_307 : memref<1x1x10x8x125xi32, #tpu.memory_space<hbm>> -> memref<10x8x125xi32, #tpu.memory_space<hbm>>
    tpu.wait_dma2 semaphore(%arg8 : memref<!tpu.dma_semaphore, #tpu.memory_space<semaphore_mem>>) src(%dma_wait3A_308 : memref<10x8x125xi32, #tpu.memory_space<hbm>>) dst(%arg4 : memref<10x8x125xi32, #tpu.memory_space<vmem>>)
    %barrier3A = arith.constant 0 : index
    tpu.barrier barrier_id(%barrier3A)
    %scan3A = arith.constant 0 : i32
    %scan3A_309 = arith.constant 0 : i32
    %scan3A_310 = arith.constant 10 : i32
    %scan3A_311 = arith.addi %scan3A_309, %scan3A_310 : i32
    %scan3A_312 = arith.constant 1 : i32
    scf.for %scan3A_319 = %scan3A_309 to %scan3A_311 step %scan3A_312  : i32 {
      %dma_start3A_320 = arith.constant 0 : i32
      %dma_start3A_321 = arith.constant 0 : i32
      %dma_start3A_322 = tpu.memref_slice %arg5[%dma_start3A_321] : memref<128xf32, #tpu.memory_space<vmem>> -> memref<125xf32, #tpu.memory_space<vmem>>
      %dma_start3A_323 = arith.constant 0 : i32
      %dma_start3A_324 = tpu.memref_slice %arg4[%scan3A_319, %dma_start3A_320, %dma_start3A_323] : memref<10x8x125xi32, #tpu.memory_space<vmem>> -> memref<1x1x125xi32, #tpu.memory_space<vmem>>
      %dma_start3A_325 = tpu.memref_squeeze %dma_start3A_324 : memref<1x1x125xi32, #tpu.memory_space<vmem>> -> memref<125xi32, #tpu.memory_space<vmem>>
      %dma_start3A_326 = arith.constant 0 : i32
      %dma_start3A_327 = tpu.memref_slice %arg7[%dma_start3A_326] : memref<10240xf32, #tpu.memory_space<vmem_shared>> -> memref<10240xf32, #tpu.memory_space<vmem_shared>>
      tpu.enqueue_indirect_dma source(%dma_start3A_322 : memref<125xf32, #tpu.memory_space<vmem>>) target(%dma_start3A_327 : memref<10240xf32, #tpu.memory_space<vmem_shared>>) offsets(%dma_start3A_325 : memref<125xi32, #tpu.memory_space<vmem>>) semaphore(%arg8 : memref<!tpu.dma_semaphore, #tpu.memory_space<semaphore_mem>>) {add = true}
      %dma_start3A_328 = arith.constant 1 : i32
      %dma_start3A_329 = arith.constant 0 : i32
      %dma_start3A_330 = tpu.memref_slice %arg5[%dma_start3A_329] : memref<128xf32, #tpu.memory_space<vmem>> -> memref<125xf32, #tpu.memory_space<vmem>>
      %dma_start3A_331 = arith.constant 0 : i32
      %dma_start3A_332 = tpu.memref_slice %arg4[%scan3A_319, %dma_start3A_328, %dma_start3A_331] : memref<10x8x125xi32, #tpu.memory_space<vmem>> -> memref<1x1x125xi32, #tpu.memory_space<vmem>>
      %dma_start3A_333 = tpu.memref_squeeze %dma_start3A_332 : memref<1x1x125xi32, #tpu.memory_space<vmem>> -> memref<125xi32, #tpu.memory_space<vmem>>
      %dma_start3A_334 = arith.constant 0 : i32
      %dma_start3A_335 = tpu.memref_slice %arg7[%dma_start3A_334] : memref<10240xf32, #tpu.memory_space<vmem_shared>> -> memref<10240xf32, #tpu.memory_space<vmem_shared>>
      tpu.enqueue_indirect_dma source(%dma_start3A_330 : memref<125xf32, #tpu.memory_space<vmem>>) target(%dma_start3A_335 : memref<10240xf32, #tpu.memory_space<vmem_shared>>) offsets(%dma_start3A_333 : memref<125xi32, #tpu.memory_space<vmem>>) semaphore(%arg9 : memref<!tpu.dma_semaphore, #tpu.memory_space<semaphore_mem>>) {add = true}
      %dma_start3A_336 = arith.constant 2 : i32
      %dma_start3A_337 = arith.constant 0 : i32
      %dma_start3A_338 = tpu.memref_slice %arg5[%dma_start3A_337] : memref<128xf32, #tpu.memory_space<vmem>> -> memref<125xf32, #tpu.memory_space<vmem>>
      %dma_start3A_339 = arith.constant 0 : i32
      %dma_start3A_340 = tpu.memref_slice %arg4[%scan3A_319, %dma_start3A_336, %dma_start3A_339] : memref<10x8x125xi32, #tpu.memory_space<vmem>> -> memref<1x1x125xi32, #tpu.memory_space<vmem>>
      %dma_start3A_341 = tpu.memref_squeeze %dma_start3A_340 : memref<1x1x125xi32, #tpu.memory_space<vmem>> -> memref<125xi32, #tpu.memory_space<vmem>>
      %dma_start3A_342 = arith.constant 0 : i32
      %dma_start3A_343 = tpu.memref_slice %arg7[%dma_start3A_342] : memref<10240xf32, #tpu.memory_space<vmem_shared>> -> memref<10240xf32, #tpu.memory_space<vmem_shared>>
      tpu.enqueue_indirect_dma source(%dma_start3A_338 : memref<125xf32, #tpu.memory_space<vmem>>) target(%dma_start3A_343 : memref<10240xf32, #tpu.memory_space<vmem_shared>>) offsets(%dma_start3A_341 : memref<125xi32, #tpu.memory_space<vmem>>) semaphore(%arg8 : memref<!tpu.dma_semaphore, #tpu.memory_space<semaphore_mem>>) {add = true}
      %dma_wait3A_344 = arith.constant 0 : i32
      %dma_wait3A_345 = arith.constant 0 : i32
      %dma_wait3A_346 = tpu.memref_slice %arg5[%dma_wait3A_345] : memref<128xf32, #tpu.memory_space<vmem>> -> memref<125xf32, #tpu.memory_space<vmem>>
      %dma_wait3A_347 = arith.constant 0 : i32
      %dma_wait3A_348 = tpu.memref_slice %arg4[%scan3A_319, %dma_wait3A_344, %dma_wait3A_347] : memref<10x8x125xi32, #tpu.memory_space<vmem>> -> memref<1x1x125xi32, #tpu.memory_space<vmem>>
      %dma_wait3A_349 = tpu.memref_squeeze %dma_wait3A_348 : memref<1x1x125xi32, #tpu.memory_space<vmem>> -> memref<125xi32, #tpu.memory_space<vmem>>
      %dma_wait3A_350 = arith.constant 0 : i32
      %dma_wait3A_351 = tpu.memref_slice %arg7[%dma_wait3A_350] : memref<10240xf32, #tpu.memory_space<vmem_shared>> -> memref<10240xf32, #tpu.memory_space<vmem_shared>>
      tpu.wait_indirect_dma semaphore(%arg8 : memref<!tpu.dma_semaphore, #tpu.memory_space<semaphore_mem>>) src(%dma_wait3A_346 : memref<125xf32, #tpu.memory_space<vmem>>) dst(%dma_wait3A_351 : memref<10240xf32, #tpu.memory_space<vmem_shared>>)
      %dma_start3A_352 = arith.constant 3 : i32
      %dma_start3A_353 = arith.constant 0 : i32
      %dma_start3A_354 = tpu.memref_slice %arg5[%dma_start3A_353] : memref<128xf32, #tpu.memory_space<vmem>> -> memref<125xf32, #tpu.memory_space<vmem>>
      %dma_start3A_355 = arith.constant 0 : i32
      %dma_start3A_356 = tpu.memref_slice %arg4[%scan3A_319, %dma_start3A_352, %dma_start3A_355] : memref<10x8x125xi32, #tpu.memory_space<vmem>> -> memref<1x1x125xi32, #tpu.memory_space<vmem>>
      %dma_start3A_357 = tpu.memref_squeeze %dma_start3A_356 : memref<1x1x125xi32, #tpu.memory_space<vmem>> -> memref<125xi32, #tpu.memory_space<vmem>>
      %dma_start3A_358 = arith.constant 0 : i32
      %dma_start3A_359 = tpu.memref_slice %arg7[%dma_start3A_358] : memref<10240xf32, #tpu.memory_space<vmem_shared>> -> memref<10240xf32, #tpu.memory_space<vmem_shared>>
      tpu.enqueue_indirect_dma source(%dma_start3A_354 : memref<125xf32, #tpu.memory_space<vmem>>) target(%dma_start3A_359 : memref<10240xf32, #tpu.memory_space<vmem_shared>>) offsets(%dma_start3A_357 : memref<125xi32, #tpu.memory_space<vmem>>) semaphore(%arg9 : memref<!tpu.dma_semaphore, #tpu.memory_space<semaphore_mem>>) {add = true}
      %dma_wait3A_360 = arith.constant 1 : i32
      %dma_wait3A_361 = arith.constant 0 : i32
      %dma_wait3A_362 = tpu.memref_slice %arg5[%dma_wait3A_361] : memref<128xf32, #tpu.memory_space<vmem>> -> memref<125xf32, #tpu.memory_space<vmem>>
      %dma_wait3A_363 = arith.constant 0 : i32
      %dma_wait3A_364 = tpu.memref_slice %arg4[%scan3A_319, %dma_wait3A_360, %dma_wait3A_363] : memref<10x8x125xi32, #tpu.memory_space<vmem>> -> memref<1x1x125xi32, #tpu.memory_space<vmem>>
      %dma_wait3A_365 = tpu.memref_squeeze %dma_wait3A_364 : memref<1x1x125xi32, #tpu.memory_space<vmem>> -> memref<125xi32, #tpu.memory_space<vmem>>
      %dma_wait3A_366 = arith.constant 0 : i32
      %dma_wait3A_367 = tpu.memref_slice %arg7[%dma_wait3A_366] : memref<10240xf32, #tpu.memory_space<vmem_shared>> -> memref<10240xf32, #tpu.memory_space<vmem_shared>>
      tpu.wait_indirect_dma semaphore(%arg9 : memref<!tpu.dma_semaphore, #tpu.memory_space<semaphore_mem>>) src(%dma_wait3A_362 : memref<125xf32, #tpu.memory_space<vmem>>) dst(%dma_wait3A_367 : memref<10240xf32, #tpu.memory_space<vmem_shared>>)
      %dma_start3A_368 = arith.constant 4 : i32
      %dma_start3A_369 = arith.constant 0 : i32
      %dma_start3A_370 = tpu.memref_slice %arg5[%dma_start3A_369] : memref<128xf32, #tpu.memory_space<vmem>> -> memref<125xf32, #tpu.memory_space<vmem>>
      %dma_start3A_371 = arith.constant 0 : i32
      %dma_start3A_372 = tpu.memref_slice %arg4[%scan3A_319, %dma_start3A_368, %dma_start3A_371] : memref<10x8x125xi32, #tpu.memory_space<vmem>> -> memref<1x1x125xi32, #tpu.memory_space<vmem>>
      %dma_start3A_373 = tpu.memref_squeeze %dma_start3A_372 : memref<1x1x125xi32, #tpu.memory_space<vmem>> -> memref<125xi32, #tpu.memory_space<vmem>>
      %dma_start3A_374 = arith.constant 0 : i32
      %dma_start3A_375 = tpu.memref_slice %arg7[%dma_start3A_374] : memref<10240xf32, #tpu.memory_space<vmem_shared>> -> memref<10240xf32, #tpu.memory_space<vmem_shared>>
      tpu.enqueue_indirect_dma source(%dma_start3A_370 : memref<125xf32, #tpu.memory_space<vmem>>) target(%dma_start3A_375 : memref<10240xf32, #tpu.memory_space<vmem_shared>>) offsets(%dma_start3A_373 : memref<125xi32, #tpu.memory_space<vmem>>) semaphore(%arg8 : memref<!tpu.dma_semaphore, #tpu.memory_space<semaphore_mem>>) {add = true}
      %dma_wait3A_376 = arith.constant 2 : i32
      %dma_wait3A_377 = arith.constant 0 : i32
      %dma_wait3A_378 = tpu.memref_slice %arg5[%dma_wait3A_377] : memref<128xf32, #tpu.memory_space<vmem>> -> memref<125xf32, #tpu.memory_space<vmem>>
      %dma_wait3A_379 = arith.constant 0 : i32
      %dma_wait3A_380 = tpu.memref_slice %arg4[%scan3A_319, %dma_wait3A_376, %dma_wait3A_379] : memref<10x8x125xi32, #tpu.memory_space<vmem>> -> memref<1x1x125xi32, #tpu.memory_space<vmem>>
      %dma_wait3A_381 = tpu.memref_squeeze %dma_wait3A_380 : memref<1x1x125xi32, #tpu.memory_space<vmem>> -> memref<125xi32, #tpu.memory_space<vmem>>
      %dma_wait3A_382 = arith.constant 0 : i32
      %dma_wait3A_383 = tpu.memref_slice %arg7[%dma_wait3A_382] : memref<10240xf32, #tpu.memory_space<vmem_shared>> -> memref<10240xf32, #tpu.memory_space<vmem_shared>>
      tpu.wait_indirect_dma semaphore(%arg8 : memref<!tpu.dma_semaphore, #tpu.memory_space<semaphore_mem>>) src(%dma_wait3A_378 : memref<125xf32, #tpu.memory_space<vmem>>) dst(%dma_wait3A_383 : memref<10240xf32, #tpu.memory_space<vmem_shared>>)
      %dma_start3A_384 = arith.constant 5 : i32
      %dma_start3A_385 = arith.constant 0 : i32
      %dma_start3A_386 = tpu.memref_slice %arg5[%dma_start3A_385] : memref<128xf32, #tpu.memory_space<vmem>> -> memref<125xf32, #tpu.memory_space<vmem>>
      %dma_start3A_387 = arith.constant 0 : i32
      %dma_start3A_388 = tpu.memref_slice %arg4[%scan3A_319, %dma_start3A_384, %dma_start3A_387] : memref<10x8x125xi32, #tpu.memory_space<vmem>> -> memref<1x1x125xi32, #tpu.memory_space<vmem>>
      %dma_start3A_389 = tpu.memref_squeeze %dma_start3A_388 : memref<1x1x125xi32, #tpu.memory_space<vmem>> -> memref<125xi32, #tpu.memory_space<vmem>>
      %dma_start3A_390 = arith.constant 0 : i32
      %dma_start3A_391 = tpu.memref_slice %arg7[%dma_start3A_390] : memref<10240xf32, #tpu.memory_space<vmem_shared>> -> memref<10240xf32, #tpu.memory_space<vmem_shared>>
      tpu.enqueue_indirect_dma source(%dma_start3A_386 : memref<125xf32, #tpu.memory_space<vmem>>) target(%dma_start3A_391 : memref<10240xf32, #tpu.memory_space<vmem_shared>>) offsets(%dma_start3A_389 : memref<125xi32, #tpu.memory_space<vmem>>) semaphore(%arg9 : memref<!tpu.dma_semaphore, #tpu.memory_space<semaphore_mem>>) {add = true}
      %dma_wait3A_392 = arith.constant 3 : i32
      %dma_wait3A_393 = arith.constant 0 : i32
      %dma_wait3A_394 = tpu.memref_slice %arg5[%dma_wait3A_393] : memref<128xf32, #tpu.memory_space<vmem>> -> memref<125xf32, #tpu.memory_space<vmem>>
      %dma_wait3A_395 = arith.constant 0 : i32
      %dma_wait3A_396 = tpu.memref_slice %arg4[%scan3A_319, %dma_wait3A_392, %dma_wait3A_395] : memref<10x8x125xi32, #tpu.memory_space<vmem>> -> memref<1x1x125xi32, #tpu.memory_space<vmem>>
      %dma_wait3A_397 = tpu.memref_squeeze %dma_wait3A_396 : memref<1x1x125xi32, #tpu.memory_space<vmem>> -> memref<125xi32, #tpu.memory_space<vmem>>
      %dma_wait3A_398 = arith.constant 0 : i32
      %dma_wait3A_399 = tpu.memref_slice %arg7[%dma_wait3A_398] : memref<10240xf32, #tpu.memory_space<vmem_shared>> -> memref<10240xf32, #tpu.memory_space<vmem_shared>>
      tpu.wait_indirect_dma semaphore(%arg9 : memref<!tpu.dma_semaphore, #tpu.memory_space<semaphore_mem>>) src(%dma_wait3A_394 : memref<125xf32, #tpu.memory_space<vmem>>) dst(%dma_wait3A_399 : memref<10240xf32, #tpu.memory_space<vmem_shared>>)
      %dma_start3A_400 = arith.constant 6 : i32
      %dma_start3A_401 = arith.constant 0 : i32
      %dma_start3A_402 = tpu.memref_slice %arg5[%dma_start3A_401] : memref<128xf32, #tpu.memory_space<vmem>> -> memref<125xf32, #tpu.memory_space<vmem>>
      %dma_start3A_403 = arith.constant 0 : i32
      %dma_start3A_404 = tpu.memref_slice %arg4[%scan3A_319, %dma_start3A_400, %dma_start3A_403] : memref<10x8x125xi32, #tpu.memory_space<vmem>> -> memref<1x1x125xi32, #tpu.memory_space<vmem>>
      %dma_start3A_405 = tpu.memref_squeeze %dma_start3A_404 : memref<1x1x125xi32, #tpu.memory_space<vmem>> -> memref<125xi32, #tpu.memory_space<vmem>>
      %dma_start3A_406 = arith.constant 0 : i32
      %dma_start3A_407 = tpu.memref_slice %arg7[%dma_start3A_406] : memref<10240xf32, #tpu.memory_space<vmem_shared>> -> memref<10240xf32, #tpu.memory_space<vmem_shared>>
      tpu.enqueue_indirect_dma source(%dma_start3A_402 : memref<125xf32, #tpu.memory_space<vmem>>) target(%dma_start3A_407 : memref<10240xf32, #tpu.memory_space<vmem_shared>>) offsets(%dma_start3A_405 : memref<125xi32, #tpu.memory_space<vmem>>) semaphore(%arg8 : memref<!tpu.dma_semaphore, #tpu.memory_space<semaphore_mem>>) {add = true}
      %dma_wait3A_408 = arith.constant 4 : i32
      %dma_wait3A_409 = arith.constant 0 : i32
      %dma_wait3A_410 = tpu.memref_slice %arg5[%dma_wait3A_409] : memref<128xf32, #tpu.memory_space<vmem>> -> memref<125xf32, #tpu.memory_space<vmem>>
      %dma_wait3A_411 = arith.constant 0 : i32
      %dma_wait3A_412 = tpu.memref_slice %arg4[%scan3A_319, %dma_wait3A_408, %dma_wait3A_411] : memref<10x8x125xi32, #tpu.memory_space<vmem>> -> memref<1x1x125xi32, #tpu.memory_space<vmem>>
      %dma_wait3A_413 = tpu.memref_squeeze %dma_wait3A_412 : memref<1x1x125xi32, #tpu.memory_space<vmem>> -> memref<125xi32, #tpu.memory_space<vmem>>
      %dma_wait3A_414 = arith.constant 0 : i32
      %dma_wait3A_415 = tpu.memref_slice %arg7[%dma_wait3A_414] : memref<10240xf32, #tpu.memory_space<vmem_shared>> -> memref<10240xf32, #tpu.memory_space<vmem_shared>>
      tpu.wait_indirect_dma semaphore(%arg8 : memref<!tpu.dma_semaphore, #tpu.memory_space<semaphore_mem>>) src(%dma_wait3A_410 : memref<125xf32, #tpu.memory_space<vmem>>) dst(%dma_wait3A_415 : memref<10240xf32, #tpu.memory_space<vmem_shared>>)
      %dma_start3A_416 = arith.constant 7 : i32
      %dma_start3A_417 = arith.constant 0 : i32
      %dma_start3A_418 = tpu.memref_slice %arg5[%dma_start3A_417] : memref<128xf32, #tpu.memory_space<vmem>> -> memref<125xf32, #tpu.memory_space<vmem>>
      %dma_start3A_419 = arith.constant 0 : i32
      %dma_start3A_420 = tpu.memref_slice %arg4[%scan3A_319, %dma_start3A_416, %dma_start3A_419] : memref<10x8x125xi32, #tpu.memory_space<vmem>> -> memref<1x1x125xi32, #tpu.memory_space<vmem>>
      %dma_start3A_421 = tpu.memref_squeeze %dma_start3A_420 : memref<1x1x125xi32, #tpu.memory_space<vmem>> -> memref<125xi32, #tpu.memory_space<vmem>>
      %dma_start3A_422 = arith.constant 0 : i32
      %dma_start3A_423 = tpu.memref_slice %arg7[%dma_start3A_422] : memref<10240xf32, #tpu.memory_space<vmem_shared>> -> memref<10240xf32, #tpu.memory_space<vmem_shared>>
      tpu.enqueue_indirect_dma source(%dma_start3A_418 : memref<125xf32, #tpu.memory_space<vmem>>) target(%dma_start3A_423 : memref<10240xf32, #tpu.memory_space<vmem_shared>>) offsets(%dma_start3A_421 : memref<125xi32, #tpu.memory_space<vmem>>) semaphore(%arg9 : memref<!tpu.dma_semaphore, #tpu.memory_space<semaphore_mem>>) {add = true}
      %dma_wait3A_424 = arith.constant 5 : i32
      %dma_wait3A_425 = arith.constant 0 : i32
      %dma_wait3A_426 = tpu.memref_slice %arg5[%dma_wait3A_425] : memref<128xf32, #tpu.memory_space<vmem>> -> memref<125xf32, #tpu.memory_space<vmem>>
      %dma_wait3A_427 = arith.constant 0 : i32
      %dma_wait3A_428 = tpu.memref_slice %arg4[%scan3A_319, %dma_wait3A_424, %dma_wait3A_427] : memref<10x8x125xi32, #tpu.memory_space<vmem>> -> memref<1x1x125xi32, #tpu.memory_space<vmem>>
      %dma_wait3A_429 = tpu.memref_squeeze %dma_wait3A_428 : memref<1x1x125xi32, #tpu.memory_space<vmem>> -> memref<125xi32, #tpu.memory_space<vmem>>
      %dma_wait3A_430 = arith.constant 0 : i32
      %dma_wait3A_431 = tpu.memref_slice %arg7[%dma_wait3A_430] : memref<10240xf32, #tpu.memory_space<vmem_shared>> -> memref<10240xf32, #tpu.memory_space<vmem_shared>>
      tpu.wait_indirect_dma semaphore(%arg9 : memref<!tpu.dma_semaphore, #tpu.memory_space<semaphore_mem>>) src(%dma_wait3A_426 : memref<125xf32, #tpu.memory_space<vmem>>) dst(%dma_wait3A_431 : memref<10240xf32, #tpu.memory_space<vmem_shared>>)
      %dma_wait3A_432 = arith.constant 6 : i32
      %dma_wait3A_433 = arith.constant 0 : i32
      %dma_wait3A_434 = tpu.memref_slice %arg5[%dma_wait3A_433] : memref<128xf32, #tpu.memory_space<vmem>> -> memref<125xf32, #tpu.memory_space<vmem>>
      %dma_wait3A_435 = arith.constant 0 : i32
      %dma_wait3A_436 = tpu.memref_slice %arg4[%scan3A_319, %dma_wait3A_432, %dma_wait3A_435] : memref<10x8x125xi32, #tpu.memory_space<vmem>> -> memref<1x1x125xi32, #tpu.memory_space<vmem>>
      %dma_wait3A_437 = tpu.memref_squeeze %dma_wait3A_436 : memref<1x1x125xi32, #tpu.memory_space<vmem>> -> memref<125xi32, #tpu.memory_space<vmem>>
      %dma_wait3A_438 = arith.constant 0 : i32
      %dma_wait3A_439 = tpu.memref_slice %arg7[%dma_wait3A_438] : memref<10240xf32, #tpu.memory_space<vmem_shared>> -> memref<10240xf32, #tpu.memory_space<vmem_shared>>
      tpu.wait_indirect_dma semaphore(%arg8 : memref<!tpu.dma_semaphore, #tpu.memory_space<semaphore_mem>>) src(%dma_wait3A_434 : memref<125xf32, #tpu.memory_space<vmem>>) dst(%dma_wait3A_439 : memref<10240xf32, #tpu.memory_space<vmem_shared>>)
      %dma_wait3A_440 = arith.constant 7 : i32
      %dma_wait3A_441 = arith.constant 0 : i32
      %dma_wait3A_442 = tpu.memref_slice %arg5[%dma_wait3A_441] : memref<128xf32, #tpu.memory_space<vmem>> -> memref<125xf32, #tpu.memory_space<vmem>>
      %dma_wait3A_443 = arith.constant 0 : i32
      %dma_wait3A_444 = tpu.memref_slice %arg4[%scan3A_319, %dma_wait3A_440, %dma_wait3A_443] : memref<10x8x125xi32, #tpu.memory_space<vmem>> -> memref<1x1x125xi32, #tpu.memory_space<vmem>>
      %dma_wait3A_445 = tpu.memref_squeeze %dma_wait3A_444 : memref<1x1x125xi32, #tpu.memory_space<vmem>> -> memref<125xi32, #tpu.memory_space<vmem>>
      %dma_wait3A_446 = arith.constant 0 : i32
      %dma_wait3A_447 = tpu.memref_slice %arg7[%dma_wait3A_446] : memref<10240xf32, #tpu.memory_space<vmem_shared>> -> memref<10240xf32, #tpu.memory_space<vmem_shared>>
      tpu.wait_indirect_dma semaphore(%arg9 : memref<!tpu.dma_semaphore, #tpu.memory_space<semaphore_mem>>) src(%dma_wait3A_442 : memref<125xf32, #tpu.memory_space<vmem>>) dst(%dma_wait3A_447 : memref<10240xf32, #tpu.memory_space<vmem_shared>>)
    }
    %scan3A_313 = arith.constant 10 : i32
    %barrier3A_314 = arith.constant 0 : index
    tpu.barrier barrier_id(%barrier3A_314)
    %mul3A_315 = arith.constant 640 : i32
    %mul3A_316 = arith.muli %arg1, %mul3A_315 : i32
    %mul3A_317 = arith.constant 640 : i32
    %mul3A_318 = arith.muli %arg1, %mul3A_317 : i32
    "tpu.region"() ({
      %run_scoped3A = tpu.sem_alloc : memref<!tpu.dma_semaphore, #tpu.memory_space<semaphore_mem>>
      %dma_start3A_319 = tpu.memref_slice %arg3[%arg0, %mul3A_318] : memref<2x10240xf32, #tpu.memory_space<hbm>> -> memref<1x640xf32, #tpu.memory_space<hbm>>
      %dma_start3A_320 = tpu.memref_squeeze %dma_start3A_319 : memref<1x640xf32, #tpu.memory_space<hbm>> -> memref<640xf32, #tpu.memory_space<hbm>>
      %dma_start3A_321 = tpu.memref_slice %arg7[%mul3A_316] : memref<10240xf32, #tpu.memory_space<vmem_shared>> -> memref<640xf32, #tpu.memory_space<vmem_shared>>
      tpu.enqueue_dma source(%dma_start3A_321 : memref<640xf32, #tpu.memory_space<vmem_shared>>) target(%dma_start3A_320 : memref<640xf32, #tpu.memory_space<hbm>>) target_semaphore(%run_scoped3A : memref<!tpu.dma_semaphore, #tpu.memory_space<semaphore_mem>>)
      %dma_wait3A_322 = tpu.memref_slice %arg3[%arg0, %mul3A_318] : memref<2x10240xf32, #tpu.memory_space<hbm>> -> memref<1x640xf32, #tpu.memory_space<hbm>>
      %dma_wait3A_323 = tpu.memref_squeeze %dma_wait3A_322 : memref<1x640xf32, #tpu.memory_space<hbm>> -> memref<640xf32, #tpu.memory_space<hbm>>
      %dma_wait3A_324 = tpu.memref_slice %arg7[%mul3A_316] : memref<10240xf32, #tpu.memory_space<vmem_shared>> -> memref<640xf32, #tpu.memory_space<vmem_shared>>
      tpu.wait_dma2 semaphore(%run_scoped3A : memref<!tpu.dma_semaphore, #tpu.memory_space<semaphore_mem>>) src(%dma_wait3A_324 : memref<640xf32, #tpu.memory_space<vmem_shared>>) dst(%dma_wait3A_323 : memref<640xf32, #tpu.memory_space<hbm>>)
      tpu.yield
    }) : () -> ()
    return
  }
}

#map = affine_map<(d0, d1) -> (0, 0)>
#map1 = affine_map<(d0, d1) -> (0, 0, 0, 0, 0)>
#map2 = affine_map<(d0, d1) -> (0, 0, 0)>
module attributes {stable_mosaic.version = 14 : i64} {
  func.func @_agg_body(%arg0: i32, %arg1: i32, %arg2: memref<10000x128xf32, #tpu.memory_space<hbm>>, %arg3: memref<2x32x10x8x125xi32, #tpu.memory_space<hbm>>, %arg4: memref<2x10240x128xf32, #tpu.memory_space<hbm>>, %arg5: memref<8x125xi32, #tpu.memory_space<vmem>>, %arg6: memref<8x125xi32, #tpu.memory_space<vmem>>, %arg7: memref<8x125xi32, #tpu.memory_space<vmem>>, %arg8: memref<8x125xi32, #tpu.memory_space<vmem>>, %arg9: memref<125x128xf32, #tpu.memory_space<vmem>>, %arg10: memref<125x128xf32, #tpu.memory_space<vmem>>, %arg11: memref<8x128xf32, #tpu.memory_space<vmem>>, %arg12: memref<10112x128xf32, #tpu.memory_space<vmem_shared>>, %arg13: memref<!tpu.dma_semaphore, #tpu.memory_space<semaphore_mem>>, %arg14: memref<!tpu.dma_semaphore, #tpu.memory_space<semaphore_mem>>, %arg15: memref<!tpu.dma_semaphore, #tpu.memory_space<semaphore_mem>>, %arg16: memref<!tpu.dma_semaphore, #tpu.memory_space<semaphore_mem>>, %arg17: memref<!tpu.dma_semaphore, #tpu.memory_space<semaphore_mem>>, %arg18: memref<!tpu.dma_semaphore, #tpu.memory_space<semaphore_mem>>, %arg19: memref<!tpu.dma_semaphore, #tpu.memory_space<semaphore_mem>>) attributes {dimension_semantics = [#tpu.dimension_semantics<core_parallel>, #tpu.dimension_semantics<subcore_parallel>], iteration_bounds = array<i64: 2, 16>, scalar_prefetch = 0 : i64, scratch_operands = 15 : i64, tpu.core_type = #tpu.core_type<sc_vector_subcore>, window_params = [{transform_indices = #map}, {transform_indices = #map1}, {transform_indices = #map2}]} {
    %mul3A = arith.constant 16 : i32
    %mul3A_0 = arith.muli %arg0, %mul3A : i32
    %add3A = arith.addi %mul3A_0, %arg1 : i32
    %broadcast_in_dim3A = arith.constant 0.000000e+00 : f32
    %broadcast_in_dim3A_1 = vector.broadcast %broadcast_in_dim3A : f32 to vector<16xf32>
    %swap3A = arith.constant 0 : i32
    %swap3A_2 = arith.index_cast %swap3A : i32 to index
    %swap3A_3 = arith.constant 0 : index
    %swap3A_4 = tpu.vector_load %arg11[%swap3A_2, %swap3A_3] {strides = array<i32>} : memref<8x128xf32, #tpu.memory_space<vmem>>, vector<1x16xf32>,
    %swap3A_5 = vector.shape_cast %swap3A_4 : vector<1x16xf32> to vector<16xf32>
    %swap3A_6 = vector.shape_cast %broadcast_in_dim3A_1 : vector<16xf32> to vector<1x16xf32>
    tpu.vector_store %arg11[%swap3A_2, %swap3A_3], %swap3A_6 {strides = array<i32>} : memref<8x128xf32, #tpu.memory_space<vmem>>, vector<1x16xf32>,
    %broadcast_in_dim3A_7 = arith.constant 0.000000e+00 : f32
    %broadcast_in_dim3A_8 = vector.broadcast %broadcast_in_dim3A_7 : f32 to vector<16xf32>
    %swap3A_9 = arith.constant 0 : i32
    %swap3A_10 = arith.index_cast %swap3A_9 : i32 to index
    %swap3A_11 = arith.constant 16 : index
    %swap3A_12 = tpu.vector_load %arg11[%swap3A_10, %swap3A_11] {strides = array<i32>} : memref<8x128xf32, #tpu.memory_space<vmem>>, vector<1x16xf32>,
    %swap3A_13 = vector.shape_cast %swap3A_12 : vector<1x16xf32> to vector<16xf32>
    %swap3A_14 = vector.shape_cast %broadcast_in_dim3A_8 : vector<16xf32> to vector<1x16xf32>
    tpu.vector_store %arg11[%swap3A_10, %swap3A_11], %swap3A_14 {strides = array<i32>} : memref<8x128xf32, #tpu.memory_space<vmem>>, vector<1x16xf32>,
    %broadcast_in_dim3A_15 = arith.constant 0.000000e+00 : f32
    %broadcast_in_dim3A_16 = vector.broadcast %broadcast_in_dim3A_15 : f32 to vector<16xf32>
    %swap3A_17 = arith.constant 0 : i32
    %swap3A_18 = arith.index_cast %swap3A_17 : i32 to index
    %swap3A_19 = arith.constant 32 : index
    %swap3A_20 = tpu.vector_load %arg11[%swap3A_18, %swap3A_19] {strides = array<i32>} : memref<8x128xf32, #tpu.memory_space<vmem>>, vector<1x16xf32>,
    %swap3A_21 = vector.shape_cast %swap3A_20 : vector<1x16xf32> to vector<16xf32>
    %swap3A_22 = vector.shape_cast %broadcast_in_dim3A_16 : vector<16xf32> to vector<1x16xf32>
    tpu.vector_store %arg11[%swap3A_18, %swap3A_19], %swap3A_22 {strides = array<i32>} : memref<8x128xf32, #tpu.memory_space<vmem>>, vector<1x16xf32>,
    %broadcast_in_dim3A_23 = arith.constant 0.000000e+00 : f32
    %broadcast_in_dim3A_24 = vector.broadcast %broadcast_in_dim3A_23 : f32 to vector<16xf32>
    %swap3A_25 = arith.constant 0 : i32
    %swap3A_26 = arith.index_cast %swap3A_25 : i32 to index
    %swap3A_27 = arith.constant 48 : index
    %swap3A_28 = tpu.vector_load %arg11[%swap3A_26, %swap3A_27] {strides = array<i32>} : memref<8x128xf32, #tpu.memory_space<vmem>>, vector<1x16xf32>,
    %swap3A_29 = vector.shape_cast %swap3A_28 : vector<1x16xf32> to vector<16xf32>
    %swap3A_30 = vector.shape_cast %broadcast_in_dim3A_24 : vector<16xf32> to vector<1x16xf32>
    tpu.vector_store %arg11[%swap3A_26, %swap3A_27], %swap3A_30 {strides = array<i32>} : memref<8x128xf32, #tpu.memory_space<vmem>>, vector<1x16xf32>,
    %broadcast_in_dim3A_31 = arith.constant 0.000000e+00 : f32
    %broadcast_in_dim3A_32 = vector.broadcast %broadcast_in_dim3A_31 : f32 to vector<16xf32>
    %swap3A_33 = arith.constant 0 : i32
    %swap3A_34 = arith.index_cast %swap3A_33 : i32 to index
    %swap3A_35 = arith.constant 64 : index
    %swap3A_36 = tpu.vector_load %arg11[%swap3A_34, %swap3A_35] {strides = array<i32>} : memref<8x128xf32, #tpu.memory_space<vmem>>, vector<1x16xf32>,
    %swap3A_37 = vector.shape_cast %swap3A_36 : vector<1x16xf32> to vector<16xf32>
    %swap3A_38 = vector.shape_cast %broadcast_in_dim3A_32 : vector<16xf32> to vector<1x16xf32>
    tpu.vector_store %arg11[%swap3A_34, %swap3A_35], %swap3A_38 {strides = array<i32>} : memref<8x128xf32, #tpu.memory_space<vmem>>, vector<1x16xf32>,
    %broadcast_in_dim3A_39 = arith.constant 0.000000e+00 : f32
    %broadcast_in_dim3A_40 = vector.broadcast %broadcast_in_dim3A_39 : f32 to vector<16xf32>
    %swap3A_41 = arith.constant 0 : i32
    %swap3A_42 = arith.index_cast %swap3A_41 : i32 to index
    %swap3A_43 = arith.constant 80 : index
    %swap3A_44 = tpu.vector_load %arg11[%swap3A_42, %swap3A_43] {strides = array<i32>} : memref<8x128xf32, #tpu.memory_space<vmem>>, vector<1x16xf32>,
    %swap3A_45 = vector.shape_cast %swap3A_44 : vector<1x16xf32> to vector<16xf32>
    %swap3A_46 = vector.shape_cast %broadcast_in_dim3A_40 : vector<16xf32> to vector<1x16xf32>
    tpu.vector_store %arg11[%swap3A_42, %swap3A_43], %swap3A_46 {strides = array<i32>} : memref<8x128xf32, #tpu.memory_space<vmem>>, vector<1x16xf32>,
    %broadcast_in_dim3A_47 = arith.constant 0.000000e+00 : f32
    %broadcast_in_dim3A_48 = vector.broadcast %broadcast_in_dim3A_47 : f32 to vector<16xf32>
    %swap3A_49 = arith.constant 0 : i32
    %swap3A_50 = arith.index_cast %swap3A_49 : i32 to index
    %swap3A_51 = arith.constant 96 : index
    %swap3A_52 = tpu.vector_load %arg11[%swap3A_50, %swap3A_51] {strides = array<i32>} : memref<8x128xf32, #tpu.memory_space<vmem>>, vector<1x16xf32>,
    %swap3A_53 = vector.shape_cast %swap3A_52 : vector<1x16xf32> to vector<16xf32>
    %swap3A_54 = vector.shape_cast %broadcast_in_dim3A_48 : vector<16xf32> to vector<1x16xf32>
    tpu.vector_store %arg11[%swap3A_50, %swap3A_51], %swap3A_54 {strides = array<i32>} : memref<8x128xf32, #tpu.memory_space<vmem>>, vector<1x16xf32>,
    %broadcast_in_dim3A_55 = arith.constant 0.000000e+00 : f32
    %broadcast_in_dim3A_56 = vector.broadcast %broadcast_in_dim3A_55 : f32 to vector<16xf32>
    %swap3A_57 = arith.constant 0 : i32
    %swap3A_58 = arith.index_cast %swap3A_57 : i32 to index
    %swap3A_59 = arith.constant 112 : index
    %swap3A_60 = tpu.vector_load %arg11[%swap3A_58, %swap3A_59] {strides = array<i32>} : memref<8x128xf32, #tpu.memory_space<vmem>>, vector<1x16xf32>,
    %swap3A_61 = vector.shape_cast %swap3A_60 : vector<1x16xf32> to vector<16xf32>
    %swap3A_62 = vector.shape_cast %broadcast_in_dim3A_56 : vector<16xf32> to vector<1x16xf32>
    tpu.vector_store %arg11[%swap3A_58, %swap3A_59], %swap3A_62 {strides = array<i32>} : memref<8x128xf32, #tpu.memory_space<vmem>>, vector<1x16xf32>,
    %broadcast_in_dim3A_63 = arith.constant 0.000000e+00 : f32
    %broadcast_in_dim3A_64 = vector.broadcast %broadcast_in_dim3A_63 : f32 to vector<16xf32>
    %swap3A_65 = arith.constant 1 : i32
    %swap3A_66 = arith.index_cast %swap3A_65 : i32 to index
    %swap3A_67 = arith.constant 0 : index
    %swap3A_68 = tpu.vector_load %arg11[%swap3A_66, %swap3A_67] {strides = array<i32>} : memref<8x128xf32, #tpu.memory_space<vmem>>, vector<1x16xf32>,
    %swap3A_69 = vector.shape_cast %swap3A_68 : vector<1x16xf32> to vector<16xf32>
    %swap3A_70 = vector.shape_cast %broadcast_in_dim3A_64 : vector<16xf32> to vector<1x16xf32>
    tpu.vector_store %arg11[%swap3A_66, %swap3A_67], %swap3A_70 {strides = array<i32>} : memref<8x128xf32, #tpu.memory_space<vmem>>, vector<1x16xf32>,
    %broadcast_in_dim3A_71 = arith.constant 0.000000e+00 : f32
    %broadcast_in_dim3A_72 = vector.broadcast %broadcast_in_dim3A_71 : f32 to vector<16xf32>
    %swap3A_73 = arith.constant 1 : i32
    %swap3A_74 = arith.index_cast %swap3A_73 : i32 to index
    %swap3A_75 = arith.constant 16 : index
    %swap3A_76 = tpu.vector_load %arg11[%swap3A_74, %swap3A_75] {strides = array<i32>} : memref<8x128xf32, #tpu.memory_space<vmem>>, vector<1x16xf32>,
    %swap3A_77 = vector.shape_cast %swap3A_76 : vector<1x16xf32> to vector<16xf32>
    %swap3A_78 = vector.shape_cast %broadcast_in_dim3A_72 : vector<16xf32> to vector<1x16xf32>
    tpu.vector_store %arg11[%swap3A_74, %swap3A_75], %swap3A_78 {strides = array<i32>} : memref<8x128xf32, #tpu.memory_space<vmem>>, vector<1x16xf32>,
    %broadcast_in_dim3A_79 = arith.constant 0.000000e+00 : f32
    %broadcast_in_dim3A_80 = vector.broadcast %broadcast_in_dim3A_79 : f32 to vector<16xf32>
    %swap3A_81 = arith.constant 1 : i32
    %swap3A_82 = arith.index_cast %swap3A_81 : i32 to index
    %swap3A_83 = arith.constant 32 : index
    %swap3A_84 = tpu.vector_load %arg11[%swap3A_82, %swap3A_83] {strides = array<i32>} : memref<8x128xf32, #tpu.memory_space<vmem>>, vector<1x16xf32>,
    %swap3A_85 = vector.shape_cast %swap3A_84 : vector<1x16xf32> to vector<16xf32>
    %swap3A_86 = vector.shape_cast %broadcast_in_dim3A_80 : vector<16xf32> to vector<1x16xf32>
    tpu.vector_store %arg11[%swap3A_82, %swap3A_83], %swap3A_86 {strides = array<i32>} : memref<8x128xf32, #tpu.memory_space<vmem>>, vector<1x16xf32>,
    %broadcast_in_dim3A_87 = arith.constant 0.000000e+00 : f32
    %broadcast_in_dim3A_88 = vector.broadcast %broadcast_in_dim3A_87 : f32 to vector<16xf32>
    %swap3A_89 = arith.constant 1 : i32
    %swap3A_90 = arith.index_cast %swap3A_89 : i32 to index
    %swap3A_91 = arith.constant 48 : index
    %swap3A_92 = tpu.vector_load %arg11[%swap3A_90, %swap3A_91] {strides = array<i32>} : memref<8x128xf32, #tpu.memory_space<vmem>>, vector<1x16xf32>,
    %swap3A_93 = vector.shape_cast %swap3A_92 : vector<1x16xf32> to vector<16xf32>
    %swap3A_94 = vector.shape_cast %broadcast_in_dim3A_88 : vector<16xf32> to vector<1x16xf32>
    tpu.vector_store %arg11[%swap3A_90, %swap3A_91], %swap3A_94 {strides = array<i32>} : memref<8x128xf32, #tpu.memory_space<vmem>>, vector<1x16xf32>,
    %broadcast_in_dim3A_95 = arith.constant 0.000000e+00 : f32
    %broadcast_in_dim3A_96 = vector.broadcast %broadcast_in_dim3A_95 : f32 to vector<16xf32>
    %swap3A_97 = arith.constant 1 : i32
    %swap3A_98 = arith.index_cast %swap3A_97 : i32 to index
    %swap3A_99 = arith.constant 64 : index
    %swap3A_100 = tpu.vector_load %arg11[%swap3A_98, %swap3A_99] {strides = array<i32>} : memref<8x128xf32, #tpu.memory_space<vmem>>, vector<1x16xf32>,
    %swap3A_101 = vector.shape_cast %swap3A_100 : vector<1x16xf32> to vector<16xf32>
    %swap3A_102 = vector.shape_cast %broadcast_in_dim3A_96 : vector<16xf32> to vector<1x16xf32>
    tpu.vector_store %arg11[%swap3A_98, %swap3A_99], %swap3A_102 {strides = array<i32>} : memref<8x128xf32, #tpu.memory_space<vmem>>, vector<1x16xf32>,
    %broadcast_in_dim3A_103 = arith.constant 0.000000e+00 : f32
    %broadcast_in_dim3A_104 = vector.broadcast %broadcast_in_dim3A_103 : f32 to vector<16xf32>
    %swap3A_105 = arith.constant 1 : i32
    %swap3A_106 = arith.index_cast %swap3A_105 : i32 to index
    %swap3A_107 = arith.constant 80 : index
    %swap3A_108 = tpu.vector_load %arg11[%swap3A_106, %swap3A_107] {strides = array<i32>} : memref<8x128xf32, #tpu.memory_space<vmem>>, vector<1x16xf32>,
    %swap3A_109 = vector.shape_cast %swap3A_108 : vector<1x16xf32> to vector<16xf32>
    %swap3A_110 = vector.shape_cast %broadcast_in_dim3A_104 : vector<16xf32> to vector<1x16xf32>
    tpu.vector_store %arg11[%swap3A_106, %swap3A_107], %swap3A_110 {strides = array<i32>} : memref<8x128xf32, #tpu.memory_space<vmem>>, vector<1x16xf32>,
    %broadcast_in_dim3A_111 = arith.constant 0.000000e+00 : f32
    %broadcast_in_dim3A_112 = vector.broadcast %broadcast_in_dim3A_111 : f32 to vector<16xf32>
    %swap3A_113 = arith.constant 1 : i32
    %swap3A_114 = arith.index_cast %swap3A_113 : i32 to index
    %swap3A_115 = arith.constant 96 : index
    %swap3A_116 = tpu.vector_load %arg11[%swap3A_114, %swap3A_115] {strides = array<i32>} : memref<8x128xf32, #tpu.memory_space<vmem>>, vector<1x16xf32>,
    %swap3A_117 = vector.shape_cast %swap3A_116 : vector<1x16xf32> to vector<16xf32>
    %swap3A_118 = vector.shape_cast %broadcast_in_dim3A_112 : vector<16xf32> to vector<1x16xf32>
    tpu.vector_store %arg11[%swap3A_114, %swap3A_115], %swap3A_118 {strides = array<i32>} : memref<8x128xf32, #tpu.memory_space<vmem>>, vector<1x16xf32>,
    %broadcast_in_dim3A_119 = arith.constant 0.000000e+00 : f32
    %broadcast_in_dim3A_120 = vector.broadcast %broadcast_in_dim3A_119 : f32 to vector<16xf32>
    %swap3A_121 = arith.constant 1 : i32
    %swap3A_122 = arith.index_cast %swap3A_121 : i32 to index
    %swap3A_123 = arith.constant 112 : index
    %swap3A_124 = tpu.vector_load %arg11[%swap3A_122, %swap3A_123] {strides = array<i32>} : memref<8x128xf32, #tpu.memory_space<vmem>>, vector<1x16xf32>,
    %swap3A_125 = vector.shape_cast %swap3A_124 : vector<1x16xf32> to vector<16xf32>
    %swap3A_126 = vector.shape_cast %broadcast_in_dim3A_120 : vector<16xf32> to vector<1x16xf32>
    tpu.vector_store %arg11[%swap3A_122, %swap3A_123], %swap3A_126 {strides = array<i32>} : memref<8x128xf32, #tpu.memory_space<vmem>>, vector<1x16xf32>,
    %broadcast_in_dim3A_127 = arith.constant 0.000000e+00 : f32
    %broadcast_in_dim3A_128 = vector.broadcast %broadcast_in_dim3A_127 : f32 to vector<16xf32>
    %swap3A_129 = arith.constant 2 : i32
    %swap3A_130 = arith.index_cast %swap3A_129 : i32 to index
    %swap3A_131 = arith.constant 0 : index
    %swap3A_132 = tpu.vector_load %arg11[%swap3A_130, %swap3A_131] {strides = array<i32>} : memref<8x128xf32, #tpu.memory_space<vmem>>, vector<1x16xf32>,
    %swap3A_133 = vector.shape_cast %swap3A_132 : vector<1x16xf32> to vector<16xf32>
    %swap3A_134 = vector.shape_cast %broadcast_in_dim3A_128 : vector<16xf32> to vector<1x16xf32>
    tpu.vector_store %arg11[%swap3A_130, %swap3A_131], %swap3A_134 {strides = array<i32>} : memref<8x128xf32, #tpu.memory_space<vmem>>, vector<1x16xf32>,
    %broadcast_in_dim3A_135 = arith.constant 0.000000e+00 : f32
    %broadcast_in_dim3A_136 = vector.broadcast %broadcast_in_dim3A_135 : f32 to vector<16xf32>
    %swap3A_137 = arith.constant 2 : i32
    %swap3A_138 = arith.index_cast %swap3A_137 : i32 to index
    %swap3A_139 = arith.constant 16 : index
    %swap3A_140 = tpu.vector_load %arg11[%swap3A_138, %swap3A_139] {strides = array<i32>} : memref<8x128xf32, #tpu.memory_space<vmem>>, vector<1x16xf32>,
    %swap3A_141 = vector.shape_cast %swap3A_140 : vector<1x16xf32> to vector<16xf32>
    %swap3A_142 = vector.shape_cast %broadcast_in_dim3A_136 : vector<16xf32> to vector<1x16xf32>
    tpu.vector_store %arg11[%swap3A_138, %swap3A_139], %swap3A_142 {strides = array<i32>} : memref<8x128xf32, #tpu.memory_space<vmem>>, vector<1x16xf32>,
    %broadcast_in_dim3A_143 = arith.constant 0.000000e+00 : f32
    %broadcast_in_dim3A_144 = vector.broadcast %broadcast_in_dim3A_143 : f32 to vector<16xf32>
    %swap3A_145 = arith.constant 2 : i32
    %swap3A_146 = arith.index_cast %swap3A_145 : i32 to index
    %swap3A_147 = arith.constant 32 : index
    %swap3A_148 = tpu.vector_load %arg11[%swap3A_146, %swap3A_147] {strides = array<i32>} : memref<8x128xf32, #tpu.memory_space<vmem>>, vector<1x16xf32>,
    %swap3A_149 = vector.shape_cast %swap3A_148 : vector<1x16xf32> to vector<16xf32>
    %swap3A_150 = vector.shape_cast %broadcast_in_dim3A_144 : vector<16xf32> to vector<1x16xf32>
    tpu.vector_store %arg11[%swap3A_146, %swap3A_147], %swap3A_150 {strides = array<i32>} : memref<8x128xf32, #tpu.memory_space<vmem>>, vector<1x16xf32>,
    %broadcast_in_dim3A_151 = arith.constant 0.000000e+00 : f32
    %broadcast_in_dim3A_152 = vector.broadcast %broadcast_in_dim3A_151 : f32 to vector<16xf32>
    %swap3A_153 = arith.constant 2 : i32
    %swap3A_154 = arith.index_cast %swap3A_153 : i32 to index
    %swap3A_155 = arith.constant 48 : index
    %swap3A_156 = tpu.vector_load %arg11[%swap3A_154, %swap3A_155] {strides = array<i32>} : memref<8x128xf32, #tpu.memory_space<vmem>>, vector<1x16xf32>,
    %swap3A_157 = vector.shape_cast %swap3A_156 : vector<1x16xf32> to vector<16xf32>
    %swap3A_158 = vector.shape_cast %broadcast_in_dim3A_152 : vector<16xf32> to vector<1x16xf32>
    tpu.vector_store %arg11[%swap3A_154, %swap3A_155], %swap3A_158 {strides = array<i32>} : memref<8x128xf32, #tpu.memory_space<vmem>>, vector<1x16xf32>,
    %broadcast_in_dim3A_159 = arith.constant 0.000000e+00 : f32
    %broadcast_in_dim3A_160 = vector.broadcast %broadcast_in_dim3A_159 : f32 to vector<16xf32>
    %swap3A_161 = arith.constant 2 : i32
    %swap3A_162 = arith.index_cast %swap3A_161 : i32 to index
    %swap3A_163 = arith.constant 64 : index
    %swap3A_164 = tpu.vector_load %arg11[%swap3A_162, %swap3A_163] {strides = array<i32>} : memref<8x128xf32, #tpu.memory_space<vmem>>, vector<1x16xf32>,
    %swap3A_165 = vector.shape_cast %swap3A_164 : vector<1x16xf32> to vector<16xf32>
    %swap3A_166 = vector.shape_cast %broadcast_in_dim3A_160 : vector<16xf32> to vector<1x16xf32>
    tpu.vector_store %arg11[%swap3A_162, %swap3A_163], %swap3A_166 {strides = array<i32>} : memref<8x128xf32, #tpu.memory_space<vmem>>, vector<1x16xf32>,
    %broadcast_in_dim3A_167 = arith.constant 0.000000e+00 : f32
    %broadcast_in_dim3A_168 = vector.broadcast %broadcast_in_dim3A_167 : f32 to vector<16xf32>
    %swap3A_169 = arith.constant 2 : i32
    %swap3A_170 = arith.index_cast %swap3A_169 : i32 to index
    %swap3A_171 = arith.constant 80 : index
    %swap3A_172 = tpu.vector_load %arg11[%swap3A_170, %swap3A_171] {strides = array<i32>} : memref<8x128xf32, #tpu.memory_space<vmem>>, vector<1x16xf32>,
    %swap3A_173 = vector.shape_cast %swap3A_172 : vector<1x16xf32> to vector<16xf32>
    %swap3A_174 = vector.shape_cast %broadcast_in_dim3A_168 : vector<16xf32> to vector<1x16xf32>
    tpu.vector_store %arg11[%swap3A_170, %swap3A_171], %swap3A_174 {strides = array<i32>} : memref<8x128xf32, #tpu.memory_space<vmem>>, vector<1x16xf32>,
    %broadcast_in_dim3A_175 = arith.constant 0.000000e+00 : f32
    %broadcast_in_dim3A_176 = vector.broadcast %broadcast_in_dim3A_175 : f32 to vector<16xf32>
    %swap3A_177 = arith.constant 2 : i32
    %swap3A_178 = arith.index_cast %swap3A_177 : i32 to index
    %swap3A_179 = arith.constant 96 : index
    %swap3A_180 = tpu.vector_load %arg11[%swap3A_178, %swap3A_179] {strides = array<i32>} : memref<8x128xf32, #tpu.memory_space<vmem>>, vector<1x16xf32>,
    %swap3A_181 = vector.shape_cast %swap3A_180 : vector<1x16xf32> to vector<16xf32>
    %swap3A_182 = vector.shape_cast %broadcast_in_dim3A_176 : vector<16xf32> to vector<1x16xf32>
    tpu.vector_store %arg11[%swap3A_178, %swap3A_179], %swap3A_182 {strides = array<i32>} : memref<8x128xf32, #tpu.memory_space<vmem>>, vector<1x16xf32>,
    %broadcast_in_dim3A_183 = arith.constant 0.000000e+00 : f32
    %broadcast_in_dim3A_184 = vector.broadcast %broadcast_in_dim3A_183 : f32 to vector<16xf32>
    %swap3A_185 = arith.constant 2 : i32
    %swap3A_186 = arith.index_cast %swap3A_185 : i32 to index
    %swap3A_187 = arith.constant 112 : index
    %swap3A_188 = tpu.vector_load %arg11[%swap3A_186, %swap3A_187] {strides = array<i32>} : memref<8x128xf32, #tpu.memory_space<vmem>>, vector<1x16xf32>,
    %swap3A_189 = vector.shape_cast %swap3A_188 : vector<1x16xf32> to vector<16xf32>
    %swap3A_190 = vector.shape_cast %broadcast_in_dim3A_184 : vector<16xf32> to vector<1x16xf32>
    tpu.vector_store %arg11[%swap3A_186, %swap3A_187], %swap3A_190 {strides = array<i32>} : memref<8x128xf32, #tpu.memory_space<vmem>>, vector<1x16xf32>,
    %broadcast_in_dim3A_191 = arith.constant 0.000000e+00 : f32
    %broadcast_in_dim3A_192 = vector.broadcast %broadcast_in_dim3A_191 : f32 to vector<16xf32>
    %swap3A_193 = arith.constant 3 : i32
    %swap3A_194 = arith.index_cast %swap3A_193 : i32 to index
    %swap3A_195 = arith.constant 0 : index
    %swap3A_196 = tpu.vector_load %arg11[%swap3A_194, %swap3A_195] {strides = array<i32>} : memref<8x128xf32, #tpu.memory_space<vmem>>, vector<1x16xf32>,
    %swap3A_197 = vector.shape_cast %swap3A_196 : vector<1x16xf32> to vector<16xf32>
    %swap3A_198 = vector.shape_cast %broadcast_in_dim3A_192 : vector<16xf32> to vector<1x16xf32>
    tpu.vector_store %arg11[%swap3A_194, %swap3A_195], %swap3A_198 {strides = array<i32>} : memref<8x128xf32, #tpu.memory_space<vmem>>, vector<1x16xf32>,
    %broadcast_in_dim3A_199 = arith.constant 0.000000e+00 : f32
    %broadcast_in_dim3A_200 = vector.broadcast %broadcast_in_dim3A_199 : f32 to vector<16xf32>
    %swap3A_201 = arith.constant 3 : i32
    %swap3A_202 = arith.index_cast %swap3A_201 : i32 to index
    %swap3A_203 = arith.constant 16 : index
    %swap3A_204 = tpu.vector_load %arg11[%swap3A_202, %swap3A_203] {strides = array<i32>} : memref<8x128xf32, #tpu.memory_space<vmem>>, vector<1x16xf32>,
    %swap3A_205 = vector.shape_cast %swap3A_204 : vector<1x16xf32> to vector<16xf32>
    %swap3A_206 = vector.shape_cast %broadcast_in_dim3A_200 : vector<16xf32> to vector<1x16xf32>
    tpu.vector_store %arg11[%swap3A_202, %swap3A_203], %swap3A_206 {strides = array<i32>} : memref<8x128xf32, #tpu.memory_space<vmem>>, vector<1x16xf32>,
    %broadcast_in_dim3A_207 = arith.constant 0.000000e+00 : f32
    %broadcast_in_dim3A_208 = vector.broadcast %broadcast_in_dim3A_207 : f32 to vector<16xf32>
    %swap3A_209 = arith.constant 3 : i32
    %swap3A_210 = arith.index_cast %swap3A_209 : i32 to index
    %swap3A_211 = arith.constant 32 : index
    %swap3A_212 = tpu.vector_load %arg11[%swap3A_210, %swap3A_211] {strides = array<i32>} : memref<8x128xf32, #tpu.memory_space<vmem>>, vector<1x16xf32>,
    %swap3A_213 = vector.shape_cast %swap3A_212 : vector<1x16xf32> to vector<16xf32>
    %swap3A_214 = vector.shape_cast %broadcast_in_dim3A_208 : vector<16xf32> to vector<1x16xf32>
    tpu.vector_store %arg11[%swap3A_210, %swap3A_211], %swap3A_214 {strides = array<i32>} : memref<8x128xf32, #tpu.memory_space<vmem>>, vector<1x16xf32>,
    %broadcast_in_dim3A_215 = arith.constant 0.000000e+00 : f32
    %broadcast_in_dim3A_216 = vector.broadcast %broadcast_in_dim3A_215 : f32 to vector<16xf32>
    %swap3A_217 = arith.constant 3 : i32
    %swap3A_218 = arith.index_cast %swap3A_217 : i32 to index
    %swap3A_219 = arith.constant 48 : index
    %swap3A_220 = tpu.vector_load %arg11[%swap3A_218, %swap3A_219] {strides = array<i32>} : memref<8x128xf32, #tpu.memory_space<vmem>>, vector<1x16xf32>,
    %swap3A_221 = vector.shape_cast %swap3A_220 : vector<1x16xf32> to vector<16xf32>
    %swap3A_222 = vector.shape_cast %broadcast_in_dim3A_216 : vector<16xf32> to vector<1x16xf32>
    tpu.vector_store %arg11[%swap3A_218, %swap3A_219], %swap3A_222 {strides = array<i32>} : memref<8x128xf32, #tpu.memory_space<vmem>>, vector<1x16xf32>,
    %broadcast_in_dim3A_223 = arith.constant 0.000000e+00 : f32
    %broadcast_in_dim3A_224 = vector.broadcast %broadcast_in_dim3A_223 : f32 to vector<16xf32>
    %swap3A_225 = arith.constant 3 : i32
    %swap3A_226 = arith.index_cast %swap3A_225 : i32 to index
    %swap3A_227 = arith.constant 64 : index
    %swap3A_228 = tpu.vector_load %arg11[%swap3A_226, %swap3A_227] {strides = array<i32>} : memref<8x128xf32, #tpu.memory_space<vmem>>, vector<1x16xf32>,
    %swap3A_229 = vector.shape_cast %swap3A_228 : vector<1x16xf32> to vector<16xf32>
    %swap3A_230 = vector.shape_cast %broadcast_in_dim3A_224 : vector<16xf32> to vector<1x16xf32>
    tpu.vector_store %arg11[%swap3A_226, %swap3A_227], %swap3A_230 {strides = array<i32>} : memref<8x128xf32, #tpu.memory_space<vmem>>, vector<1x16xf32>,
    %broadcast_in_dim3A_231 = arith.constant 0.000000e+00 : f32
    %broadcast_in_dim3A_232 = vector.broadcast %broadcast_in_dim3A_231 : f32 to vector<16xf32>
    %swap3A_233 = arith.constant 3 : i32
    %swap3A_234 = arith.index_cast %swap3A_233 : i32 to index
    %swap3A_235 = arith.constant 80 : index
    %swap3A_236 = tpu.vector_load %arg11[%swap3A_234, %swap3A_235] {strides = array<i32>} : memref<8x128xf32, #tpu.memory_space<vmem>>, vector<1x16xf32>,
    %swap3A_237 = vector.shape_cast %swap3A_236 : vector<1x16xf32> to vector<16xf32>
    %swap3A_238 = vector.shape_cast %broadcast_in_dim3A_232 : vector<16xf32> to vector<1x16xf32>
    tpu.vector_store %arg11[%swap3A_234, %swap3A_235], %swap3A_238 {strides = array<i32>} : memref<8x128xf32, #tpu.memory_space<vmem>>, vector<1x16xf32>,
    %broadcast_in_dim3A_239 = arith.constant 0.000000e+00 : f32
    %broadcast_in_dim3A_240 = vector.broadcast %broadcast_in_dim3A_239 : f32 to vector<16xf32>
    %swap3A_241 = arith.constant 3 : i32
    %swap3A_242 = arith.index_cast %swap3A_241 : i32 to index
    %swap3A_243 = arith.constant 96 : index
    %swap3A_244 = tpu.vector_load %arg11[%swap3A_242, %swap3A_243] {strides = array<i32>} : memref<8x128xf32, #tpu.memory_space<vmem>>, vector<1x16xf32>,
    %swap3A_245 = vector.shape_cast %swap3A_244 : vector<1x16xf32> to vector<16xf32>
    %swap3A_246 = vector.shape_cast %broadcast_in_dim3A_240 : vector<16xf32> to vector<1x16xf32>
    tpu.vector_store %arg11[%swap3A_242, %swap3A_243], %swap3A_246 {strides = array<i32>} : memref<8x128xf32, #tpu.memory_space<vmem>>, vector<1x16xf32>,
    %broadcast_in_dim3A_247 = arith.constant 0.000000e+00 : f32
    %broadcast_in_dim3A_248 = vector.broadcast %broadcast_in_dim3A_247 : f32 to vector<16xf32>
    %swap3A_249 = arith.constant 3 : i32
    %swap3A_250 = arith.index_cast %swap3A_249 : i32 to index
    %swap3A_251 = arith.constant 112 : index
    %swap3A_252 = tpu.vector_load %arg11[%swap3A_250, %swap3A_251] {strides = array<i32>} : memref<8x128xf32, #tpu.memory_space<vmem>>, vector<1x16xf32>,
    %swap3A_253 = vector.shape_cast %swap3A_252 : vector<1x16xf32> to vector<16xf32>
    %swap3A_254 = vector.shape_cast %broadcast_in_dim3A_248 : vector<16xf32> to vector<1x16xf32>
    tpu.vector_store %arg11[%swap3A_250, %swap3A_251], %swap3A_254 {strides = array<i32>} : memref<8x128xf32, #tpu.memory_space<vmem>>, vector<1x16xf32>,
    %broadcast_in_dim3A_255 = arith.constant 0.000000e+00 : f32
    %broadcast_in_dim3A_256 = vector.broadcast %broadcast_in_dim3A_255 : f32 to vector<16xf32>
    %swap3A_257 = arith.constant 4 : i32
    %swap3A_258 = arith.index_cast %swap3A_257 : i32 to index
    %swap3A_259 = arith.constant 0 : index
    %swap3A_260 = tpu.vector_load %arg11[%swap3A_258, %swap3A_259] {strides = array<i32>} : memref<8x128xf32, #tpu.memory_space<vmem>>, vector<1x16xf32>,
    %swap3A_261 = vector.shape_cast %swap3A_260 : vector<1x16xf32> to vector<16xf32>
    %swap3A_262 = vector.shape_cast %broadcast_in_dim3A_256 : vector<16xf32> to vector<1x16xf32>
    tpu.vector_store %arg11[%swap3A_258, %swap3A_259], %swap3A_262 {strides = array<i32>} : memref<8x128xf32, #tpu.memory_space<vmem>>, vector<1x16xf32>,
    %broadcast_in_dim3A_263 = arith.constant 0.000000e+00 : f32
    %broadcast_in_dim3A_264 = vector.broadcast %broadcast_in_dim3A_263 : f32 to vector<16xf32>
    %swap3A_265 = arith.constant 4 : i32
    %swap3A_266 = arith.index_cast %swap3A_265 : i32 to index
    %swap3A_267 = arith.constant 16 : index
    %swap3A_268 = tpu.vector_load %arg11[%swap3A_266, %swap3A_267] {strides = array<i32>} : memref<8x128xf32, #tpu.memory_space<vmem>>, vector<1x16xf32>,
    %swap3A_269 = vector.shape_cast %swap3A_268 : vector<1x16xf32> to vector<16xf32>
    %swap3A_270 = vector.shape_cast %broadcast_in_dim3A_264 : vector<16xf32> to vector<1x16xf32>
    tpu.vector_store %arg11[%swap3A_266, %swap3A_267], %swap3A_270 {strides = array<i32>} : memref<8x128xf32, #tpu.memory_space<vmem>>, vector<1x16xf32>,
    %broadcast_in_dim3A_271 = arith.constant 0.000000e+00 : f32
    %broadcast_in_dim3A_272 = vector.broadcast %broadcast_in_dim3A_271 : f32 to vector<16xf32>
    %swap3A_273 = arith.constant 4 : i32
    %swap3A_274 = arith.index_cast %swap3A_273 : i32 to index
    %swap3A_275 = arith.constant 32 : index
    %swap3A_276 = tpu.vector_load %arg11[%swap3A_274, %swap3A_275] {strides = array<i32>} : memref<8x128xf32, #tpu.memory_space<vmem>>, vector<1x16xf32>,
    %swap3A_277 = vector.shape_cast %swap3A_276 : vector<1x16xf32> to vector<16xf32>
    %swap3A_278 = vector.shape_cast %broadcast_in_dim3A_272 : vector<16xf32> to vector<1x16xf32>
    tpu.vector_store %arg11[%swap3A_274, %swap3A_275], %swap3A_278 {strides = array<i32>} : memref<8x128xf32, #tpu.memory_space<vmem>>, vector<1x16xf32>,
    %broadcast_in_dim3A_279 = arith.constant 0.000000e+00 : f32
    %broadcast_in_dim3A_280 = vector.broadcast %broadcast_in_dim3A_279 : f32 to vector<16xf32>
    %swap3A_281 = arith.constant 4 : i32
    %swap3A_282 = arith.index_cast %swap3A_281 : i32 to index
    %swap3A_283 = arith.constant 48 : index
    %swap3A_284 = tpu.vector_load %arg11[%swap3A_282, %swap3A_283] {strides = array<i32>} : memref<8x128xf32, #tpu.memory_space<vmem>>, vector<1x16xf32>,
    %swap3A_285 = vector.shape_cast %swap3A_284 : vector<1x16xf32> to vector<16xf32>
    %swap3A_286 = vector.shape_cast %broadcast_in_dim3A_280 : vector<16xf32> to vector<1x16xf32>
    tpu.vector_store %arg11[%swap3A_282, %swap3A_283], %swap3A_286 {strides = array<i32>} : memref<8x128xf32, #tpu.memory_space<vmem>>, vector<1x16xf32>,
    %broadcast_in_dim3A_287 = arith.constant 0.000000e+00 : f32
    %broadcast_in_dim3A_288 = vector.broadcast %broadcast_in_dim3A_287 : f32 to vector<16xf32>
    %swap3A_289 = arith.constant 4 : i32
    %swap3A_290 = arith.index_cast %swap3A_289 : i32 to index
    %swap3A_291 = arith.constant 64 : index
    %swap3A_292 = tpu.vector_load %arg11[%swap3A_290, %swap3A_291] {strides = array<i32>} : memref<8x128xf32, #tpu.memory_space<vmem>>, vector<1x16xf32>,
    %swap3A_293 = vector.shape_cast %swap3A_292 : vector<1x16xf32> to vector<16xf32>
    %swap3A_294 = vector.shape_cast %broadcast_in_dim3A_288 : vector<16xf32> to vector<1x16xf32>
    tpu.vector_store %arg11[%swap3A_290, %swap3A_291], %swap3A_294 {strides = array<i32>} : memref<8x128xf32, #tpu.memory_space<vmem>>, vector<1x16xf32>,
    %broadcast_in_dim3A_295 = arith.constant 0.000000e+00 : f32
    %broadcast_in_dim3A_296 = vector.broadcast %broadcast_in_dim3A_295 : f32 to vector<16xf32>
    %swap3A_297 = arith.constant 4 : i32
    %swap3A_298 = arith.index_cast %swap3A_297 : i32 to index
    %swap3A_299 = arith.constant 80 : index
    %swap3A_300 = tpu.vector_load %arg11[%swap3A_298, %swap3A_299] {strides = array<i32>} : memref<8x128xf32, #tpu.memory_space<vmem>>, vector<1x16xf32>,
    %swap3A_301 = vector.shape_cast %swap3A_300 : vector<1x16xf32> to vector<16xf32>
    %swap3A_302 = vector.shape_cast %broadcast_in_dim3A_296 : vector<16xf32> to vector<1x16xf32>
    tpu.vector_store %arg11[%swap3A_298, %swap3A_299], %swap3A_302 {strides = array<i32>} : memref<8x128xf32, #tpu.memory_space<vmem>>, vector<1x16xf32>,
    %broadcast_in_dim3A_303 = arith.constant 0.000000e+00 : f32
    %broadcast_in_dim3A_304 = vector.broadcast %broadcast_in_dim3A_303 : f32 to vector<16xf32>
    %swap3A_305 = arith.constant 4 : i32
    %swap3A_306 = arith.index_cast %swap3A_305 : i32 to index
    %swap3A_307 = arith.constant 96 : index
    %swap3A_308 = tpu.vector_load %arg11[%swap3A_306, %swap3A_307] {strides = array<i32>} : memref<8x128xf32, #tpu.memory_space<vmem>>, vector<1x16xf32>,
    %swap3A_309 = vector.shape_cast %swap3A_308 : vector<1x16xf32> to vector<16xf32>
    %swap3A_310 = vector.shape_cast %broadcast_in_dim3A_304 : vector<16xf32> to vector<1x16xf32>
    tpu.vector_store %arg11[%swap3A_306, %swap3A_307], %swap3A_310 {strides = array<i32>} : memref<8x128xf32, #tpu.memory_space<vmem>>, vector<1x16xf32>,
    %broadcast_in_dim3A_311 = arith.constant 0.000000e+00 : f32
    %broadcast_in_dim3A_312 = vector.broadcast %broadcast_in_dim3A_311 : f32 to vector<16xf32>
    %swap3A_313 = arith.constant 4 : i32
    %swap3A_314 = arith.index_cast %swap3A_313 : i32 to index
    %swap3A_315 = arith.constant 112 : index
    %swap3A_316 = tpu.vector_load %arg11[%swap3A_314, %swap3A_315] {strides = array<i32>} : memref<8x128xf32, #tpu.memory_space<vmem>>, vector<1x16xf32>,
    %swap3A_317 = vector.shape_cast %swap3A_316 : vector<1x16xf32> to vector<16xf32>
    %swap3A_318 = vector.shape_cast %broadcast_in_dim3A_312 : vector<16xf32> to vector<1x16xf32>
    tpu.vector_store %arg11[%swap3A_314, %swap3A_315], %swap3A_318 {strides = array<i32>} : memref<8x128xf32, #tpu.memory_space<vmem>>, vector<1x16xf32>,
    %broadcast_in_dim3A_319 = arith.constant 0.000000e+00 : f32
    %broadcast_in_dim3A_320 = vector.broadcast %broadcast_in_dim3A_319 : f32 to vector<16xf32>
    %swap3A_321 = arith.constant 5 : i32
    %swap3A_322 = arith.index_cast %swap3A_321 : i32 to index
    %swap3A_323 = arith.constant 0 : index
    %swap3A_324 = tpu.vector_load %arg11[%swap3A_322, %swap3A_323] {strides = array<i32>} : memref<8x128xf32, #tpu.memory_space<vmem>>, vector<1x16xf32>,
    %swap3A_325 = vector.shape_cast %swap3A_324 : vector<1x16xf32> to vector<16xf32>
    %swap3A_326 = vector.shape_cast %broadcast_in_dim3A_320 : vector<16xf32> to vector<1x16xf32>
    tpu.vector_store %arg11[%swap3A_322, %swap3A_323], %swap3A_326 {strides = array<i32>} : memref<8x128xf32, #tpu.memory_space<vmem>>, vector<1x16xf32>,
    %broadcast_in_dim3A_327 = arith.constant 0.000000e+00 : f32
    %broadcast_in_dim3A_328 = vector.broadcast %broadcast_in_dim3A_327 : f32 to vector<16xf32>
    %swap3A_329 = arith.constant 5 : i32
    %swap3A_330 = arith.index_cast %swap3A_329 : i32 to index
    %swap3A_331 = arith.constant 16 : index
    %swap3A_332 = tpu.vector_load %arg11[%swap3A_330, %swap3A_331] {strides = array<i32>} : memref<8x128xf32, #tpu.memory_space<vmem>>, vector<1x16xf32>,
    %swap3A_333 = vector.shape_cast %swap3A_332 : vector<1x16xf32> to vector<16xf32>
    %swap3A_334 = vector.shape_cast %broadcast_in_dim3A_328 : vector<16xf32> to vector<1x16xf32>
    tpu.vector_store %arg11[%swap3A_330, %swap3A_331], %swap3A_334 {strides = array<i32>} : memref<8x128xf32, #tpu.memory_space<vmem>>, vector<1x16xf32>,
    %broadcast_in_dim3A_335 = arith.constant 0.000000e+00 : f32
    %broadcast_in_dim3A_336 = vector.broadcast %broadcast_in_dim3A_335 : f32 to vector<16xf32>
    %swap3A_337 = arith.constant 5 : i32
    %swap3A_338 = arith.index_cast %swap3A_337 : i32 to index
    %swap3A_339 = arith.constant 32 : index
    %swap3A_340 = tpu.vector_load %arg11[%swap3A_338, %swap3A_339] {strides = array<i32>} : memref<8x128xf32, #tpu.memory_space<vmem>>, vector<1x16xf32>,
    %swap3A_341 = vector.shape_cast %swap3A_340 : vector<1x16xf32> to vector<16xf32>
    %swap3A_342 = vector.shape_cast %broadcast_in_dim3A_336 : vector<16xf32> to vector<1x16xf32>
    tpu.vector_store %arg11[%swap3A_338, %swap3A_339], %swap3A_342 {strides = array<i32>} : memref<8x128xf32, #tpu.memory_space<vmem>>, vector<1x16xf32>,
    %broadcast_in_dim3A_343 = arith.constant 0.000000e+00 : f32
    %broadcast_in_dim3A_344 = vector.broadcast %broadcast_in_dim3A_343 : f32 to vector<16xf32>
    %swap3A_345 = arith.constant 5 : i32
    %swap3A_346 = arith.index_cast %swap3A_345 : i32 to index
    %swap3A_347 = arith.constant 48 : index
    %swap3A_348 = tpu.vector_load %arg11[%swap3A_346, %swap3A_347] {strides = array<i32>} : memref<8x128xf32, #tpu.memory_space<vmem>>, vector<1x16xf32>,
    %swap3A_349 = vector.shape_cast %swap3A_348 : vector<1x16xf32> to vector<16xf32>
    %swap3A_350 = vector.shape_cast %broadcast_in_dim3A_344 : vector<16xf32> to vector<1x16xf32>
    tpu.vector_store %arg11[%swap3A_346, %swap3A_347], %swap3A_350 {strides = array<i32>} : memref<8x128xf32, #tpu.memory_space<vmem>>, vector<1x16xf32>,
    %broadcast_in_dim3A_351 = arith.constant 0.000000e+00 : f32
    %broadcast_in_dim3A_352 = vector.broadcast %broadcast_in_dim3A_351 : f32 to vector<16xf32>
    %swap3A_353 = arith.constant 5 : i32
    %swap3A_354 = arith.index_cast %swap3A_353 : i32 to index
    %swap3A_355 = arith.constant 64 : index
    %swap3A_356 = tpu.vector_load %arg11[%swap3A_354, %swap3A_355] {strides = array<i32>} : memref<8x128xf32, #tpu.memory_space<vmem>>, vector<1x16xf32>,
    %swap3A_357 = vector.shape_cast %swap3A_356 : vector<1x16xf32> to vector<16xf32>
    %swap3A_358 = vector.shape_cast %broadcast_in_dim3A_352 : vector<16xf32> to vector<1x16xf32>
    tpu.vector_store %arg11[%swap3A_354, %swap3A_355], %swap3A_358 {strides = array<i32>} : memref<8x128xf32, #tpu.memory_space<vmem>>, vector<1x16xf32>,
    %broadcast_in_dim3A_359 = arith.constant 0.000000e+00 : f32
    %broadcast_in_dim3A_360 = vector.broadcast %broadcast_in_dim3A_359 : f32 to vector<16xf32>
    %swap3A_361 = arith.constant 5 : i32
    %swap3A_362 = arith.index_cast %swap3A_361 : i32 to index
    %swap3A_363 = arith.constant 80 : index
    %swap3A_364 = tpu.vector_load %arg11[%swap3A_362, %swap3A_363] {strides = array<i32>} : memref<8x128xf32, #tpu.memory_space<vmem>>, vector<1x16xf32>,
    %swap3A_365 = vector.shape_cast %swap3A_364 : vector<1x16xf32> to vector<16xf32>
    %swap3A_366 = vector.shape_cast %broadcast_in_dim3A_360 : vector<16xf32> to vector<1x16xf32>
    tpu.vector_store %arg11[%swap3A_362, %swap3A_363], %swap3A_366 {strides = array<i32>} : memref<8x128xf32, #tpu.memory_space<vmem>>, vector<1x16xf32>,
    %broadcast_in_dim3A_367 = arith.constant 0.000000e+00 : f32
    %broadcast_in_dim3A_368 = vector.broadcast %broadcast_in_dim3A_367 : f32 to vector<16xf32>
    %swap3A_369 = arith.constant 5 : i32
    %swap3A_370 = arith.index_cast %swap3A_369 : i32 to index
    %swap3A_371 = arith.constant 96 : index
    %swap3A_372 = tpu.vector_load %arg11[%swap3A_370, %swap3A_371] {strides = array<i32>} : memref<8x128xf32, #tpu.memory_space<vmem>>, vector<1x16xf32>,
    %swap3A_373 = vector.shape_cast %swap3A_372 : vector<1x16xf32> to vector<16xf32>
    %swap3A_374 = vector.shape_cast %broadcast_in_dim3A_368 : vector<16xf32> to vector<1x16xf32>
    tpu.vector_store %arg11[%swap3A_370, %swap3A_371], %swap3A_374 {strides = array<i32>} : memref<8x128xf32, #tpu.memory_space<vmem>>, vector<1x16xf32>,
    %broadcast_in_dim3A_375 = arith.constant 0.000000e+00 : f32
    %broadcast_in_dim3A_376 = vector.broadcast %broadcast_in_dim3A_375 : f32 to vector<16xf32>
    %swap3A_377 = arith.constant 5 : i32
    %swap3A_378 = arith.index_cast %swap3A_377 : i32 to index
    %swap3A_379 = arith.constant 112 : index
    %swap3A_380 = tpu.vector_load %arg11[%swap3A_378, %swap3A_379] {strides = array<i32>} : memref<8x128xf32, #tpu.memory_space<vmem>>, vector<1x16xf32>,
    %swap3A_381 = vector.shape_cast %swap3A_380 : vector<1x16xf32> to vector<16xf32>
    %swap3A_382 = vector.shape_cast %broadcast_in_dim3A_376 : vector<16xf32> to vector<1x16xf32>
    tpu.vector_store %arg11[%swap3A_378, %swap3A_379], %swap3A_382 {strides = array<i32>} : memref<8x128xf32, #tpu.memory_space<vmem>>, vector<1x16xf32>,
    %broadcast_in_dim3A_383 = arith.constant 0.000000e+00 : f32
    %broadcast_in_dim3A_384 = vector.broadcast %broadcast_in_dim3A_383 : f32 to vector<16xf32>
    %swap3A_385 = arith.constant 6 : i32
    %swap3A_386 = arith.index_cast %swap3A_385 : i32 to index
    %swap3A_387 = arith.constant 0 : index
    %swap3A_388 = tpu.vector_load %arg11[%swap3A_386, %swap3A_387] {strides = array<i32>} : memref<8x128xf32, #tpu.memory_space<vmem>>, vector<1x16xf32>,
    %swap3A_389 = vector.shape_cast %swap3A_388 : vector<1x16xf32> to vector<16xf32>
    %swap3A_390 = vector.shape_cast %broadcast_in_dim3A_384 : vector<16xf32> to vector<1x16xf32>
    tpu.vector_store %arg11[%swap3A_386, %swap3A_387], %swap3A_390 {strides = array<i32>} : memref<8x128xf32, #tpu.memory_space<vmem>>, vector<1x16xf32>,
    %broadcast_in_dim3A_391 = arith.constant 0.000000e+00 : f32
    %broadcast_in_dim3A_392 = vector.broadcast %broadcast_in_dim3A_391 : f32 to vector<16xf32>
    %swap3A_393 = arith.constant 6 : i32
    %swap3A_394 = arith.index_cast %swap3A_393 : i32 to index
    %swap3A_395 = arith.constant 16 : index
    %swap3A_396 = tpu.vector_load %arg11[%swap3A_394, %swap3A_395] {strides = array<i32>} : memref<8x128xf32, #tpu.memory_space<vmem>>, vector<1x16xf32>,
    %swap3A_397 = vector.shape_cast %swap3A_396 : vector<1x16xf32> to vector<16xf32>
    %swap3A_398 = vector.shape_cast %broadcast_in_dim3A_392 : vector<16xf32> to vector<1x16xf32>
    tpu.vector_store %arg11[%swap3A_394, %swap3A_395], %swap3A_398 {strides = array<i32>} : memref<8x128xf32, #tpu.memory_space<vmem>>, vector<1x16xf32>,
    %broadcast_in_dim3A_399 = arith.constant 0.000000e+00 : f32
    %broadcast_in_dim3A_400 = vector.broadcast %broadcast_in_dim3A_399 : f32 to vector<16xf32>
    %swap3A_401 = arith.constant 6 : i32
    %swap3A_402 = arith.index_cast %swap3A_401 : i32 to index
    %swap3A_403 = arith.constant 32 : index
    %swap3A_404 = tpu.vector_load %arg11[%swap3A_402, %swap3A_403] {strides = array<i32>} : memref<8x128xf32, #tpu.memory_space<vmem>>, vector<1x16xf32>,
    %swap3A_405 = vector.shape_cast %swap3A_404 : vector<1x16xf32> to vector<16xf32>
    %swap3A_406 = vector.shape_cast %broadcast_in_dim3A_400 : vector<16xf32> to vector<1x16xf32>
    tpu.vector_store %arg11[%swap3A_402, %swap3A_403], %swap3A_406 {strides = array<i32>} : memref<8x128xf32, #tpu.memory_space<vmem>>, vector<1x16xf32>,
    %broadcast_in_dim3A_407 = arith.constant 0.000000e+00 : f32
    %broadcast_in_dim3A_408 = vector.broadcast %broadcast_in_dim3A_407 : f32 to vector<16xf32>
    %swap3A_409 = arith.constant 6 : i32
    %swap3A_410 = arith.index_cast %swap3A_409 : i32 to index
    %swap3A_411 = arith.constant 48 : index
    %swap3A_412 = tpu.vector_load %arg11[%swap3A_410, %swap3A_411] {strides = array<i32>} : memref<8x128xf32, #tpu.memory_space<vmem>>, vector<1x16xf32>,
    %swap3A_413 = vector.shape_cast %swap3A_412 : vector<1x16xf32> to vector<16xf32>
    %swap3A_414 = vector.shape_cast %broadcast_in_dim3A_408 : vector<16xf32> to vector<1x16xf32>
    tpu.vector_store %arg11[%swap3A_410, %swap3A_411], %swap3A_414 {strides = array<i32>} : memref<8x128xf32, #tpu.memory_space<vmem>>, vector<1x16xf32>,
    %broadcast_in_dim3A_415 = arith.constant 0.000000e+00 : f32
    %broadcast_in_dim3A_416 = vector.broadcast %broadcast_in_dim3A_415 : f32 to vector<16xf32>
    %swap3A_417 = arith.constant 6 : i32
    %swap3A_418 = arith.index_cast %swap3A_417 : i32 to index
    %swap3A_419 = arith.constant 64 : index
    %swap3A_420 = tpu.vector_load %arg11[%swap3A_418, %swap3A_419] {strides = array<i32>} : memref<8x128xf32, #tpu.memory_space<vmem>>, vector<1x16xf32>,
    %swap3A_421 = vector.shape_cast %swap3A_420 : vector<1x16xf32> to vector<16xf32>
    %swap3A_422 = vector.shape_cast %broadcast_in_dim3A_416 : vector<16xf32> to vector<1x16xf32>
    tpu.vector_store %arg11[%swap3A_418, %swap3A_419], %swap3A_422 {strides = array<i32>} : memref<8x128xf32, #tpu.memory_space<vmem>>, vector<1x16xf32>,
    %broadcast_in_dim3A_423 = arith.constant 0.000000e+00 : f32
    %broadcast_in_dim3A_424 = vector.broadcast %broadcast_in_dim3A_423 : f32 to vector<16xf32>
    %swap3A_425 = arith.constant 6 : i32
    %swap3A_426 = arith.index_cast %swap3A_425 : i32 to index
    %swap3A_427 = arith.constant 80 : index
    %swap3A_428 = tpu.vector_load %arg11[%swap3A_426, %swap3A_427] {strides = array<i32>} : memref<8x128xf32, #tpu.memory_space<vmem>>, vector<1x16xf32>,
    %swap3A_429 = vector.shape_cast %swap3A_428 : vector<1x16xf32> to vector<16xf32>
    %swap3A_430 = vector.shape_cast %broadcast_in_dim3A_424 : vector<16xf32> to vector<1x16xf32>
    tpu.vector_store %arg11[%swap3A_426, %swap3A_427], %swap3A_430 {strides = array<i32>} : memref<8x128xf32, #tpu.memory_space<vmem>>, vector<1x16xf32>,
    %broadcast_in_dim3A_431 = arith.constant 0.000000e+00 : f32
    %broadcast_in_dim3A_432 = vector.broadcast %broadcast_in_dim3A_431 : f32 to vector<16xf32>
    %swap3A_433 = arith.constant 6 : i32
    %swap3A_434 = arith.index_cast %swap3A_433 : i32 to index
    %swap3A_435 = arith.constant 96 : index
    %swap3A_436 = tpu.vector_load %arg11[%swap3A_434, %swap3A_435] {strides = array<i32>} : memref<8x128xf32, #tpu.memory_space<vmem>>, vector<1x16xf32>,
    %swap3A_437 = vector.shape_cast %swap3A_436 : vector<1x16xf32> to vector<16xf32>
    %swap3A_438 = vector.shape_cast %broadcast_in_dim3A_432 : vector<16xf32> to vector<1x16xf32>
    tpu.vector_store %arg11[%swap3A_434, %swap3A_435], %swap3A_438 {strides = array<i32>} : memref<8x128xf32, #tpu.memory_space<vmem>>, vector<1x16xf32>,
    %broadcast_in_dim3A_439 = arith.constant 0.000000e+00 : f32
    %broadcast_in_dim3A_440 = vector.broadcast %broadcast_in_dim3A_439 : f32 to vector<16xf32>
    %swap3A_441 = arith.constant 6 : i32
    %swap3A_442 = arith.index_cast %swap3A_441 : i32 to index
    %swap3A_443 = arith.constant 112 : index
    %swap3A_444 = tpu.vector_load %arg11[%swap3A_442, %swap3A_443] {strides = array<i32>} : memref<8x128xf32, #tpu.memory_space<vmem>>, vector<1x16xf32>,
    %swap3A_445 = vector.shape_cast %swap3A_444 : vector<1x16xf32> to vector<16xf32>
    %swap3A_446 = vector.shape_cast %broadcast_in_dim3A_440 : vector<16xf32> to vector<1x16xf32>
    tpu.vector_store %arg11[%swap3A_442, %swap3A_443], %swap3A_446 {strides = array<i32>} : memref<8x128xf32, #tpu.memory_space<vmem>>, vector<1x16xf32>,
    %broadcast_in_dim3A_447 = arith.constant 0.000000e+00 : f32
    %broadcast_in_dim3A_448 = vector.broadcast %broadcast_in_dim3A_447 : f32 to vector<16xf32>
    %swap3A_449 = arith.constant 7 : i32
    %swap3A_450 = arith.index_cast %swap3A_449 : i32 to index
    %swap3A_451 = arith.constant 0 : index
    %swap3A_452 = tpu.vector_load %arg11[%swap3A_450, %swap3A_451] {strides = array<i32>} : memref<8x128xf32, #tpu.memory_space<vmem>>, vector<1x16xf32>,
    %swap3A_453 = vector.shape_cast %swap3A_452 : vector<1x16xf32> to vector<16xf32>
    %swap3A_454 = vector.shape_cast %broadcast_in_dim3A_448 : vector<16xf32> to vector<1x16xf32>
    tpu.vector_store %arg11[%swap3A_450, %swap3A_451], %swap3A_454 {strides = array<i32>} : memref<8x128xf32, #tpu.memory_space<vmem>>, vector<1x16xf32>,
    %broadcast_in_dim3A_455 = arith.constant 0.000000e+00 : f32
    %broadcast_in_dim3A_456 = vector.broadcast %broadcast_in_dim3A_455 : f32 to vector<16xf32>
    %swap3A_457 = arith.constant 7 : i32
    %swap3A_458 = arith.index_cast %swap3A_457 : i32 to index
    %swap3A_459 = arith.constant 16 : index
    %swap3A_460 = tpu.vector_load %arg11[%swap3A_458, %swap3A_459] {strides = array<i32>} : memref<8x128xf32, #tpu.memory_space<vmem>>, vector<1x16xf32>,
    %swap3A_461 = vector.shape_cast %swap3A_460 : vector<1x16xf32> to vector<16xf32>
    %swap3A_462 = vector.shape_cast %broadcast_in_dim3A_456 : vector<16xf32> to vector<1x16xf32>
    tpu.vector_store %arg11[%swap3A_458, %swap3A_459], %swap3A_462 {strides = array<i32>} : memref<8x128xf32, #tpu.memory_space<vmem>>, vector<1x16xf32>,
    %broadcast_in_dim3A_463 = arith.constant 0.000000e+00 : f32
    %broadcast_in_dim3A_464 = vector.broadcast %broadcast_in_dim3A_463 : f32 to vector<16xf32>
    %swap3A_465 = arith.constant 7 : i32
    %swap3A_466 = arith.index_cast %swap3A_465 : i32 to index
    %swap3A_467 = arith.constant 32 : index
    %swap3A_468 = tpu.vector_load %arg11[%swap3A_466, %swap3A_467] {strides = array<i32>} : memref<8x128xf32, #tpu.memory_space<vmem>>, vector<1x16xf32>,
    %swap3A_469 = vector.shape_cast %swap3A_468 : vector<1x16xf32> to vector<16xf32>
    %swap3A_470 = vector.shape_cast %broadcast_in_dim3A_464 : vector<16xf32> to vector<1x16xf32>
    tpu.vector_store %arg11[%swap3A_466, %swap3A_467], %swap3A_470 {strides = array<i32>} : memref<8x128xf32, #tpu.memory_space<vmem>>, vector<1x16xf32>,
    %broadcast_in_dim3A_471 = arith.constant 0.000000e+00 : f32
    %broadcast_in_dim3A_472 = vector.broadcast %broadcast_in_dim3A_471 : f32 to vector<16xf32>
    %swap3A_473 = arith.constant 7 : i32
    %swap3A_474 = arith.index_cast %swap3A_473 : i32 to index
    %swap3A_475 = arith.constant 48 : index
    %swap3A_476 = tpu.vector_load %arg11[%swap3A_474, %swap3A_475] {strides = array<i32>} : memref<8x128xf32, #tpu.memory_space<vmem>>, vector<1x16xf32>,
    %swap3A_477 = vector.shape_cast %swap3A_476 : vector<1x16xf32> to vector<16xf32>
    %swap3A_478 = vector.shape_cast %broadcast_in_dim3A_472 : vector<16xf32> to vector<1x16xf32>
    tpu.vector_store %arg11[%swap3A_474, %swap3A_475], %swap3A_478 {strides = array<i32>} : memref<8x128xf32, #tpu.memory_space<vmem>>, vector<1x16xf32>,
    %broadcast_in_dim3A_479 = arith.constant 0.000000e+00 : f32
    %broadcast_in_dim3A_480 = vector.broadcast %broadcast_in_dim3A_479 : f32 to vector<16xf32>
    %swap3A_481 = arith.constant 7 : i32
    %swap3A_482 = arith.index_cast %swap3A_481 : i32 to index
    %swap3A_483 = arith.constant 64 : index
    %swap3A_484 = tpu.vector_load %arg11[%swap3A_482, %swap3A_483] {strides = array<i32>} : memref<8x128xf32, #tpu.memory_space<vmem>>, vector<1x16xf32>,
    %swap3A_485 = vector.shape_cast %swap3A_484 : vector<1x16xf32> to vector<16xf32>
    %swap3A_486 = vector.shape_cast %broadcast_in_dim3A_480 : vector<16xf32> to vector<1x16xf32>
    tpu.vector_store %arg11[%swap3A_482, %swap3A_483], %swap3A_486 {strides = array<i32>} : memref<8x128xf32, #tpu.memory_space<vmem>>, vector<1x16xf32>,
    %broadcast_in_dim3A_487 = arith.constant 0.000000e+00 : f32
    %broadcast_in_dim3A_488 = vector.broadcast %broadcast_in_dim3A_487 : f32 to vector<16xf32>
    %swap3A_489 = arith.constant 7 : i32
    %swap3A_490 = arith.index_cast %swap3A_489 : i32 to index
    %swap3A_491 = arith.constant 80 : index
    %swap3A_492 = tpu.vector_load %arg11[%swap3A_490, %swap3A_491] {strides = array<i32>} : memref<8x128xf32, #tpu.memory_space<vmem>>, vector<1x16xf32>,
    %swap3A_493 = vector.shape_cast %swap3A_492 : vector<1x16xf32> to vector<16xf32>
    %swap3A_494 = vector.shape_cast %broadcast_in_dim3A_488 : vector<16xf32> to vector<1x16xf32>
    tpu.vector_store %arg11[%swap3A_490, %swap3A_491], %swap3A_494 {strides = array<i32>} : memref<8x128xf32, #tpu.memory_space<vmem>>, vector<1x16xf32>,
    %broadcast_in_dim3A_495 = arith.constant 0.000000e+00 : f32
    %broadcast_in_dim3A_496 = vector.broadcast %broadcast_in_dim3A_495 : f32 to vector<16xf32>
    %swap3A_497 = arith.constant 7 : i32
    %swap3A_498 = arith.index_cast %swap3A_497 : i32 to index
    %swap3A_499 = arith.constant 96 : index
    %swap3A_500 = tpu.vector_load %arg11[%swap3A_498, %swap3A_499] {strides = array<i32>} : memref<8x128xf32, #tpu.memory_space<vmem>>, vector<1x16xf32>,
    %swap3A_501 = vector.shape_cast %swap3A_500 : vector<1x16xf32> to vector<16xf32>
    %swap3A_502 = vector.shape_cast %broadcast_in_dim3A_496 : vector<16xf32> to vector<1x16xf32>
    tpu.vector_store %arg11[%swap3A_498, %swap3A_499], %swap3A_502 {strides = array<i32>} : memref<8x128xf32, #tpu.memory_space<vmem>>, vector<1x16xf32>,
    %broadcast_in_dim3A_503 = arith.constant 0.000000e+00 : f32
    %broadcast_in_dim3A_504 = vector.broadcast %broadcast_in_dim3A_503 : f32 to vector<16xf32>
    %swap3A_505 = arith.constant 7 : i32
    %swap3A_506 = arith.index_cast %swap3A_505 : i32 to index
    %swap3A_507 = arith.constant 112 : index
    %swap3A_508 = tpu.vector_load %arg11[%swap3A_506, %swap3A_507] {strides = array<i32>} : memref<8x128xf32, #tpu.memory_space<vmem>>, vector<1x16xf32>,
    %swap3A_509 = vector.shape_cast %swap3A_508 : vector<1x16xf32> to vector<16xf32>
    %swap3A_510 = vector.shape_cast %broadcast_in_dim3A_504 : vector<16xf32> to vector<1x16xf32>
    tpu.vector_store %arg11[%swap3A_506, %swap3A_507], %swap3A_510 {strides = array<i32>} : memref<8x128xf32, #tpu.memory_space<vmem>>, vector<1x16xf32>,
    %mul3A_511 = arith.constant 632 : i32
    %mul3A_512 = arith.muli %arg1, %mul3A_511 : i32
    %add3A_513 = arith.constant 0 : i32
    %add3A_514 = arith.addi %mul3A_512, %add3A_513 : i32
    %dma_start3A = arith.constant 0 : i32
    %dma_start3A_515 = tpu.memref_slice %arg12[%add3A_514, %dma_start3A] : memref<10112x128xf32, #tpu.memory_space<vmem_shared>> -> memref<8x128xf32, #tpu.memory_space<vmem_shared>>
    %dma_start3A_516 = arith.constant 0 : i32
    %dma_start3A_517 = tpu.memref_slice %arg12[%add3A_514, %dma_start3A_516] : memref<10112x128xf32, #tpu.memory_space<vmem_shared>> -> memref<8x128xf32, #tpu.memory_space<vmem_shared>>
    tpu.enqueue_dma source(%arg11 : memref<8x128xf32, #tpu.memory_space<vmem>>) target(%dma_start3A_517 : memref<8x128xf32, #tpu.memory_space<vmem_shared>>) target_semaphore(%arg19 : memref<!tpu.dma_semaphore, #tpu.memory_space<semaphore_mem>>)
    %mul3A_518 = arith.constant 632 : i32
    %mul3A_519 = arith.muli %arg1, %mul3A_518 : i32
    %add3A_520 = arith.constant 8 : i32
    %add3A_521 = arith.addi %mul3A_519, %add3A_520 : i32
    %dma_start3A_522 = arith.constant 0 : i32
    %dma_start3A_523 = tpu.memref_slice %arg12[%add3A_521, %dma_start3A_522] : memref<10112x128xf32, #tpu.memory_space<vmem_shared>> -> memref<8x128xf32, #tpu.memory_space<vmem_shared>>
    %dma_start3A_524 = arith.constant 0 : i32
    %dma_start3A_525 = tpu.memref_slice %arg12[%add3A_521, %dma_start3A_524] : memref<10112x128xf32, #tpu.memory_space<vmem_shared>> -> memref<8x128xf32, #tpu.memory_space<vmem_shared>>
    tpu.enqueue_dma source(%arg11 : memref<8x128xf32, #tpu.memory_space<vmem>>) target(%dma_start3A_525 : memref<8x128xf32, #tpu.memory_space<vmem_shared>>) target_semaphore(%arg19 : memref<!tpu.dma_semaphore, #tpu.memory_space<semaphore_mem>>)
    %mul3A_526 = arith.constant 632 : i32
    %mul3A_527 = arith.muli %arg1, %mul3A_526 : i32
    %add3A_528 = arith.constant 16 : i32
    %add3A_529 = arith.addi %mul3A_527, %add3A_528 : i32
    %dma_start3A_530 = arith.constant 0 : i32
    %dma_start3A_531 = tpu.memref_slice %arg12[%add3A_529, %dma_start3A_530] : memref<10112x128xf32, #tpu.memory_space<vmem_shared>> -> memref<8x128xf32, #tpu.memory_space<vmem_shared>>
    %dma_start3A_532 = arith.constant 0 : i32
    %dma_start3A_533 = tpu.memref_slice %arg12[%add3A_529, %dma_start3A_532] : memref<10112x128xf32, #tpu.memory_space<vmem_shared>> -> memref<8x128xf32, #tpu.memory_space<vmem_shared>>
    tpu.enqueue_dma source(%arg11 : memref<8x128xf32, #tpu.memory_space<vmem>>) target(%dma_start3A_533 : memref<8x128xf32, #tpu.memory_space<vmem_shared>>) target_semaphore(%arg19 : memref<!tpu.dma_semaphore, #tpu.memory_space<semaphore_mem>>)
    %mul3A_534 = arith.constant 632 : i32
    %mul3A_535 = arith.muli %arg1, %mul3A_534 : i32
    %add3A_536 = arith.constant 24 : i32
    %add3A_537 = arith.addi %mul3A_535, %add3A_536 : i32
    %dma_start3A_538 = arith.constant 0 : i32
    %dma_start3A_539 = tpu.memref_slice %arg12[%add3A_537, %dma_start3A_538] : memref<10112x128xf32, #tpu.memory_space<vmem_shared>> -> memref<8x128xf32, #tpu.memory_space<vmem_shared>>
    %dma_start3A_540 = arith.constant 0 : i32
    %dma_start3A_541 = tpu.memref_slice %arg12[%add3A_537, %dma_start3A_540] : memref<10112x128xf32, #tpu.memory_space<vmem_shared>> -> memref<8x128xf32, #tpu.memory_space<vmem_shared>>
    tpu.enqueue_dma source(%arg11 : memref<8x128xf32, #tpu.memory_space<vmem>>) target(%dma_start3A_541 : memref<8x128xf32, #tpu.memory_space<vmem_shared>>) target_semaphore(%arg19 : memref<!tpu.dma_semaphore, #tpu.memory_space<semaphore_mem>>)
    %mul3A_542 = arith.constant 632 : i32
    %mul3A_543 = arith.muli %arg1, %mul3A_542 : i32
    %add3A_544 = arith.constant 32 : i32
    %add3A_545 = arith.addi %mul3A_543, %add3A_544 : i32
    %dma_start3A_546 = arith.constant 0 : i32
    %dma_start3A_547 = tpu.memref_slice %arg12[%add3A_545, %dma_start3A_546] : memref<10112x128xf32, #tpu.memory_space<vmem_shared>> -> memref<8x128xf32, #tpu.memory_space<vmem_shared>>
    %dma_start3A_548 = arith.constant 0 : i32
    %dma_start3A_549 = tpu.memref_slice %arg12[%add3A_545, %dma_start3A_548] : memref<10112x128xf32, #tpu.memory_space<vmem_shared>> -> memref<8x128xf32, #tpu.memory_space<vmem_shared>>
    tpu.enqueue_dma source(%arg11 : memref<8x128xf32, #tpu.memory_space<vmem>>) target(%dma_start3A_549 : memref<8x128xf32, #tpu.memory_space<vmem_shared>>) target_semaphore(%arg19 : memref<!tpu.dma_semaphore, #tpu.memory_space<semaphore_mem>>)
    %mul3A_550 = arith.constant 632 : i32
    %mul3A_551 = arith.muli %arg1, %mul3A_550 : i32
    %add3A_552 = arith.constant 40 : i32
    %add3A_553 = arith.addi %mul3A_551, %add3A_552 : i32
    %dma_start3A_554 = arith.constant 0 : i32
    %dma_start3A_555 = tpu.memref_slice %arg12[%add3A_553, %dma_start3A_554] : memref<10112x128xf32, #tpu.memory_space<vmem_shared>> -> memref<8x128xf32, #tpu.memory_space<vmem_shared>>
    %dma_start3A_556 = arith.constant 0 : i32
    %dma_start3A_557 = tpu.memref_slice %arg12[%add3A_553, %dma_start3A_556] : memref<10112x128xf32, #tpu.memory_space<vmem_shared>> -> memref<8x128xf32, #tpu.memory_space<vmem_shared>>
    tpu.enqueue_dma source(%arg11 : memref<8x128xf32, #tpu.memory_space<vmem>>) target(%dma_start3A_557 : memref<8x128xf32, #tpu.memory_space<vmem_shared>>) target_semaphore(%arg19 : memref<!tpu.dma_semaphore, #tpu.memory_space<semaphore_mem>>)
    %mul3A_558 = arith.constant 632 : i32
    %mul3A_559 = arith.muli %arg1, %mul3A_558 : i32
    %add3A_560 = arith.constant 48 : i32
    %add3A_561 = arith.addi %mul3A_559, %add3A_560 : i32
    %dma_start3A_562 = arith.constant 0 : i32
    %dma_start3A_563 = tpu.memref_slice %arg12[%add3A_561, %dma_start3A_562] : memref<10112x128xf32, #tpu.memory_space<vmem_shared>> -> memref<8x128xf32, #tpu.memory_space<vmem_shared>>
    %dma_start3A_564 = arith.constant 0 : i32
    %dma_start3A_565 = tpu.memref_slice %arg12[%add3A_561, %dma_start3A_564] : memref<10112x128xf32, #tpu.memory_space<vmem_shared>> -> memref<8x128xf32, #tpu.memory_space<vmem_shared>>
    tpu.enqueue_dma source(%arg11 : memref<8x128xf32, #tpu.memory_space<vmem>>) target(%dma_start3A_565 : memref<8x128xf32, #tpu.memory_space<vmem_shared>>) target_semaphore(%arg19 : memref<!tpu.dma_semaphore, #tpu.memory_space<semaphore_mem>>)
    %mul3A_566 = arith.constant 632 : i32
    %mul3A_567 = arith.muli %arg1, %mul3A_566 : i32
    %add3A_568 = arith.constant 56 : i32
    %add3A_569 = arith.addi %mul3A_567, %add3A_568 : i32
    %dma_start3A_570 = arith.constant 0 : i32
    %dma_start3A_571 = tpu.memref_slice %arg12[%add3A_569, %dma_start3A_570] : memref<10112x128xf32, #tpu.memory_space<vmem_shared>> -> memref<8x128xf32, #tpu.memory_space<vmem_shared>>
    %dma_start3A_572 = arith.constant 0 : i32
    %dma_start3A_573 = tpu.memref_slice %arg12[%add3A_569, %dma_start3A_572] : memref<10112x128xf32, #tpu.memory_space<vmem_shared>> -> memref<8x128xf32, #tpu.memory_space<vmem_shared>>
    tpu.enqueue_dma source(%arg11 : memref<8x128xf32, #tpu.memory_space<vmem>>) target(%dma_start3A_573 : memref<8x128xf32, #tpu.memory_space<vmem_shared>>) target_semaphore(%arg19 : memref<!tpu.dma_semaphore, #tpu.memory_space<semaphore_mem>>)
    %mul3A_574 = arith.constant 632 : i32
    %mul3A_575 = arith.muli %arg1, %mul3A_574 : i32
    %add3A_576 = arith.constant 64 : i32
    %add3A_577 = arith.addi %mul3A_575, %add3A_576 : i32
    %dma_start3A_578 = arith.constant 0 : i32
    %dma_start3A_579 = tpu.memref_slice %arg12[%add3A_577, %dma_start3A_578] : memref<10112x128xf32, #tpu.memory_space<vmem_shared>> -> memref<8x128xf32, #tpu.memory_space<vmem_shared>>
    %dma_start3A_580 = arith.constant 0 : i32
    %dma_start3A_581 = tpu.memref_slice %arg12[%add3A_577, %dma_start3A_580] : memref<10112x128xf32, #tpu.memory_space<vmem_shared>> -> memref<8x128xf32, #tpu.memory_space<vmem_shared>>
    tpu.enqueue_dma source(%arg11 : memref<8x128xf32, #tpu.memory_space<vmem>>) target(%dma_start3A_581 : memref<8x128xf32, #tpu.memory_space<vmem_shared>>) target_semaphore(%arg19 : memref<!tpu.dma_semaphore, #tpu.memory_space<semaphore_mem>>)
    %mul3A_582 = arith.constant 632 : i32
    %mul3A_583 = arith.muli %arg1, %mul3A_582 : i32
    %add3A_584 = arith.constant 72 : i32
    %add3A_585 = arith.addi %mul3A_583, %add3A_584 : i32
    %dma_start3A_586 = arith.constant 0 : i32
    %dma_start3A_587 = tpu.memref_slice %arg12[%add3A_585, %dma_start3A_586] : memref<10112x128xf32, #tpu.memory_space<vmem_shared>> -> memref<8x128xf32, #tpu.memory_space<vmem_shared>>
    %dma_start3A_588 = arith.constant 0 : i32
    %dma_start3A_589 = tpu.memref_slice %arg12[%add3A_585, %dma_start3A_588] : memref<10112x128xf32, #tpu.memory_space<vmem_shared>> -> memref<8x128xf32, #tpu.memory_space<vmem_shared>>
    tpu.enqueue_dma source(%arg11 : memref<8x128xf32, #tpu.memory_space<vmem>>) target(%dma_start3A_589 : memref<8x128xf32, #tpu.memory_space<vmem_shared>>) target_semaphore(%arg19 : memref<!tpu.dma_semaphore, #tpu.memory_space<semaphore_mem>>)
    %mul3A_590 = arith.constant 632 : i32
    %mul3A_591 = arith.muli %arg1, %mul3A_590 : i32
    %add3A_592 = arith.constant 80 : i32
    %add3A_593 = arith.addi %mul3A_591, %add3A_592 : i32
    %dma_start3A_594 = arith.constant 0 : i32
    %dma_start3A_595 = tpu.memref_slice %arg12[%add3A_593, %dma_start3A_594] : memref<10112x128xf32, #tpu.memory_space<vmem_shared>> -> memref<8x128xf32, #tpu.memory_space<vmem_shared>>
    %dma_start3A_596 = arith.constant 0 : i32
    %dma_start3A_597 = tpu.memref_slice %arg12[%add3A_593, %dma_start3A_596] : memref<10112x128xf32, #tpu.memory_space<vmem_shared>> -> memref<8x128xf32, #tpu.memory_space<vmem_shared>>
    tpu.enqueue_dma source(%arg11 : memref<8x128xf32, #tpu.memory_space<vmem>>) target(%dma_start3A_597 : memref<8x128xf32, #tpu.memory_space<vmem_shared>>) target_semaphore(%arg19 : memref<!tpu.dma_semaphore, #tpu.memory_space<semaphore_mem>>)
    %mul3A_598 = arith.constant 632 : i32
    %mul3A_599 = arith.muli %arg1, %mul3A_598 : i32
    %add3A_600 = arith.constant 88 : i32
    %add3A_601 = arith.addi %mul3A_599, %add3A_600 : i32
    %dma_start3A_602 = arith.constant 0 : i32
    %dma_start3A_603 = tpu.memref_slice %arg12[%add3A_601, %dma_start3A_602] : memref<10112x128xf32, #tpu.memory_space<vmem_shared>> -> memref<8x128xf32, #tpu.memory_space<vmem_shared>>
    %dma_start3A_604 = arith.constant 0 : i32
    %dma_start3A_605 = tpu.memref_slice %arg12[%add3A_601, %dma_start3A_604] : memref<10112x128xf32, #tpu.memory_space<vmem_shared>> -> memref<8x128xf32, #tpu.memory_space<vmem_shared>>
    tpu.enqueue_dma source(%arg11 : memref<8x128xf32, #tpu.memory_space<vmem>>) target(%dma_start3A_605 : memref<8x128xf32, #tpu.memory_space<vmem_shared>>) target_semaphore(%arg19 : memref<!tpu.dma_semaphore, #tpu.memory_space<semaphore_mem>>)
    %mul3A_606 = arith.constant 632 : i32
    %mul3A_607 = arith.muli %arg1, %mul3A_606 : i32
    %add3A_608 = arith.constant 96 : i32
    %add3A_609 = arith.addi %mul3A_607, %add3A_608 : i32
    %dma_start3A_610 = arith.constant 0 : i32
    %dma_start3A_611 = tpu.memref_slice %arg12[%add3A_609, %dma_start3A_610] : memref<10112x128xf32, #tpu.memory_space<vmem_shared>> -> memref<8x128xf32, #tpu.memory_space<vmem_shared>>
    %dma_start3A_612 = arith.constant 0 : i32
    %dma_start3A_613 = tpu.memref_slice %arg12[%add3A_609, %dma_start3A_612] : memref<10112x128xf32, #tpu.memory_space<vmem_shared>> -> memref<8x128xf32, #tpu.memory_space<vmem_shared>>
    tpu.enqueue_dma source(%arg11 : memref<8x128xf32, #tpu.memory_space<vmem>>) target(%dma_start3A_613 : memref<8x128xf32, #tpu.memory_space<vmem_shared>>) target_semaphore(%arg19 : memref<!tpu.dma_semaphore, #tpu.memory_space<semaphore_mem>>)
    %mul3A_614 = arith.constant 632 : i32
    %mul3A_615 = arith.muli %arg1, %mul3A_614 : i32
    %add3A_616 = arith.constant 104 : i32
    %add3A_617 = arith.addi %mul3A_615, %add3A_616 : i32
    %dma_start3A_618 = arith.constant 0 : i32
    %dma_start3A_619 = tpu.memref_slice %arg12[%add3A_617, %dma_start3A_618] : memref<10112x128xf32, #tpu.memory_space<vmem_shared>> -> memref<8x128xf32, #tpu.memory_space<vmem_shared>>
    %dma_start3A_620 = arith.constant 0 : i32
    %dma_start3A_621 = tpu.memref_slice %arg12[%add3A_617, %dma_start3A_620] : memref<10112x128xf32, #tpu.memory_space<vmem_shared>> -> memref<8x128xf32, #tpu.memory_space<vmem_shared>>
    tpu.enqueue_dma source(%arg11 : memref<8x128xf32, #tpu.memory_space<vmem>>) target(%dma_start3A_621 : memref<8x128xf32, #tpu.memory_space<vmem_shared>>) target_semaphore(%arg19 : memref<!tpu.dma_semaphore, #tpu.memory_space<semaphore_mem>>)
    %mul3A_622 = arith.constant 632 : i32
    %mul3A_623 = arith.muli %arg1, %mul3A_622 : i32
    %add3A_624 = arith.constant 112 : i32
    %add3A_625 = arith.addi %mul3A_623, %add3A_624 : i32
    %dma_start3A_626 = arith.constant 0 : i32
    %dma_start3A_627 = tpu.memref_slice %arg12[%add3A_625, %dma_start3A_626] : memref<10112x128xf32, #tpu.memory_space<vmem_shared>> -> memref<8x128xf32, #tpu.memory_space<vmem_shared>>
    %dma_start3A_628 = arith.constant 0 : i32
    %dma_start3A_629 = tpu.memref_slice %arg12[%add3A_625, %dma_start3A_628] : memref<10112x128xf32, #tpu.memory_space<vmem_shared>> -> memref<8x128xf32, #tpu.memory_space<vmem_shared>>
    tpu.enqueue_dma source(%arg11 : memref<8x128xf32, #tpu.memory_space<vmem>>) target(%dma_start3A_629 : memref<8x128xf32, #tpu.memory_space<vmem_shared>>) target_semaphore(%arg19 : memref<!tpu.dma_semaphore, #tpu.memory_space<semaphore_mem>>)
    %mul3A_630 = arith.constant 632 : i32
    %mul3A_631 = arith.muli %arg1, %mul3A_630 : i32
    %add3A_632 = arith.constant 120 : i32
    %add3A_633 = arith.addi %mul3A_631, %add3A_632 : i32
    %dma_start3A_634 = arith.constant 0 : i32
    %dma_start3A_635 = tpu.memref_slice %arg12[%add3A_633, %dma_start3A_634] : memref<10112x128xf32, #tpu.memory_space<vmem_shared>> -> memref<8x128xf32, #tpu.memory_space<vmem_shared>>
    %dma_start3A_636 = arith.constant 0 : i32
    %dma_start3A_637 = tpu.memref_slice %arg12[%add3A_633, %dma_start3A_636] : memref<10112x128xf32, #tpu.memory_space<vmem_shared>> -> memref<8x128xf32, #tpu.memory_space<vmem_shared>>
    tpu.enqueue_dma source(%arg11 : memref<8x128xf32, #tpu.memory_space<vmem>>) target(%dma_start3A_637 : memref<8x128xf32, #tpu.memory_space<vmem_shared>>) target_semaphore(%arg19 : memref<!tpu.dma_semaphore, #tpu.memory_space<semaphore_mem>>)
    %mul3A_638 = arith.constant 632 : i32
    %mul3A_639 = arith.muli %arg1, %mul3A_638 : i32
    %add3A_640 = arith.constant 128 : i32
    %add3A_641 = arith.addi %mul3A_639, %add3A_640 : i32
    %dma_start3A_642 = arith.constant 0 : i32
    %dma_start3A_643 = tpu.memref_slice %arg12[%add3A_641, %dma_start3A_642] : memref<10112x128xf32, #tpu.memory_space<vmem_shared>> -> memref<8x128xf32, #tpu.memory_space<vmem_shared>>
    %dma_start3A_644 = arith.constant 0 : i32
    %dma_start3A_645 = tpu.memref_slice %arg12[%add3A_641, %dma_start3A_644] : memref<10112x128xf32, #tpu.memory_space<vmem_shared>> -> memref<8x128xf32, #tpu.memory_space<vmem_shared>>
    tpu.enqueue_dma source(%arg11 : memref<8x128xf32, #tpu.memory_space<vmem>>) target(%dma_start3A_645 : memref<8x128xf32, #tpu.memory_space<vmem_shared>>) target_semaphore(%arg19 : memref<!tpu.dma_semaphore, #tpu.memory_space<semaphore_mem>>)
    %mul3A_646 = arith.constant 632 : i32
    %mul3A_647 = arith.muli %arg1, %mul3A_646 : i32
    %add3A_648 = arith.constant 136 : i32
    %add3A_649 = arith.addi %mul3A_647, %add3A_648 : i32
    %dma_start3A_650 = arith.constant 0 : i32
    %dma_start3A_651 = tpu.memref_slice %arg12[%add3A_649, %dma_start3A_650] : memref<10112x128xf32, #tpu.memory_space<vmem_shared>> -> memref<8x128xf32, #tpu.memory_space<vmem_shared>>
    %dma_start3A_652 = arith.constant 0 : i32
    %dma_start3A_653 = tpu.memref_slice %arg12[%add3A_649, %dma_start3A_652] : memref<10112x128xf32, #tpu.memory_space<vmem_shared>> -> memref<8x128xf32, #tpu.memory_space<vmem_shared>>
    tpu.enqueue_dma source(%arg11 : memref<8x128xf32, #tpu.memory_space<vmem>>) target(%dma_start3A_653 : memref<8x128xf32, #tpu.memory_space<vmem_shared>>) target_semaphore(%arg19 : memref<!tpu.dma_semaphore, #tpu.memory_space<semaphore_mem>>)
    %mul3A_654 = arith.constant 632 : i32
    %mul3A_655 = arith.muli %arg1, %mul3A_654 : i32
    %add3A_656 = arith.constant 144 : i32
    %add3A_657 = arith.addi %mul3A_655, %add3A_656 : i32
    %dma_start3A_658 = arith.constant 0 : i32
    %dma_start3A_659 = tpu.memref_slice %arg12[%add3A_657, %dma_start3A_658] : memref<10112x128xf32, #tpu.memory_space<vmem_shared>> -> memref<8x128xf32, #tpu.memory_space<vmem_shared>>
    %dma_start3A_660 = arith.constant 0 : i32
    %dma_start3A_661 = tpu.memref_slice %arg12[%add3A_657, %dma_start3A_660] : memref<10112x128xf32, #tpu.memory_space<vmem_shared>> -> memref<8x128xf32, #tpu.memory_space<vmem_shared>>
    tpu.enqueue_dma source(%arg11 : memref<8x128xf32, #tpu.memory_space<vmem>>) target(%dma_start3A_661 : memref<8x128xf32, #tpu.memory_space<vmem_shared>>) target_semaphore(%arg19 : memref<!tpu.dma_semaphore, #tpu.memory_space<semaphore_mem>>)
    %mul3A_662 = arith.constant 632 : i32
    %mul3A_663 = arith.muli %arg1, %mul3A_662 : i32
    %add3A_664 = arith.constant 152 : i32
    %add3A_665 = arith.addi %mul3A_663, %add3A_664 : i32
    %dma_start3A_666 = arith.constant 0 : i32
    %dma_start3A_667 = tpu.memref_slice %arg12[%add3A_665, %dma_start3A_666] : memref<10112x128xf32, #tpu.memory_space<vmem_shared>> -> memref<8x128xf32, #tpu.memory_space<vmem_shared>>
    %dma_start3A_668 = arith.constant 0 : i32
    %dma_start3A_669 = tpu.memref_slice %arg12[%add3A_665, %dma_start3A_668] : memref<10112x128xf32, #tpu.memory_space<vmem_shared>> -> memref<8x128xf32, #tpu.memory_space<vmem_shared>>
    tpu.enqueue_dma source(%arg11 : memref<8x128xf32, #tpu.memory_space<vmem>>) target(%dma_start3A_669 : memref<8x128xf32, #tpu.memory_space<vmem_shared>>) target_semaphore(%arg19 : memref<!tpu.dma_semaphore, #tpu.memory_space<semaphore_mem>>)
    %mul3A_670 = arith.constant 632 : i32
    %mul3A_671 = arith.muli %arg1, %mul3A_670 : i32
    %add3A_672 = arith.constant 160 : i32
    %add3A_673 = arith.addi %mul3A_671, %add3A_672 : i32
    %dma_start3A_674 = arith.constant 0 : i32
    %dma_start3A_675 = tpu.memref_slice %arg12[%add3A_673, %dma_start3A_674] : memref<10112x128xf32, #tpu.memory_space<vmem_shared>> -> memref<8x128xf32, #tpu.memory_space<vmem_shared>>
    %dma_start3A_676 = arith.constant 0 : i32
    %dma_start3A_677 = tpu.memref_slice %arg12[%add3A_673, %dma_start3A_676] : memref<10112x128xf32, #tpu.memory_space<vmem_shared>> -> memref<8x128xf32, #tpu.memory_space<vmem_shared>>
    tpu.enqueue_dma source(%arg11 : memref<8x128xf32, #tpu.memory_space<vmem>>) target(%dma_start3A_677 : memref<8x128xf32, #tpu.memory_space<vmem_shared>>) target_semaphore(%arg19 : memref<!tpu.dma_semaphore, #tpu.memory_space<semaphore_mem>>)
    %mul3A_678 = arith.constant 632 : i32
    %mul3A_679 = arith.muli %arg1, %mul3A_678 : i32
    %add3A_680 = arith.constant 168 : i32
    %add3A_681 = arith.addi %mul3A_679, %add3A_680 : i32
    %dma_start3A_682 = arith.constant 0 : i32
    %dma_start3A_683 = tpu.memref_slice %arg12[%add3A_681, %dma_start3A_682] : memref<10112x128xf32, #tpu.memory_space<vmem_shared>> -> memref<8x128xf32, #tpu.memory_space<vmem_shared>>
    %dma_start3A_684 = arith.constant 0 : i32
    %dma_start3A_685 = tpu.memref_slice %arg12[%add3A_681, %dma_start3A_684] : memref<10112x128xf32, #tpu.memory_space<vmem_shared>> -> memref<8x128xf32, #tpu.memory_space<vmem_shared>>
    tpu.enqueue_dma source(%arg11 : memref<8x128xf32, #tpu.memory_space<vmem>>) target(%dma_start3A_685 : memref<8x128xf32, #tpu.memory_space<vmem_shared>>) target_semaphore(%arg19 : memref<!tpu.dma_semaphore, #tpu.memory_space<semaphore_mem>>)
    %mul3A_686 = arith.constant 632 : i32
    %mul3A_687 = arith.muli %arg1, %mul3A_686 : i32
    %add3A_688 = arith.constant 176 : i32
    %add3A_689 = arith.addi %mul3A_687, %add3A_688 : i32
    %dma_start3A_690 = arith.constant 0 : i32
    %dma_start3A_691 = tpu.memref_slice %arg12[%add3A_689, %dma_start3A_690] : memref<10112x128xf32, #tpu.memory_space<vmem_shared>> -> memref<8x128xf32, #tpu.memory_space<vmem_shared>>
    %dma_start3A_692 = arith.constant 0 : i32
    %dma_start3A_693 = tpu.memref_slice %arg12[%add3A_689, %dma_start3A_692] : memref<10112x128xf32, #tpu.memory_space<vmem_shared>> -> memref<8x128xf32, #tpu.memory_space<vmem_shared>>
    tpu.enqueue_dma source(%arg11 : memref<8x128xf32, #tpu.memory_space<vmem>>) target(%dma_start3A_693 : memref<8x128xf32, #tpu.memory_space<vmem_shared>>) target_semaphore(%arg19 : memref<!tpu.dma_semaphore, #tpu.memory_space<semaphore_mem>>)
    %mul3A_694 = arith.constant 632 : i32
    %mul3A_695 = arith.muli %arg1, %mul3A_694 : i32
    %add3A_696 = arith.constant 184 : i32
    %add3A_697 = arith.addi %mul3A_695, %add3A_696 : i32
    %dma_start3A_698 = arith.constant 0 : i32
    %dma_start3A_699 = tpu.memref_slice %arg12[%add3A_697, %dma_start3A_698] : memref<10112x128xf32, #tpu.memory_space<vmem_shared>> -> memref<8x128xf32, #tpu.memory_space<vmem_shared>>
    %dma_start3A_700 = arith.constant 0 : i32
    %dma_start3A_701 = tpu.memref_slice %arg12[%add3A_697, %dma_start3A_700] : memref<10112x128xf32, #tpu.memory_space<vmem_shared>> -> memref<8x128xf32, #tpu.memory_space<vmem_shared>>
    tpu.enqueue_dma source(%arg11 : memref<8x128xf32, #tpu.memory_space<vmem>>) target(%dma_start3A_701 : memref<8x128xf32, #tpu.memory_space<vmem_shared>>) target_semaphore(%arg19 : memref<!tpu.dma_semaphore, #tpu.memory_space<semaphore_mem>>)
    %mul3A_702 = arith.constant 632 : i32
    %mul3A_703 = arith.muli %arg1, %mul3A_702 : i32
    %add3A_704 = arith.constant 192 : i32
    %add3A_705 = arith.addi %mul3A_703, %add3A_704 : i32
    %dma_start3A_706 = arith.constant 0 : i32
    %dma_start3A_707 = tpu.memref_slice %arg12[%add3A_705, %dma_start3A_706] : memref<10112x128xf32, #tpu.memory_space<vmem_shared>> -> memref<8x128xf32, #tpu.memory_space<vmem_shared>>
    %dma_start3A_708 = arith.constant 0 : i32
    %dma_start3A_709 = tpu.memref_slice %arg12[%add3A_705, %dma_start3A_708] : memref<10112x128xf32, #tpu.memory_space<vmem_shared>> -> memref<8x128xf32, #tpu.memory_space<vmem_shared>>
    tpu.enqueue_dma source(%arg11 : memref<8x128xf32, #tpu.memory_space<vmem>>) target(%dma_start3A_709 : memref<8x128xf32, #tpu.memory_space<vmem_shared>>) target_semaphore(%arg19 : memref<!tpu.dma_semaphore, #tpu.memory_space<semaphore_mem>>)
    %mul3A_710 = arith.constant 632 : i32
    %mul3A_711 = arith.muli %arg1, %mul3A_710 : i32
    %add3A_712 = arith.constant 200 : i32
    %add3A_713 = arith.addi %mul3A_711, %add3A_712 : i32
    %dma_start3A_714 = arith.constant 0 : i32
    %dma_start3A_715 = tpu.memref_slice %arg12[%add3A_713, %dma_start3A_714] : memref<10112x128xf32, #tpu.memory_space<vmem_shared>> -> memref<8x128xf32, #tpu.memory_space<vmem_shared>>
    %dma_start3A_716 = arith.constant 0 : i32
    %dma_start3A_717 = tpu.memref_slice %arg12[%add3A_713, %dma_start3A_716] : memref<10112x128xf32, #tpu.memory_space<vmem_shared>> -> memref<8x128xf32, #tpu.memory_space<vmem_shared>>
    tpu.enqueue_dma source(%arg11 : memref<8x128xf32, #tpu.memory_space<vmem>>) target(%dma_start3A_717 : memref<8x128xf32, #tpu.memory_space<vmem_shared>>) target_semaphore(%arg19 : memref<!tpu.dma_semaphore, #tpu.memory_space<semaphore_mem>>)
    %mul3A_718 = arith.constant 632 : i32
    %mul3A_719 = arith.muli %arg1, %mul3A_718 : i32
    %add3A_720 = arith.constant 208 : i32
    %add3A_721 = arith.addi %mul3A_719, %add3A_720 : i32
    %dma_start3A_722 = arith.constant 0 : i32
    %dma_start3A_723 = tpu.memref_slice %arg12[%add3A_721, %dma_start3A_722] : memref<10112x128xf32, #tpu.memory_space<vmem_shared>> -> memref<8x128xf32, #tpu.memory_space<vmem_shared>>
    %dma_start3A_724 = arith.constant 0 : i32
    %dma_start3A_725 = tpu.memref_slice %arg12[%add3A_721, %dma_start3A_724] : memref<10112x128xf32, #tpu.memory_space<vmem_shared>> -> memref<8x128xf32, #tpu.memory_space<vmem_shared>>
    tpu.enqueue_dma source(%arg11 : memref<8x128xf32, #tpu.memory_space<vmem>>) target(%dma_start3A_725 : memref<8x128xf32, #tpu.memory_space<vmem_shared>>) target_semaphore(%arg19 : memref<!tpu.dma_semaphore, #tpu.memory_space<semaphore_mem>>)
    %mul3A_726 = arith.constant 632 : i32
    %mul3A_727 = arith.muli %arg1, %mul3A_726 : i32
    %add3A_728 = arith.constant 216 : i32
    %add3A_729 = arith.addi %mul3A_727, %add3A_728 : i32
    %dma_start3A_730 = arith.constant 0 : i32
    %dma_start3A_731 = tpu.memref_slice %arg12[%add3A_729, %dma_start3A_730] : memref<10112x128xf32, #tpu.memory_space<vmem_shared>> -> memref<8x128xf32, #tpu.memory_space<vmem_shared>>
    %dma_start3A_732 = arith.constant 0 : i32
    %dma_start3A_733 = tpu.memref_slice %arg12[%add3A_729, %dma_start3A_732] : memref<10112x128xf32, #tpu.memory_space<vmem_shared>> -> memref<8x128xf32, #tpu.memory_space<vmem_shared>>
    tpu.enqueue_dma source(%arg11 : memref<8x128xf32, #tpu.memory_space<vmem>>) target(%dma_start3A_733 : memref<8x128xf32, #tpu.memory_space<vmem_shared>>) target_semaphore(%arg19 : memref<!tpu.dma_semaphore, #tpu.memory_space<semaphore_mem>>)
    %mul3A_734 = arith.constant 632 : i32
    %mul3A_735 = arith.muli %arg1, %mul3A_734 : i32
    %add3A_736 = arith.constant 224 : i32
    %add3A_737 = arith.addi %mul3A_735, %add3A_736 : i32
    %dma_start3A_738 = arith.constant 0 : i32
    %dma_start3A_739 = tpu.memref_slice %arg12[%add3A_737, %dma_start3A_738] : memref<10112x128xf32, #tpu.memory_space<vmem_shared>> -> memref<8x128xf32, #tpu.memory_space<vmem_shared>>
    %dma_start3A_740 = arith.constant 0 : i32
    %dma_start3A_741 = tpu.memref_slice %arg12[%add3A_737, %dma_start3A_740] : memref<10112x128xf32, #tpu.memory_space<vmem_shared>> -> memref<8x128xf32, #tpu.memory_space<vmem_shared>>
    tpu.enqueue_dma source(%arg11 : memref<8x128xf32, #tpu.memory_space<vmem>>) target(%dma_start3A_741 : memref<8x128xf32, #tpu.memory_space<vmem_shared>>) target_semaphore(%arg19 : memref<!tpu.dma_semaphore, #tpu.memory_space<semaphore_mem>>)
    %mul3A_742 = arith.constant 632 : i32
    %mul3A_743 = arith.muli %arg1, %mul3A_742 : i32
    %add3A_744 = arith.constant 232 : i32
    %add3A_745 = arith.addi %mul3A_743, %add3A_744 : i32
    %dma_start3A_746 = arith.constant 0 : i32
    %dma_start3A_747 = tpu.memref_slice %arg12[%add3A_745, %dma_start3A_746] : memref<10112x128xf32, #tpu.memory_space<vmem_shared>> -> memref<8x128xf32, #tpu.memory_space<vmem_shared>>
    %dma_start3A_748 = arith.constant 0 : i32
    %dma_start3A_749 = tpu.memref_slice %arg12[%add3A_745, %dma_start3A_748] : memref<10112x128xf32, #tpu.memory_space<vmem_shared>> -> memref<8x128xf32, #tpu.memory_space<vmem_shared>>
    tpu.enqueue_dma source(%arg11 : memref<8x128xf32, #tpu.memory_space<vmem>>) target(%dma_start3A_749 : memref<8x128xf32, #tpu.memory_space<vmem_shared>>) target_semaphore(%arg19 : memref<!tpu.dma_semaphore, #tpu.memory_space<semaphore_mem>>)
    %mul3A_750 = arith.constant 632 : i32
    %mul3A_751 = arith.muli %arg1, %mul3A_750 : i32
    %add3A_752 = arith.constant 240 : i32
    %add3A_753 = arith.addi %mul3A_751, %add3A_752 : i32
    %dma_start3A_754 = arith.constant 0 : i32
    %dma_start3A_755 = tpu.memref_slice %arg12[%add3A_753, %dma_start3A_754] : memref<10112x128xf32, #tpu.memory_space<vmem_shared>> -> memref<8x128xf32, #tpu.memory_space<vmem_shared>>
    %dma_start3A_756 = arith.constant 0 : i32
    %dma_start3A_757 = tpu.memref_slice %arg12[%add3A_753, %dma_start3A_756] : memref<10112x128xf32, #tpu.memory_space<vmem_shared>> -> memref<8x128xf32, #tpu.memory_space<vmem_shared>>
    tpu.enqueue_dma source(%arg11 : memref<8x128xf32, #tpu.memory_space<vmem>>) target(%dma_start3A_757 : memref<8x128xf32, #tpu.memory_space<vmem_shared>>) target_semaphore(%arg19 : memref<!tpu.dma_semaphore, #tpu.memory_space<semaphore_mem>>)
    %mul3A_758 = arith.constant 632 : i32
    %mul3A_759 = arith.muli %arg1, %mul3A_758 : i32
    %add3A_760 = arith.constant 248 : i32
    %add3A_761 = arith.addi %mul3A_759, %add3A_760 : i32
    %dma_start3A_762 = arith.constant 0 : i32
    %dma_start3A_763 = tpu.memref_slice %arg12[%add3A_761, %dma_start3A_762] : memref<10112x128xf32, #tpu.memory_space<vmem_shared>> -> memref<8x128xf32, #tpu.memory_space<vmem_shared>>
    %dma_start3A_764 = arith.constant 0 : i32
    %dma_start3A_765 = tpu.memref_slice %arg12[%add3A_761, %dma_start3A_764] : memref<10112x128xf32, #tpu.memory_space<vmem_shared>> -> memref<8x128xf32, #tpu.memory_space<vmem_shared>>
    tpu.enqueue_dma source(%arg11 : memref<8x128xf32, #tpu.memory_space<vmem>>) target(%dma_start3A_765 : memref<8x128xf32, #tpu.memory_space<vmem_shared>>) target_semaphore(%arg19 : memref<!tpu.dma_semaphore, #tpu.memory_space<semaphore_mem>>)
    %mul3A_766 = arith.constant 632 : i32
    %mul3A_767 = arith.muli %arg1, %mul3A_766 : i32
    %add3A_768 = arith.constant 256 : i32
    %add3A_769 = arith.addi %mul3A_767, %add3A_768 : i32
    %dma_start3A_770 = arith.constant 0 : i32
    %dma_start3A_771 = tpu.memref_slice %arg12[%add3A_769, %dma_start3A_770] : memref<10112x128xf32, #tpu.memory_space<vmem_shared>> -> memref<8x128xf32, #tpu.memory_space<vmem_shared>>
    %dma_start3A_772 = arith.constant 0 : i32
    %dma_start3A_773 = tpu.memref_slice %arg12[%add3A_769, %dma_start3A_772] : memref<10112x128xf32, #tpu.memory_space<vmem_shared>> -> memref<8x128xf32, #tpu.memory_space<vmem_shared>>
    tpu.enqueue_dma source(%arg11 : memref<8x128xf32, #tpu.memory_space<vmem>>) target(%dma_start3A_773 : memref<8x128xf32, #tpu.memory_space<vmem_shared>>) target_semaphore(%arg19 : memref<!tpu.dma_semaphore, #tpu.memory_space<semaphore_mem>>)
    %mul3A_774 = arith.constant 632 : i32
    %mul3A_775 = arith.muli %arg1, %mul3A_774 : i32
    %add3A_776 = arith.constant 264 : i32
    %add3A_777 = arith.addi %mul3A_775, %add3A_776 : i32
    %dma_start3A_778 = arith.constant 0 : i32
    %dma_start3A_779 = tpu.memref_slice %arg12[%add3A_777, %dma_start3A_778] : memref<10112x128xf32, #tpu.memory_space<vmem_shared>> -> memref<8x128xf32, #tpu.memory_space<vmem_shared>>
    %dma_start3A_780 = arith.constant 0 : i32
    %dma_start3A_781 = tpu.memref_slice %arg12[%add3A_777, %dma_start3A_780] : memref<10112x128xf32, #tpu.memory_space<vmem_shared>> -> memref<8x128xf32, #tpu.memory_space<vmem_shared>>
    tpu.enqueue_dma source(%arg11 : memref<8x128xf32, #tpu.memory_space<vmem>>) target(%dma_start3A_781 : memref<8x128xf32, #tpu.memory_space<vmem_shared>>) target_semaphore(%arg19 : memref<!tpu.dma_semaphore, #tpu.memory_space<semaphore_mem>>)
    %mul3A_782 = arith.constant 632 : i32
    %mul3A_783 = arith.muli %arg1, %mul3A_782 : i32
    %add3A_784 = arith.constant 272 : i32
    %add3A_785 = arith.addi %mul3A_783, %add3A_784 : i32
    %dma_start3A_786 = arith.constant 0 : i32
    %dma_start3A_787 = tpu.memref_slice %arg12[%add3A_785, %dma_start3A_786] : memref<10112x128xf32, #tpu.memory_space<vmem_shared>> -> memref<8x128xf32, #tpu.memory_space<vmem_shared>>
    %dma_start3A_788 = arith.constant 0 : i32
    %dma_start3A_789 = tpu.memref_slice %arg12[%add3A_785, %dma_start3A_788] : memref<10112x128xf32, #tpu.memory_space<vmem_shared>> -> memref<8x128xf32, #tpu.memory_space<vmem_shared>>
    tpu.enqueue_dma source(%arg11 : memref<8x128xf32, #tpu.memory_space<vmem>>) target(%dma_start3A_789 : memref<8x128xf32, #tpu.memory_space<vmem_shared>>) target_semaphore(%arg19 : memref<!tpu.dma_semaphore, #tpu.memory_space<semaphore_mem>>)
    %mul3A_790 = arith.constant 632 : i32
    %mul3A_791 = arith.muli %arg1, %mul3A_790 : i32
    %add3A_792 = arith.constant 280 : i32
    %add3A_793 = arith.addi %mul3A_791, %add3A_792 : i32
    %dma_start3A_794 = arith.constant 0 : i32
    %dma_start3A_795 = tpu.memref_slice %arg12[%add3A_793, %dma_start3A_794] : memref<10112x128xf32, #tpu.memory_space<vmem_shared>> -> memref<8x128xf32, #tpu.memory_space<vmem_shared>>
    %dma_start3A_796 = arith.constant 0 : i32
    %dma_start3A_797 = tpu.memref_slice %arg12[%add3A_793, %dma_start3A_796] : memref<10112x128xf32, #tpu.memory_space<vmem_shared>> -> memref<8x128xf32, #tpu.memory_space<vmem_shared>>
    tpu.enqueue_dma source(%arg11 : memref<8x128xf32, #tpu.memory_space<vmem>>) target(%dma_start3A_797 : memref<8x128xf32, #tpu.memory_space<vmem_shared>>) target_semaphore(%arg19 : memref<!tpu.dma_semaphore, #tpu.memory_space<semaphore_mem>>)
    %mul3A_798 = arith.constant 632 : i32
    %mul3A_799 = arith.muli %arg1, %mul3A_798 : i32
    %add3A_800 = arith.constant 288 : i32
    %add3A_801 = arith.addi %mul3A_799, %add3A_800 : i32
    %dma_start3A_802 = arith.constant 0 : i32
    %dma_start3A_803 = tpu.memref_slice %arg12[%add3A_801, %dma_start3A_802] : memref<10112x128xf32, #tpu.memory_space<vmem_shared>> -> memref<8x128xf32, #tpu.memory_space<vmem_shared>>
    %dma_start3A_804 = arith.constant 0 : i32
    %dma_start3A_805 = tpu.memref_slice %arg12[%add3A_801, %dma_start3A_804] : memref<10112x128xf32, #tpu.memory_space<vmem_shared>> -> memref<8x128xf32, #tpu.memory_space<vmem_shared>>
    tpu.enqueue_dma source(%arg11 : memref<8x128xf32, #tpu.memory_space<vmem>>) target(%dma_start3A_805 : memref<8x128xf32, #tpu.memory_space<vmem_shared>>) target_semaphore(%arg19 : memref<!tpu.dma_semaphore, #tpu.memory_space<semaphore_mem>>)
    %mul3A_806 = arith.constant 632 : i32
    %mul3A_807 = arith.muli %arg1, %mul3A_806 : i32
    %add3A_808 = arith.constant 296 : i32
    %add3A_809 = arith.addi %mul3A_807, %add3A_808 : i32
    %dma_start3A_810 = arith.constant 0 : i32
    %dma_start3A_811 = tpu.memref_slice %arg12[%add3A_809, %dma_start3A_810] : memref<10112x128xf32, #tpu.memory_space<vmem_shared>> -> memref<8x128xf32, #tpu.memory_space<vmem_shared>>
    %dma_start3A_812 = arith.constant 0 : i32
    %dma_start3A_813 = tpu.memref_slice %arg12[%add3A_809, %dma_start3A_812] : memref<10112x128xf32, #tpu.memory_space<vmem_shared>> -> memref<8x128xf32, #tpu.memory_space<vmem_shared>>
    tpu.enqueue_dma source(%arg11 : memref<8x128xf32, #tpu.memory_space<vmem>>) target(%dma_start3A_813 : memref<8x128xf32, #tpu.memory_space<vmem_shared>>) target_semaphore(%arg19 : memref<!tpu.dma_semaphore, #tpu.memory_space<semaphore_mem>>)
    %mul3A_814 = arith.constant 632 : i32
    %mul3A_815 = arith.muli %arg1, %mul3A_814 : i32
    %add3A_816 = arith.constant 304 : i32
    %add3A_817 = arith.addi %mul3A_815, %add3A_816 : i32
    %dma_start3A_818 = arith.constant 0 : i32
    %dma_start3A_819 = tpu.memref_slice %arg12[%add3A_817, %dma_start3A_818] : memref<10112x128xf32, #tpu.memory_space<vmem_shared>> -> memref<8x128xf32, #tpu.memory_space<vmem_shared>>
    %dma_start3A_820 = arith.constant 0 : i32
    %dma_start3A_821 = tpu.memref_slice %arg12[%add3A_817, %dma_start3A_820] : memref<10112x128xf32, #tpu.memory_space<vmem_shared>> -> memref<8x128xf32, #tpu.memory_space<vmem_shared>>
    tpu.enqueue_dma source(%arg11 : memref<8x128xf32, #tpu.memory_space<vmem>>) target(%dma_start3A_821 : memref<8x128xf32, #tpu.memory_space<vmem_shared>>) target_semaphore(%arg19 : memref<!tpu.dma_semaphore, #tpu.memory_space<semaphore_mem>>)
    %mul3A_822 = arith.constant 632 : i32
    %mul3A_823 = arith.muli %arg1, %mul3A_822 : i32
    %add3A_824 = arith.constant 312 : i32
    %add3A_825 = arith.addi %mul3A_823, %add3A_824 : i32
    %dma_start3A_826 = arith.constant 0 : i32
    %dma_start3A_827 = tpu.memref_slice %arg12[%add3A_825, %dma_start3A_826] : memref<10112x128xf32, #tpu.memory_space<vmem_shared>> -> memref<8x128xf32, #tpu.memory_space<vmem_shared>>
    %dma_start3A_828 = arith.constant 0 : i32
    %dma_start3A_829 = tpu.memref_slice %arg12[%add3A_825, %dma_start3A_828] : memref<10112x128xf32, #tpu.memory_space<vmem_shared>> -> memref<8x128xf32, #tpu.memory_space<vmem_shared>>
    tpu.enqueue_dma source(%arg11 : memref<8x128xf32, #tpu.memory_space<vmem>>) target(%dma_start3A_829 : memref<8x128xf32, #tpu.memory_space<vmem_shared>>) target_semaphore(%arg19 : memref<!tpu.dma_semaphore, #tpu.memory_space<semaphore_mem>>)
    %mul3A_830 = arith.constant 632 : i32
    %mul3A_831 = arith.muli %arg1, %mul3A_830 : i32
    %add3A_832 = arith.constant 320 : i32
    %add3A_833 = arith.addi %mul3A_831, %add3A_832 : i32
    %dma_start3A_834 = arith.constant 0 : i32
    %dma_start3A_835 = tpu.memref_slice %arg12[%add3A_833, %dma_start3A_834] : memref<10112x128xf32, #tpu.memory_space<vmem_shared>> -> memref<8x128xf32, #tpu.memory_space<vmem_shared>>
    %dma_start3A_836 = arith.constant 0 : i32
    %dma_start3A_837 = tpu.memref_slice %arg12[%add3A_833, %dma_start3A_836] : memref<10112x128xf32, #tpu.memory_space<vmem_shared>> -> memref<8x128xf32, #tpu.memory_space<vmem_shared>>
    tpu.enqueue_dma source(%arg11 : memref<8x128xf32, #tpu.memory_space<vmem>>) target(%dma_start3A_837 : memref<8x128xf32, #tpu.memory_space<vmem_shared>>) target_semaphore(%arg19 : memref<!tpu.dma_semaphore, #tpu.memory_space<semaphore_mem>>)
    %mul3A_838 = arith.constant 632 : i32
    %mul3A_839 = arith.muli %arg1, %mul3A_838 : i32
    %add3A_840 = arith.constant 328 : i32
    %add3A_841 = arith.addi %mul3A_839, %add3A_840 : i32
    %dma_start3A_842 = arith.constant 0 : i32
    %dma_start3A_843 = tpu.memref_slice %arg12[%add3A_841, %dma_start3A_842] : memref<10112x128xf32, #tpu.memory_space<vmem_shared>> -> memref<8x128xf32, #tpu.memory_space<vmem_shared>>
    %dma_start3A_844 = arith.constant 0 : i32
    %dma_start3A_845 = tpu.memref_slice %arg12[%add3A_841, %dma_start3A_844] : memref<10112x128xf32, #tpu.memory_space<vmem_shared>> -> memref<8x128xf32, #tpu.memory_space<vmem_shared>>
    tpu.enqueue_dma source(%arg11 : memref<8x128xf32, #tpu.memory_space<vmem>>) target(%dma_start3A_845 : memref<8x128xf32, #tpu.memory_space<vmem_shared>>) target_semaphore(%arg19 : memref<!tpu.dma_semaphore, #tpu.memory_space<semaphore_mem>>)
    %mul3A_846 = arith.constant 632 : i32
    %mul3A_847 = arith.muli %arg1, %mul3A_846 : i32
    %add3A_848 = arith.constant 336 : i32
    %add3A_849 = arith.addi %mul3A_847, %add3A_848 : i32
    %dma_start3A_850 = arith.constant 0 : i32
    %dma_start3A_851 = tpu.memref_slice %arg12[%add3A_849, %dma_start3A_850] : memref<10112x128xf32, #tpu.memory_space<vmem_shared>> -> memref<8x128xf32, #tpu.memory_space<vmem_shared>>
    %dma_start3A_852 = arith.constant 0 : i32
    %dma_start3A_853 = tpu.memref_slice %arg12[%add3A_849, %dma_start3A_852] : memref<10112x128xf32, #tpu.memory_space<vmem_shared>> -> memref<8x128xf32, #tpu.memory_space<vmem_shared>>
    tpu.enqueue_dma source(%arg11 : memref<8x128xf32, #tpu.memory_space<vmem>>) target(%dma_start3A_853 : memref<8x128xf32, #tpu.memory_space<vmem_shared>>) target_semaphore(%arg19 : memref<!tpu.dma_semaphore, #tpu.memory_space<semaphore_mem>>)
    %mul3A_854 = arith.constant 632 : i32
    %mul3A_855 = arith.muli %arg1, %mul3A_854 : i32
    %add3A_856 = arith.constant 344 : i32
    %add3A_857 = arith.addi %mul3A_855, %add3A_856 : i32
    %dma_start3A_858 = arith.constant 0 : i32
    %dma_start3A_859 = tpu.memref_slice %arg12[%add3A_857, %dma_start3A_858] : memref<10112x128xf32, #tpu.memory_space<vmem_shared>> -> memref<8x128xf32, #tpu.memory_space<vmem_shared>>
    %dma_start3A_860 = arith.constant 0 : i32
    %dma_start3A_861 = tpu.memref_slice %arg12[%add3A_857, %dma_start3A_860] : memref<10112x128xf32, #tpu.memory_space<vmem_shared>> -> memref<8x128xf32, #tpu.memory_space<vmem_shared>>
    tpu.enqueue_dma source(%arg11 : memref<8x128xf32, #tpu.memory_space<vmem>>) target(%dma_start3A_861 : memref<8x128xf32, #tpu.memory_space<vmem_shared>>) target_semaphore(%arg19 : memref<!tpu.dma_semaphore, #tpu.memory_space<semaphore_mem>>)
    %mul3A_862 = arith.constant 632 : i32
    %mul3A_863 = arith.muli %arg1, %mul3A_862 : i32
    %add3A_864 = arith.constant 352 : i32
    %add3A_865 = arith.addi %mul3A_863, %add3A_864 : i32
    %dma_start3A_866 = arith.constant 0 : i32
    %dma_start3A_867 = tpu.memref_slice %arg12[%add3A_865, %dma_start3A_866] : memref<10112x128xf32, #tpu.memory_space<vmem_shared>> -> memref<8x128xf32, #tpu.memory_space<vmem_shared>>
    %dma_start3A_868 = arith.constant 0 : i32
    %dma_start3A_869 = tpu.memref_slice %arg12[%add3A_865, %dma_start3A_868] : memref<10112x128xf32, #tpu.memory_space<vmem_shared>> -> memref<8x128xf32, #tpu.memory_space<vmem_shared>>
    tpu.enqueue_dma source(%arg11 : memref<8x128xf32, #tpu.memory_space<vmem>>) target(%dma_start3A_869 : memref<8x128xf32, #tpu.memory_space<vmem_shared>>) target_semaphore(%arg19 : memref<!tpu.dma_semaphore, #tpu.memory_space<semaphore_mem>>)
    %mul3A_870 = arith.constant 632 : i32
    %mul3A_871 = arith.muli %arg1, %mul3A_870 : i32
    %add3A_872 = arith.constant 360 : i32
    %add3A_873 = arith.addi %mul3A_871, %add3A_872 : i32
    %dma_start3A_874 = arith.constant 0 : i32
    %dma_start3A_875 = tpu.memref_slice %arg12[%add3A_873, %dma_start3A_874] : memref<10112x128xf32, #tpu.memory_space<vmem_shared>> -> memref<8x128xf32, #tpu.memory_space<vmem_shared>>
    %dma_start3A_876 = arith.constant 0 : i32
    %dma_start3A_877 = tpu.memref_slice %arg12[%add3A_873, %dma_start3A_876] : memref<10112x128xf32, #tpu.memory_space<vmem_shared>> -> memref<8x128xf32, #tpu.memory_space<vmem_shared>>
    tpu.enqueue_dma source(%arg11 : memref<8x128xf32, #tpu.memory_space<vmem>>) target(%dma_start3A_877 : memref<8x128xf32, #tpu.memory_space<vmem_shared>>) target_semaphore(%arg19 : memref<!tpu.dma_semaphore, #tpu.memory_space<semaphore_mem>>)
    %mul3A_878 = arith.constant 632 : i32
    %mul3A_879 = arith.muli %arg1, %mul3A_878 : i32
    %add3A_880 = arith.constant 368 : i32
    %add3A_881 = arith.addi %mul3A_879, %add3A_880 : i32
    %dma_start3A_882 = arith.constant 0 : i32
    %dma_start3A_883 = tpu.memref_slice %arg12[%add3A_881, %dma_start3A_882] : memref<10112x128xf32, #tpu.memory_space<vmem_shared>> -> memref<8x128xf32, #tpu.memory_space<vmem_shared>>
    %dma_start3A_884 = arith.constant 0 : i32
    %dma_start3A_885 = tpu.memref_slice %arg12[%add3A_881, %dma_start3A_884] : memref<10112x128xf32, #tpu.memory_space<vmem_shared>> -> memref<8x128xf32, #tpu.memory_space<vmem_shared>>
    tpu.enqueue_dma source(%arg11 : memref<8x128xf32, #tpu.memory_space<vmem>>) target(%dma_start3A_885 : memref<8x128xf32, #tpu.memory_space<vmem_shared>>) target_semaphore(%arg19 : memref<!tpu.dma_semaphore, #tpu.memory_space<semaphore_mem>>)
    %mul3A_886 = arith.constant 632 : i32
    %mul3A_887 = arith.muli %arg1, %mul3A_886 : i32
    %add3A_888 = arith.constant 376 : i32
    %add3A_889 = arith.addi %mul3A_887, %add3A_888 : i32
    %dma_start3A_890 = arith.constant 0 : i32
    %dma_start3A_891 = tpu.memref_slice %arg12[%add3A_889, %dma_start3A_890] : memref<10112x128xf32, #tpu.memory_space<vmem_shared>> -> memref<8x128xf32, #tpu.memory_space<vmem_shared>>
    %dma_start3A_892 = arith.constant 0 : i32
    %dma_start3A_893 = tpu.memref_slice %arg12[%add3A_889, %dma_start3A_892] : memref<10112x128xf32, #tpu.memory_space<vmem_shared>> -> memref<8x128xf32, #tpu.memory_space<vmem_shared>>
    tpu.enqueue_dma source(%arg11 : memref<8x128xf32, #tpu.memory_space<vmem>>) target(%dma_start3A_893 : memref<8x128xf32, #tpu.memory_space<vmem_shared>>) target_semaphore(%arg19 : memref<!tpu.dma_semaphore, #tpu.memory_space<semaphore_mem>>)
    %mul3A_894 = arith.constant 632 : i32
    %mul3A_895 = arith.muli %arg1, %mul3A_894 : i32
    %add3A_896 = arith.constant 384 : i32
    %add3A_897 = arith.addi %mul3A_895, %add3A_896 : i32
    %dma_start3A_898 = arith.constant 0 : i32
    %dma_start3A_899 = tpu.memref_slice %arg12[%add3A_897, %dma_start3A_898] : memref<10112x128xf32, #tpu.memory_space<vmem_shared>> -> memref<8x128xf32, #tpu.memory_space<vmem_shared>>
    %dma_start3A_900 = arith.constant 0 : i32
    %dma_start3A_901 = tpu.memref_slice %arg12[%add3A_897, %dma_start3A_900] : memref<10112x128xf32, #tpu.memory_space<vmem_shared>> -> memref<8x128xf32, #tpu.memory_space<vmem_shared>>
    tpu.enqueue_dma source(%arg11 : memref<8x128xf32, #tpu.memory_space<vmem>>) target(%dma_start3A_901 : memref<8x128xf32, #tpu.memory_space<vmem_shared>>) target_semaphore(%arg19 : memref<!tpu.dma_semaphore, #tpu.memory_space<semaphore_mem>>)
    %mul3A_902 = arith.constant 632 : i32
    %mul3A_903 = arith.muli %arg1, %mul3A_902 : i32
    %add3A_904 = arith.constant 392 : i32
    %add3A_905 = arith.addi %mul3A_903, %add3A_904 : i32
    %dma_start3A_906 = arith.constant 0 : i32
    %dma_start3A_907 = tpu.memref_slice %arg12[%add3A_905, %dma_start3A_906] : memref<10112x128xf32, #tpu.memory_space<vmem_shared>> -> memref<8x128xf32, #tpu.memory_space<vmem_shared>>
    %dma_start3A_908 = arith.constant 0 : i32
    %dma_start3A_909 = tpu.memref_slice %arg12[%add3A_905, %dma_start3A_908] : memref<10112x128xf32, #tpu.memory_space<vmem_shared>> -> memref<8x128xf32, #tpu.memory_space<vmem_shared>>
    tpu.enqueue_dma source(%arg11 : memref<8x128xf32, #tpu.memory_space<vmem>>) target(%dma_start3A_909 : memref<8x128xf32, #tpu.memory_space<vmem_shared>>) target_semaphore(%arg19 : memref<!tpu.dma_semaphore, #tpu.memory_space<semaphore_mem>>)
    %mul3A_910 = arith.constant 632 : i32
    %mul3A_911 = arith.muli %arg1, %mul3A_910 : i32
    %add3A_912 = arith.constant 400 : i32
    %add3A_913 = arith.addi %mul3A_911, %add3A_912 : i32
    %dma_start3A_914 = arith.constant 0 : i32
    %dma_start3A_915 = tpu.memref_slice %arg12[%add3A_913, %dma_start3A_914] : memref<10112x128xf32, #tpu.memory_space<vmem_shared>> -> memref<8x128xf32, #tpu.memory_space<vmem_shared>>
    %dma_start3A_916 = arith.constant 0 : i32
    %dma_start3A_917 = tpu.memref_slice %arg12[%add3A_913, %dma_start3A_916] : memref<10112x128xf32, #tpu.memory_space<vmem_shared>> -> memref<8x128xf32, #tpu.memory_space<vmem_shared>>
    tpu.enqueue_dma source(%arg11 : memref<8x128xf32, #tpu.memory_space<vmem>>) target(%dma_start3A_917 : memref<8x128xf32, #tpu.memory_space<vmem_shared>>) target_semaphore(%arg19 : memref<!tpu.dma_semaphore, #tpu.memory_space<semaphore_mem>>)
    %mul3A_918 = arith.constant 632 : i32
    %mul3A_919 = arith.muli %arg1, %mul3A_918 : i32
    %add3A_920 = arith.constant 408 : i32
    %add3A_921 = arith.addi %mul3A_919, %add3A_920 : i32
    %dma_start3A_922 = arith.constant 0 : i32
    %dma_start3A_923 = tpu.memref_slice %arg12[%add3A_921, %dma_start3A_922] : memref<10112x128xf32, #tpu.memory_space<vmem_shared>> -> memref<8x128xf32, #tpu.memory_space<vmem_shared>>
    %dma_start3A_924 = arith.constant 0 : i32
    %dma_start3A_925 = tpu.memref_slice %arg12[%add3A_921, %dma_start3A_924] : memref<10112x128xf32, #tpu.memory_space<vmem_shared>> -> memref<8x128xf32, #tpu.memory_space<vmem_shared>>
    tpu.enqueue_dma source(%arg11 : memref<8x128xf32, #tpu.memory_space<vmem>>) target(%dma_start3A_925 : memref<8x128xf32, #tpu.memory_space<vmem_shared>>) target_semaphore(%arg19 : memref<!tpu.dma_semaphore, #tpu.memory_space<semaphore_mem>>)
    %mul3A_926 = arith.constant 632 : i32
    %mul3A_927 = arith.muli %arg1, %mul3A_926 : i32
    %add3A_928 = arith.constant 416 : i32
    %add3A_929 = arith.addi %mul3A_927, %add3A_928 : i32
    %dma_start3A_930 = arith.constant 0 : i32
    %dma_start3A_931 = tpu.memref_slice %arg12[%add3A_929, %dma_start3A_930] : memref<10112x128xf32, #tpu.memory_space<vmem_shared>> -> memref<8x128xf32, #tpu.memory_space<vmem_shared>>
    %dma_start3A_932 = arith.constant 0 : i32
    %dma_start3A_933 = tpu.memref_slice %arg12[%add3A_929, %dma_start3A_932] : memref<10112x128xf32, #tpu.memory_space<vmem_shared>> -> memref<8x128xf32, #tpu.memory_space<vmem_shared>>
    tpu.enqueue_dma source(%arg11 : memref<8x128xf32, #tpu.memory_space<vmem>>) target(%dma_start3A_933 : memref<8x128xf32, #tpu.memory_space<vmem_shared>>) target_semaphore(%arg19 : memref<!tpu.dma_semaphore, #tpu.memory_space<semaphore_mem>>)
    %mul3A_934 = arith.constant 632 : i32
    %mul3A_935 = arith.muli %arg1, %mul3A_934 : i32
    %add3A_936 = arith.constant 424 : i32
    %add3A_937 = arith.addi %mul3A_935, %add3A_936 : i32
    %dma_start3A_938 = arith.constant 0 : i32
    %dma_start3A_939 = tpu.memref_slice %arg12[%add3A_937, %dma_start3A_938] : memref<10112x128xf32, #tpu.memory_space<vmem_shared>> -> memref<8x128xf32, #tpu.memory_space<vmem_shared>>
    %dma_start3A_940 = arith.constant 0 : i32
    %dma_start3A_941 = tpu.memref_slice %arg12[%add3A_937, %dma_start3A_940] : memref<10112x128xf32, #tpu.memory_space<vmem_shared>> -> memref<8x128xf32, #tpu.memory_space<vmem_shared>>
    tpu.enqueue_dma source(%arg11 : memref<8x128xf32, #tpu.memory_space<vmem>>) target(%dma_start3A_941 : memref<8x128xf32, #tpu.memory_space<vmem_shared>>) target_semaphore(%arg19 : memref<!tpu.dma_semaphore, #tpu.memory_space<semaphore_mem>>)
    %mul3A_942 = arith.constant 632 : i32
    %mul3A_943 = arith.muli %arg1, %mul3A_942 : i32
    %add3A_944 = arith.constant 432 : i32
    %add3A_945 = arith.addi %mul3A_943, %add3A_944 : i32
    %dma_start3A_946 = arith.constant 0 : i32
    %dma_start3A_947 = tpu.memref_slice %arg12[%add3A_945, %dma_start3A_946] : memref<10112x128xf32, #tpu.memory_space<vmem_shared>> -> memref<8x128xf32, #tpu.memory_space<vmem_shared>>
    %dma_start3A_948 = arith.constant 0 : i32
    %dma_start3A_949 = tpu.memref_slice %arg12[%add3A_945, %dma_start3A_948] : memref<10112x128xf32, #tpu.memory_space<vmem_shared>> -> memref<8x128xf32, #tpu.memory_space<vmem_shared>>
    tpu.enqueue_dma source(%arg11 : memref<8x128xf32, #tpu.memory_space<vmem>>) target(%dma_start3A_949 : memref<8x128xf32, #tpu.memory_space<vmem_shared>>) target_semaphore(%arg19 : memref<!tpu.dma_semaphore, #tpu.memory_space<semaphore_mem>>)
    %mul3A_950 = arith.constant 632 : i32
    %mul3A_951 = arith.muli %arg1, %mul3A_950 : i32
    %add3A_952 = arith.constant 440 : i32
    %add3A_953 = arith.addi %mul3A_951, %add3A_952 : i32
    %dma_start3A_954 = arith.constant 0 : i32
    %dma_start3A_955 = tpu.memref_slice %arg12[%add3A_953, %dma_start3A_954] : memref<10112x128xf32, #tpu.memory_space<vmem_shared>> -> memref<8x128xf32, #tpu.memory_space<vmem_shared>>
    %dma_start3A_956 = arith.constant 0 : i32
    %dma_start3A_957 = tpu.memref_slice %arg12[%add3A_953, %dma_start3A_956] : memref<10112x128xf32, #tpu.memory_space<vmem_shared>> -> memref<8x128xf32, #tpu.memory_space<vmem_shared>>
    tpu.enqueue_dma source(%arg11 : memref<8x128xf32, #tpu.memory_space<vmem>>) target(%dma_start3A_957 : memref<8x128xf32, #tpu.memory_space<vmem_shared>>) target_semaphore(%arg19 : memref<!tpu.dma_semaphore, #tpu.memory_space<semaphore_mem>>)
    %mul3A_958 = arith.constant 632 : i32
    %mul3A_959 = arith.muli %arg1, %mul3A_958 : i32
    %add3A_960 = arith.constant 448 : i32
    %add3A_961 = arith.addi %mul3A_959, %add3A_960 : i32
    %dma_start3A_962 = arith.constant 0 : i32
    %dma_start3A_963 = tpu.memref_slice %arg12[%add3A_961, %dma_start3A_962] : memref<10112x128xf32, #tpu.memory_space<vmem_shared>> -> memref<8x128xf32, #tpu.memory_space<vmem_shared>>
    %dma_start3A_964 = arith.constant 0 : i32
    %dma_start3A_965 = tpu.memref_slice %arg12[%add3A_961, %dma_start3A_964] : memref<10112x128xf32, #tpu.memory_space<vmem_shared>> -> memref<8x128xf32, #tpu.memory_space<vmem_shared>>
    tpu.enqueue_dma source(%arg11 : memref<8x128xf32, #tpu.memory_space<vmem>>) target(%dma_start3A_965 : memref<8x128xf32, #tpu.memory_space<vmem_shared>>) target_semaphore(%arg19 : memref<!tpu.dma_semaphore, #tpu.memory_space<semaphore_mem>>)
    %mul3A_966 = arith.constant 632 : i32
    %mul3A_967 = arith.muli %arg1, %mul3A_966 : i32
    %add3A_968 = arith.constant 456 : i32
    %add3A_969 = arith.addi %mul3A_967, %add3A_968 : i32
    %dma_start3A_970 = arith.constant 0 : i32
    %dma_start3A_971 = tpu.memref_slice %arg12[%add3A_969, %dma_start3A_970] : memref<10112x128xf32, #tpu.memory_space<vmem_shared>> -> memref<8x128xf32, #tpu.memory_space<vmem_shared>>
    %dma_start3A_972 = arith.constant 0 : i32
    %dma_start3A_973 = tpu.memref_slice %arg12[%add3A_969, %dma_start3A_972] : memref<10112x128xf32, #tpu.memory_space<vmem_shared>> -> memref<8x128xf32, #tpu.memory_space<vmem_shared>>
    tpu.enqueue_dma source(%arg11 : memref<8x128xf32, #tpu.memory_space<vmem>>) target(%dma_start3A_973 : memref<8x128xf32, #tpu.memory_space<vmem_shared>>) target_semaphore(%arg19 : memref<!tpu.dma_semaphore, #tpu.memory_space<semaphore_mem>>)
    %mul3A_974 = arith.constant 632 : i32
    %mul3A_975 = arith.muli %arg1, %mul3A_974 : i32
    %add3A_976 = arith.constant 464 : i32
    %add3A_977 = arith.addi %mul3A_975, %add3A_976 : i32
    %dma_start3A_978 = arith.constant 0 : i32
    %dma_start3A_979 = tpu.memref_slice %arg12[%add3A_977, %dma_start3A_978] : memref<10112x128xf32, #tpu.memory_space<vmem_shared>> -> memref<8x128xf32, #tpu.memory_space<vmem_shared>>
    %dma_start3A_980 = arith.constant 0 : i32
    %dma_start3A_981 = tpu.memref_slice %arg12[%add3A_977, %dma_start3A_980] : memref<10112x128xf32, #tpu.memory_space<vmem_shared>> -> memref<8x128xf32, #tpu.memory_space<vmem_shared>>
    tpu.enqueue_dma source(%arg11 : memref<8x128xf32, #tpu.memory_space<vmem>>) target(%dma_start3A_981 : memref<8x128xf32, #tpu.memory_space<vmem_shared>>) target_semaphore(%arg19 : memref<!tpu.dma_semaphore, #tpu.memory_space<semaphore_mem>>)
    %mul3A_982 = arith.constant 632 : i32
    %mul3A_983 = arith.muli %arg1, %mul3A_982 : i32
    %add3A_984 = arith.constant 472 : i32
    %add3A_985 = arith.addi %mul3A_983, %add3A_984 : i32
    %dma_start3A_986 = arith.constant 0 : i32
    %dma_start3A_987 = tpu.memref_slice %arg12[%add3A_985, %dma_start3A_986] : memref<10112x128xf32, #tpu.memory_space<vmem_shared>> -> memref<8x128xf32, #tpu.memory_space<vmem_shared>>
    %dma_start3A_988 = arith.constant 0 : i32
    %dma_start3A_989 = tpu.memref_slice %arg12[%add3A_985, %dma_start3A_988] : memref<10112x128xf32, #tpu.memory_space<vmem_shared>> -> memref<8x128xf32, #tpu.memory_space<vmem_shared>>
    tpu.enqueue_dma source(%arg11 : memref<8x128xf32, #tpu.memory_space<vmem>>) target(%dma_start3A_989 : memref<8x128xf32, #tpu.memory_space<vmem_shared>>) target_semaphore(%arg19 : memref<!tpu.dma_semaphore, #tpu.memory_space<semaphore_mem>>)
    %mul3A_990 = arith.constant 632 : i32
    %mul3A_991 = arith.muli %arg1, %mul3A_990 : i32
    %add3A_992 = arith.constant 480 : i32
    %add3A_993 = arith.addi %mul3A_991, %add3A_992 : i32
    %dma_start3A_994 = arith.constant 0 : i32
    %dma_start3A_995 = tpu.memref_slice %arg12[%add3A_993, %dma_start3A_994] : memref<10112x128xf32, #tpu.memory_space<vmem_shared>> -> memref<8x128xf32, #tpu.memory_space<vmem_shared>>
    %dma_start3A_996 = arith.constant 0 : i32
    %dma_start3A_997 = tpu.memref_slice %arg12[%add3A_993, %dma_start3A_996] : memref<10112x128xf32, #tpu.memory_space<vmem_shared>> -> memref<8x128xf32, #tpu.memory_space<vmem_shared>>
    tpu.enqueue_dma source(%arg11 : memref<8x128xf32, #tpu.memory_space<vmem>>) target(%dma_start3A_997 : memref<8x128xf32, #tpu.memory_space<vmem_shared>>) target_semaphore(%arg19 : memref<!tpu.dma_semaphore, #tpu.memory_space<semaphore_mem>>)
    %mul3A_998 = arith.constant 632 : i32
    %mul3A_999 = arith.muli %arg1, %mul3A_998 : i32
    %add3A_1000 = arith.constant 488 : i32
    %add3A_1001 = arith.addi %mul3A_999, %add3A_1000 : i32
    %dma_start3A_1002 = arith.constant 0 : i32
    %dma_start3A_1003 = tpu.memref_slice %arg12[%add3A_1001, %dma_start3A_1002] : memref<10112x128xf32, #tpu.memory_space<vmem_shared>> -> memref<8x128xf32, #tpu.memory_space<vmem_shared>>
    %dma_start3A_1004 = arith.constant 0 : i32
    %dma_start3A_1005 = tpu.memref_slice %arg12[%add3A_1001, %dma_start3A_1004] : memref<10112x128xf32, #tpu.memory_space<vmem_shared>> -> memref<8x128xf32, #tpu.memory_space<vmem_shared>>
    tpu.enqueue_dma source(%arg11 : memref<8x128xf32, #tpu.memory_space<vmem>>) target(%dma_start3A_1005 : memref<8x128xf32, #tpu.memory_space<vmem_shared>>) target_semaphore(%arg19 : memref<!tpu.dma_semaphore, #tpu.memory_space<semaphore_mem>>)
    %mul3A_1006 = arith.constant 632 : i32
    %mul3A_1007 = arith.muli %arg1, %mul3A_1006 : i32
    %add3A_1008 = arith.constant 496 : i32
    %add3A_1009 = arith.addi %mul3A_1007, %add3A_1008 : i32
    %dma_start3A_1010 = arith.constant 0 : i32
    %dma_start3A_1011 = tpu.memref_slice %arg12[%add3A_1009, %dma_start3A_1010] : memref<10112x128xf32, #tpu.memory_space<vmem_shared>> -> memref<8x128xf32, #tpu.memory_space<vmem_shared>>
    %dma_start3A_1012 = arith.constant 0 : i32
    %dma_start3A_1013 = tpu.memref_slice %arg12[%add3A_1009, %dma_start3A_1012] : memref<10112x128xf32, #tpu.memory_space<vmem_shared>> -> memref<8x128xf32, #tpu.memory_space<vmem_shared>>
    tpu.enqueue_dma source(%arg11 : memref<8x128xf32, #tpu.memory_space<vmem>>) target(%dma_start3A_1013 : memref<8x128xf32, #tpu.memory_space<vmem_shared>>) target_semaphore(%arg19 : memref<!tpu.dma_semaphore, #tpu.memory_space<semaphore_mem>>)
    %mul3A_1014 = arith.constant 632 : i32
    %mul3A_1015 = arith.muli %arg1, %mul3A_1014 : i32
    %add3A_1016 = arith.constant 504 : i32
    %add3A_1017 = arith.addi %mul3A_1015, %add3A_1016 : i32
    %dma_start3A_1018 = arith.constant 0 : i32
    %dma_start3A_1019 = tpu.memref_slice %arg12[%add3A_1017, %dma_start3A_1018] : memref<10112x128xf32, #tpu.memory_space<vmem_shared>> -> memref<8x128xf32, #tpu.memory_space<vmem_shared>>
    %dma_start3A_1020 = arith.constant 0 : i32
    %dma_start3A_1021 = tpu.memref_slice %arg12[%add3A_1017, %dma_start3A_1020] : memref<10112x128xf32, #tpu.memory_space<vmem_shared>> -> memref<8x128xf32, #tpu.memory_space<vmem_shared>>
    tpu.enqueue_dma source(%arg11 : memref<8x128xf32, #tpu.memory_space<vmem>>) target(%dma_start3A_1021 : memref<8x128xf32, #tpu.memory_space<vmem_shared>>) target_semaphore(%arg19 : memref<!tpu.dma_semaphore, #tpu.memory_space<semaphore_mem>>)
    %mul3A_1022 = arith.constant 632 : i32
    %mul3A_1023 = arith.muli %arg1, %mul3A_1022 : i32
    %add3A_1024 = arith.constant 512 : i32
    %add3A_1025 = arith.addi %mul3A_1023, %add3A_1024 : i32
    %dma_start3A_1026 = arith.constant 0 : i32
    %dma_start3A_1027 = tpu.memref_slice %arg12[%add3A_1025, %dma_start3A_1026] : memref<10112x128xf32, #tpu.memory_space<vmem_shared>> -> memref<8x128xf32, #tpu.memory_space<vmem_shared>>
    %dma_start3A_1028 = arith.constant 0 : i32
    %dma_start3A_1029 = tpu.memref_slice %arg12[%add3A_1025, %dma_start3A_1028] : memref<10112x128xf32, #tpu.memory_space<vmem_shared>> -> memref<8x128xf32, #tpu.memory_space<vmem_shared>>
    tpu.enqueue_dma source(%arg11 : memref<8x128xf32, #tpu.memory_space<vmem>>) target(%dma_start3A_1029 : memref<8x128xf32, #tpu.memory_space<vmem_shared>>) target_semaphore(%arg19 : memref<!tpu.dma_semaphore, #tpu.memory_space<semaphore_mem>>)
    %mul3A_1030 = arith.constant 632 : i32
    %mul3A_1031 = arith.muli %arg1, %mul3A_1030 : i32
    %add3A_1032 = arith.constant 520 : i32
    %add3A_1033 = arith.addi %mul3A_1031, %add3A_1032 : i32
    %dma_start3A_1034 = arith.constant 0 : i32
    %dma_start3A_1035 = tpu.memref_slice %arg12[%add3A_1033, %dma_start3A_1034] : memref<10112x128xf32, #tpu.memory_space<vmem_shared>> -> memref<8x128xf32, #tpu.memory_space<vmem_shared>>
    %dma_start3A_1036 = arith.constant 0 : i32
    %dma_start3A_1037 = tpu.memref_slice %arg12[%add3A_1033, %dma_start3A_1036] : memref<10112x128xf32, #tpu.memory_space<vmem_shared>> -> memref<8x128xf32, #tpu.memory_space<vmem_shared>>
    tpu.enqueue_dma source(%arg11 : memref<8x128xf32, #tpu.memory_space<vmem>>) target(%dma_start3A_1037 : memref<8x128xf32, #tpu.memory_space<vmem_shared>>) target_semaphore(%arg19 : memref<!tpu.dma_semaphore, #tpu.memory_space<semaphore_mem>>)
    %mul3A_1038 = arith.constant 632 : i32
    %mul3A_1039 = arith.muli %arg1, %mul3A_1038 : i32
    %add3A_1040 = arith.constant 528 : i32
    %add3A_1041 = arith.addi %mul3A_1039, %add3A_1040 : i32
    %dma_start3A_1042 = arith.constant 0 : i32
    %dma_start3A_1043 = tpu.memref_slice %arg12[%add3A_1041, %dma_start3A_1042] : memref<10112x128xf32, #tpu.memory_space<vmem_shared>> -> memref<8x128xf32, #tpu.memory_space<vmem_shared>>
    %dma_start3A_1044 = arith.constant 0 : i32
    %dma_start3A_1045 = tpu.memref_slice %arg12[%add3A_1041, %dma_start3A_1044] : memref<10112x128xf32, #tpu.memory_space<vmem_shared>> -> memref<8x128xf32, #tpu.memory_space<vmem_shared>>
    tpu.enqueue_dma source(%arg11 : memref<8x128xf32, #tpu.memory_space<vmem>>) target(%dma_start3A_1045 : memref<8x128xf32, #tpu.memory_space<vmem_shared>>) target_semaphore(%arg19 : memref<!tpu.dma_semaphore, #tpu.memory_space<semaphore_mem>>)
    %mul3A_1046 = arith.constant 632 : i32
    %mul3A_1047 = arith.muli %arg1, %mul3A_1046 : i32
    %add3A_1048 = arith.constant 536 : i32
    %add3A_1049 = arith.addi %mul3A_1047, %add3A_1048 : i32
    %dma_start3A_1050 = arith.constant 0 : i32
    %dma_start3A_1051 = tpu.memref_slice %arg12[%add3A_1049, %dma_start3A_1050] : memref<10112x128xf32, #tpu.memory_space<vmem_shared>> -> memref<8x128xf32, #tpu.memory_space<vmem_shared>>
    %dma_start3A_1052 = arith.constant 0 : i32
    %dma_start3A_1053 = tpu.memref_slice %arg12[%add3A_1049, %dma_start3A_1052] : memref<10112x128xf32, #tpu.memory_space<vmem_shared>> -> memref<8x128xf32, #tpu.memory_space<vmem_shared>>
    tpu.enqueue_dma source(%arg11 : memref<8x128xf32, #tpu.memory_space<vmem>>) target(%dma_start3A_1053 : memref<8x128xf32, #tpu.memory_space<vmem_shared>>) target_semaphore(%arg19 : memref<!tpu.dma_semaphore, #tpu.memory_space<semaphore_mem>>)
    %mul3A_1054 = arith.constant 632 : i32
    %mul3A_1055 = arith.muli %arg1, %mul3A_1054 : i32
    %add3A_1056 = arith.constant 544 : i32
    %add3A_1057 = arith.addi %mul3A_1055, %add3A_1056 : i32
    %dma_start3A_1058 = arith.constant 0 : i32
    %dma_start3A_1059 = tpu.memref_slice %arg12[%add3A_1057, %dma_start3A_1058] : memref<10112x128xf32, #tpu.memory_space<vmem_shared>> -> memref<8x128xf32, #tpu.memory_space<vmem_shared>>
    %dma_start3A_1060 = arith.constant 0 : i32
    %dma_start3A_1061 = tpu.memref_slice %arg12[%add3A_1057, %dma_start3A_1060] : memref<10112x128xf32, #tpu.memory_space<vmem_shared>> -> memref<8x128xf32, #tpu.memory_space<vmem_shared>>
    tpu.enqueue_dma source(%arg11 : memref<8x128xf32, #tpu.memory_space<vmem>>) target(%dma_start3A_1061 : memref<8x128xf32, #tpu.memory_space<vmem_shared>>) target_semaphore(%arg19 : memref<!tpu.dma_semaphore, #tpu.memory_space<semaphore_mem>>)
    %mul3A_1062 = arith.constant 632 : i32
    %mul3A_1063 = arith.muli %arg1, %mul3A_1062 : i32
    %add3A_1064 = arith.constant 552 : i32
    %add3A_1065 = arith.addi %mul3A_1063, %add3A_1064 : i32
    %dma_start3A_1066 = arith.constant 0 : i32
    %dma_start3A_1067 = tpu.memref_slice %arg12[%add3A_1065, %dma_start3A_1066] : memref<10112x128xf32, #tpu.memory_space<vmem_shared>> -> memref<8x128xf32, #tpu.memory_space<vmem_shared>>
    %dma_start3A_1068 = arith.constant 0 : i32
    %dma_start3A_1069 = tpu.memref_slice %arg12[%add3A_1065, %dma_start3A_1068] : memref<10112x128xf32, #tpu.memory_space<vmem_shared>> -> memref<8x128xf32, #tpu.memory_space<vmem_shared>>
    tpu.enqueue_dma source(%arg11 : memref<8x128xf32, #tpu.memory_space<vmem>>) target(%dma_start3A_1069 : memref<8x128xf32, #tpu.memory_space<vmem_shared>>) target_semaphore(%arg19 : memref<!tpu.dma_semaphore, #tpu.memory_space<semaphore_mem>>)
    %mul3A_1070 = arith.constant 632 : i32
    %mul3A_1071 = arith.muli %arg1, %mul3A_1070 : i32
    %add3A_1072 = arith.constant 560 : i32
    %add3A_1073 = arith.addi %mul3A_1071, %add3A_1072 : i32
    %dma_start3A_1074 = arith.constant 0 : i32
    %dma_start3A_1075 = tpu.memref_slice %arg12[%add3A_1073, %dma_start3A_1074] : memref<10112x128xf32, #tpu.memory_space<vmem_shared>> -> memref<8x128xf32, #tpu.memory_space<vmem_shared>>
    %dma_start3A_1076 = arith.constant 0 : i32
    %dma_start3A_1077 = tpu.memref_slice %arg12[%add3A_1073, %dma_start3A_1076] : memref<10112x128xf32, #tpu.memory_space<vmem_shared>> -> memref<8x128xf32, #tpu.memory_space<vmem_shared>>
    tpu.enqueue_dma source(%arg11 : memref<8x128xf32, #tpu.memory_space<vmem>>) target(%dma_start3A_1077 : memref<8x128xf32, #tpu.memory_space<vmem_shared>>) target_semaphore(%arg19 : memref<!tpu.dma_semaphore, #tpu.memory_space<semaphore_mem>>)
    %mul3A_1078 = arith.constant 632 : i32
    %mul3A_1079 = arith.muli %arg1, %mul3A_1078 : i32
    %add3A_1080 = arith.constant 568 : i32
    %add3A_1081 = arith.addi %mul3A_1079, %add3A_1080 : i32
    %dma_start3A_1082 = arith.constant 0 : i32
    %dma_start3A_1083 = tpu.memref_slice %arg12[%add3A_1081, %dma_start3A_1082] : memref<10112x128xf32, #tpu.memory_space<vmem_shared>> -> memref<8x128xf32, #tpu.memory_space<vmem_shared>>
    %dma_start3A_1084 = arith.constant 0 : i32
    %dma_start3A_1085 = tpu.memref_slice %arg12[%add3A_1081, %dma_start3A_1084] : memref<10112x128xf32, #tpu.memory_space<vmem_shared>> -> memref<8x128xf32, #tpu.memory_space<vmem_shared>>
    tpu.enqueue_dma source(%arg11 : memref<8x128xf32, #tpu.memory_space<vmem>>) target(%dma_start3A_1085 : memref<8x128xf32, #tpu.memory_space<vmem_shared>>) target_semaphore(%arg19 : memref<!tpu.dma_semaphore, #tpu.memory_space<semaphore_mem>>)
    %mul3A_1086 = arith.constant 632 : i32
    %mul3A_1087 = arith.muli %arg1, %mul3A_1086 : i32
    %add3A_1088 = arith.constant 576 : i32
    %add3A_1089 = arith.addi %mul3A_1087, %add3A_1088 : i32
    %dma_start3A_1090 = arith.constant 0 : i32
    %dma_start3A_1091 = tpu.memref_slice %arg12[%add3A_1089, %dma_start3A_1090] : memref<10112x128xf32, #tpu.memory_space<vmem_shared>> -> memref<8x128xf32, #tpu.memory_space<vmem_shared>>
    %dma_start3A_1092 = arith.constant 0 : i32
    %dma_start3A_1093 = tpu.memref_slice %arg12[%add3A_1089, %dma_start3A_1092] : memref<10112x128xf32, #tpu.memory_space<vmem_shared>> -> memref<8x128xf32, #tpu.memory_space<vmem_shared>>
    tpu.enqueue_dma source(%arg11 : memref<8x128xf32, #tpu.memory_space<vmem>>) target(%dma_start3A_1093 : memref<8x128xf32, #tpu.memory_space<vmem_shared>>) target_semaphore(%arg19 : memref<!tpu.dma_semaphore, #tpu.memory_space<semaphore_mem>>)
    %mul3A_1094 = arith.constant 632 : i32
    %mul3A_1095 = arith.muli %arg1, %mul3A_1094 : i32
    %add3A_1096 = arith.constant 584 : i32
    %add3A_1097 = arith.addi %mul3A_1095, %add3A_1096 : i32
    %dma_start3A_1098 = arith.constant 0 : i32
    %dma_start3A_1099 = tpu.memref_slice %arg12[%add3A_1097, %dma_start3A_1098] : memref<10112x128xf32, #tpu.memory_space<vmem_shared>> -> memref<8x128xf32, #tpu.memory_space<vmem_shared>>
    %dma_start3A_1100 = arith.constant 0 : i32
    %dma_start3A_1101 = tpu.memref_slice %arg12[%add3A_1097, %dma_start3A_1100] : memref<10112x128xf32, #tpu.memory_space<vmem_shared>> -> memref<8x128xf32, #tpu.memory_space<vmem_shared>>
    tpu.enqueue_dma source(%arg11 : memref<8x128xf32, #tpu.memory_space<vmem>>) target(%dma_start3A_1101 : memref<8x128xf32, #tpu.memory_space<vmem_shared>>) target_semaphore(%arg19 : memref<!tpu.dma_semaphore, #tpu.memory_space<semaphore_mem>>)
    %mul3A_1102 = arith.constant 632 : i32
    %mul3A_1103 = arith.muli %arg1, %mul3A_1102 : i32
    %add3A_1104 = arith.constant 592 : i32
    %add3A_1105 = arith.addi %mul3A_1103, %add3A_1104 : i32
    %dma_start3A_1106 = arith.constant 0 : i32
    %dma_start3A_1107 = tpu.memref_slice %arg12[%add3A_1105, %dma_start3A_1106] : memref<10112x128xf32, #tpu.memory_space<vmem_shared>> -> memref<8x128xf32, #tpu.memory_space<vmem_shared>>
    %dma_start3A_1108 = arith.constant 0 : i32
    %dma_start3A_1109 = tpu.memref_slice %arg12[%add3A_1105, %dma_start3A_1108] : memref<10112x128xf32, #tpu.memory_space<vmem_shared>> -> memref<8x128xf32, #tpu.memory_space<vmem_shared>>
    tpu.enqueue_dma source(%arg11 : memref<8x128xf32, #tpu.memory_space<vmem>>) target(%dma_start3A_1109 : memref<8x128xf32, #tpu.memory_space<vmem_shared>>) target_semaphore(%arg19 : memref<!tpu.dma_semaphore, #tpu.memory_space<semaphore_mem>>)
    %mul3A_1110 = arith.constant 632 : i32
    %mul3A_1111 = arith.muli %arg1, %mul3A_1110 : i32
    %add3A_1112 = arith.constant 600 : i32
    %add3A_1113 = arith.addi %mul3A_1111, %add3A_1112 : i32
    %dma_start3A_1114 = arith.constant 0 : i32
    %dma_start3A_1115 = tpu.memref_slice %arg12[%add3A_1113, %dma_start3A_1114] : memref<10112x128xf32, #tpu.memory_space<vmem_shared>> -> memref<8x128xf32, #tpu.memory_space<vmem_shared>>
    %dma_start3A_1116 = arith.constant 0 : i32
    %dma_start3A_1117 = tpu.memref_slice %arg12[%add3A_1113, %dma_start3A_1116] : memref<10112x128xf32, #tpu.memory_space<vmem_shared>> -> memref<8x128xf32, #tpu.memory_space<vmem_shared>>
    tpu.enqueue_dma source(%arg11 : memref<8x128xf32, #tpu.memory_space<vmem>>) target(%dma_start3A_1117 : memref<8x128xf32, #tpu.memory_space<vmem_shared>>) target_semaphore(%arg19 : memref<!tpu.dma_semaphore, #tpu.memory_space<semaphore_mem>>)
    %mul3A_1118 = arith.constant 632 : i32
    %mul3A_1119 = arith.muli %arg1, %mul3A_1118 : i32
    %add3A_1120 = arith.constant 608 : i32
    %add3A_1121 = arith.addi %mul3A_1119, %add3A_1120 : i32
    %dma_start3A_1122 = arith.constant 0 : i32
    %dma_start3A_1123 = tpu.memref_slice %arg12[%add3A_1121, %dma_start3A_1122] : memref<10112x128xf32, #tpu.memory_space<vmem_shared>> -> memref<8x128xf32, #tpu.memory_space<vmem_shared>>
    %dma_start3A_1124 = arith.constant 0 : i32
    %dma_start3A_1125 = tpu.memref_slice %arg12[%add3A_1121, %dma_start3A_1124] : memref<10112x128xf32, #tpu.memory_space<vmem_shared>> -> memref<8x128xf32, #tpu.memory_space<vmem_shared>>
    tpu.enqueue_dma source(%arg11 : memref<8x128xf32, #tpu.memory_space<vmem>>) target(%dma_start3A_1125 : memref<8x128xf32, #tpu.memory_space<vmem_shared>>) target_semaphore(%arg19 : memref<!tpu.dma_semaphore, #tpu.memory_space<semaphore_mem>>)
    %mul3A_1126 = arith.constant 632 : i32
    %mul3A_1127 = arith.muli %arg1, %mul3A_1126 : i32
    %add3A_1128 = arith.constant 616 : i32
    %add3A_1129 = arith.addi %mul3A_1127, %add3A_1128 : i32
    %dma_start3A_1130 = arith.constant 0 : i32
    %dma_start3A_1131 = tpu.memref_slice %arg12[%add3A_1129, %dma_start3A_1130] : memref<10112x128xf32, #tpu.memory_space<vmem_shared>> -> memref<8x128xf32, #tpu.memory_space<vmem_shared>>
    %dma_start3A_1132 = arith.constant 0 : i32
    %dma_start3A_1133 = tpu.memref_slice %arg12[%add3A_1129, %dma_start3A_1132] : memref<10112x128xf32, #tpu.memory_space<vmem_shared>> -> memref<8x128xf32, #tpu.memory_space<vmem_shared>>
    tpu.enqueue_dma source(%arg11 : memref<8x128xf32, #tpu.memory_space<vmem>>) target(%dma_start3A_1133 : memref<8x128xf32, #tpu.memory_space<vmem_shared>>) target_semaphore(%arg19 : memref<!tpu.dma_semaphore, #tpu.memory_space<semaphore_mem>>)
    %mul3A_1134 = arith.constant 632 : i32
    %mul3A_1135 = arith.muli %arg1, %mul3A_1134 : i32
    %add3A_1136 = arith.constant 624 : i32
    %add3A_1137 = arith.addi %mul3A_1135, %add3A_1136 : i32
    %dma_start3A_1138 = arith.constant 0 : i32
    %dma_start3A_1139 = tpu.memref_slice %arg12[%add3A_1137, %dma_start3A_1138] : memref<10112x128xf32, #tpu.memory_space<vmem_shared>> -> memref<8x128xf32, #tpu.memory_space<vmem_shared>>
    %dma_start3A_1140 = arith.constant 0 : i32
    %dma_start3A_1141 = tpu.memref_slice %arg12[%add3A_1137, %dma_start3A_1140] : memref<10112x128xf32, #tpu.memory_space<vmem_shared>> -> memref<8x128xf32, #tpu.memory_space<vmem_shared>>
    tpu.enqueue_dma source(%arg11 : memref<8x128xf32, #tpu.memory_space<vmem>>) target(%dma_start3A_1141 : memref<8x128xf32, #tpu.memory_space<vmem_shared>>) target_semaphore(%arg19 : memref<!tpu.dma_semaphore, #tpu.memory_space<semaphore_mem>>)
    %run_scoped3A = arith.constant 0 : i32
    %run_scoped3A_1142 = arith.constant 0 : i32
    "tpu.region"() ({
      %run_scoped3A_1946 = tpu.sem_alloc : memref<!tpu.dma_semaphore, #tpu.memory_space<semaphore_mem>>
      %dma_start3A_1947 = arith.constant 0 : i32
      %dma_start3A_1948 = arith.constant 0 : i32
      %dma_start3A_1949 = tpu.memref_slice %arg3[%run_scoped3A, %add3A, %run_scoped3A_1142, %dma_start3A_1947, %dma_start3A_1948] : memref<2x32x10x8x125xi32, #tpu.memory_space<hbm>> -> memref<1x1x1x8x125xi32, #tpu.memory_space<hbm>>
      %dma_start3A_1950 = tpu.memref_squeeze %dma_start3A_1949 : memref<1x1x1x8x125xi32, #tpu.memory_space<hbm>> -> memref<8x125xi32, #tpu.memory_space<hbm>>
      %dma_start3A_1951 = arith.constant 0 : i32
      %dma_start3A_1952 = arith.constant 0 : i32
      %dma_start3A_1953 = tpu.memref_slice %arg3[%run_scoped3A, %add3A, %run_scoped3A_1142, %dma_start3A_1951, %dma_start3A_1952] : memref<2x32x10x8x125xi32, #tpu.memory_space<hbm>> -> memref<1x1x1x8x125xi32, #tpu.memory_space<hbm>>
      %dma_start3A_1954 = tpu.memref_squeeze %dma_start3A_1953 : memref<1x1x1x8x125xi32, #tpu.memory_space<hbm>> -> memref<8x125xi32, #tpu.memory_space<hbm>>
      tpu.enqueue_dma source(%dma_start3A_1954 : memref<8x125xi32, #tpu.memory_space<hbm>>) target(%arg5 : memref<8x125xi32, #tpu.memory_space<vmem>>) target_semaphore(%run_scoped3A_1946 : memref<!tpu.dma_semaphore, #tpu.memory_space<semaphore_mem>>)
      %dma_wait3A_1955 = arith.constant 0 : i32
      %dma_wait3A_1956 = arith.constant 0 : i32
      %dma_wait3A_1957 = tpu.memref_slice %arg3[%run_scoped3A, %add3A, %run_scoped3A_1142, %dma_wait3A_1955, %dma_wait3A_1956] : memref<2x32x10x8x125xi32, #tpu.memory_space<hbm>> -> memref<1x1x1x8x125xi32, #tpu.memory_space<hbm>>
      %dma_wait3A_1958 = tpu.memref_squeeze %dma_wait3A_1957 : memref<1x1x1x8x125xi32, #tpu.memory_space<hbm>> -> memref<8x125xi32, #tpu.memory_space<hbm>>
      %dma_wait3A_1959 = arith.constant 0 : i32
      %dma_wait3A_1960 = arith.constant 0 : i32
      %dma_wait3A_1961 = tpu.memref_slice %arg3[%run_scoped3A, %add3A, %run_scoped3A_1142, %dma_wait3A_1959, %dma_wait3A_1960] : memref<2x32x10x8x125xi32, #tpu.memory_space<hbm>> -> memref<1x1x1x8x125xi32, #tpu.memory_space<hbm>>
      %dma_wait3A_1962 = tpu.memref_squeeze %dma_wait3A_1961 : memref<1x1x1x8x125xi32, #tpu.memory_space<hbm>> -> memref<8x125xi32, #tpu.memory_space<hbm>>
      tpu.wait_dma2 semaphore(%run_scoped3A_1946 : memref<!tpu.dma_semaphore, #tpu.memory_space<semaphore_mem>>) src(%dma_wait3A_1962 : memref<8x125xi32, #tpu.memory_space<hbm>>) dst(%arg5 : memref<8x125xi32, #tpu.memory_space<vmem>>)
      tpu.yield
    }) : () -> ()
    %run_scoped3A_1143 = arith.constant 1 : i32
    %run_scoped3A_1144 = arith.constant 0 : i32
    "tpu.region"() ({
      %run_scoped3A_1946 = tpu.sem_alloc : memref<!tpu.dma_semaphore, #tpu.memory_space<semaphore_mem>>
      %dma_start3A_1947 = arith.constant 0 : i32
      %dma_start3A_1948 = arith.constant 0 : i32
      %dma_start3A_1949 = tpu.memref_slice %arg3[%run_scoped3A_1143, %add3A, %run_scoped3A_1144, %dma_start3A_1947, %dma_start3A_1948] : memref<2x32x10x8x125xi32, #tpu.memory_space<hbm>> -> memref<1x1x1x8x125xi32, #tpu.memory_space<hbm>>
      %dma_start3A_1950 = tpu.memref_squeeze %dma_start3A_1949 : memref<1x1x1x8x125xi32, #tpu.memory_space<hbm>> -> memref<8x125xi32, #tpu.memory_space<hbm>>
      %dma_start3A_1951 = arith.constant 0 : i32
      %dma_start3A_1952 = arith.constant 0 : i32
      %dma_start3A_1953 = tpu.memref_slice %arg3[%run_scoped3A_1143, %add3A, %run_scoped3A_1144, %dma_start3A_1951, %dma_start3A_1952] : memref<2x32x10x8x125xi32, #tpu.memory_space<hbm>> -> memref<1x1x1x8x125xi32, #tpu.memory_space<hbm>>
      %dma_start3A_1954 = tpu.memref_squeeze %dma_start3A_1953 : memref<1x1x1x8x125xi32, #tpu.memory_space<hbm>> -> memref<8x125xi32, #tpu.memory_space<hbm>>
      tpu.enqueue_dma source(%dma_start3A_1954 : memref<8x125xi32, #tpu.memory_space<hbm>>) target(%arg7 : memref<8x125xi32, #tpu.memory_space<vmem>>) target_semaphore(%run_scoped3A_1946 : memref<!tpu.dma_semaphore, #tpu.memory_space<semaphore_mem>>)
      %dma_wait3A_1955 = arith.constant 0 : i32
      %dma_wait3A_1956 = arith.constant 0 : i32
      %dma_wait3A_1957 = tpu.memref_slice %arg3[%run_scoped3A_1143, %add3A, %run_scoped3A_1144, %dma_wait3A_1955, %dma_wait3A_1956] : memref<2x32x10x8x125xi32, #tpu.memory_space<hbm>> -> memref<1x1x1x8x125xi32, #tpu.memory_space<hbm>>
      %dma_wait3A_1958 = tpu.memref_squeeze %dma_wait3A_1957 : memref<1x1x1x8x125xi32, #tpu.memory_space<hbm>> -> memref<8x125xi32, #tpu.memory_space<hbm>>
      %dma_wait3A_1959 = arith.constant 0 : i32
      %dma_wait3A_1960 = arith.constant 0 : i32
      %dma_wait3A_1961 = tpu.memref_slice %arg3[%run_scoped3A_1143, %add3A, %run_scoped3A_1144, %dma_wait3A_1959, %dma_wait3A_1960] : memref<2x32x10x8x125xi32, #tpu.memory_space<hbm>> -> memref<1x1x1x8x125xi32, #tpu.memory_space<hbm>>
      %dma_wait3A_1962 = tpu.memref_squeeze %dma_wait3A_1961 : memref<1x1x1x8x125xi32, #tpu.memory_space<hbm>> -> memref<8x125xi32, #tpu.memory_space<hbm>>
      tpu.wait_dma2 semaphore(%run_scoped3A_1946 : memref<!tpu.dma_semaphore, #tpu.memory_space<semaphore_mem>>) src(%dma_wait3A_1962 : memref<8x125xi32, #tpu.memory_space<hbm>>) dst(%arg7 : memref<8x125xi32, #tpu.memory_space<vmem>>)
      tpu.yield
    }) : () -> ()
    %mul3A_1145 = arith.constant 632 : i32
    %mul3A_1146 = arith.muli %arg1, %mul3A_1145 : i32
    %add3A_1147 = arith.constant 0 : i32
    %add3A_1148 = arith.addi %mul3A_1146, %add3A_1147 : i32
    %dma_wait3A = arith.constant 0 : i32
    %dma_wait3A_1149 = tpu.memref_slice %arg12[%add3A_1148, %dma_wait3A] : memref<10112x128xf32, #tpu.memory_space<vmem_shared>> -> memref<8x128xf32, #tpu.memory_space<vmem_shared>>
    %dma_wait3A_1150 = arith.constant 0 : i32
    %dma_wait3A_1151 = tpu.memref_slice %arg12[%add3A_1148, %dma_wait3A_1150] : memref<10112x128xf32, #tpu.memory_space<vmem_shared>> -> memref<8x128xf32, #tpu.memory_space<vmem_shared>>
    tpu.wait_dma2 semaphore(%arg19 : memref<!tpu.dma_semaphore, #tpu.memory_space<semaphore_mem>>) src(%arg11 : memref<8x128xf32, #tpu.memory_space<vmem>>) dst(%dma_wait3A_1151 : memref<8x128xf32, #tpu.memory_space<vmem_shared>>)
    %mul3A_1152 = arith.constant 632 : i32
    %mul3A_1153 = arith.muli %arg1, %mul3A_1152 : i32
    %add3A_1154 = arith.constant 8 : i32
    %add3A_1155 = arith.addi %mul3A_1153, %add3A_1154 : i32
    %dma_wait3A_1156 = arith.constant 0 : i32
    %dma_wait3A_1157 = tpu.memref_slice %arg12[%add3A_1155, %dma_wait3A_1156] : memref<10112x128xf32, #tpu.memory_space<vmem_shared>> -> memref<8x128xf32, #tpu.memory_space<vmem_shared>>
    %dma_wait3A_1158 = arith.constant 0 : i32
    %dma_wait3A_1159 = tpu.memref_slice %arg12[%add3A_1155, %dma_wait3A_1158] : memref<10112x128xf32, #tpu.memory_space<vmem_shared>> -> memref<8x128xf32, #tpu.memory_space<vmem_shared>>
    tpu.wait_dma2 semaphore(%arg19 : memref<!tpu.dma_semaphore, #tpu.memory_space<semaphore_mem>>) src(%arg11 : memref<8x128xf32, #tpu.memory_space<vmem>>) dst(%dma_wait3A_1159 : memref<8x128xf32, #tpu.memory_space<vmem_shared>>)
    %mul3A_1160 = arith.constant 632 : i32
    %mul3A_1161 = arith.muli %arg1, %mul3A_1160 : i32
    %add3A_1162 = arith.constant 16 : i32
    %add3A_1163 = arith.addi %mul3A_1161, %add3A_1162 : i32
    %dma_wait3A_1164 = arith.constant 0 : i32
    %dma_wait3A_1165 = tpu.memref_slice %arg12[%add3A_1163, %dma_wait3A_1164] : memref<10112x128xf32, #tpu.memory_space<vmem_shared>> -> memref<8x128xf32, #tpu.memory_space<vmem_shared>>
    %dma_wait3A_1166 = arith.constant 0 : i32
    %dma_wait3A_1167 = tpu.memref_slice %arg12[%add3A_1163, %dma_wait3A_1166] : memref<10112x128xf32, #tpu.memory_space<vmem_shared>> -> memref<8x128xf32, #tpu.memory_space<vmem_shared>>
    tpu.wait_dma2 semaphore(%arg19 : memref<!tpu.dma_semaphore, #tpu.memory_space<semaphore_mem>>) src(%arg11 : memref<8x128xf32, #tpu.memory_space<vmem>>) dst(%dma_wait3A_1167 : memref<8x128xf32, #tpu.memory_space<vmem_shared>>)
    %mul3A_1168 = arith.constant 632 : i32
    %mul3A_1169 = arith.muli %arg1, %mul3A_1168 : i32
    %add3A_1170 = arith.constant 24 : i32
    %add3A_1171 = arith.addi %mul3A_1169, %add3A_1170 : i32
    %dma_wait3A_1172 = arith.constant 0 : i32
    %dma_wait3A_1173 = tpu.memref_slice %arg12[%add3A_1171, %dma_wait3A_1172] : memref<10112x128xf32, #tpu.memory_space<vmem_shared>> -> memref<8x128xf32, #tpu.memory_space<vmem_shared>>
    %dma_wait3A_1174 = arith.constant 0 : i32
    %dma_wait3A_1175 = tpu.memref_slice %arg12[%add3A_1171, %dma_wait3A_1174] : memref<10112x128xf32, #tpu.memory_space<vmem_shared>> -> memref<8x128xf32, #tpu.memory_space<vmem_shared>>
    tpu.wait_dma2 semaphore(%arg19 : memref<!tpu.dma_semaphore, #tpu.memory_space<semaphore_mem>>) src(%arg11 : memref<8x128xf32, #tpu.memory_space<vmem>>) dst(%dma_wait3A_1175 : memref<8x128xf32, #tpu.memory_space<vmem_shared>>)
    %mul3A_1176 = arith.constant 632 : i32
    %mul3A_1177 = arith.muli %arg1, %mul3A_1176 : i32
    %add3A_1178 = arith.constant 32 : i32
    %add3A_1179 = arith.addi %mul3A_1177, %add3A_1178 : i32
    %dma_wait3A_1180 = arith.constant 0 : i32
    %dma_wait3A_1181 = tpu.memref_slice %arg12[%add3A_1179, %dma_wait3A_1180] : memref<10112x128xf32, #tpu.memory_space<vmem_shared>> -> memref<8x128xf32, #tpu.memory_space<vmem_shared>>
    %dma_wait3A_1182 = arith.constant 0 : i32
    %dma_wait3A_1183 = tpu.memref_slice %arg12[%add3A_1179, %dma_wait3A_1182] : memref<10112x128xf32, #tpu.memory_space<vmem_shared>> -> memref<8x128xf32, #tpu.memory_space<vmem_shared>>
    tpu.wait_dma2 semaphore(%arg19 : memref<!tpu.dma_semaphore, #tpu.memory_space<semaphore_mem>>) src(%arg11 : memref<8x128xf32, #tpu.memory_space<vmem>>) dst(%dma_wait3A_1183 : memref<8x128xf32, #tpu.memory_space<vmem_shared>>)
    %mul3A_1184 = arith.constant 632 : i32
    %mul3A_1185 = arith.muli %arg1, %mul3A_1184 : i32
    %add3A_1186 = arith.constant 40 : i32
    %add3A_1187 = arith.addi %mul3A_1185, %add3A_1186 : i32
    %dma_wait3A_1188 = arith.constant 0 : i32
    %dma_wait3A_1189 = tpu.memref_slice %arg12[%add3A_1187, %dma_wait3A_1188] : memref<10112x128xf32, #tpu.memory_space<vmem_shared>> -> memref<8x128xf32, #tpu.memory_space<vmem_shared>>
    %dma_wait3A_1190 = arith.constant 0 : i32
    %dma_wait3A_1191 = tpu.memref_slice %arg12[%add3A_1187, %dma_wait3A_1190] : memref<10112x128xf32, #tpu.memory_space<vmem_shared>> -> memref<8x128xf32, #tpu.memory_space<vmem_shared>>
    tpu.wait_dma2 semaphore(%arg19 : memref<!tpu.dma_semaphore, #tpu.memory_space<semaphore_mem>>) src(%arg11 : memref<8x128xf32, #tpu.memory_space<vmem>>) dst(%dma_wait3A_1191 : memref<8x128xf32, #tpu.memory_space<vmem_shared>>)
    %mul3A_1192 = arith.constant 632 : i32
    %mul3A_1193 = arith.muli %arg1, %mul3A_1192 : i32
    %add3A_1194 = arith.constant 48 : i32
    %add3A_1195 = arith.addi %mul3A_1193, %add3A_1194 : i32
    %dma_wait3A_1196 = arith.constant 0 : i32
    %dma_wait3A_1197 = tpu.memref_slice %arg12[%add3A_1195, %dma_wait3A_1196] : memref<10112x128xf32, #tpu.memory_space<vmem_shared>> -> memref<8x128xf32, #tpu.memory_space<vmem_shared>>
    %dma_wait3A_1198 = arith.constant 0 : i32
    %dma_wait3A_1199 = tpu.memref_slice %arg12[%add3A_1195, %dma_wait3A_1198] : memref<10112x128xf32, #tpu.memory_space<vmem_shared>> -> memref<8x128xf32, #tpu.memory_space<vmem_shared>>
    tpu.wait_dma2 semaphore(%arg19 : memref<!tpu.dma_semaphore, #tpu.memory_space<semaphore_mem>>) src(%arg11 : memref<8x128xf32, #tpu.memory_space<vmem>>) dst(%dma_wait3A_1199 : memref<8x128xf32, #tpu.memory_space<vmem_shared>>)
    %mul3A_1200 = arith.constant 632 : i32
    %mul3A_1201 = arith.muli %arg1, %mul3A_1200 : i32
    %add3A_1202 = arith.constant 56 : i32
    %add3A_1203 = arith.addi %mul3A_1201, %add3A_1202 : i32
    %dma_wait3A_1204 = arith.constant 0 : i32
    %dma_wait3A_1205 = tpu.memref_slice %arg12[%add3A_1203, %dma_wait3A_1204] : memref<10112x128xf32, #tpu.memory_space<vmem_shared>> -> memref<8x128xf32, #tpu.memory_space<vmem_shared>>
    %dma_wait3A_1206 = arith.constant 0 : i32
    %dma_wait3A_1207 = tpu.memref_slice %arg12[%add3A_1203, %dma_wait3A_1206] : memref<10112x128xf32, #tpu.memory_space<vmem_shared>> -> memref<8x128xf32, #tpu.memory_space<vmem_shared>>
    tpu.wait_dma2 semaphore(%arg19 : memref<!tpu.dma_semaphore, #tpu.memory_space<semaphore_mem>>) src(%arg11 : memref<8x128xf32, #tpu.memory_space<vmem>>) dst(%dma_wait3A_1207 : memref<8x128xf32, #tpu.memory_space<vmem_shared>>)
    %mul3A_1208 = arith.constant 632 : i32
    %mul3A_1209 = arith.muli %arg1, %mul3A_1208 : i32
    %add3A_1210 = arith.constant 64 : i32
    %add3A_1211 = arith.addi %mul3A_1209, %add3A_1210 : i32
    %dma_wait3A_1212 = arith.constant 0 : i32
    %dma_wait3A_1213 = tpu.memref_slice %arg12[%add3A_1211, %dma_wait3A_1212] : memref<10112x128xf32, #tpu.memory_space<vmem_shared>> -> memref<8x128xf32, #tpu.memory_space<vmem_shared>>
    %dma_wait3A_1214 = arith.constant 0 : i32
    %dma_wait3A_1215 = tpu.memref_slice %arg12[%add3A_1211, %dma_wait3A_1214] : memref<10112x128xf32, #tpu.memory_space<vmem_shared>> -> memref<8x128xf32, #tpu.memory_space<vmem_shared>>
    tpu.wait_dma2 semaphore(%arg19 : memref<!tpu.dma_semaphore, #tpu.memory_space<semaphore_mem>>) src(%arg11 : memref<8x128xf32, #tpu.memory_space<vmem>>) dst(%dma_wait3A_1215 : memref<8x128xf32, #tpu.memory_space<vmem_shared>>)
    %mul3A_1216 = arith.constant 632 : i32
    %mul3A_1217 = arith.muli %arg1, %mul3A_1216 : i32
    %add3A_1218 = arith.constant 72 : i32
    %add3A_1219 = arith.addi %mul3A_1217, %add3A_1218 : i32
    %dma_wait3A_1220 = arith.constant 0 : i32
    %dma_wait3A_1221 = tpu.memref_slice %arg12[%add3A_1219, %dma_wait3A_1220] : memref<10112x128xf32, #tpu.memory_space<vmem_shared>> -> memref<8x128xf32, #tpu.memory_space<vmem_shared>>
    %dma_wait3A_1222 = arith.constant 0 : i32
    %dma_wait3A_1223 = tpu.memref_slice %arg12[%add3A_1219, %dma_wait3A_1222] : memref<10112x128xf32, #tpu.memory_space<vmem_shared>> -> memref<8x128xf32, #tpu.memory_space<vmem_shared>>
    tpu.wait_dma2 semaphore(%arg19 : memref<!tpu.dma_semaphore, #tpu.memory_space<semaphore_mem>>) src(%arg11 : memref<8x128xf32, #tpu.memory_space<vmem>>) dst(%dma_wait3A_1223 : memref<8x128xf32, #tpu.memory_space<vmem_shared>>)
    %mul3A_1224 = arith.constant 632 : i32
    %mul3A_1225 = arith.muli %arg1, %mul3A_1224 : i32
    %add3A_1226 = arith.constant 80 : i32
    %add3A_1227 = arith.addi %mul3A_1225, %add3A_1226 : i32
    %dma_wait3A_1228 = arith.constant 0 : i32
    %dma_wait3A_1229 = tpu.memref_slice %arg12[%add3A_1227, %dma_wait3A_1228] : memref<10112x128xf32, #tpu.memory_space<vmem_shared>> -> memref<8x128xf32, #tpu.memory_space<vmem_shared>>
    %dma_wait3A_1230 = arith.constant 0 : i32
    %dma_wait3A_1231 = tpu.memref_slice %arg12[%add3A_1227, %dma_wait3A_1230] : memref<10112x128xf32, #tpu.memory_space<vmem_shared>> -> memref<8x128xf32, #tpu.memory_space<vmem_shared>>
    tpu.wait_dma2 semaphore(%arg19 : memref<!tpu.dma_semaphore, #tpu.memory_space<semaphore_mem>>) src(%arg11 : memref<8x128xf32, #tpu.memory_space<vmem>>) dst(%dma_wait3A_1231 : memref<8x128xf32, #tpu.memory_space<vmem_shared>>)
    %mul3A_1232 = arith.constant 632 : i32
    %mul3A_1233 = arith.muli %arg1, %mul3A_1232 : i32
    %add3A_1234 = arith.constant 88 : i32
    %add3A_1235 = arith.addi %mul3A_1233, %add3A_1234 : i32
    %dma_wait3A_1236 = arith.constant 0 : i32
    %dma_wait3A_1237 = tpu.memref_slice %arg12[%add3A_1235, %dma_wait3A_1236] : memref<10112x128xf32, #tpu.memory_space<vmem_shared>> -> memref<8x128xf32, #tpu.memory_space<vmem_shared>>
    %dma_wait3A_1238 = arith.constant 0 : i32
    %dma_wait3A_1239 = tpu.memref_slice %arg12[%add3A_1235, %dma_wait3A_1238] : memref<10112x128xf32, #tpu.memory_space<vmem_shared>> -> memref<8x128xf32, #tpu.memory_space<vmem_shared>>
    tpu.wait_dma2 semaphore(%arg19 : memref<!tpu.dma_semaphore, #tpu.memory_space<semaphore_mem>>) src(%arg11 : memref<8x128xf32, #tpu.memory_space<vmem>>) dst(%dma_wait3A_1239 : memref<8x128xf32, #tpu.memory_space<vmem_shared>>)
    %mul3A_1240 = arith.constant 632 : i32
    %mul3A_1241 = arith.muli %arg1, %mul3A_1240 : i32
    %add3A_1242 = arith.constant 96 : i32
    %add3A_1243 = arith.addi %mul3A_1241, %add3A_1242 : i32
    %dma_wait3A_1244 = arith.constant 0 : i32
    %dma_wait3A_1245 = tpu.memref_slice %arg12[%add3A_1243, %dma_wait3A_1244] : memref<10112x128xf32, #tpu.memory_space<vmem_shared>> -> memref<8x128xf32, #tpu.memory_space<vmem_shared>>
    %dma_wait3A_1246 = arith.constant 0 : i32
    %dma_wait3A_1247 = tpu.memref_slice %arg12[%add3A_1243, %dma_wait3A_1246] : memref<10112x128xf32, #tpu.memory_space<vmem_shared>> -> memref<8x128xf32, #tpu.memory_space<vmem_shared>>
    tpu.wait_dma2 semaphore(%arg19 : memref<!tpu.dma_semaphore, #tpu.memory_space<semaphore_mem>>) src(%arg11 : memref<8x128xf32, #tpu.memory_space<vmem>>) dst(%dma_wait3A_1247 : memref<8x128xf32, #tpu.memory_space<vmem_shared>>)
    %mul3A_1248 = arith.constant 632 : i32
    %mul3A_1249 = arith.muli %arg1, %mul3A_1248 : i32
    %add3A_1250 = arith.constant 104 : i32
    %add3A_1251 = arith.addi %mul3A_1249, %add3A_1250 : i32
    %dma_wait3A_1252 = arith.constant 0 : i32
    %dma_wait3A_1253 = tpu.memref_slice %arg12[%add3A_1251, %dma_wait3A_1252] : memref<10112x128xf32, #tpu.memory_space<vmem_shared>> -> memref<8x128xf32, #tpu.memory_space<vmem_shared>>
    %dma_wait3A_1254 = arith.constant 0 : i32
    %dma_wait3A_1255 = tpu.memref_slice %arg12[%add3A_1251, %dma_wait3A_1254] : memref<10112x128xf32, #tpu.memory_space<vmem_shared>> -> memref<8x128xf32, #tpu.memory_space<vmem_shared>>
    tpu.wait_dma2 semaphore(%arg19 : memref<!tpu.dma_semaphore, #tpu.memory_space<semaphore_mem>>) src(%arg11 : memref<8x128xf32, #tpu.memory_space<vmem>>) dst(%dma_wait3A_1255 : memref<8x128xf32, #tpu.memory_space<vmem_shared>>)
    %mul3A_1256 = arith.constant 632 : i32
    %mul3A_1257 = arith.muli %arg1, %mul3A_1256 : i32
    %add3A_1258 = arith.constant 112 : i32
    %add3A_1259 = arith.addi %mul3A_1257, %add3A_1258 : i32
    %dma_wait3A_1260 = arith.constant 0 : i32
    %dma_wait3A_1261 = tpu.memref_slice %arg12[%add3A_1259, %dma_wait3A_1260] : memref<10112x128xf32, #tpu.memory_space<vmem_shared>> -> memref<8x128xf32, #tpu.memory_space<vmem_shared>>
    %dma_wait3A_1262 = arith.constant 0 : i32
    %dma_wait3A_1263 = tpu.memref_slice %arg12[%add3A_1259, %dma_wait3A_1262] : memref<10112x128xf32, #tpu.memory_space<vmem_shared>> -> memref<8x128xf32, #tpu.memory_space<vmem_shared>>
    tpu.wait_dma2 semaphore(%arg19 : memref<!tpu.dma_semaphore, #tpu.memory_space<semaphore_mem>>) src(%arg11 : memref<8x128xf32, #tpu.memory_space<vmem>>) dst(%dma_wait3A_1263 : memref<8x128xf32, #tpu.memory_space<vmem_shared>>)
    %mul3A_1264 = arith.constant 632 : i32
    %mul3A_1265 = arith.muli %arg1, %mul3A_1264 : i32
    %add3A_1266 = arith.constant 120 : i32
    %add3A_1267 = arith.addi %mul3A_1265, %add3A_1266 : i32
    %dma_wait3A_1268 = arith.constant 0 : i32
    %dma_wait3A_1269 = tpu.memref_slice %arg12[%add3A_1267, %dma_wait3A_1268] : memref<10112x128xf32, #tpu.memory_space<vmem_shared>> -> memref<8x128xf32, #tpu.memory_space<vmem_shared>>
    %dma_wait3A_1270 = arith.constant 0 : i32
    %dma_wait3A_1271 = tpu.memref_slice %arg12[%add3A_1267, %dma_wait3A_1270] : memref<10112x128xf32, #tpu.memory_space<vmem_shared>> -> memref<8x128xf32, #tpu.memory_space<vmem_shared>>
    tpu.wait_dma2 semaphore(%arg19 : memref<!tpu.dma_semaphore, #tpu.memory_space<semaphore_mem>>) src(%arg11 : memref<8x128xf32, #tpu.memory_space<vmem>>) dst(%dma_wait3A_1271 : memref<8x128xf32, #tpu.memory_space<vmem_shared>>)
    %mul3A_1272 = arith.constant 632 : i32
    %mul3A_1273 = arith.muli %arg1, %mul3A_1272 : i32
    %add3A_1274 = arith.constant 128 : i32
    %add3A_1275 = arith.addi %mul3A_1273, %add3A_1274 : i32
    %dma_wait3A_1276 = arith.constant 0 : i32
    %dma_wait3A_1277 = tpu.memref_slice %arg12[%add3A_1275, %dma_wait3A_1276] : memref<10112x128xf32, #tpu.memory_space<vmem_shared>> -> memref<8x128xf32, #tpu.memory_space<vmem_shared>>
    %dma_wait3A_1278 = arith.constant 0 : i32
    %dma_wait3A_1279 = tpu.memref_slice %arg12[%add3A_1275, %dma_wait3A_1278] : memref<10112x128xf32, #tpu.memory_space<vmem_shared>> -> memref<8x128xf32, #tpu.memory_space<vmem_shared>>
    tpu.wait_dma2 semaphore(%arg19 : memref<!tpu.dma_semaphore, #tpu.memory_space<semaphore_mem>>) src(%arg11 : memref<8x128xf32, #tpu.memory_space<vmem>>) dst(%dma_wait3A_1279 : memref<8x128xf32, #tpu.memory_space<vmem_shared>>)
    %mul3A_1280 = arith.constant 632 : i32
    %mul3A_1281 = arith.muli %arg1, %mul3A_1280 : i32
    %add3A_1282 = arith.constant 136 : i32
    %add3A_1283 = arith.addi %mul3A_1281, %add3A_1282 : i32
    %dma_wait3A_1284 = arith.constant 0 : i32
    %dma_wait3A_1285 = tpu.memref_slice %arg12[%add3A_1283, %dma_wait3A_1284] : memref<10112x128xf32, #tpu.memory_space<vmem_shared>> -> memref<8x128xf32, #tpu.memory_space<vmem_shared>>
    %dma_wait3A_1286 = arith.constant 0 : i32
    %dma_wait3A_1287 = tpu.memref_slice %arg12[%add3A_1283, %dma_wait3A_1286] : memref<10112x128xf32, #tpu.memory_space<vmem_shared>> -> memref<8x128xf32, #tpu.memory_space<vmem_shared>>
    tpu.wait_dma2 semaphore(%arg19 : memref<!tpu.dma_semaphore, #tpu.memory_space<semaphore_mem>>) src(%arg11 : memref<8x128xf32, #tpu.memory_space<vmem>>) dst(%dma_wait3A_1287 : memref<8x128xf32, #tpu.memory_space<vmem_shared>>)
    %mul3A_1288 = arith.constant 632 : i32
    %mul3A_1289 = arith.muli %arg1, %mul3A_1288 : i32
    %add3A_1290 = arith.constant 144 : i32
    %add3A_1291 = arith.addi %mul3A_1289, %add3A_1290 : i32
    %dma_wait3A_1292 = arith.constant 0 : i32
    %dma_wait3A_1293 = tpu.memref_slice %arg12[%add3A_1291, %dma_wait3A_1292] : memref<10112x128xf32, #tpu.memory_space<vmem_shared>> -> memref<8x128xf32, #tpu.memory_space<vmem_shared>>
    %dma_wait3A_1294 = arith.constant 0 : i32
    %dma_wait3A_1295 = tpu.memref_slice %arg12[%add3A_1291, %dma_wait3A_1294] : memref<10112x128xf32, #tpu.memory_space<vmem_shared>> -> memref<8x128xf32, #tpu.memory_space<vmem_shared>>
    tpu.wait_dma2 semaphore(%arg19 : memref<!tpu.dma_semaphore, #tpu.memory_space<semaphore_mem>>) src(%arg11 : memref<8x128xf32, #tpu.memory_space<vmem>>) dst(%dma_wait3A_1295 : memref<8x128xf32, #tpu.memory_space<vmem_shared>>)
    %mul3A_1296 = arith.constant 632 : i32
    %mul3A_1297 = arith.muli %arg1, %mul3A_1296 : i32
    %add3A_1298 = arith.constant 152 : i32
    %add3A_1299 = arith.addi %mul3A_1297, %add3A_1298 : i32
    %dma_wait3A_1300 = arith.constant 0 : i32
    %dma_wait3A_1301 = tpu.memref_slice %arg12[%add3A_1299, %dma_wait3A_1300] : memref<10112x128xf32, #tpu.memory_space<vmem_shared>> -> memref<8x128xf32, #tpu.memory_space<vmem_shared>>
    %dma_wait3A_1302 = arith.constant 0 : i32
    %dma_wait3A_1303 = tpu.memref_slice %arg12[%add3A_1299, %dma_wait3A_1302] : memref<10112x128xf32, #tpu.memory_space<vmem_shared>> -> memref<8x128xf32, #tpu.memory_space<vmem_shared>>
    tpu.wait_dma2 semaphore(%arg19 : memref<!tpu.dma_semaphore, #tpu.memory_space<semaphore_mem>>) src(%arg11 : memref<8x128xf32, #tpu.memory_space<vmem>>) dst(%dma_wait3A_1303 : memref<8x128xf32, #tpu.memory_space<vmem_shared>>)
    %mul3A_1304 = arith.constant 632 : i32
    %mul3A_1305 = arith.muli %arg1, %mul3A_1304 : i32
    %add3A_1306 = arith.constant 160 : i32
    %add3A_1307 = arith.addi %mul3A_1305, %add3A_1306 : i32
    %dma_wait3A_1308 = arith.constant 0 : i32
    %dma_wait3A_1309 = tpu.memref_slice %arg12[%add3A_1307, %dma_wait3A_1308] : memref<10112x128xf32, #tpu.memory_space<vmem_shared>> -> memref<8x128xf32, #tpu.memory_space<vmem_shared>>
    %dma_wait3A_1310 = arith.constant 0 : i32
    %dma_wait3A_1311 = tpu.memref_slice %arg12[%add3A_1307, %dma_wait3A_1310] : memref<10112x128xf32, #tpu.memory_space<vmem_shared>> -> memref<8x128xf32, #tpu.memory_space<vmem_shared>>
    tpu.wait_dma2 semaphore(%arg19 : memref<!tpu.dma_semaphore, #tpu.memory_space<semaphore_mem>>) src(%arg11 : memref<8x128xf32, #tpu.memory_space<vmem>>) dst(%dma_wait3A_1311 : memref<8x128xf32, #tpu.memory_space<vmem_shared>>)
    %mul3A_1312 = arith.constant 632 : i32
    %mul3A_1313 = arith.muli %arg1, %mul3A_1312 : i32
    %add3A_1314 = arith.constant 168 : i32
    %add3A_1315 = arith.addi %mul3A_1313, %add3A_1314 : i32
    %dma_wait3A_1316 = arith.constant 0 : i32
    %dma_wait3A_1317 = tpu.memref_slice %arg12[%add3A_1315, %dma_wait3A_1316] : memref<10112x128xf32, #tpu.memory_space<vmem_shared>> -> memref<8x128xf32, #tpu.memory_space<vmem_shared>>
    %dma_wait3A_1318 = arith.constant 0 : i32
    %dma_wait3A_1319 = tpu.memref_slice %arg12[%add3A_1315, %dma_wait3A_1318] : memref<10112x128xf32, #tpu.memory_space<vmem_shared>> -> memref<8x128xf32, #tpu.memory_space<vmem_shared>>
    tpu.wait_dma2 semaphore(%arg19 : memref<!tpu.dma_semaphore, #tpu.memory_space<semaphore_mem>>) src(%arg11 : memref<8x128xf32, #tpu.memory_space<vmem>>) dst(%dma_wait3A_1319 : memref<8x128xf32, #tpu.memory_space<vmem_shared>>)
    %mul3A_1320 = arith.constant 632 : i32
    %mul3A_1321 = arith.muli %arg1, %mul3A_1320 : i32
    %add3A_1322 = arith.constant 176 : i32
    %add3A_1323 = arith.addi %mul3A_1321, %add3A_1322 : i32
    %dma_wait3A_1324 = arith.constant 0 : i32
    %dma_wait3A_1325 = tpu.memref_slice %arg12[%add3A_1323, %dma_wait3A_1324] : memref<10112x128xf32, #tpu.memory_space<vmem_shared>> -> memref<8x128xf32, #tpu.memory_space<vmem_shared>>
    %dma_wait3A_1326 = arith.constant 0 : i32
    %dma_wait3A_1327 = tpu.memref_slice %arg12[%add3A_1323, %dma_wait3A_1326] : memref<10112x128xf32, #tpu.memory_space<vmem_shared>> -> memref<8x128xf32, #tpu.memory_space<vmem_shared>>
    tpu.wait_dma2 semaphore(%arg19 : memref<!tpu.dma_semaphore, #tpu.memory_space<semaphore_mem>>) src(%arg11 : memref<8x128xf32, #tpu.memory_space<vmem>>) dst(%dma_wait3A_1327 : memref<8x128xf32, #tpu.memory_space<vmem_shared>>)
    %mul3A_1328 = arith.constant 632 : i32
    %mul3A_1329 = arith.muli %arg1, %mul3A_1328 : i32
    %add3A_1330 = arith.constant 184 : i32
    %add3A_1331 = arith.addi %mul3A_1329, %add3A_1330 : i32
    %dma_wait3A_1332 = arith.constant 0 : i32
    %dma_wait3A_1333 = tpu.memref_slice %arg12[%add3A_1331, %dma_wait3A_1332] : memref<10112x128xf32, #tpu.memory_space<vmem_shared>> -> memref<8x128xf32, #tpu.memory_space<vmem_shared>>
    %dma_wait3A_1334 = arith.constant 0 : i32
    %dma_wait3A_1335 = tpu.memref_slice %arg12[%add3A_1331, %dma_wait3A_1334] : memref<10112x128xf32, #tpu.memory_space<vmem_shared>> -> memref<8x128xf32, #tpu.memory_space<vmem_shared>>
    tpu.wait_dma2 semaphore(%arg19 : memref<!tpu.dma_semaphore, #tpu.memory_space<semaphore_mem>>) src(%arg11 : memref<8x128xf32, #tpu.memory_space<vmem>>) dst(%dma_wait3A_1335 : memref<8x128xf32, #tpu.memory_space<vmem_shared>>)
    %mul3A_1336 = arith.constant 632 : i32
    %mul3A_1337 = arith.muli %arg1, %mul3A_1336 : i32
    %add3A_1338 = arith.constant 192 : i32
    %add3A_1339 = arith.addi %mul3A_1337, %add3A_1338 : i32
    %dma_wait3A_1340 = arith.constant 0 : i32
    %dma_wait3A_1341 = tpu.memref_slice %arg12[%add3A_1339, %dma_wait3A_1340] : memref<10112x128xf32, #tpu.memory_space<vmem_shared>> -> memref<8x128xf32, #tpu.memory_space<vmem_shared>>
    %dma_wait3A_1342 = arith.constant 0 : i32
    %dma_wait3A_1343 = tpu.memref_slice %arg12[%add3A_1339, %dma_wait3A_1342] : memref<10112x128xf32, #tpu.memory_space<vmem_shared>> -> memref<8x128xf32, #tpu.memory_space<vmem_shared>>
    tpu.wait_dma2 semaphore(%arg19 : memref<!tpu.dma_semaphore, #tpu.memory_space<semaphore_mem>>) src(%arg11 : memref<8x128xf32, #tpu.memory_space<vmem>>) dst(%dma_wait3A_1343 : memref<8x128xf32, #tpu.memory_space<vmem_shared>>)
    %mul3A_1344 = arith.constant 632 : i32
    %mul3A_1345 = arith.muli %arg1, %mul3A_1344 : i32
    %add3A_1346 = arith.constant 200 : i32
    %add3A_1347 = arith.addi %mul3A_1345, %add3A_1346 : i32
    %dma_wait3A_1348 = arith.constant 0 : i32
    %dma_wait3A_1349 = tpu.memref_slice %arg12[%add3A_1347, %dma_wait3A_1348] : memref<10112x128xf32, #tpu.memory_space<vmem_shared>> -> memref<8x128xf32, #tpu.memory_space<vmem_shared>>
    %dma_wait3A_1350 = arith.constant 0 : i32
    %dma_wait3A_1351 = tpu.memref_slice %arg12[%add3A_1347, %dma_wait3A_1350] : memref<10112x128xf32, #tpu.memory_space<vmem_shared>> -> memref<8x128xf32, #tpu.memory_space<vmem_shared>>
    tpu.wait_dma2 semaphore(%arg19 : memref<!tpu.dma_semaphore, #tpu.memory_space<semaphore_mem>>) src(%arg11 : memref<8x128xf32, #tpu.memory_space<vmem>>) dst(%dma_wait3A_1351 : memref<8x128xf32, #tpu.memory_space<vmem_shared>>)
    %mul3A_1352 = arith.constant 632 : i32
    %mul3A_1353 = arith.muli %arg1, %mul3A_1352 : i32
    %add3A_1354 = arith.constant 208 : i32
    %add3A_1355 = arith.addi %mul3A_1353, %add3A_1354 : i32
    %dma_wait3A_1356 = arith.constant 0 : i32
    %dma_wait3A_1357 = tpu.memref_slice %arg12[%add3A_1355, %dma_wait3A_1356] : memref<10112x128xf32, #tpu.memory_space<vmem_shared>> -> memref<8x128xf32, #tpu.memory_space<vmem_shared>>
    %dma_wait3A_1358 = arith.constant 0 : i32
    %dma_wait3A_1359 = tpu.memref_slice %arg12[%add3A_1355, %dma_wait3A_1358] : memref<10112x128xf32, #tpu.memory_space<vmem_shared>> -> memref<8x128xf32, #tpu.memory_space<vmem_shared>>
    tpu.wait_dma2 semaphore(%arg19 : memref<!tpu.dma_semaphore, #tpu.memory_space<semaphore_mem>>) src(%arg11 : memref<8x128xf32, #tpu.memory_space<vmem>>) dst(%dma_wait3A_1359 : memref<8x128xf32, #tpu.memory_space<vmem_shared>>)
    %mul3A_1360 = arith.constant 632 : i32
    %mul3A_1361 = arith.muli %arg1, %mul3A_1360 : i32
    %add3A_1362 = arith.constant 216 : i32
    %add3A_1363 = arith.addi %mul3A_1361, %add3A_1362 : i32
    %dma_wait3A_1364 = arith.constant 0 : i32
    %dma_wait3A_1365 = tpu.memref_slice %arg12[%add3A_1363, %dma_wait3A_1364] : memref<10112x128xf32, #tpu.memory_space<vmem_shared>> -> memref<8x128xf32, #tpu.memory_space<vmem_shared>>
    %dma_wait3A_1366 = arith.constant 0 : i32
    %dma_wait3A_1367 = tpu.memref_slice %arg12[%add3A_1363, %dma_wait3A_1366] : memref<10112x128xf32, #tpu.memory_space<vmem_shared>> -> memref<8x128xf32, #tpu.memory_space<vmem_shared>>
    tpu.wait_dma2 semaphore(%arg19 : memref<!tpu.dma_semaphore, #tpu.memory_space<semaphore_mem>>) src(%arg11 : memref<8x128xf32, #tpu.memory_space<vmem>>) dst(%dma_wait3A_1367 : memref<8x128xf32, #tpu.memory_space<vmem_shared>>)
    %mul3A_1368 = arith.constant 632 : i32
    %mul3A_1369 = arith.muli %arg1, %mul3A_1368 : i32
    %add3A_1370 = arith.constant 224 : i32
    %add3A_1371 = arith.addi %mul3A_1369, %add3A_1370 : i32
    %dma_wait3A_1372 = arith.constant 0 : i32
    %dma_wait3A_1373 = tpu.memref_slice %arg12[%add3A_1371, %dma_wait3A_1372] : memref<10112x128xf32, #tpu.memory_space<vmem_shared>> -> memref<8x128xf32, #tpu.memory_space<vmem_shared>>
    %dma_wait3A_1374 = arith.constant 0 : i32
    %dma_wait3A_1375 = tpu.memref_slice %arg12[%add3A_1371, %dma_wait3A_1374] : memref<10112x128xf32, #tpu.memory_space<vmem_shared>> -> memref<8x128xf32, #tpu.memory_space<vmem_shared>>
    tpu.wait_dma2 semaphore(%arg19 : memref<!tpu.dma_semaphore, #tpu.memory_space<semaphore_mem>>) src(%arg11 : memref<8x128xf32, #tpu.memory_space<vmem>>) dst(%dma_wait3A_1375 : memref<8x128xf32, #tpu.memory_space<vmem_shared>>)
    %mul3A_1376 = arith.constant 632 : i32
    %mul3A_1377 = arith.muli %arg1, %mul3A_1376 : i32
    %add3A_1378 = arith.constant 232 : i32
    %add3A_1379 = arith.addi %mul3A_1377, %add3A_1378 : i32
    %dma_wait3A_1380 = arith.constant 0 : i32
    %dma_wait3A_1381 = tpu.memref_slice %arg12[%add3A_1379, %dma_wait3A_1380] : memref<10112x128xf32, #tpu.memory_space<vmem_shared>> -> memref<8x128xf32, #tpu.memory_space<vmem_shared>>
    %dma_wait3A_1382 = arith.constant 0 : i32
    %dma_wait3A_1383 = tpu.memref_slice %arg12[%add3A_1379, %dma_wait3A_1382] : memref<10112x128xf32, #tpu.memory_space<vmem_shared>> -> memref<8x128xf32, #tpu.memory_space<vmem_shared>>
    tpu.wait_dma2 semaphore(%arg19 : memref<!tpu.dma_semaphore, #tpu.memory_space<semaphore_mem>>) src(%arg11 : memref<8x128xf32, #tpu.memory_space<vmem>>) dst(%dma_wait3A_1383 : memref<8x128xf32, #tpu.memory_space<vmem_shared>>)
    %mul3A_1384 = arith.constant 632 : i32
    %mul3A_1385 = arith.muli %arg1, %mul3A_1384 : i32
    %add3A_1386 = arith.constant 240 : i32
    %add3A_1387 = arith.addi %mul3A_1385, %add3A_1386 : i32
    %dma_wait3A_1388 = arith.constant 0 : i32
    %dma_wait3A_1389 = tpu.memref_slice %arg12[%add3A_1387, %dma_wait3A_1388] : memref<10112x128xf32, #tpu.memory_space<vmem_shared>> -> memref<8x128xf32, #tpu.memory_space<vmem_shared>>
    %dma_wait3A_1390 = arith.constant 0 : i32
    %dma_wait3A_1391 = tpu.memref_slice %arg12[%add3A_1387, %dma_wait3A_1390] : memref<10112x128xf32, #tpu.memory_space<vmem_shared>> -> memref<8x128xf32, #tpu.memory_space<vmem_shared>>
    tpu.wait_dma2 semaphore(%arg19 : memref<!tpu.dma_semaphore, #tpu.memory_space<semaphore_mem>>) src(%arg11 : memref<8x128xf32, #tpu.memory_space<vmem>>) dst(%dma_wait3A_1391 : memref<8x128xf32, #tpu.memory_space<vmem_shared>>)
    %mul3A_1392 = arith.constant 632 : i32
    %mul3A_1393 = arith.muli %arg1, %mul3A_1392 : i32
    %add3A_1394 = arith.constant 248 : i32
    %add3A_1395 = arith.addi %mul3A_1393, %add3A_1394 : i32
    %dma_wait3A_1396 = arith.constant 0 : i32
    %dma_wait3A_1397 = tpu.memref_slice %arg12[%add3A_1395, %dma_wait3A_1396] : memref<10112x128xf32, #tpu.memory_space<vmem_shared>> -> memref<8x128xf32, #tpu.memory_space<vmem_shared>>
    %dma_wait3A_1398 = arith.constant 0 : i32
    %dma_wait3A_1399 = tpu.memref_slice %arg12[%add3A_1395, %dma_wait3A_1398] : memref<10112x128xf32, #tpu.memory_space<vmem_shared>> -> memref<8x128xf32, #tpu.memory_space<vmem_shared>>
    tpu.wait_dma2 semaphore(%arg19 : memref<!tpu.dma_semaphore, #tpu.memory_space<semaphore_mem>>) src(%arg11 : memref<8x128xf32, #tpu.memory_space<vmem>>) dst(%dma_wait3A_1399 : memref<8x128xf32, #tpu.memory_space<vmem_shared>>)
    %mul3A_1400 = arith.constant 632 : i32
    %mul3A_1401 = arith.muli %arg1, %mul3A_1400 : i32
    %add3A_1402 = arith.constant 256 : i32
    %add3A_1403 = arith.addi %mul3A_1401, %add3A_1402 : i32
    %dma_wait3A_1404 = arith.constant 0 : i32
    %dma_wait3A_1405 = tpu.memref_slice %arg12[%add3A_1403, %dma_wait3A_1404] : memref<10112x128xf32, #tpu.memory_space<vmem_shared>> -> memref<8x128xf32, #tpu.memory_space<vmem_shared>>
    %dma_wait3A_1406 = arith.constant 0 : i32
    %dma_wait3A_1407 = tpu.memref_slice %arg12[%add3A_1403, %dma_wait3A_1406] : memref<10112x128xf32, #tpu.memory_space<vmem_shared>> -> memref<8x128xf32, #tpu.memory_space<vmem_shared>>
    tpu.wait_dma2 semaphore(%arg19 : memref<!tpu.dma_semaphore, #tpu.memory_space<semaphore_mem>>) src(%arg11 : memref<8x128xf32, #tpu.memory_space<vmem>>) dst(%dma_wait3A_1407 : memref<8x128xf32, #tpu.memory_space<vmem_shared>>)
    %mul3A_1408 = arith.constant 632 : i32
    %mul3A_1409 = arith.muli %arg1, %mul3A_1408 : i32
    %add3A_1410 = arith.constant 264 : i32
    %add3A_1411 = arith.addi %mul3A_1409, %add3A_1410 : i32
    %dma_wait3A_1412 = arith.constant 0 : i32
    %dma_wait3A_1413 = tpu.memref_slice %arg12[%add3A_1411, %dma_wait3A_1412] : memref<10112x128xf32, #tpu.memory_space<vmem_shared>> -> memref<8x128xf32, #tpu.memory_space<vmem_shared>>
    %dma_wait3A_1414 = arith.constant 0 : i32
    %dma_wait3A_1415 = tpu.memref_slice %arg12[%add3A_1411, %dma_wait3A_1414] : memref<10112x128xf32, #tpu.memory_space<vmem_shared>> -> memref<8x128xf32, #tpu.memory_space<vmem_shared>>
    tpu.wait_dma2 semaphore(%arg19 : memref<!tpu.dma_semaphore, #tpu.memory_space<semaphore_mem>>) src(%arg11 : memref<8x128xf32, #tpu.memory_space<vmem>>) dst(%dma_wait3A_1415 : memref<8x128xf32, #tpu.memory_space<vmem_shared>>)
    %mul3A_1416 = arith.constant 632 : i32
    %mul3A_1417 = arith.muli %arg1, %mul3A_1416 : i32
    %add3A_1418 = arith.constant 272 : i32
    %add3A_1419 = arith.addi %mul3A_1417, %add3A_1418 : i32
    %dma_wait3A_1420 = arith.constant 0 : i32
    %dma_wait3A_1421 = tpu.memref_slice %arg12[%add3A_1419, %dma_wait3A_1420] : memref<10112x128xf32, #tpu.memory_space<vmem_shared>> -> memref<8x128xf32, #tpu.memory_space<vmem_shared>>
    %dma_wait3A_1422 = arith.constant 0 : i32
    %dma_wait3A_1423 = tpu.memref_slice %arg12[%add3A_1419, %dma_wait3A_1422] : memref<10112x128xf32, #tpu.memory_space<vmem_shared>> -> memref<8x128xf32, #tpu.memory_space<vmem_shared>>
    tpu.wait_dma2 semaphore(%arg19 : memref<!tpu.dma_semaphore, #tpu.memory_space<semaphore_mem>>) src(%arg11 : memref<8x128xf32, #tpu.memory_space<vmem>>) dst(%dma_wait3A_1423 : memref<8x128xf32, #tpu.memory_space<vmem_shared>>)
    %mul3A_1424 = arith.constant 632 : i32
    %mul3A_1425 = arith.muli %arg1, %mul3A_1424 : i32
    %add3A_1426 = arith.constant 280 : i32
    %add3A_1427 = arith.addi %mul3A_1425, %add3A_1426 : i32
    %dma_wait3A_1428 = arith.constant 0 : i32
    %dma_wait3A_1429 = tpu.memref_slice %arg12[%add3A_1427, %dma_wait3A_1428] : memref<10112x128xf32, #tpu.memory_space<vmem_shared>> -> memref<8x128xf32, #tpu.memory_space<vmem_shared>>
    %dma_wait3A_1430 = arith.constant 0 : i32
    %dma_wait3A_1431 = tpu.memref_slice %arg12[%add3A_1427, %dma_wait3A_1430] : memref<10112x128xf32, #tpu.memory_space<vmem_shared>> -> memref<8x128xf32, #tpu.memory_space<vmem_shared>>
    tpu.wait_dma2 semaphore(%arg19 : memref<!tpu.dma_semaphore, #tpu.memory_space<semaphore_mem>>) src(%arg11 : memref<8x128xf32, #tpu.memory_space<vmem>>) dst(%dma_wait3A_1431 : memref<8x128xf32, #tpu.memory_space<vmem_shared>>)
    %mul3A_1432 = arith.constant 632 : i32
    %mul3A_1433 = arith.muli %arg1, %mul3A_1432 : i32
    %add3A_1434 = arith.constant 288 : i32
    %add3A_1435 = arith.addi %mul3A_1433, %add3A_1434 : i32
    %dma_wait3A_1436 = arith.constant 0 : i32
    %dma_wait3A_1437 = tpu.memref_slice %arg12[%add3A_1435, %dma_wait3A_1436] : memref<10112x128xf32, #tpu.memory_space<vmem_shared>> -> memref<8x128xf32, #tpu.memory_space<vmem_shared>>
    %dma_wait3A_1438 = arith.constant 0 : i32
    %dma_wait3A_1439 = tpu.memref_slice %arg12[%add3A_1435, %dma_wait3A_1438] : memref<10112x128xf32, #tpu.memory_space<vmem_shared>> -> memref<8x128xf32, #tpu.memory_space<vmem_shared>>
    tpu.wait_dma2 semaphore(%arg19 : memref<!tpu.dma_semaphore, #tpu.memory_space<semaphore_mem>>) src(%arg11 : memref<8x128xf32, #tpu.memory_space<vmem>>) dst(%dma_wait3A_1439 : memref<8x128xf32, #tpu.memory_space<vmem_shared>>)
    %mul3A_1440 = arith.constant 632 : i32
    %mul3A_1441 = arith.muli %arg1, %mul3A_1440 : i32
    %add3A_1442 = arith.constant 296 : i32
    %add3A_1443 = arith.addi %mul3A_1441, %add3A_1442 : i32
    %dma_wait3A_1444 = arith.constant 0 : i32
    %dma_wait3A_1445 = tpu.memref_slice %arg12[%add3A_1443, %dma_wait3A_1444] : memref<10112x128xf32, #tpu.memory_space<vmem_shared>> -> memref<8x128xf32, #tpu.memory_space<vmem_shared>>
    %dma_wait3A_1446 = arith.constant 0 : i32
    %dma_wait3A_1447 = tpu.memref_slice %arg12[%add3A_1443, %dma_wait3A_1446] : memref<10112x128xf32, #tpu.memory_space<vmem_shared>> -> memref<8x128xf32, #tpu.memory_space<vmem_shared>>
    tpu.wait_dma2 semaphore(%arg19 : memref<!tpu.dma_semaphore, #tpu.memory_space<semaphore_mem>>) src(%arg11 : memref<8x128xf32, #tpu.memory_space<vmem>>) dst(%dma_wait3A_1447 : memref<8x128xf32, #tpu.memory_space<vmem_shared>>)
    %mul3A_1448 = arith.constant 632 : i32
    %mul3A_1449 = arith.muli %arg1, %mul3A_1448 : i32
    %add3A_1450 = arith.constant 304 : i32
    %add3A_1451 = arith.addi %mul3A_1449, %add3A_1450 : i32
    %dma_wait3A_1452 = arith.constant 0 : i32
    %dma_wait3A_1453 = tpu.memref_slice %arg12[%add3A_1451, %dma_wait3A_1452] : memref<10112x128xf32, #tpu.memory_space<vmem_shared>> -> memref<8x128xf32, #tpu.memory_space<vmem_shared>>
    %dma_wait3A_1454 = arith.constant 0 : i32
    %dma_wait3A_1455 = tpu.memref_slice %arg12[%add3A_1451, %dma_wait3A_1454] : memref<10112x128xf32, #tpu.memory_space<vmem_shared>> -> memref<8x128xf32, #tpu.memory_space<vmem_shared>>
    tpu.wait_dma2 semaphore(%arg19 : memref<!tpu.dma_semaphore, #tpu.memory_space<semaphore_mem>>) src(%arg11 : memref<8x128xf32, #tpu.memory_space<vmem>>) dst(%dma_wait3A_1455 : memref<8x128xf32, #tpu.memory_space<vmem_shared>>)
    %mul3A_1456 = arith.constant 632 : i32
    %mul3A_1457 = arith.muli %arg1, %mul3A_1456 : i32
    %add3A_1458 = arith.constant 312 : i32
    %add3A_1459 = arith.addi %mul3A_1457, %add3A_1458 : i32
    %dma_wait3A_1460 = arith.constant 0 : i32
    %dma_wait3A_1461 = tpu.memref_slice %arg12[%add3A_1459, %dma_wait3A_1460] : memref<10112x128xf32, #tpu.memory_space<vmem_shared>> -> memref<8x128xf32, #tpu.memory_space<vmem_shared>>
    %dma_wait3A_1462 = arith.constant 0 : i32
    %dma_wait3A_1463 = tpu.memref_slice %arg12[%add3A_1459, %dma_wait3A_1462] : memref<10112x128xf32, #tpu.memory_space<vmem_shared>> -> memref<8x128xf32, #tpu.memory_space<vmem_shared>>
    tpu.wait_dma2 semaphore(%arg19 : memref<!tpu.dma_semaphore, #tpu.memory_space<semaphore_mem>>) src(%arg11 : memref<8x128xf32, #tpu.memory_space<vmem>>) dst(%dma_wait3A_1463 : memref<8x128xf32, #tpu.memory_space<vmem_shared>>)
    %mul3A_1464 = arith.constant 632 : i32
    %mul3A_1465 = arith.muli %arg1, %mul3A_1464 : i32
    %add3A_1466 = arith.constant 320 : i32
    %add3A_1467 = arith.addi %mul3A_1465, %add3A_1466 : i32
    %dma_wait3A_1468 = arith.constant 0 : i32
    %dma_wait3A_1469 = tpu.memref_slice %arg12[%add3A_1467, %dma_wait3A_1468] : memref<10112x128xf32, #tpu.memory_space<vmem_shared>> -> memref<8x128xf32, #tpu.memory_space<vmem_shared>>
    %dma_wait3A_1470 = arith.constant 0 : i32
    %dma_wait3A_1471 = tpu.memref_slice %arg12[%add3A_1467, %dma_wait3A_1470] : memref<10112x128xf32, #tpu.memory_space<vmem_shared>> -> memref<8x128xf32, #tpu.memory_space<vmem_shared>>
    tpu.wait_dma2 semaphore(%arg19 : memref<!tpu.dma_semaphore, #tpu.memory_space<semaphore_mem>>) src(%arg11 : memref<8x128xf32, #tpu.memory_space<vmem>>) dst(%dma_wait3A_1471 : memref<8x128xf32, #tpu.memory_space<vmem_shared>>)
    %mul3A_1472 = arith.constant 632 : i32
    %mul3A_1473 = arith.muli %arg1, %mul3A_1472 : i32
    %add3A_1474 = arith.constant 328 : i32
    %add3A_1475 = arith.addi %mul3A_1473, %add3A_1474 : i32
    %dma_wait3A_1476 = arith.constant 0 : i32
    %dma_wait3A_1477 = tpu.memref_slice %arg12[%add3A_1475, %dma_wait3A_1476] : memref<10112x128xf32, #tpu.memory_space<vmem_shared>> -> memref<8x128xf32, #tpu.memory_space<vmem_shared>>
    %dma_wait3A_1478 = arith.constant 0 : i32
    %dma_wait3A_1479 = tpu.memref_slice %arg12[%add3A_1475, %dma_wait3A_1478] : memref<10112x128xf32, #tpu.memory_space<vmem_shared>> -> memref<8x128xf32, #tpu.memory_space<vmem_shared>>
    tpu.wait_dma2 semaphore(%arg19 : memref<!tpu.dma_semaphore, #tpu.memory_space<semaphore_mem>>) src(%arg11 : memref<8x128xf32, #tpu.memory_space<vmem>>) dst(%dma_wait3A_1479 : memref<8x128xf32, #tpu.memory_space<vmem_shared>>)
    %mul3A_1480 = arith.constant 632 : i32
    %mul3A_1481 = arith.muli %arg1, %mul3A_1480 : i32
    %add3A_1482 = arith.constant 336 : i32
    %add3A_1483 = arith.addi %mul3A_1481, %add3A_1482 : i32
    %dma_wait3A_1484 = arith.constant 0 : i32
    %dma_wait3A_1485 = tpu.memref_slice %arg12[%add3A_1483, %dma_wait3A_1484] : memref<10112x128xf32, #tpu.memory_space<vmem_shared>> -> memref<8x128xf32, #tpu.memory_space<vmem_shared>>
    %dma_wait3A_1486 = arith.constant 0 : i32
    %dma_wait3A_1487 = tpu.memref_slice %arg12[%add3A_1483, %dma_wait3A_1486] : memref<10112x128xf32, #tpu.memory_space<vmem_shared>> -> memref<8x128xf32, #tpu.memory_space<vmem_shared>>
    tpu.wait_dma2 semaphore(%arg19 : memref<!tpu.dma_semaphore, #tpu.memory_space<semaphore_mem>>) src(%arg11 : memref<8x128xf32, #tpu.memory_space<vmem>>) dst(%dma_wait3A_1487 : memref<8x128xf32, #tpu.memory_space<vmem_shared>>)
    %mul3A_1488 = arith.constant 632 : i32
    %mul3A_1489 = arith.muli %arg1, %mul3A_1488 : i32
    %add3A_1490 = arith.constant 344 : i32
    %add3A_1491 = arith.addi %mul3A_1489, %add3A_1490 : i32
    %dma_wait3A_1492 = arith.constant 0 : i32
    %dma_wait3A_1493 = tpu.memref_slice %arg12[%add3A_1491, %dma_wait3A_1492] : memref<10112x128xf32, #tpu.memory_space<vmem_shared>> -> memref<8x128xf32, #tpu.memory_space<vmem_shared>>
    %dma_wait3A_1494 = arith.constant 0 : i32
    %dma_wait3A_1495 = tpu.memref_slice %arg12[%add3A_1491, %dma_wait3A_1494] : memref<10112x128xf32, #tpu.memory_space<vmem_shared>> -> memref<8x128xf32, #tpu.memory_space<vmem_shared>>
    tpu.wait_dma2 semaphore(%arg19 : memref<!tpu.dma_semaphore, #tpu.memory_space<semaphore_mem>>) src(%arg11 : memref<8x128xf32, #tpu.memory_space<vmem>>) dst(%dma_wait3A_1495 : memref<8x128xf32, #tpu.memory_space<vmem_shared>>)
    %mul3A_1496 = arith.constant 632 : i32
    %mul3A_1497 = arith.muli %arg1, %mul3A_1496 : i32
    %add3A_1498 = arith.constant 352 : i32
    %add3A_1499 = arith.addi %mul3A_1497, %add3A_1498 : i32
    %dma_wait3A_1500 = arith.constant 0 : i32
    %dma_wait3A_1501 = tpu.memref_slice %arg12[%add3A_1499, %dma_wait3A_1500] : memref<10112x128xf32, #tpu.memory_space<vmem_shared>> -> memref<8x128xf32, #tpu.memory_space<vmem_shared>>
    %dma_wait3A_1502 = arith.constant 0 : i32
    %dma_wait3A_1503 = tpu.memref_slice %arg12[%add3A_1499, %dma_wait3A_1502] : memref<10112x128xf32, #tpu.memory_space<vmem_shared>> -> memref<8x128xf32, #tpu.memory_space<vmem_shared>>
    tpu.wait_dma2 semaphore(%arg19 : memref<!tpu.dma_semaphore, #tpu.memory_space<semaphore_mem>>) src(%arg11 : memref<8x128xf32, #tpu.memory_space<vmem>>) dst(%dma_wait3A_1503 : memref<8x128xf32, #tpu.memory_space<vmem_shared>>)
    %mul3A_1504 = arith.constant 632 : i32
    %mul3A_1505 = arith.muli %arg1, %mul3A_1504 : i32
    %add3A_1506 = arith.constant 360 : i32
    %add3A_1507 = arith.addi %mul3A_1505, %add3A_1506 : i32
    %dma_wait3A_1508 = arith.constant 0 : i32
    %dma_wait3A_1509 = tpu.memref_slice %arg12[%add3A_1507, %dma_wait3A_1508] : memref<10112x128xf32, #tpu.memory_space<vmem_shared>> -> memref<8x128xf32, #tpu.memory_space<vmem_shared>>
    %dma_wait3A_1510 = arith.constant 0 : i32
    %dma_wait3A_1511 = tpu.memref_slice %arg12[%add3A_1507, %dma_wait3A_1510] : memref<10112x128xf32, #tpu.memory_space<vmem_shared>> -> memref<8x128xf32, #tpu.memory_space<vmem_shared>>
    tpu.wait_dma2 semaphore(%arg19 : memref<!tpu.dma_semaphore, #tpu.memory_space<semaphore_mem>>) src(%arg11 : memref<8x128xf32, #tpu.memory_space<vmem>>) dst(%dma_wait3A_1511 : memref<8x128xf32, #tpu.memory_space<vmem_shared>>)
    %mul3A_1512 = arith.constant 632 : i32
    %mul3A_1513 = arith.muli %arg1, %mul3A_1512 : i32
    %add3A_1514 = arith.constant 368 : i32
    %add3A_1515 = arith.addi %mul3A_1513, %add3A_1514 : i32
    %dma_wait3A_1516 = arith.constant 0 : i32
    %dma_wait3A_1517 = tpu.memref_slice %arg12[%add3A_1515, %dma_wait3A_1516] : memref<10112x128xf32, #tpu.memory_space<vmem_shared>> -> memref<8x128xf32, #tpu.memory_space<vmem_shared>>
    %dma_wait3A_1518 = arith.constant 0 : i32
    %dma_wait3A_1519 = tpu.memref_slice %arg12[%add3A_1515, %dma_wait3A_1518] : memref<10112x128xf32, #tpu.memory_space<vmem_shared>> -> memref<8x128xf32, #tpu.memory_space<vmem_shared>>
    tpu.wait_dma2 semaphore(%arg19 : memref<!tpu.dma_semaphore, #tpu.memory_space<semaphore_mem>>) src(%arg11 : memref<8x128xf32, #tpu.memory_space<vmem>>) dst(%dma_wait3A_1519 : memref<8x128xf32, #tpu.memory_space<vmem_shared>>)
    %mul3A_1520 = arith.constant 632 : i32
    %mul3A_1521 = arith.muli %arg1, %mul3A_1520 : i32
    %add3A_1522 = arith.constant 376 : i32
    %add3A_1523 = arith.addi %mul3A_1521, %add3A_1522 : i32
    %dma_wait3A_1524 = arith.constant 0 : i32
    %dma_wait3A_1525 = tpu.memref_slice %arg12[%add3A_1523, %dma_wait3A_1524] : memref<10112x128xf32, #tpu.memory_space<vmem_shared>> -> memref<8x128xf32, #tpu.memory_space<vmem_shared>>
    %dma_wait3A_1526 = arith.constant 0 : i32
    %dma_wait3A_1527 = tpu.memref_slice %arg12[%add3A_1523, %dma_wait3A_1526] : memref<10112x128xf32, #tpu.memory_space<vmem_shared>> -> memref<8x128xf32, #tpu.memory_space<vmem_shared>>
    tpu.wait_dma2 semaphore(%arg19 : memref<!tpu.dma_semaphore, #tpu.memory_space<semaphore_mem>>) src(%arg11 : memref<8x128xf32, #tpu.memory_space<vmem>>) dst(%dma_wait3A_1527 : memref<8x128xf32, #tpu.memory_space<vmem_shared>>)
    %mul3A_1528 = arith.constant 632 : i32
    %mul3A_1529 = arith.muli %arg1, %mul3A_1528 : i32
    %add3A_1530 = arith.constant 384 : i32
    %add3A_1531 = arith.addi %mul3A_1529, %add3A_1530 : i32
    %dma_wait3A_1532 = arith.constant 0 : i32
    %dma_wait3A_1533 = tpu.memref_slice %arg12[%add3A_1531, %dma_wait3A_1532] : memref<10112x128xf32, #tpu.memory_space<vmem_shared>> -> memref<8x128xf32, #tpu.memory_space<vmem_shared>>
    %dma_wait3A_1534 = arith.constant 0 : i32
    %dma_wait3A_1535 = tpu.memref_slice %arg12[%add3A_1531, %dma_wait3A_1534] : memref<10112x128xf32, #tpu.memory_space<vmem_shared>> -> memref<8x128xf32, #tpu.memory_space<vmem_shared>>
    tpu.wait_dma2 semaphore(%arg19 : memref<!tpu.dma_semaphore, #tpu.memory_space<semaphore_mem>>) src(%arg11 : memref<8x128xf32, #tpu.memory_space<vmem>>) dst(%dma_wait3A_1535 : memref<8x128xf32, #tpu.memory_space<vmem_shared>>)
    %mul3A_1536 = arith.constant 632 : i32
    %mul3A_1537 = arith.muli %arg1, %mul3A_1536 : i32
    %add3A_1538 = arith.constant 392 : i32
    %add3A_1539 = arith.addi %mul3A_1537, %add3A_1538 : i32
    %dma_wait3A_1540 = arith.constant 0 : i32
    %dma_wait3A_1541 = tpu.memref_slice %arg12[%add3A_1539, %dma_wait3A_1540] : memref<10112x128xf32, #tpu.memory_space<vmem_shared>> -> memref<8x128xf32, #tpu.memory_space<vmem_shared>>
    %dma_wait3A_1542 = arith.constant 0 : i32
    %dma_wait3A_1543 = tpu.memref_slice %arg12[%add3A_1539, %dma_wait3A_1542] : memref<10112x128xf32, #tpu.memory_space<vmem_shared>> -> memref<8x128xf32, #tpu.memory_space<vmem_shared>>
    tpu.wait_dma2 semaphore(%arg19 : memref<!tpu.dma_semaphore, #tpu.memory_space<semaphore_mem>>) src(%arg11 : memref<8x128xf32, #tpu.memory_space<vmem>>) dst(%dma_wait3A_1543 : memref<8x128xf32, #tpu.memory_space<vmem_shared>>)
    %mul3A_1544 = arith.constant 632 : i32
    %mul3A_1545 = arith.muli %arg1, %mul3A_1544 : i32
    %add3A_1546 = arith.constant 400 : i32
    %add3A_1547 = arith.addi %mul3A_1545, %add3A_1546 : i32
    %dma_wait3A_1548 = arith.constant 0 : i32
    %dma_wait3A_1549 = tpu.memref_slice %arg12[%add3A_1547, %dma_wait3A_1548] : memref<10112x128xf32, #tpu.memory_space<vmem_shared>> -> memref<8x128xf32, #tpu.memory_space<vmem_shared>>
    %dma_wait3A_1550 = arith.constant 0 : i32
    %dma_wait3A_1551 = tpu.memref_slice %arg12[%add3A_1547, %dma_wait3A_1550] : memref<10112x128xf32, #tpu.memory_space<vmem_shared>> -> memref<8x128xf32, #tpu.memory_space<vmem_shared>>
    tpu.wait_dma2 semaphore(%arg19 : memref<!tpu.dma_semaphore, #tpu.memory_space<semaphore_mem>>) src(%arg11 : memref<8x128xf32, #tpu.memory_space<vmem>>) dst(%dma_wait3A_1551 : memref<8x128xf32, #tpu.memory_space<vmem_shared>>)
    %mul3A_1552 = arith.constant 632 : i32
    %mul3A_1553 = arith.muli %arg1, %mul3A_1552 : i32
    %add3A_1554 = arith.constant 408 : i32
    %add3A_1555 = arith.addi %mul3A_1553, %add3A_1554 : i32
    %dma_wait3A_1556 = arith.constant 0 : i32
    %dma_wait3A_1557 = tpu.memref_slice %arg12[%add3A_1555, %dma_wait3A_1556] : memref<10112x128xf32, #tpu.memory_space<vmem_shared>> -> memref<8x128xf32, #tpu.memory_space<vmem_shared>>
    %dma_wait3A_1558 = arith.constant 0 : i32
    %dma_wait3A_1559 = tpu.memref_slice %arg12[%add3A_1555, %dma_wait3A_1558] : memref<10112x128xf32, #tpu.memory_space<vmem_shared>> -> memref<8x128xf32, #tpu.memory_space<vmem_shared>>
    tpu.wait_dma2 semaphore(%arg19 : memref<!tpu.dma_semaphore, #tpu.memory_space<semaphore_mem>>) src(%arg11 : memref<8x128xf32, #tpu.memory_space<vmem>>) dst(%dma_wait3A_1559 : memref<8x128xf32, #tpu.memory_space<vmem_shared>>)
    %mul3A_1560 = arith.constant 632 : i32
    %mul3A_1561 = arith.muli %arg1, %mul3A_1560 : i32
    %add3A_1562 = arith.constant 416 : i32
    %add3A_1563 = arith.addi %mul3A_1561, %add3A_1562 : i32
    %dma_wait3A_1564 = arith.constant 0 : i32
    %dma_wait3A_1565 = tpu.memref_slice %arg12[%add3A_1563, %dma_wait3A_1564] : memref<10112x128xf32, #tpu.memory_space<vmem_shared>> -> memref<8x128xf32, #tpu.memory_space<vmem_shared>>
    %dma_wait3A_1566 = arith.constant 0 : i32
    %dma_wait3A_1567 = tpu.memref_slice %arg12[%add3A_1563, %dma_wait3A_1566] : memref<10112x128xf32, #tpu.memory_space<vmem_shared>> -> memref<8x128xf32, #tpu.memory_space<vmem_shared>>
    tpu.wait_dma2 semaphore(%arg19 : memref<!tpu.dma_semaphore, #tpu.memory_space<semaphore_mem>>) src(%arg11 : memref<8x128xf32, #tpu.memory_space<vmem>>) dst(%dma_wait3A_1567 : memref<8x128xf32, #tpu.memory_space<vmem_shared>>)
    %mul3A_1568 = arith.constant 632 : i32
    %mul3A_1569 = arith.muli %arg1, %mul3A_1568 : i32
    %add3A_1570 = arith.constant 424 : i32
    %add3A_1571 = arith.addi %mul3A_1569, %add3A_1570 : i32
    %dma_wait3A_1572 = arith.constant 0 : i32
    %dma_wait3A_1573 = tpu.memref_slice %arg12[%add3A_1571, %dma_wait3A_1572] : memref<10112x128xf32, #tpu.memory_space<vmem_shared>> -> memref<8x128xf32, #tpu.memory_space<vmem_shared>>
    %dma_wait3A_1574 = arith.constant 0 : i32
    %dma_wait3A_1575 = tpu.memref_slice %arg12[%add3A_1571, %dma_wait3A_1574] : memref<10112x128xf32, #tpu.memory_space<vmem_shared>> -> memref<8x128xf32, #tpu.memory_space<vmem_shared>>
    tpu.wait_dma2 semaphore(%arg19 : memref<!tpu.dma_semaphore, #tpu.memory_space<semaphore_mem>>) src(%arg11 : memref<8x128xf32, #tpu.memory_space<vmem>>) dst(%dma_wait3A_1575 : memref<8x128xf32, #tpu.memory_space<vmem_shared>>)
    %mul3A_1576 = arith.constant 632 : i32
    %mul3A_1577 = arith.muli %arg1, %mul3A_1576 : i32
    %add3A_1578 = arith.constant 432 : i32
    %add3A_1579 = arith.addi %mul3A_1577, %add3A_1578 : i32
    %dma_wait3A_1580 = arith.constant 0 : i32
    %dma_wait3A_1581 = tpu.memref_slice %arg12[%add3A_1579, %dma_wait3A_1580] : memref<10112x128xf32, #tpu.memory_space<vmem_shared>> -> memref<8x128xf32, #tpu.memory_space<vmem_shared>>
    %dma_wait3A_1582 = arith.constant 0 : i32
    %dma_wait3A_1583 = tpu.memref_slice %arg12[%add3A_1579, %dma_wait3A_1582] : memref<10112x128xf32, #tpu.memory_space<vmem_shared>> -> memref<8x128xf32, #tpu.memory_space<vmem_shared>>
    tpu.wait_dma2 semaphore(%arg19 : memref<!tpu.dma_semaphore, #tpu.memory_space<semaphore_mem>>) src(%arg11 : memref<8x128xf32, #tpu.memory_space<vmem>>) dst(%dma_wait3A_1583 : memref<8x128xf32, #tpu.memory_space<vmem_shared>>)
    %mul3A_1584 = arith.constant 632 : i32
    %mul3A_1585 = arith.muli %arg1, %mul3A_1584 : i32
    %add3A_1586 = arith.constant 440 : i32
    %add3A_1587 = arith.addi %mul3A_1585, %add3A_1586 : i32
    %dma_wait3A_1588 = arith.constant 0 : i32
    %dma_wait3A_1589 = tpu.memref_slice %arg12[%add3A_1587, %dma_wait3A_1588] : memref<10112x128xf32, #tpu.memory_space<vmem_shared>> -> memref<8x128xf32, #tpu.memory_space<vmem_shared>>
    %dma_wait3A_1590 = arith.constant 0 : i32
    %dma_wait3A_1591 = tpu.memref_slice %arg12[%add3A_1587, %dma_wait3A_1590] : memref<10112x128xf32, #tpu.memory_space<vmem_shared>> -> memref<8x128xf32, #tpu.memory_space<vmem_shared>>
    tpu.wait_dma2 semaphore(%arg19 : memref<!tpu.dma_semaphore, #tpu.memory_space<semaphore_mem>>) src(%arg11 : memref<8x128xf32, #tpu.memory_space<vmem>>) dst(%dma_wait3A_1591 : memref<8x128xf32, #tpu.memory_space<vmem_shared>>)
    %mul3A_1592 = arith.constant 632 : i32
    %mul3A_1593 = arith.muli %arg1, %mul3A_1592 : i32
    %add3A_1594 = arith.constant 448 : i32
    %add3A_1595 = arith.addi %mul3A_1593, %add3A_1594 : i32
    %dma_wait3A_1596 = arith.constant 0 : i32
    %dma_wait3A_1597 = tpu.memref_slice %arg12[%add3A_1595, %dma_wait3A_1596] : memref<10112x128xf32, #tpu.memory_space<vmem_shared>> -> memref<8x128xf32, #tpu.memory_space<vmem_shared>>
    %dma_wait3A_1598 = arith.constant 0 : i32
    %dma_wait3A_1599 = tpu.memref_slice %arg12[%add3A_1595, %dma_wait3A_1598] : memref<10112x128xf32, #tpu.memory_space<vmem_shared>> -> memref<8x128xf32, #tpu.memory_space<vmem_shared>>
    tpu.wait_dma2 semaphore(%arg19 : memref<!tpu.dma_semaphore, #tpu.memory_space<semaphore_mem>>) src(%arg11 : memref<8x128xf32, #tpu.memory_space<vmem>>) dst(%dma_wait3A_1599 : memref<8x128xf32, #tpu.memory_space<vmem_shared>>)
    %mul3A_1600 = arith.constant 632 : i32
    %mul3A_1601 = arith.muli %arg1, %mul3A_1600 : i32
    %add3A_1602 = arith.constant 456 : i32
    %add3A_1603 = arith.addi %mul3A_1601, %add3A_1602 : i32
    %dma_wait3A_1604 = arith.constant 0 : i32
    %dma_wait3A_1605 = tpu.memref_slice %arg12[%add3A_1603, %dma_wait3A_1604] : memref<10112x128xf32, #tpu.memory_space<vmem_shared>> -> memref<8x128xf32, #tpu.memory_space<vmem_shared>>
    %dma_wait3A_1606 = arith.constant 0 : i32
    %dma_wait3A_1607 = tpu.memref_slice %arg12[%add3A_1603, %dma_wait3A_1606] : memref<10112x128xf32, #tpu.memory_space<vmem_shared>> -> memref<8x128xf32, #tpu.memory_space<vmem_shared>>
    tpu.wait_dma2 semaphore(%arg19 : memref<!tpu.dma_semaphore, #tpu.memory_space<semaphore_mem>>) src(%arg11 : memref<8x128xf32, #tpu.memory_space<vmem>>) dst(%dma_wait3A_1607 : memref<8x128xf32, #tpu.memory_space<vmem_shared>>)
    %mul3A_1608 = arith.constant 632 : i32
    %mul3A_1609 = arith.muli %arg1, %mul3A_1608 : i32
    %add3A_1610 = arith.constant 464 : i32
    %add3A_1611 = arith.addi %mul3A_1609, %add3A_1610 : i32
    %dma_wait3A_1612 = arith.constant 0 : i32
    %dma_wait3A_1613 = tpu.memref_slice %arg12[%add3A_1611, %dma_wait3A_1612] : memref<10112x128xf32, #tpu.memory_space<vmem_shared>> -> memref<8x128xf32, #tpu.memory_space<vmem_shared>>
    %dma_wait3A_1614 = arith.constant 0 : i32
    %dma_wait3A_1615 = tpu.memref_slice %arg12[%add3A_1611, %dma_wait3A_1614] : memref<10112x128xf32, #tpu.memory_space<vmem_shared>> -> memref<8x128xf32, #tpu.memory_space<vmem_shared>>
    tpu.wait_dma2 semaphore(%arg19 : memref<!tpu.dma_semaphore, #tpu.memory_space<semaphore_mem>>) src(%arg11 : memref<8x128xf32, #tpu.memory_space<vmem>>) dst(%dma_wait3A_1615 : memref<8x128xf32, #tpu.memory_space<vmem_shared>>)
    %mul3A_1616 = arith.constant 632 : i32
    %mul3A_1617 = arith.muli %arg1, %mul3A_1616 : i32
    %add3A_1618 = arith.constant 472 : i32
    %add3A_1619 = arith.addi %mul3A_1617, %add3A_1618 : i32
    %dma_wait3A_1620 = arith.constant 0 : i32
    %dma_wait3A_1621 = tpu.memref_slice %arg12[%add3A_1619, %dma_wait3A_1620] : memref<10112x128xf32, #tpu.memory_space<vmem_shared>> -> memref<8x128xf32, #tpu.memory_space<vmem_shared>>
    %dma_wait3A_1622 = arith.constant 0 : i32
    %dma_wait3A_1623 = tpu.memref_slice %arg12[%add3A_1619, %dma_wait3A_1622] : memref<10112x128xf32, #tpu.memory_space<vmem_shared>> -> memref<8x128xf32, #tpu.memory_space<vmem_shared>>
    tpu.wait_dma2 semaphore(%arg19 : memref<!tpu.dma_semaphore, #tpu.memory_space<semaphore_mem>>) src(%arg11 : memref<8x128xf32, #tpu.memory_space<vmem>>) dst(%dma_wait3A_1623 : memref<8x128xf32, #tpu.memory_space<vmem_shared>>)
    %mul3A_1624 = arith.constant 632 : i32
    %mul3A_1625 = arith.muli %arg1, %mul3A_1624 : i32
    %add3A_1626 = arith.constant 480 : i32
    %add3A_1627 = arith.addi %mul3A_1625, %add3A_1626 : i32
    %dma_wait3A_1628 = arith.constant 0 : i32
    %dma_wait3A_1629 = tpu.memref_slice %arg12[%add3A_1627, %dma_wait3A_1628] : memref<10112x128xf32, #tpu.memory_space<vmem_shared>> -> memref<8x128xf32, #tpu.memory_space<vmem_shared>>
    %dma_wait3A_1630 = arith.constant 0 : i32
    %dma_wait3A_1631 = tpu.memref_slice %arg12[%add3A_1627, %dma_wait3A_1630] : memref<10112x128xf32, #tpu.memory_space<vmem_shared>> -> memref<8x128xf32, #tpu.memory_space<vmem_shared>>
    tpu.wait_dma2 semaphore(%arg19 : memref<!tpu.dma_semaphore, #tpu.memory_space<semaphore_mem>>) src(%arg11 : memref<8x128xf32, #tpu.memory_space<vmem>>) dst(%dma_wait3A_1631 : memref<8x128xf32, #tpu.memory_space<vmem_shared>>)
    %mul3A_1632 = arith.constant 632 : i32
    %mul3A_1633 = arith.muli %arg1, %mul3A_1632 : i32
    %add3A_1634 = arith.constant 488 : i32
    %add3A_1635 = arith.addi %mul3A_1633, %add3A_1634 : i32
    %dma_wait3A_1636 = arith.constant 0 : i32
    %dma_wait3A_1637 = tpu.memref_slice %arg12[%add3A_1635, %dma_wait3A_1636] : memref<10112x128xf32, #tpu.memory_space<vmem_shared>> -> memref<8x128xf32, #tpu.memory_space<vmem_shared>>
    %dma_wait3A_1638 = arith.constant 0 : i32
    %dma_wait3A_1639 = tpu.memref_slice %arg12[%add3A_1635, %dma_wait3A_1638] : memref<10112x128xf32, #tpu.memory_space<vmem_shared>> -> memref<8x128xf32, #tpu.memory_space<vmem_shared>>
    tpu.wait_dma2 semaphore(%arg19 : memref<!tpu.dma_semaphore, #tpu.memory_space<semaphore_mem>>) src(%arg11 : memref<8x128xf32, #tpu.memory_space<vmem>>) dst(%dma_wait3A_1639 : memref<8x128xf32, #tpu.memory_space<vmem_shared>>)
    %mul3A_1640 = arith.constant 632 : i32
    %mul3A_1641 = arith.muli %arg1, %mul3A_1640 : i32
    %add3A_1642 = arith.constant 496 : i32
    %add3A_1643 = arith.addi %mul3A_1641, %add3A_1642 : i32
    %dma_wait3A_1644 = arith.constant 0 : i32
    %dma_wait3A_1645 = tpu.memref_slice %arg12[%add3A_1643, %dma_wait3A_1644] : memref<10112x128xf32, #tpu.memory_space<vmem_shared>> -> memref<8x128xf32, #tpu.memory_space<vmem_shared>>
    %dma_wait3A_1646 = arith.constant 0 : i32
    %dma_wait3A_1647 = tpu.memref_slice %arg12[%add3A_1643, %dma_wait3A_1646] : memref<10112x128xf32, #tpu.memory_space<vmem_shared>> -> memref<8x128xf32, #tpu.memory_space<vmem_shared>>
    tpu.wait_dma2 semaphore(%arg19 : memref<!tpu.dma_semaphore, #tpu.memory_space<semaphore_mem>>) src(%arg11 : memref<8x128xf32, #tpu.memory_space<vmem>>) dst(%dma_wait3A_1647 : memref<8x128xf32, #tpu.memory_space<vmem_shared>>)
    %mul3A_1648 = arith.constant 632 : i32
    %mul3A_1649 = arith.muli %arg1, %mul3A_1648 : i32
    %add3A_1650 = arith.constant 504 : i32
    %add3A_1651 = arith.addi %mul3A_1649, %add3A_1650 : i32
    %dma_wait3A_1652 = arith.constant 0 : i32
    %dma_wait3A_1653 = tpu.memref_slice %arg12[%add3A_1651, %dma_wait3A_1652] : memref<10112x128xf32, #tpu.memory_space<vmem_shared>> -> memref<8x128xf32, #tpu.memory_space<vmem_shared>>
    %dma_wait3A_1654 = arith.constant 0 : i32
    %dma_wait3A_1655 = tpu.memref_slice %arg12[%add3A_1651, %dma_wait3A_1654] : memref<10112x128xf32, #tpu.memory_space<vmem_shared>> -> memref<8x128xf32, #tpu.memory_space<vmem_shared>>
    tpu.wait_dma2 semaphore(%arg19 : memref<!tpu.dma_semaphore, #tpu.memory_space<semaphore_mem>>) src(%arg11 : memref<8x128xf32, #tpu.memory_space<vmem>>) dst(%dma_wait3A_1655 : memref<8x128xf32, #tpu.memory_space<vmem_shared>>)
    %mul3A_1656 = arith.constant 632 : i32
    %mul3A_1657 = arith.muli %arg1, %mul3A_1656 : i32
    %add3A_1658 = arith.constant 512 : i32
    %add3A_1659 = arith.addi %mul3A_1657, %add3A_1658 : i32
    %dma_wait3A_1660 = arith.constant 0 : i32
    %dma_wait3A_1661 = tpu.memref_slice %arg12[%add3A_1659, %dma_wait3A_1660] : memref<10112x128xf32, #tpu.memory_space<vmem_shared>> -> memref<8x128xf32, #tpu.memory_space<vmem_shared>>
    %dma_wait3A_1662 = arith.constant 0 : i32
    %dma_wait3A_1663 = tpu.memref_slice %arg12[%add3A_1659, %dma_wait3A_1662] : memref<10112x128xf32, #tpu.memory_space<vmem_shared>> -> memref<8x128xf32, #tpu.memory_space<vmem_shared>>
    tpu.wait_dma2 semaphore(%arg19 : memref<!tpu.dma_semaphore, #tpu.memory_space<semaphore_mem>>) src(%arg11 : memref<8x128xf32, #tpu.memory_space<vmem>>) dst(%dma_wait3A_1663 : memref<8x128xf32, #tpu.memory_space<vmem_shared>>)
    %mul3A_1664 = arith.constant 632 : i32
    %mul3A_1665 = arith.muli %arg1, %mul3A_1664 : i32
    %add3A_1666 = arith.constant 520 : i32
    %add3A_1667 = arith.addi %mul3A_1665, %add3A_1666 : i32
    %dma_wait3A_1668 = arith.constant 0 : i32
    %dma_wait3A_1669 = tpu.memref_slice %arg12[%add3A_1667, %dma_wait3A_1668] : memref<10112x128xf32, #tpu.memory_space<vmem_shared>> -> memref<8x128xf32, #tpu.memory_space<vmem_shared>>
    %dma_wait3A_1670 = arith.constant 0 : i32
    %dma_wait3A_1671 = tpu.memref_slice %arg12[%add3A_1667, %dma_wait3A_1670] : memref<10112x128xf32, #tpu.memory_space<vmem_shared>> -> memref<8x128xf32, #tpu.memory_space<vmem_shared>>
    tpu.wait_dma2 semaphore(%arg19 : memref<!tpu.dma_semaphore, #tpu.memory_space<semaphore_mem>>) src(%arg11 : memref<8x128xf32, #tpu.memory_space<vmem>>) dst(%dma_wait3A_1671 : memref<8x128xf32, #tpu.memory_space<vmem_shared>>)
    %mul3A_1672 = arith.constant 632 : i32
    %mul3A_1673 = arith.muli %arg1, %mul3A_1672 : i32
    %add3A_1674 = arith.constant 528 : i32
    %add3A_1675 = arith.addi %mul3A_1673, %add3A_1674 : i32
    %dma_wait3A_1676 = arith.constant 0 : i32
    %dma_wait3A_1677 = tpu.memref_slice %arg12[%add3A_1675, %dma_wait3A_1676] : memref<10112x128xf32, #tpu.memory_space<vmem_shared>> -> memref<8x128xf32, #tpu.memory_space<vmem_shared>>
    %dma_wait3A_1678 = arith.constant 0 : i32
    %dma_wait3A_1679 = tpu.memref_slice %arg12[%add3A_1675, %dma_wait3A_1678] : memref<10112x128xf32, #tpu.memory_space<vmem_shared>> -> memref<8x128xf32, #tpu.memory_space<vmem_shared>>
    tpu.wait_dma2 semaphore(%arg19 : memref<!tpu.dma_semaphore, #tpu.memory_space<semaphore_mem>>) src(%arg11 : memref<8x128xf32, #tpu.memory_space<vmem>>) dst(%dma_wait3A_1679 : memref<8x128xf32, #tpu.memory_space<vmem_shared>>)
    %mul3A_1680 = arith.constant 632 : i32
    %mul3A_1681 = arith.muli %arg1, %mul3A_1680 : i32
    %add3A_1682 = arith.constant 536 : i32
    %add3A_1683 = arith.addi %mul3A_1681, %add3A_1682 : i32
    %dma_wait3A_1684 = arith.constant 0 : i32
    %dma_wait3A_1685 = tpu.memref_slice %arg12[%add3A_1683, %dma_wait3A_1684] : memref<10112x128xf32, #tpu.memory_space<vmem_shared>> -> memref<8x128xf32, #tpu.memory_space<vmem_shared>>
    %dma_wait3A_1686 = arith.constant 0 : i32
    %dma_wait3A_1687 = tpu.memref_slice %arg12[%add3A_1683, %dma_wait3A_1686] : memref<10112x128xf32, #tpu.memory_space<vmem_shared>> -> memref<8x128xf32, #tpu.memory_space<vmem_shared>>
    tpu.wait_dma2 semaphore(%arg19 : memref<!tpu.dma_semaphore, #tpu.memory_space<semaphore_mem>>) src(%arg11 : memref<8x128xf32, #tpu.memory_space<vmem>>) dst(%dma_wait3A_1687 : memref<8x128xf32, #tpu.memory_space<vmem_shared>>)
    %mul3A_1688 = arith.constant 632 : i32
    %mul3A_1689 = arith.muli %arg1, %mul3A_1688 : i32
    %add3A_1690 = arith.constant 544 : i32
    %add3A_1691 = arith.addi %mul3A_1689, %add3A_1690 : i32
    %dma_wait3A_1692 = arith.constant 0 : i32
    %dma_wait3A_1693 = tpu.memref_slice %arg12[%add3A_1691, %dma_wait3A_1692] : memref<10112x128xf32, #tpu.memory_space<vmem_shared>> -> memref<8x128xf32, #tpu.memory_space<vmem_shared>>
    %dma_wait3A_1694 = arith.constant 0 : i32
    %dma_wait3A_1695 = tpu.memref_slice %arg12[%add3A_1691, %dma_wait3A_1694] : memref<10112x128xf32, #tpu.memory_space<vmem_shared>> -> memref<8x128xf32, #tpu.memory_space<vmem_shared>>
    tpu.wait_dma2 semaphore(%arg19 : memref<!tpu.dma_semaphore, #tpu.memory_space<semaphore_mem>>) src(%arg11 : memref<8x128xf32, #tpu.memory_space<vmem>>) dst(%dma_wait3A_1695 : memref<8x128xf32, #tpu.memory_space<vmem_shared>>)
    %mul3A_1696 = arith.constant 632 : i32
    %mul3A_1697 = arith.muli %arg1, %mul3A_1696 : i32
    %add3A_1698 = arith.constant 552 : i32
    %add3A_1699 = arith.addi %mul3A_1697, %add3A_1698 : i32
    %dma_wait3A_1700 = arith.constant 0 : i32
    %dma_wait3A_1701 = tpu.memref_slice %arg12[%add3A_1699, %dma_wait3A_1700] : memref<10112x128xf32, #tpu.memory_space<vmem_shared>> -> memref<8x128xf32, #tpu.memory_space<vmem_shared>>
    %dma_wait3A_1702 = arith.constant 0 : i32
    %dma_wait3A_1703 = tpu.memref_slice %arg12[%add3A_1699, %dma_wait3A_1702] : memref<10112x128xf32, #tpu.memory_space<vmem_shared>> -> memref<8x128xf32, #tpu.memory_space<vmem_shared>>
    tpu.wait_dma2 semaphore(%arg19 : memref<!tpu.dma_semaphore, #tpu.memory_space<semaphore_mem>>) src(%arg11 : memref<8x128xf32, #tpu.memory_space<vmem>>) dst(%dma_wait3A_1703 : memref<8x128xf32, #tpu.memory_space<vmem_shared>>)
    %mul3A_1704 = arith.constant 632 : i32
    %mul3A_1705 = arith.muli %arg1, %mul3A_1704 : i32
    %add3A_1706 = arith.constant 560 : i32
    %add3A_1707 = arith.addi %mul3A_1705, %add3A_1706 : i32
    %dma_wait3A_1708 = arith.constant 0 : i32
    %dma_wait3A_1709 = tpu.memref_slice %arg12[%add3A_1707, %dma_wait3A_1708] : memref<10112x128xf32, #tpu.memory_space<vmem_shared>> -> memref<8x128xf32, #tpu.memory_space<vmem_shared>>
    %dma_wait3A_1710 = arith.constant 0 : i32
    %dma_wait3A_1711 = tpu.memref_slice %arg12[%add3A_1707, %dma_wait3A_1710] : memref<10112x128xf32, #tpu.memory_space<vmem_shared>> -> memref<8x128xf32, #tpu.memory_space<vmem_shared>>
    tpu.wait_dma2 semaphore(%arg19 : memref<!tpu.dma_semaphore, #tpu.memory_space<semaphore_mem>>) src(%arg11 : memref<8x128xf32, #tpu.memory_space<vmem>>) dst(%dma_wait3A_1711 : memref<8x128xf32, #tpu.memory_space<vmem_shared>>)
    %mul3A_1712 = arith.constant 632 : i32
    %mul3A_1713 = arith.muli %arg1, %mul3A_1712 : i32
    %add3A_1714 = arith.constant 568 : i32
    %add3A_1715 = arith.addi %mul3A_1713, %add3A_1714 : i32
    %dma_wait3A_1716 = arith.constant 0 : i32
    %dma_wait3A_1717 = tpu.memref_slice %arg12[%add3A_1715, %dma_wait3A_1716] : memref<10112x128xf32, #tpu.memory_space<vmem_shared>> -> memref<8x128xf32, #tpu.memory_space<vmem_shared>>
    %dma_wait3A_1718 = arith.constant 0 : i32
    %dma_wait3A_1719 = tpu.memref_slice %arg12[%add3A_1715, %dma_wait3A_1718] : memref<10112x128xf32, #tpu.memory_space<vmem_shared>> -> memref<8x128xf32, #tpu.memory_space<vmem_shared>>
    tpu.wait_dma2 semaphore(%arg19 : memref<!tpu.dma_semaphore, #tpu.memory_space<semaphore_mem>>) src(%arg11 : memref<8x128xf32, #tpu.memory_space<vmem>>) dst(%dma_wait3A_1719 : memref<8x128xf32, #tpu.memory_space<vmem_shared>>)
    %mul3A_1720 = arith.constant 632 : i32
    %mul3A_1721 = arith.muli %arg1, %mul3A_1720 : i32
    %add3A_1722 = arith.constant 576 : i32
    %add3A_1723 = arith.addi %mul3A_1721, %add3A_1722 : i32
    %dma_wait3A_1724 = arith.constant 0 : i32
    %dma_wait3A_1725 = tpu.memref_slice %arg12[%add3A_1723, %dma_wait3A_1724] : memref<10112x128xf32, #tpu.memory_space<vmem_shared>> -> memref<8x128xf32, #tpu.memory_space<vmem_shared>>
    %dma_wait3A_1726 = arith.constant 0 : i32
    %dma_wait3A_1727 = tpu.memref_slice %arg12[%add3A_1723, %dma_wait3A_1726] : memref<10112x128xf32, #tpu.memory_space<vmem_shared>> -> memref<8x128xf32, #tpu.memory_space<vmem_shared>>
    tpu.wait_dma2 semaphore(%arg19 : memref<!tpu.dma_semaphore, #tpu.memory_space<semaphore_mem>>) src(%arg11 : memref<8x128xf32, #tpu.memory_space<vmem>>) dst(%dma_wait3A_1727 : memref<8x128xf32, #tpu.memory_space<vmem_shared>>)
    %mul3A_1728 = arith.constant 632 : i32
    %mul3A_1729 = arith.muli %arg1, %mul3A_1728 : i32
    %add3A_1730 = arith.constant 584 : i32
    %add3A_1731 = arith.addi %mul3A_1729, %add3A_1730 : i32
    %dma_wait3A_1732 = arith.constant 0 : i32
    %dma_wait3A_1733 = tpu.memref_slice %arg12[%add3A_1731, %dma_wait3A_1732] : memref<10112x128xf32, #tpu.memory_space<vmem_shared>> -> memref<8x128xf32, #tpu.memory_space<vmem_shared>>
    %dma_wait3A_1734 = arith.constant 0 : i32
    %dma_wait3A_1735 = tpu.memref_slice %arg12[%add3A_1731, %dma_wait3A_1734] : memref<10112x128xf32, #tpu.memory_space<vmem_shared>> -> memref<8x128xf32, #tpu.memory_space<vmem_shared>>
    tpu.wait_dma2 semaphore(%arg19 : memref<!tpu.dma_semaphore, #tpu.memory_space<semaphore_mem>>) src(%arg11 : memref<8x128xf32, #tpu.memory_space<vmem>>) dst(%dma_wait3A_1735 : memref<8x128xf32, #tpu.memory_space<vmem_shared>>)
    %mul3A_1736 = arith.constant 632 : i32
    %mul3A_1737 = arith.muli %arg1, %mul3A_1736 : i32
    %add3A_1738 = arith.constant 592 : i32
    %add3A_1739 = arith.addi %mul3A_1737, %add3A_1738 : i32
    %dma_wait3A_1740 = arith.constant 0 : i32
    %dma_wait3A_1741 = tpu.memref_slice %arg12[%add3A_1739, %dma_wait3A_1740] : memref<10112x128xf32, #tpu.memory_space<vmem_shared>> -> memref<8x128xf32, #tpu.memory_space<vmem_shared>>
    %dma_wait3A_1742 = arith.constant 0 : i32
    %dma_wait3A_1743 = tpu.memref_slice %arg12[%add3A_1739, %dma_wait3A_1742] : memref<10112x128xf32, #tpu.memory_space<vmem_shared>> -> memref<8x128xf32, #tpu.memory_space<vmem_shared>>
    tpu.wait_dma2 semaphore(%arg19 : memref<!tpu.dma_semaphore, #tpu.memory_space<semaphore_mem>>) src(%arg11 : memref<8x128xf32, #tpu.memory_space<vmem>>) dst(%dma_wait3A_1743 : memref<8x128xf32, #tpu.memory_space<vmem_shared>>)
    %mul3A_1744 = arith.constant 632 : i32
    %mul3A_1745 = arith.muli %arg1, %mul3A_1744 : i32
    %add3A_1746 = arith.constant 600 : i32
    %add3A_1747 = arith.addi %mul3A_1745, %add3A_1746 : i32
    %dma_wait3A_1748 = arith.constant 0 : i32
    %dma_wait3A_1749 = tpu.memref_slice %arg12[%add3A_1747, %dma_wait3A_1748] : memref<10112x128xf32, #tpu.memory_space<vmem_shared>> -> memref<8x128xf32, #tpu.memory_space<vmem_shared>>
    %dma_wait3A_1750 = arith.constant 0 : i32
    %dma_wait3A_1751 = tpu.memref_slice %arg12[%add3A_1747, %dma_wait3A_1750] : memref<10112x128xf32, #tpu.memory_space<vmem_shared>> -> memref<8x128xf32, #tpu.memory_space<vmem_shared>>
    tpu.wait_dma2 semaphore(%arg19 : memref<!tpu.dma_semaphore, #tpu.memory_space<semaphore_mem>>) src(%arg11 : memref<8x128xf32, #tpu.memory_space<vmem>>) dst(%dma_wait3A_1751 : memref<8x128xf32, #tpu.memory_space<vmem_shared>>)
    %mul3A_1752 = arith.constant 632 : i32
    %mul3A_1753 = arith.muli %arg1, %mul3A_1752 : i32
    %add3A_1754 = arith.constant 608 : i32
    %add3A_1755 = arith.addi %mul3A_1753, %add3A_1754 : i32
    %dma_wait3A_1756 = arith.constant 0 : i32
    %dma_wait3A_1757 = tpu.memref_slice %arg12[%add3A_1755, %dma_wait3A_1756] : memref<10112x128xf32, #tpu.memory_space<vmem_shared>> -> memref<8x128xf32, #tpu.memory_space<vmem_shared>>
    %dma_wait3A_1758 = arith.constant 0 : i32
    %dma_wait3A_1759 = tpu.memref_slice %arg12[%add3A_1755, %dma_wait3A_1758] : memref<10112x128xf32, #tpu.memory_space<vmem_shared>> -> memref<8x128xf32, #tpu.memory_space<vmem_shared>>
    tpu.wait_dma2 semaphore(%arg19 : memref<!tpu.dma_semaphore, #tpu.memory_space<semaphore_mem>>) src(%arg11 : memref<8x128xf32, #tpu.memory_space<vmem>>) dst(%dma_wait3A_1759 : memref<8x128xf32, #tpu.memory_space<vmem_shared>>)
    %mul3A_1760 = arith.constant 632 : i32
    %mul3A_1761 = arith.muli %arg1, %mul3A_1760 : i32
    %add3A_1762 = arith.constant 616 : i32
    %add3A_1763 = arith.addi %mul3A_1761, %add3A_1762 : i32
    %dma_wait3A_1764 = arith.constant 0 : i32
    %dma_wait3A_1765 = tpu.memref_slice %arg12[%add3A_1763, %dma_wait3A_1764] : memref<10112x128xf32, #tpu.memory_space<vmem_shared>> -> memref<8x128xf32, #tpu.memory_space<vmem_shared>>
    %dma_wait3A_1766 = arith.constant 0 : i32
    %dma_wait3A_1767 = tpu.memref_slice %arg12[%add3A_1763, %dma_wait3A_1766] : memref<10112x128xf32, #tpu.memory_space<vmem_shared>> -> memref<8x128xf32, #tpu.memory_space<vmem_shared>>
    tpu.wait_dma2 semaphore(%arg19 : memref<!tpu.dma_semaphore, #tpu.memory_space<semaphore_mem>>) src(%arg11 : memref<8x128xf32, #tpu.memory_space<vmem>>) dst(%dma_wait3A_1767 : memref<8x128xf32, #tpu.memory_space<vmem_shared>>)
    %mul3A_1768 = arith.constant 632 : i32
    %mul3A_1769 = arith.muli %arg1, %mul3A_1768 : i32
    %add3A_1770 = arith.constant 624 : i32
    %add3A_1771 = arith.addi %mul3A_1769, %add3A_1770 : i32
    %dma_wait3A_1772 = arith.constant 0 : i32
    %dma_wait3A_1773 = tpu.memref_slice %arg12[%add3A_1771, %dma_wait3A_1772] : memref<10112x128xf32, #tpu.memory_space<vmem_shared>> -> memref<8x128xf32, #tpu.memory_space<vmem_shared>>
    %dma_wait3A_1774 = arith.constant 0 : i32
    %dma_wait3A_1775 = tpu.memref_slice %arg12[%add3A_1771, %dma_wait3A_1774] : memref<10112x128xf32, #tpu.memory_space<vmem_shared>> -> memref<8x128xf32, #tpu.memory_space<vmem_shared>>
    tpu.wait_dma2 semaphore(%arg19 : memref<!tpu.dma_semaphore, #tpu.memory_space<semaphore_mem>>) src(%arg11 : memref<8x128xf32, #tpu.memory_space<vmem>>) dst(%dma_wait3A_1775 : memref<8x128xf32, #tpu.memory_space<vmem_shared>>)
    %barrier3A = arith.constant 0 : index
    tpu.barrier barrier_id(%barrier3A)
    %dma_start3A_1776 = arith.constant 0 : i32
    %dma_start3A_1777 = arith.constant 1 : i32
    %dma_start3A_1778 = arith.constant 0 : i32
    %dma_start3A_1779 = arith.constant 0 : i32
    %dma_start3A_1780 = tpu.memref_slice %arg3[%dma_start3A_1776, %add3A, %dma_start3A_1777, %dma_start3A_1778, %dma_start3A_1779] : memref<2x32x10x8x125xi32, #tpu.memory_space<hbm>> -> memref<1x1x1x8x125xi32, #tpu.memory_space<hbm>>
    %dma_start3A_1781 = tpu.memref_squeeze %dma_start3A_1780 : memref<1x1x1x8x125xi32, #tpu.memory_space<hbm>> -> memref<8x125xi32, #tpu.memory_space<hbm>>
    %dma_start3A_1782 = arith.constant 0 : i32
    %dma_start3A_1783 = arith.constant 0 : i32
    %dma_start3A_1784 = tpu.memref_slice %arg3[%dma_start3A_1776, %add3A, %dma_start3A_1777, %dma_start3A_1782, %dma_start3A_1783] : memref<2x32x10x8x125xi32, #tpu.memory_space<hbm>> -> memref<1x1x1x8x125xi32, #tpu.memory_space<hbm>>
    %dma_start3A_1785 = tpu.memref_squeeze %dma_start3A_1784 : memref<1x1x1x8x125xi32, #tpu.memory_space<hbm>> -> memref<8x125xi32, #tpu.memory_space<hbm>>
    tpu.enqueue_dma source(%dma_start3A_1785 : memref<8x125xi32, #tpu.memory_space<hbm>>) target(%arg6 : memref<8x125xi32, #tpu.memory_space<vmem>>) target_semaphore(%arg18 : memref<!tpu.dma_semaphore, #tpu.memory_space<semaphore_mem>>)
    %dma_start3A_1786 = arith.constant 1 : i32
    %dma_start3A_1787 = arith.constant 1 : i32
    %dma_start3A_1788 = arith.constant 0 : i32
    %dma_start3A_1789 = arith.constant 0 : i32
    %dma_start3A_1790 = tpu.memref_slice %arg3[%dma_start3A_1786, %add3A, %dma_start3A_1787, %dma_start3A_1788, %dma_start3A_1789] : memref<2x32x10x8x125xi32, #tpu.memory_space<hbm>> -> memref<1x1x1x8x125xi32, #tpu.memory_space<hbm>>
    %dma_start3A_1791 = tpu.memref_squeeze %dma_start3A_1790 : memref<1x1x1x8x125xi32, #tpu.memory_space<hbm>> -> memref<8x125xi32, #tpu.memory_space<hbm>>
    %dma_start3A_1792 = arith.constant 0 : i32
    %dma_start3A_1793 = arith.constant 0 : i32
    %dma_start3A_1794 = tpu.memref_slice %arg3[%dma_start3A_1786, %add3A, %dma_start3A_1787, %dma_start3A_1792, %dma_start3A_1793] : memref<2x32x10x8x125xi32, #tpu.memory_space<hbm>> -> memref<1x1x1x8x125xi32, #tpu.memory_space<hbm>>
    %dma_start3A_1795 = tpu.memref_squeeze %dma_start3A_1794 : memref<1x1x1x8x125xi32, #tpu.memory_space<hbm>> -> memref<8x125xi32, #tpu.memory_space<hbm>>
    tpu.enqueue_dma source(%dma_start3A_1795 : memref<8x125xi32, #tpu.memory_space<hbm>>) target(%arg8 : memref<8x125xi32, #tpu.memory_space<vmem>>) target_semaphore(%arg18 : memref<!tpu.dma_semaphore, #tpu.memory_space<semaphore_mem>>)
    %dma_start3A_1796 = arith.constant 0 : i32
    %dma_start3A_1797 = arith.constant 0 : i32
    %dma_start3A_1798 = tpu.memref_slice %arg5[%dma_start3A_1796, %dma_start3A_1797] : memref<8x125xi32, #tpu.memory_space<vmem>> -> memref<1x125xi32, #tpu.memory_space<vmem>>
    %dma_start3A_1799 = tpu.memref_squeeze %dma_start3A_1798 : memref<1x125xi32, #tpu.memory_space<vmem>> -> memref<125xi32, #tpu.memory_space<vmem>>
    %dma_start3A_1800 = arith.constant 0 : i32
    %dma_start3A_1801 = arith.constant 0 : i32
    %dma_start3A_1802 = tpu.memref_slice %arg2[%dma_start3A_1800, %dma_start3A_1801] : memref<10000x128xf32, #tpu.memory_space<hbm>> -> memref<10000x128xf32, #tpu.memory_space<hbm>>
    tpu.enqueue_indirect_dma source(%dma_start3A_1802 : memref<10000x128xf32, #tpu.memory_space<hbm>>) target(%arg9 : memref<125x128xf32, #tpu.memory_space<vmem>>) offsets(%dma_start3A_1799 : memref<125xi32, #tpu.memory_space<vmem>>) semaphore(%arg13 : memref<!tpu.dma_semaphore, #tpu.memory_space<semaphore_mem>>)
    %dma_start3A_1803 = arith.constant 1 : i32
    %dma_start3A_1804 = arith.constant 0 : i32
    %dma_start3A_1805 = tpu.memref_slice %arg5[%dma_start3A_1803, %dma_start3A_1804] : memref<8x125xi32, #tpu.memory_space<vmem>> -> memref<1x125xi32, #tpu.memory_space<vmem>>
    %dma_start3A_1806 = tpu.memref_squeeze %dma_start3A_1805 : memref<1x125xi32, #tpu.memory_space<vmem>> -> memref<125xi32, #tpu.memory_space<vmem>>
    %dma_start3A_1807 = arith.constant 0 : i32
    %dma_start3A_1808 = arith.constant 0 : i32
    %dma_start3A_1809 = tpu.memref_slice %arg2[%dma_start3A_1807, %dma_start3A_1808] : memref<10000x128xf32, #tpu.memory_space<hbm>> -> memref<10000x128xf32, #tpu.memory_space<hbm>>
    tpu.enqueue_indirect_dma source(%dma_start3A_1809 : memref<10000x128xf32, #tpu.memory_space<hbm>>) target(%arg10 : memref<125x128xf32, #tpu.memory_space<vmem>>) offsets(%dma_start3A_1806 : memref<125xi32, #tpu.memory_space<vmem>>) semaphore(%arg14 : memref<!tpu.dma_semaphore, #tpu.memory_space<semaphore_mem>>)
    %scan3A = arith.constant 0 : i32
    %scan3A_1810 = arith.constant 0 : i32
    %scan3A_1811 = arith.constant 5 : i32
    %scan3A_1812 = arith.addi %scan3A_1810, %scan3A_1811 : i32
    %scan3A_1813 = arith.constant 1 : i32
    scf.for %scan3A_1946 = %scan3A_1810 to %scan3A_1812 step %scan3A_1813  : i32 {
      %lt3A = arith.constant 4 : i32
      %lt3A_1947 = arith.cmpi slt, %scan3A_1946, %lt3A : i32
      %dma_wait3A_1948 = arith.constant 0 : i32
      %dma_wait3A_1949 = arith.constant 0 : i32
      %dma_wait3A_1950 = tpu.memref_slice %arg5[%dma_wait3A_1948, %dma_wait3A_1949] : memref<8x125xi32, #tpu.memory_space<vmem>> -> memref<1x125xi32, #tpu.memory_space<vmem>>
      %dma_wait3A_1951 = tpu.memref_squeeze %dma_wait3A_1950 : memref<1x125xi32, #tpu.memory_space<vmem>> -> memref<125xi32, #tpu.memory_space<vmem>>
      %dma_wait3A_1952 = arith.constant 0 : i32
      %dma_wait3A_1953 = arith.constant 0 : i32
      %dma_wait3A_1954 = tpu.memref_slice %arg2[%dma_wait3A_1952, %dma_wait3A_1953] : memref<10000x128xf32, #tpu.memory_space<hbm>> -> memref<10000x128xf32, #tpu.memory_space<hbm>>
      tpu.wait_indirect_dma semaphore(%arg13 : memref<!tpu.dma_semaphore, #tpu.memory_space<semaphore_mem>>) src(%dma_wait3A_1954 : memref<10000x128xf32, #tpu.memory_space<hbm>>) dst(%arg9 : memref<125x128xf32, #tpu.memory_space<vmem>>)
      %dma_start3A_1955 = arith.constant 0 : i32
      %dma_start3A_1956 = arith.constant 0 : i32
      %dma_start3A_1957 = tpu.memref_slice %arg7[%dma_start3A_1955, %dma_start3A_1956] : memref<8x125xi32, #tpu.memory_space<vmem>> -> memref<1x125xi32, #tpu.memory_space<vmem>>
      %dma_start3A_1958 = tpu.memref_squeeze %dma_start3A_1957 : memref<1x125xi32, #tpu.memory_space<vmem>> -> memref<125xi32, #tpu.memory_space<vmem>>
      %dma_start3A_1959 = arith.constant 0 : i32
      %dma_start3A_1960 = arith.constant 0 : i32
      %dma_start3A_1961 = tpu.memref_slice %arg12[%dma_start3A_1959, %dma_start3A_1960] : memref<10112x128xf32, #tpu.memory_space<vmem_shared>> -> memref<10112x128xf32, #tpu.memory_space<vmem_shared>>
      tpu.enqueue_indirect_dma source(%arg9 : memref<125x128xf32, #tpu.memory_space<vmem>>) target(%dma_start3A_1961 : memref<10112x128xf32, #tpu.memory_space<vmem_shared>>) offsets(%dma_start3A_1958 : memref<125xi32, #tpu.memory_space<vmem>>) semaphore(%arg15 : memref<!tpu.dma_semaphore, #tpu.memory_space<semaphore_mem>>) {add = true}
      %dma_wait3A_1962 = arith.constant 0 : i32
      %dma_wait3A_1963 = arith.constant 0 : i32
      %dma_wait3A_1964 = tpu.memref_slice %arg7[%dma_wait3A_1962, %dma_wait3A_1963] : memref<8x125xi32, #tpu.memory_space<vmem>> -> memref<1x125xi32, #tpu.memory_space<vmem>>
      %dma_wait3A_1965 = tpu.memref_squeeze %dma_wait3A_1964 : memref<1x125xi32, #tpu.memory_space<vmem>> -> memref<125xi32, #tpu.memory_space<vmem>>
      %dma_wait3A_1966 = arith.constant 0 : i32
      %dma_wait3A_1967 = arith.constant 0 : i32
      %dma_wait3A_1968 = tpu.memref_slice %arg12[%dma_wait3A_1966, %dma_wait3A_1967] : memref<10112x128xf32, #tpu.memory_space<vmem_shared>> -> memref<10112x128xf32, #tpu.memory_space<vmem_shared>>
      tpu.wait_indirect_dma semaphore(%arg15 : memref<!tpu.dma_semaphore, #tpu.memory_space<semaphore_mem>>) src(%arg9 : memref<125x128xf32, #tpu.memory_space<vmem>>) dst(%dma_wait3A_1968 : memref<10112x128xf32, #tpu.memory_space<vmem_shared>>)
      %dma_start3A_1969 = arith.constant 2 : i32
      %dma_start3A_1970 = arith.constant 0 : i32
      %dma_start3A_1971 = tpu.memref_slice %arg5[%dma_start3A_1969, %dma_start3A_1970] : memref<8x125xi32, #tpu.memory_space<vmem>> -> memref<1x125xi32, #tpu.memory_space<vmem>>
      %dma_start3A_1972 = tpu.memref_squeeze %dma_start3A_1971 : memref<1x125xi32, #tpu.memory_space<vmem>> -> memref<125xi32, #tpu.memory_space<vmem>>
      %dma_start3A_1973 = arith.constant 0 : i32
      %dma_start3A_1974 = arith.constant 0 : i32
      %dma_start3A_1975 = tpu.memref_slice %arg2[%dma_start3A_1973, %dma_start3A_1974] : memref<10000x128xf32, #tpu.memory_space<hbm>> -> memref<10000x128xf32, #tpu.memory_space<hbm>>
      tpu.enqueue_indirect_dma source(%dma_start3A_1975 : memref<10000x128xf32, #tpu.memory_space<hbm>>) target(%arg9 : memref<125x128xf32, #tpu.memory_space<vmem>>) offsets(%dma_start3A_1972 : memref<125xi32, #tpu.memory_space<vmem>>) semaphore(%arg13 : memref<!tpu.dma_semaphore, #tpu.memory_space<semaphore_mem>>)
      %dma_wait3A_1976 = arith.constant 1 : i32
      %dma_wait3A_1977 = arith.constant 0 : i32
      %dma_wait3A_1978 = tpu.memref_slice %arg5[%dma_wait3A_1976, %dma_wait3A_1977] : memref<8x125xi32, #tpu.memory_space<vmem>> -> memref<1x125xi32, #tpu.memory_space<vmem>>
      %dma_wait3A_1979 = tpu.memref_squeeze %dma_wait3A_1978 : memref<1x125xi32, #tpu.memory_space<vmem>> -> memref<125xi32, #tpu.memory_space<vmem>>
      %dma_wait3A_1980 = arith.constant 0 : i32
      %dma_wait3A_1981 = arith.constant 0 : i32
      %dma_wait3A_1982 = tpu.memref_slice %arg2[%dma_wait3A_1980, %dma_wait3A_1981] : memref<10000x128xf32, #tpu.memory_space<hbm>> -> memref<10000x128xf32, #tpu.memory_space<hbm>>
      tpu.wait_indirect_dma semaphore(%arg14 : memref<!tpu.dma_semaphore, #tpu.memory_space<semaphore_mem>>) src(%dma_wait3A_1982 : memref<10000x128xf32, #tpu.memory_space<hbm>>) dst(%arg10 : memref<125x128xf32, #tpu.memory_space<vmem>>)
      %dma_start3A_1983 = arith.constant 1 : i32
      %dma_start3A_1984 = arith.constant 0 : i32
      %dma_start3A_1985 = tpu.memref_slice %arg7[%dma_start3A_1983, %dma_start3A_1984] : memref<8x125xi32, #tpu.memory_space<vmem>> -> memref<1x125xi32, #tpu.memory_space<vmem>>
      %dma_start3A_1986 = tpu.memref_squeeze %dma_start3A_1985 : memref<1x125xi32, #tpu.memory_space<vmem>> -> memref<125xi32, #tpu.memory_space<vmem>>
      %dma_start3A_1987 = arith.constant 0 : i32
      %dma_start3A_1988 = arith.constant 0 : i32
      %dma_start3A_1989 = tpu.memref_slice %arg12[%dma_start3A_1987, %dma_start3A_1988] : memref<10112x128xf32, #tpu.memory_space<vmem_shared>> -> memref<10112x128xf32, #tpu.memory_space<vmem_shared>>
      tpu.enqueue_indirect_dma source(%arg10 : memref<125x128xf32, #tpu.memory_space<vmem>>) target(%dma_start3A_1989 : memref<10112x128xf32, #tpu.memory_space<vmem_shared>>) offsets(%dma_start3A_1986 : memref<125xi32, #tpu.memory_space<vmem>>) semaphore(%arg16 : memref<!tpu.dma_semaphore, #tpu.memory_space<semaphore_mem>>) {add = true}
      %dma_wait3A_1990 = arith.constant 1 : i32
      %dma_wait3A_1991 = arith.constant 0 : i32
      %dma_wait3A_1992 = tpu.memref_slice %arg7[%dma_wait3A_1990, %dma_wait3A_1991] : memref<8x125xi32, #tpu.memory_space<vmem>> -> memref<1x125xi32, #tpu.memory_space<vmem>>
      %dma_wait3A_1993 = tpu.memref_squeeze %dma_wait3A_1992 : memref<1x125xi32, #tpu.memory_space<vmem>> -> memref<125xi32, #tpu.memory_space<vmem>>
      %dma_wait3A_1994 = arith.constant 0 : i32
      %dma_wait3A_1995 = arith.constant 0 : i32
      %dma_wait3A_1996 = tpu.memref_slice %arg12[%dma_wait3A_1994, %dma_wait3A_1995] : memref<10112x128xf32, #tpu.memory_space<vmem_shared>> -> memref<10112x128xf32, #tpu.memory_space<vmem_shared>>
      tpu.wait_indirect_dma semaphore(%arg16 : memref<!tpu.dma_semaphore, #tpu.memory_space<semaphore_mem>>) src(%arg10 : memref<125x128xf32, #tpu.memory_space<vmem>>) dst(%dma_wait3A_1996 : memref<10112x128xf32, #tpu.memory_space<vmem_shared>>)
      %dma_start3A_1997 = arith.constant 3 : i32
      %dma_start3A_1998 = arith.constant 0 : i32
      %dma_start3A_1999 = tpu.memref_slice %arg5[%dma_start3A_1997, %dma_start3A_1998] : memref<8x125xi32, #tpu.memory_space<vmem>> -> memref<1x125xi32, #tpu.memory_space<vmem>>
      %dma_start3A_2000 = tpu.memref_squeeze %dma_start3A_1999 : memref<1x125xi32, #tpu.memory_space<vmem>> -> memref<125xi32, #tpu.memory_space<vmem>>
      %dma_start3A_2001 = arith.constant 0 : i32
      %dma_start3A_2002 = arith.constant 0 : i32
      %dma_start3A_2003 = tpu.memref_slice %arg2[%dma_start3A_2001, %dma_start3A_2002] : memref<10000x128xf32, #tpu.memory_space<hbm>> -> memref<10000x128xf32, #tpu.memory_space<hbm>>
      tpu.enqueue_indirect_dma source(%dma_start3A_2003 : memref<10000x128xf32, #tpu.memory_space<hbm>>) target(%arg10 : memref<125x128xf32, #tpu.memory_space<vmem>>) offsets(%dma_start3A_2000 : memref<125xi32, #tpu.memory_space<vmem>>) semaphore(%arg14 : memref<!tpu.dma_semaphore, #tpu.memory_space<semaphore_mem>>)
      %dma_wait3A_2004 = arith.constant 2 : i32
      %dma_wait3A_2005 = arith.constant 0 : i32
      %dma_wait3A_2006 = tpu.memref_slice %arg5[%dma_wait3A_2004, %dma_wait3A_2005] : memref<8x125xi32, #tpu.memory_space<vmem>> -> memref<1x125xi32, #tpu.memory_space<vmem>>
      %dma_wait3A_2007 = tpu.memref_squeeze %dma_wait3A_2006 : memref<1x125xi32, #tpu.memory_space<vmem>> -> memref<125xi32, #tpu.memory_space<vmem>>
      %dma_wait3A_2008 = arith.constant 0 : i32
      %dma_wait3A_2009 = arith.constant 0 : i32
      %dma_wait3A_2010 = tpu.memref_slice %arg2[%dma_wait3A_2008, %dma_wait3A_2009] : memref<10000x128xf32, #tpu.memory_space<hbm>> -> memref<10000x128xf32, #tpu.memory_space<hbm>>
      tpu.wait_indirect_dma semaphore(%arg13 : memref<!tpu.dma_semaphore, #tpu.memory_space<semaphore_mem>>) src(%dma_wait3A_2010 : memref<10000x128xf32, #tpu.memory_space<hbm>>) dst(%arg9 : memref<125x128xf32, #tpu.memory_space<vmem>>)
      %dma_start3A_2011 = arith.constant 2 : i32
      %dma_start3A_2012 = arith.constant 0 : i32
      %dma_start3A_2013 = tpu.memref_slice %arg7[%dma_start3A_2011, %dma_start3A_2012] : memref<8x125xi32, #tpu.memory_space<vmem>> -> memref<1x125xi32, #tpu.memory_space<vmem>>
      %dma_start3A_2014 = tpu.memref_squeeze %dma_start3A_2013 : memref<1x125xi32, #tpu.memory_space<vmem>> -> memref<125xi32, #tpu.memory_space<vmem>>
      %dma_start3A_2015 = arith.constant 0 : i32
      %dma_start3A_2016 = arith.constant 0 : i32
      %dma_start3A_2017 = tpu.memref_slice %arg12[%dma_start3A_2015, %dma_start3A_2016] : memref<10112x128xf32, #tpu.memory_space<vmem_shared>> -> memref<10112x128xf32, #tpu.memory_space<vmem_shared>>
      tpu.enqueue_indirect_dma source(%arg9 : memref<125x128xf32, #tpu.memory_space<vmem>>) target(%dma_start3A_2017 : memref<10112x128xf32, #tpu.memory_space<vmem_shared>>) offsets(%dma_start3A_2014 : memref<125xi32, #tpu.memory_space<vmem>>) semaphore(%arg15 : memref<!tpu.dma_semaphore, #tpu.memory_space<semaphore_mem>>) {add = true}
      %dma_wait3A_2018 = arith.constant 2 : i32
      %dma_wait3A_2019 = arith.constant 0 : i32
      %dma_wait3A_2020 = tpu.memref_slice %arg7[%dma_wait3A_2018, %dma_wait3A_2019] : memref<8x125xi32, #tpu.memory_space<vmem>> -> memref<1x125xi32, #tpu.memory_space<vmem>>
      %dma_wait3A_2021 = tpu.memref_squeeze %dma_wait3A_2020 : memref<1x125xi32, #tpu.memory_space<vmem>> -> memref<125xi32, #tpu.memory_space<vmem>>
      %dma_wait3A_2022 = arith.constant 0 : i32
      %dma_wait3A_2023 = arith.constant 0 : i32
      %dma_wait3A_2024 = tpu.memref_slice %arg12[%dma_wait3A_2022, %dma_wait3A_2023] : memref<10112x128xf32, #tpu.memory_space<vmem_shared>> -> memref<10112x128xf32, #tpu.memory_space<vmem_shared>>
      tpu.wait_indirect_dma semaphore(%arg15 : memref<!tpu.dma_semaphore, #tpu.memory_space<semaphore_mem>>) src(%arg9 : memref<125x128xf32, #tpu.memory_space<vmem>>) dst(%dma_wait3A_2024 : memref<10112x128xf32, #tpu.memory_space<vmem_shared>>)
      %dma_start3A_2025 = arith.constant 4 : i32
      %dma_start3A_2026 = arith.constant 0 : i32
      %dma_start3A_2027 = tpu.memref_slice %arg5[%dma_start3A_2025, %dma_start3A_2026] : memref<8x125xi32, #tpu.memory_space<vmem>> -> memref<1x125xi32, #tpu.memory_space<vmem>>
      %dma_start3A_2028 = tpu.memref_squeeze %dma_start3A_2027 : memref<1x125xi32, #tpu.memory_space<vmem>> -> memref<125xi32, #tpu.memory_space<vmem>>
      %dma_start3A_2029 = arith.constant 0 : i32
      %dma_start3A_2030 = arith.constant 0 : i32
      %dma_start3A_2031 = tpu.memref_slice %arg2[%dma_start3A_2029, %dma_start3A_2030] : memref<10000x128xf32, #tpu.memory_space<hbm>> -> memref<10000x128xf32, #tpu.memory_space<hbm>>
      tpu.enqueue_indirect_dma source(%dma_start3A_2031 : memref<10000x128xf32, #tpu.memory_space<hbm>>) target(%arg9 : memref<125x128xf32, #tpu.memory_space<vmem>>) offsets(%dma_start3A_2028 : memref<125xi32, #tpu.memory_space<vmem>>) semaphore(%arg13 : memref<!tpu.dma_semaphore, #tpu.memory_space<semaphore_mem>>)
      %dma_wait3A_2032 = arith.constant 3 : i32
      %dma_wait3A_2033 = arith.constant 0 : i32
      %dma_wait3A_2034 = tpu.memref_slice %arg5[%dma_wait3A_2032, %dma_wait3A_2033] : memref<8x125xi32, #tpu.memory_space<vmem>> -> memref<1x125xi32, #tpu.memory_space<vmem>>
      %dma_wait3A_2035 = tpu.memref_squeeze %dma_wait3A_2034 : memref<1x125xi32, #tpu.memory_space<vmem>> -> memref<125xi32, #tpu.memory_space<vmem>>
      %dma_wait3A_2036 = arith.constant 0 : i32
      %dma_wait3A_2037 = arith.constant 0 : i32
      %dma_wait3A_2038 = tpu.memref_slice %arg2[%dma_wait3A_2036, %dma_wait3A_2037] : memref<10000x128xf32, #tpu.memory_space<hbm>> -> memref<10000x128xf32, #tpu.memory_space<hbm>>
      tpu.wait_indirect_dma semaphore(%arg14 : memref<!tpu.dma_semaphore, #tpu.memory_space<semaphore_mem>>) src(%dma_wait3A_2038 : memref<10000x128xf32, #tpu.memory_space<hbm>>) dst(%arg10 : memref<125x128xf32, #tpu.memory_space<vmem>>)
      %dma_start3A_2039 = arith.constant 3 : i32
      %dma_start3A_2040 = arith.constant 0 : i32
      %dma_start3A_2041 = tpu.memref_slice %arg7[%dma_start3A_2039, %dma_start3A_2040] : memref<8x125xi32, #tpu.memory_space<vmem>> -> memref<1x125xi32, #tpu.memory_space<vmem>>
      %dma_start3A_2042 = tpu.memref_squeeze %dma_start3A_2041 : memref<1x125xi32, #tpu.memory_space<vmem>> -> memref<125xi32, #tpu.memory_space<vmem>>
      %dma_start3A_2043 = arith.constant 0 : i32
      %dma_start3A_2044 = arith.constant 0 : i32
      %dma_start3A_2045 = tpu.memref_slice %arg12[%dma_start3A_2043, %dma_start3A_2044] : memref<10112x128xf32, #tpu.memory_space<vmem_shared>> -> memref<10112x128xf32, #tpu.memory_space<vmem_shared>>
      tpu.enqueue_indirect_dma source(%arg10 : memref<125x128xf32, #tpu.memory_space<vmem>>) target(%dma_start3A_2045 : memref<10112x128xf32, #tpu.memory_space<vmem_shared>>) offsets(%dma_start3A_2042 : memref<125xi32, #tpu.memory_space<vmem>>) semaphore(%arg16 : memref<!tpu.dma_semaphore, #tpu.memory_space<semaphore_mem>>) {add = true}
      %dma_wait3A_2046 = arith.constant 3 : i32
      %dma_wait3A_2047 = arith.constant 0 : i32
      %dma_wait3A_2048 = tpu.memref_slice %arg7[%dma_wait3A_2046, %dma_wait3A_2047] : memref<8x125xi32, #tpu.memory_space<vmem>> -> memref<1x125xi32, #tpu.memory_space<vmem>>
      %dma_wait3A_2049 = tpu.memref_squeeze %dma_wait3A_2048 : memref<1x125xi32, #tpu.memory_space<vmem>> -> memref<125xi32, #tpu.memory_space<vmem>>
      %dma_wait3A_2050 = arith.constant 0 : i32
      %dma_wait3A_2051 = arith.constant 0 : i32
      %dma_wait3A_2052 = tpu.memref_slice %arg12[%dma_wait3A_2050, %dma_wait3A_2051] : memref<10112x128xf32, #tpu.memory_space<vmem_shared>> -> memref<10112x128xf32, #tpu.memory_space<vmem_shared>>
      tpu.wait_indirect_dma semaphore(%arg16 : memref<!tpu.dma_semaphore, #tpu.memory_space<semaphore_mem>>) src(%arg10 : memref<125x128xf32, #tpu.memory_space<vmem>>) dst(%dma_wait3A_2052 : memref<10112x128xf32, #tpu.memory_space<vmem_shared>>)
      %dma_start3A_2053 = arith.constant 5 : i32
      %dma_start3A_2054 = arith.constant 0 : i32
      %dma_start3A_2055 = tpu.memref_slice %arg5[%dma_start3A_2053, %dma_start3A_2054] : memref<8x125xi32, #tpu.memory_space<vmem>> -> memref<1x125xi32, #tpu.memory_space<vmem>>
      %dma_start3A_2056 = tpu.memref_squeeze %dma_start3A_2055 : memref<1x125xi32, #tpu.memory_space<vmem>> -> memref<125xi32, #tpu.memory_space<vmem>>
      %dma_start3A_2057 = arith.constant 0 : i32
      %dma_start3A_2058 = arith.constant 0 : i32
      %dma_start3A_2059 = tpu.memref_slice %arg2[%dma_start3A_2057, %dma_start3A_2058] : memref<10000x128xf32, #tpu.memory_space<hbm>> -> memref<10000x128xf32, #tpu.memory_space<hbm>>
      tpu.enqueue_indirect_dma source(%dma_start3A_2059 : memref<10000x128xf32, #tpu.memory_space<hbm>>) target(%arg10 : memref<125x128xf32, #tpu.memory_space<vmem>>) offsets(%dma_start3A_2056 : memref<125xi32, #tpu.memory_space<vmem>>) semaphore(%arg14 : memref<!tpu.dma_semaphore, #tpu.memory_space<semaphore_mem>>)
      %dma_wait3A_2060 = arith.constant 4 : i32
      %dma_wait3A_2061 = arith.constant 0 : i32
      %dma_wait3A_2062 = tpu.memref_slice %arg5[%dma_wait3A_2060, %dma_wait3A_2061] : memref<8x125xi32, #tpu.memory_space<vmem>> -> memref<1x125xi32, #tpu.memory_space<vmem>>
      %dma_wait3A_2063 = tpu.memref_squeeze %dma_wait3A_2062 : memref<1x125xi32, #tpu.memory_space<vmem>> -> memref<125xi32, #tpu.memory_space<vmem>>
      %dma_wait3A_2064 = arith.constant 0 : i32
      %dma_wait3A_2065 = arith.constant 0 : i32
      %dma_wait3A_2066 = tpu.memref_slice %arg2[%dma_wait3A_2064, %dma_wait3A_2065] : memref<10000x128xf32, #tpu.memory_space<hbm>> -> memref<10000x128xf32, #tpu.memory_space<hbm>>
      tpu.wait_indirect_dma semaphore(%arg13 : memref<!tpu.dma_semaphore, #tpu.memory_space<semaphore_mem>>) src(%dma_wait3A_2066 : memref<10000x128xf32, #tpu.memory_space<hbm>>) dst(%arg9 : memref<125x128xf32, #tpu.memory_space<vmem>>)
      %dma_start3A_2067 = arith.constant 4 : i32
      %dma_start3A_2068 = arith.constant 0 : i32
      %dma_start3A_2069 = tpu.memref_slice %arg7[%dma_start3A_2067, %dma_start3A_2068] : memref<8x125xi32, #tpu.memory_space<vmem>> -> memref<1x125xi32, #tpu.memory_space<vmem>>
      %dma_start3A_2070 = tpu.memref_squeeze %dma_start3A_2069 : memref<1x125xi32, #tpu.memory_space<vmem>> -> memref<125xi32, #tpu.memory_space<vmem>>
      %dma_start3A_2071 = arith.constant 0 : i32
      %dma_start3A_2072 = arith.constant 0 : i32
      %dma_start3A_2073 = tpu.memref_slice %arg12[%dma_start3A_2071, %dma_start3A_2072] : memref<10112x128xf32, #tpu.memory_space<vmem_shared>> -> memref<10112x128xf32, #tpu.memory_space<vmem_shared>>
      tpu.enqueue_indirect_dma source(%arg9 : memref<125x128xf32, #tpu.memory_space<vmem>>) target(%dma_start3A_2073 : memref<10112x128xf32, #tpu.memory_space<vmem_shared>>) offsets(%dma_start3A_2070 : memref<125xi32, #tpu.memory_space<vmem>>) semaphore(%arg15 : memref<!tpu.dma_semaphore, #tpu.memory_space<semaphore_mem>>) {add = true}
      %dma_wait3A_2074 = arith.constant 4 : i32
      %dma_wait3A_2075 = arith.constant 0 : i32
      %dma_wait3A_2076 = tpu.memref_slice %arg7[%dma_wait3A_2074, %dma_wait3A_2075] : memref<8x125xi32, #tpu.memory_space<vmem>> -> memref<1x125xi32, #tpu.memory_space<vmem>>
      %dma_wait3A_2077 = tpu.memref_squeeze %dma_wait3A_2076 : memref<1x125xi32, #tpu.memory_space<vmem>> -> memref<125xi32, #tpu.memory_space<vmem>>
      %dma_wait3A_2078 = arith.constant 0 : i32
      %dma_wait3A_2079 = arith.constant 0 : i32
      %dma_wait3A_2080 = tpu.memref_slice %arg12[%dma_wait3A_2078, %dma_wait3A_2079] : memref<10112x128xf32, #tpu.memory_space<vmem_shared>> -> memref<10112x128xf32, #tpu.memory_space<vmem_shared>>
      tpu.wait_indirect_dma semaphore(%arg15 : memref<!tpu.dma_semaphore, #tpu.memory_space<semaphore_mem>>) src(%arg9 : memref<125x128xf32, #tpu.memory_space<vmem>>) dst(%dma_wait3A_2080 : memref<10112x128xf32, #tpu.memory_space<vmem_shared>>)
      %mul3A_2081 = arith.constant 2 : i32
      %mul3A_2082 = arith.muli %mul3A_2081, %scan3A_1946 : i32
      %add3A_2083 = arith.constant 1 : i32
      %add3A_2084 = arith.addi %mul3A_2082, %add3A_2083 : i32
      %dma_wait3A_2085 = arith.constant 0 : i32
      %dma_wait3A_2086 = arith.constant 0 : i32
      %dma_wait3A_2087 = arith.constant 0 : i32
      %dma_wait3A_2088 = tpu.memref_slice %arg3[%dma_wait3A_2085, %add3A, %add3A_2084, %dma_wait3A_2086, %dma_wait3A_2087] : memref<2x32x10x8x125xi32, #tpu.memory_space<hbm>> -> memref<1x1x1x8x125xi32, #tpu.memory_space<hbm>>
      %dma_wait3A_2089 = tpu.memref_squeeze %dma_wait3A_2088 : memref<1x1x1x8x125xi32, #tpu.memory_space<hbm>> -> memref<8x125xi32, #tpu.memory_space<hbm>>
      %dma_wait3A_2090 = arith.constant 0 : i32
      %dma_wait3A_2091 = arith.constant 0 : i32
      %dma_wait3A_2092 = tpu.memref_slice %arg3[%dma_wait3A_2085, %add3A, %add3A_2084, %dma_wait3A_2090, %dma_wait3A_2091] : memref<2x32x10x8x125xi32, #tpu.memory_space<hbm>> -> memref<1x1x1x8x125xi32, #tpu.memory_space<hbm>>
      %dma_wait3A_2093 = tpu.memref_squeeze %dma_wait3A_2092 : memref<1x1x1x8x125xi32, #tpu.memory_space<hbm>> -> memref<8x125xi32, #tpu.memory_space<hbm>>
      tpu.wait_dma2 semaphore(%arg18 : memref<!tpu.dma_semaphore, #tpu.memory_space<semaphore_mem>>) src(%dma_wait3A_2093 : memref<8x125xi32, #tpu.memory_space<hbm>>) dst(%arg6 : memref<8x125xi32, #tpu.memory_space<vmem>>)
      %dma_wait3A_2094 = arith.constant 1 : i32
      %dma_wait3A_2095 = arith.constant 0 : i32
      %dma_wait3A_2096 = arith.constant 0 : i32
      %dma_wait3A_2097 = tpu.memref_slice %arg3[%dma_wait3A_2094, %add3A, %add3A_2084, %dma_wait3A_2095, %dma_wait3A_2096] : memref<2x32x10x8x125xi32, #tpu.memory_space<hbm>> -> memref<1x1x1x8x125xi32, #tpu.memory_space<hbm>>
      %dma_wait3A_2098 = tpu.memref_squeeze %dma_wait3A_2097 : memref<1x1x1x8x125xi32, #tpu.memory_space<hbm>> -> memref<8x125xi32, #tpu.memory_space<hbm>>
      %dma_wait3A_2099 = arith.constant 0 : i32
      %dma_wait3A_2100 = arith.constant 0 : i32
      %dma_wait3A_2101 = tpu.memref_slice %arg3[%dma_wait3A_2094, %add3A, %add3A_2084, %dma_wait3A_2099, %dma_wait3A_2100] : memref<2x32x10x8x125xi32, #tpu.memory_space<hbm>> -> memref<1x1x1x8x125xi32, #tpu.memory_space<hbm>>
      %dma_wait3A_2102 = tpu.memref_squeeze %dma_wait3A_2101 : memref<1x1x1x8x125xi32, #tpu.memory_space<hbm>> -> memref<8x125xi32, #tpu.memory_space<hbm>>
      tpu.wait_dma2 semaphore(%arg18 : memref<!tpu.dma_semaphore, #tpu.memory_space<semaphore_mem>>) src(%dma_wait3A_2102 : memref<8x125xi32, #tpu.memory_space<hbm>>) dst(%arg8 : memref<8x125xi32, #tpu.memory_space<vmem>>)
      %dma_start3A_2103 = arith.constant 6 : i32
      %dma_start3A_2104 = arith.constant 0 : i32
      %dma_start3A_2105 = tpu.memref_slice %arg5[%dma_start3A_2103, %dma_start3A_2104] : memref<8x125xi32, #tpu.memory_space<vmem>> -> memref<1x125xi32, #tpu.memory_space<vmem>>
      %dma_start3A_2106 = tpu.memref_squeeze %dma_start3A_2105 : memref<1x125xi32, #tpu.memory_space<vmem>> -> memref<125xi32, #tpu.memory_space<vmem>>
      %dma_start3A_2107 = arith.constant 0 : i32
      %dma_start3A_2108 = arith.constant 0 : i32
      %dma_start3A_2109 = tpu.memref_slice %arg2[%dma_start3A_2107, %dma_start3A_2108] : memref<10000x128xf32, #tpu.memory_space<hbm>> -> memref<10000x128xf32, #tpu.memory_space<hbm>>
      tpu.enqueue_indirect_dma source(%dma_start3A_2109 : memref<10000x128xf32, #tpu.memory_space<hbm>>) target(%arg9 : memref<125x128xf32, #tpu.memory_space<vmem>>) offsets(%dma_start3A_2106 : memref<125xi32, #tpu.memory_space<vmem>>) semaphore(%arg13 : memref<!tpu.dma_semaphore, #tpu.memory_space<semaphore_mem>>)
      %dma_wait3A_2110 = arith.constant 5 : i32
      %dma_wait3A_2111 = arith.constant 0 : i32
      %dma_wait3A_2112 = tpu.memref_slice %arg5[%dma_wait3A_2110, %dma_wait3A_2111] : memref<8x125xi32, #tpu.memory_space<vmem>> -> memref<1x125xi32, #tpu.memory_space<vmem>>
      %dma_wait3A_2113 = tpu.memref_squeeze %dma_wait3A_2112 : memref<1x125xi32, #tpu.memory_space<vmem>> -> memref<125xi32, #tpu.memory_space<vmem>>
      %dma_wait3A_2114 = arith.constant 0 : i32
      %dma_wait3A_2115 = arith.constant 0 : i32
      %dma_wait3A_2116 = tpu.memref_slice %arg2[%dma_wait3A_2114, %dma_wait3A_2115] : memref<10000x128xf32, #tpu.memory_space<hbm>> -> memref<10000x128xf32, #tpu.memory_space<hbm>>
      tpu.wait_indirect_dma semaphore(%arg14 : memref<!tpu.dma_semaphore, #tpu.memory_space<semaphore_mem>>) src(%dma_wait3A_2116 : memref<10000x128xf32, #tpu.memory_space<hbm>>) dst(%arg10 : memref<125x128xf32, #tpu.memory_space<vmem>>)
      %dma_start3A_2117 = arith.constant 5 : i32
      %dma_start3A_2118 = arith.constant 0 : i32
      %dma_start3A_2119 = tpu.memref_slice %arg7[%dma_start3A_2117, %dma_start3A_2118] : memref<8x125xi32, #tpu.memory_space<vmem>> -> memref<1x125xi32, #tpu.memory_space<vmem>>
      %dma_start3A_2120 = tpu.memref_squeeze %dma_start3A_2119 : memref<1x125xi32, #tpu.memory_space<vmem>> -> memref<125xi32, #tpu.memory_space<vmem>>
      %dma_start3A_2121 = arith.constant 0 : i32
      %dma_start3A_2122 = arith.constant 0 : i32
      %dma_start3A_2123 = tpu.memref_slice %arg12[%dma_start3A_2121, %dma_start3A_2122] : memref<10112x128xf32, #tpu.memory_space<vmem_shared>> -> memref<10112x128xf32, #tpu.memory_space<vmem_shared>>
      tpu.enqueue_indirect_dma source(%arg10 : memref<125x128xf32, #tpu.memory_space<vmem>>) target(%dma_start3A_2123 : memref<10112x128xf32, #tpu.memory_space<vmem_shared>>) offsets(%dma_start3A_2120 : memref<125xi32, #tpu.memory_space<vmem>>) semaphore(%arg16 : memref<!tpu.dma_semaphore, #tpu.memory_space<semaphore_mem>>) {add = true}
      %dma_wait3A_2124 = arith.constant 5 : i32
      %dma_wait3A_2125 = arith.constant 0 : i32
      %dma_wait3A_2126 = tpu.memref_slice %arg7[%dma_wait3A_2124, %dma_wait3A_2125] : memref<8x125xi32, #tpu.memory_space<vmem>> -> memref<1x125xi32, #tpu.memory_space<vmem>>
      %dma_wait3A_2127 = tpu.memref_squeeze %dma_wait3A_2126 : memref<1x125xi32, #tpu.memory_space<vmem>> -> memref<125xi32, #tpu.memory_space<vmem>>
      %dma_wait3A_2128 = arith.constant 0 : i32
      %dma_wait3A_2129 = arith.constant 0 : i32
      %dma_wait3A_2130 = tpu.memref_slice %arg12[%dma_wait3A_2128, %dma_wait3A_2129] : memref<10112x128xf32, #tpu.memory_space<vmem_shared>> -> memref<10112x128xf32, #tpu.memory_space<vmem_shared>>
      tpu.wait_indirect_dma semaphore(%arg16 : memref<!tpu.dma_semaphore, #tpu.memory_space<semaphore_mem>>) src(%arg10 : memref<125x128xf32, #tpu.memory_space<vmem>>) dst(%dma_wait3A_2130 : memref<10112x128xf32, #tpu.memory_space<vmem_shared>>)
      %dma_start3A_2131 = arith.constant 7 : i32
      %dma_start3A_2132 = arith.constant 0 : i32
      %dma_start3A_2133 = tpu.memref_slice %arg5[%dma_start3A_2131, %dma_start3A_2132] : memref<8x125xi32, #tpu.memory_space<vmem>> -> memref<1x125xi32, #tpu.memory_space<vmem>>
      %dma_start3A_2134 = tpu.memref_squeeze %dma_start3A_2133 : memref<1x125xi32, #tpu.memory_space<vmem>> -> memref<125xi32, #tpu.memory_space<vmem>>
      %dma_start3A_2135 = arith.constant 0 : i32
      %dma_start3A_2136 = arith.constant 0 : i32
      %dma_start3A_2137 = tpu.memref_slice %arg2[%dma_start3A_2135, %dma_start3A_2136] : memref<10000x128xf32, #tpu.memory_space<hbm>> -> memref<10000x128xf32, #tpu.memory_space<hbm>>
      tpu.enqueue_indirect_dma source(%dma_start3A_2137 : memref<10000x128xf32, #tpu.memory_space<hbm>>) target(%arg10 : memref<125x128xf32, #tpu.memory_space<vmem>>) offsets(%dma_start3A_2134 : memref<125xi32, #tpu.memory_space<vmem>>) semaphore(%arg14 : memref<!tpu.dma_semaphore, #tpu.memory_space<semaphore_mem>>)
      %dma_wait3A_2138 = arith.constant 6 : i32
      %dma_wait3A_2139 = arith.constant 0 : i32
      %dma_wait3A_2140 = tpu.memref_slice %arg5[%dma_wait3A_2138, %dma_wait3A_2139] : memref<8x125xi32, #tpu.memory_space<vmem>> -> memref<1x125xi32, #tpu.memory_space<vmem>>
      %dma_wait3A_2141 = tpu.memref_squeeze %dma_wait3A_2140 : memref<1x125xi32, #tpu.memory_space<vmem>> -> memref<125xi32, #tpu.memory_space<vmem>>
      %dma_wait3A_2142 = arith.constant 0 : i32
      %dma_wait3A_2143 = arith.constant 0 : i32
      %dma_wait3A_2144 = tpu.memref_slice %arg2[%dma_wait3A_2142, %dma_wait3A_2143] : memref<10000x128xf32, #tpu.memory_space<hbm>> -> memref<10000x128xf32, #tpu.memory_space<hbm>>
      tpu.wait_indirect_dma semaphore(%arg13 : memref<!tpu.dma_semaphore, #tpu.memory_space<semaphore_mem>>) src(%dma_wait3A_2144 : memref<10000x128xf32, #tpu.memory_space<hbm>>) dst(%arg9 : memref<125x128xf32, #tpu.memory_space<vmem>>)
      %dma_start3A_2145 = arith.constant 6 : i32
      %dma_start3A_2146 = arith.constant 0 : i32
      %dma_start3A_2147 = tpu.memref_slice %arg7[%dma_start3A_2145, %dma_start3A_2146] : memref<8x125xi32, #tpu.memory_space<vmem>> -> memref<1x125xi32, #tpu.memory_space<vmem>>
      %dma_start3A_2148 = tpu.memref_squeeze %dma_start3A_2147 : memref<1x125xi32, #tpu.memory_space<vmem>> -> memref<125xi32, #tpu.memory_space<vmem>>
      %dma_start3A_2149 = arith.constant 0 : i32
      %dma_start3A_2150 = arith.constant 0 : i32
      %dma_start3A_2151 = tpu.memref_slice %arg12[%dma_start3A_2149, %dma_start3A_2150] : memref<10112x128xf32, #tpu.memory_space<vmem_shared>> -> memref<10112x128xf32, #tpu.memory_space<vmem_shared>>
      tpu.enqueue_indirect_dma source(%arg9 : memref<125x128xf32, #tpu.memory_space<vmem>>) target(%dma_start3A_2151 : memref<10112x128xf32, #tpu.memory_space<vmem_shared>>) offsets(%dma_start3A_2148 : memref<125xi32, #tpu.memory_space<vmem>>) semaphore(%arg15 : memref<!tpu.dma_semaphore, #tpu.memory_space<semaphore_mem>>) {add = true}
      %dma_wait3A_2152 = arith.constant 6 : i32
      %dma_wait3A_2153 = arith.constant 0 : i32
      %dma_wait3A_2154 = tpu.memref_slice %arg7[%dma_wait3A_2152, %dma_wait3A_2153] : memref<8x125xi32, #tpu.memory_space<vmem>> -> memref<1x125xi32, #tpu.memory_space<vmem>>
      %dma_wait3A_2155 = tpu.memref_squeeze %dma_wait3A_2154 : memref<1x125xi32, #tpu.memory_space<vmem>> -> memref<125xi32, #tpu.memory_space<vmem>>
      %dma_wait3A_2156 = arith.constant 0 : i32
      %dma_wait3A_2157 = arith.constant 0 : i32
      %dma_wait3A_2158 = tpu.memref_slice %arg12[%dma_wait3A_2156, %dma_wait3A_2157] : memref<10112x128xf32, #tpu.memory_space<vmem_shared>> -> memref<10112x128xf32, #tpu.memory_space<vmem_shared>>
      tpu.wait_indirect_dma semaphore(%arg15 : memref<!tpu.dma_semaphore, #tpu.memory_space<semaphore_mem>>) src(%arg9 : memref<125x128xf32, #tpu.memory_space<vmem>>) dst(%dma_wait3A_2158 : memref<10112x128xf32, #tpu.memory_space<vmem_shared>>)
      %dma_start3A_2159 = arith.constant 0 : i32
      %dma_start3A_2160 = arith.constant 0 : i32
      %dma_start3A_2161 = tpu.memref_slice %arg6[%dma_start3A_2159, %dma_start3A_2160] : memref<8x125xi32, #tpu.memory_space<vmem>> -> memref<1x125xi32, #tpu.memory_space<vmem>>
      %dma_start3A_2162 = tpu.memref_squeeze %dma_start3A_2161 : memref<1x125xi32, #tpu.memory_space<vmem>> -> memref<125xi32, #tpu.memory_space<vmem>>
      %dma_start3A_2163 = arith.constant 0 : i32
      %dma_start3A_2164 = arith.constant 0 : i32
      %dma_start3A_2165 = tpu.memref_slice %arg2[%dma_start3A_2163, %dma_start3A_2164] : memref<10000x128xf32, #tpu.memory_space<hbm>> -> memref<10000x128xf32, #tpu.memory_space<hbm>>
      tpu.enqueue_indirect_dma source(%dma_start3A_2165 : memref<10000x128xf32, #tpu.memory_space<hbm>>) target(%arg9 : memref<125x128xf32, #tpu.memory_space<vmem>>) offsets(%dma_start3A_2162 : memref<125xi32, #tpu.memory_space<vmem>>) semaphore(%arg13 : memref<!tpu.dma_semaphore, #tpu.memory_space<semaphore_mem>>)
      %dma_wait3A_2166 = arith.constant 7 : i32
      %dma_wait3A_2167 = arith.constant 0 : i32
      %dma_wait3A_2168 = tpu.memref_slice %arg5[%dma_wait3A_2166, %dma_wait3A_2167] : memref<8x125xi32, #tpu.memory_space<vmem>> -> memref<1x125xi32, #tpu.memory_space<vmem>>
      %dma_wait3A_2169 = tpu.memref_squeeze %dma_wait3A_2168 : memref<1x125xi32, #tpu.memory_space<vmem>> -> memref<125xi32, #tpu.memory_space<vmem>>
      %dma_wait3A_2170 = arith.constant 0 : i32
      %dma_wait3A_2171 = arith.constant 0 : i32
      %dma_wait3A_2172 = tpu.memref_slice %arg2[%dma_wait3A_2170, %dma_wait3A_2171] : memref<10000x128xf32, #tpu.memory_space<hbm>> -> memref<10000x128xf32, #tpu.memory_space<hbm>>
      tpu.wait_indirect_dma semaphore(%arg14 : memref<!tpu.dma_semaphore, #tpu.memory_space<semaphore_mem>>) src(%dma_wait3A_2172 : memref<10000x128xf32, #tpu.memory_space<hbm>>) dst(%arg10 : memref<125x128xf32, #tpu.memory_space<vmem>>)
      %dma_start3A_2173 = arith.constant 7 : i32
      %dma_start3A_2174 = arith.constant 0 : i32
      %dma_start3A_2175 = tpu.memref_slice %arg7[%dma_start3A_2173, %dma_start3A_2174] : memref<8x125xi32, #tpu.memory_space<vmem>> -> memref<1x125xi32, #tpu.memory_space<vmem>>
      %dma_start3A_2176 = tpu.memref_squeeze %dma_start3A_2175 : memref<1x125xi32, #tpu.memory_space<vmem>> -> memref<125xi32, #tpu.memory_space<vmem>>
      %dma_start3A_2177 = arith.constant 0 : i32
      %dma_start3A_2178 = arith.constant 0 : i32
      %dma_start3A_2179 = tpu.memref_slice %arg12[%dma_start3A_2177, %dma_start3A_2178] : memref<10112x128xf32, #tpu.memory_space<vmem_shared>> -> memref<10112x128xf32, #tpu.memory_space<vmem_shared>>
      tpu.enqueue_indirect_dma source(%arg10 : memref<125x128xf32, #tpu.memory_space<vmem>>) target(%dma_start3A_2179 : memref<10112x128xf32, #tpu.memory_space<vmem_shared>>) offsets(%dma_start3A_2176 : memref<125xi32, #tpu.memory_space<vmem>>) semaphore(%arg16 : memref<!tpu.dma_semaphore, #tpu.memory_space<semaphore_mem>>) {add = true}
      %dma_wait3A_2180 = arith.constant 7 : i32
      %dma_wait3A_2181 = arith.constant 0 : i32
      %dma_wait3A_2182 = tpu.memref_slice %arg7[%dma_wait3A_2180, %dma_wait3A_2181] : memref<8x125xi32, #tpu.memory_space<vmem>> -> memref<1x125xi32, #tpu.memory_space<vmem>>
      %dma_wait3A_2183 = tpu.memref_squeeze %dma_wait3A_2182 : memref<1x125xi32, #tpu.memory_space<vmem>> -> memref<125xi32, #tpu.memory_space<vmem>>
      %dma_wait3A_2184 = arith.constant 0 : i32
      %dma_wait3A_2185 = arith.constant 0 : i32
      %dma_wait3A_2186 = tpu.memref_slice %arg12[%dma_wait3A_2184, %dma_wait3A_2185] : memref<10112x128xf32, #tpu.memory_space<vmem_shared>> -> memref<10112x128xf32, #tpu.memory_space<vmem_shared>>
      tpu.wait_indirect_dma semaphore(%arg16 : memref<!tpu.dma_semaphore, #tpu.memory_space<semaphore_mem>>) src(%arg10 : memref<125x128xf32, #tpu.memory_space<vmem>>) dst(%dma_wait3A_2186 : memref<10112x128xf32, #tpu.memory_space<vmem_shared>>)
      %dma_start3A_2187 = arith.constant 1 : i32
      %dma_start3A_2188 = arith.constant 0 : i32
      %dma_start3A_2189 = tpu.memref_slice %arg6[%dma_start3A_2187, %dma_start3A_2188] : memref<8x125xi32, #tpu.memory_space<vmem>> -> memref<1x125xi32, #tpu.memory_space<vmem>>
      %dma_start3A_2190 = tpu.memref_squeeze %dma_start3A_2189 : memref<1x125xi32, #tpu.memory_space<vmem>> -> memref<125xi32, #tpu.memory_space<vmem>>
      %dma_start3A_2191 = arith.constant 0 : i32
      %dma_start3A_2192 = arith.constant 0 : i32
      %dma_start3A_2193 = tpu.memref_slice %arg2[%dma_start3A_2191, %dma_start3A_2192] : memref<10000x128xf32, #tpu.memory_space<hbm>> -> memref<10000x128xf32, #tpu.memory_space<hbm>>
      tpu.enqueue_indirect_dma source(%dma_start3A_2193 : memref<10000x128xf32, #tpu.memory_space<hbm>>) target(%arg10 : memref<125x128xf32, #tpu.memory_space<vmem>>) offsets(%dma_start3A_2190 : memref<125xi32, #tpu.memory_space<vmem>>) semaphore(%arg14 : memref<!tpu.dma_semaphore, #tpu.memory_space<semaphore_mem>>)
      %convert_element_type3A = arith.extui %lt3A_1947 : i1 to i32
      %cond3A = arith.constant 0 : i32
      %cond3A_2194 = arith.cmpi ne, %convert_element_type3A, %cond3A : i32
      scf.if %cond3A_2194 {
        %mul3A_2414 = arith.constant 2 : i32
        %mul3A_2415 = arith.muli %mul3A_2414, %scan3A_1946 : i32
        %add3A_2416 = arith.constant 2 : i32
        %add3A_2417 = arith.addi %mul3A_2415, %add3A_2416 : i32
        %dma_start3A_2418 = arith.constant 0 : i32
        %dma_start3A_2419 = arith.constant 0 : i32
        %dma_start3A_2420 = arith.constant 0 : i32
        %dma_start3A_2421 = tpu.memref_slice %arg3[%dma_start3A_2418, %add3A, %add3A_2417, %dma_start3A_2419, %dma_start3A_2420] : memref<2x32x10x8x125xi32, #tpu.memory_space<hbm>> -> memref<1x1x1x8x125xi32, #tpu.memory_space<hbm>>
        %dma_start3A_2422 = tpu.memref_squeeze %dma_start3A_2421 : memref<1x1x1x8x125xi32, #tpu.memory_space<hbm>> -> memref<8x125xi32, #tpu.memory_space<hbm>>
        %dma_start3A_2423 = arith.constant 0 : i32
        %dma_start3A_2424 = arith.constant 0 : i32
        %dma_start3A_2425 = tpu.memref_slice %arg3[%dma_start3A_2418, %add3A, %add3A_2417, %dma_start3A_2423, %dma_start3A_2424] : memref<2x32x10x8x125xi32, #tpu.memory_space<hbm>> -> memref<1x1x1x8x125xi32, #tpu.memory_space<hbm>>
        %dma_start3A_2426 = tpu.memref_squeeze %dma_start3A_2425 : memref<1x1x1x8x125xi32, #tpu.memory_space<hbm>> -> memref<8x125xi32, #tpu.memory_space<hbm>>
        tpu.enqueue_dma source(%dma_start3A_2426 : memref<8x125xi32, #tpu.memory_space<hbm>>) target(%arg5 : memref<8x125xi32, #tpu.memory_space<vmem>>) target_semaphore(%arg17 : memref<!tpu.dma_semaphore, #tpu.memory_space<semaphore_mem>>)
        %dma_start3A_2427 = arith.constant 1 : i32
        %dma_start3A_2428 = arith.constant 0 : i32
        %dma_start3A_2429 = arith.constant 0 : i32
        %dma_start3A_2430 = tpu.memref_slice %arg3[%dma_start3A_2427, %add3A, %add3A_2417, %dma_start3A_2428, %dma_start3A_2429] : memref<2x32x10x8x125xi32, #tpu.memory_space<hbm>> -> memref<1x1x1x8x125xi32, #tpu.memory_space<hbm>>
        %dma_start3A_2431 = tpu.memref_squeeze %dma_start3A_2430 : memref<1x1x1x8x125xi32, #tpu.memory_space<hbm>> -> memref<8x125xi32, #tpu.memory_space<hbm>>
        %dma_start3A_2432 = arith.constant 0 : i32
        %dma_start3A_2433 = arith.constant 0 : i32
        %dma_start3A_2434 = tpu.memref_slice %arg3[%dma_start3A_2427, %add3A, %add3A_2417, %dma_start3A_2432, %dma_start3A_2433] : memref<2x32x10x8x125xi32, #tpu.memory_space<hbm>> -> memref<1x1x1x8x125xi32, #tpu.memory_space<hbm>>
        %dma_start3A_2435 = tpu.memref_squeeze %dma_start3A_2434 : memref<1x1x1x8x125xi32, #tpu.memory_space<hbm>> -> memref<8x125xi32, #tpu.memory_space<hbm>>
        tpu.enqueue_dma source(%dma_start3A_2435 : memref<8x125xi32, #tpu.memory_space<hbm>>) target(%arg7 : memref<8x125xi32, #tpu.memory_space<vmem>>) target_semaphore(%arg17 : memref<!tpu.dma_semaphore, #tpu.memory_space<semaphore_mem>>)
      } else {
      }
      %dma_wait3A_2195 = arith.constant 0 : i32
      %dma_wait3A_2196 = arith.constant 0 : i32
      %dma_wait3A_2197 = tpu.memref_slice %arg6[%dma_wait3A_2195, %dma_wait3A_2196] : memref<8x125xi32, #tpu.memory_space<vmem>> -> memref<1x125xi32, #tpu.memory_space<vmem>>
      %dma_wait3A_2198 = tpu.memref_squeeze %dma_wait3A_2197 : memref<1x125xi32, #tpu.memory_space<vmem>> -> memref<125xi32, #tpu.memory_space<vmem>>
      %dma_wait3A_2199 = arith.constant 0 : i32
      %dma_wait3A_2200 = arith.constant 0 : i32
      %dma_wait3A_2201 = tpu.memref_slice %arg2[%dma_wait3A_2199, %dma_wait3A_2200] : memref<10000x128xf32, #tpu.memory_space<hbm>> -> memref<10000x128xf32, #tpu.memory_space<hbm>>
      tpu.wait_indirect_dma semaphore(%arg13 : memref<!tpu.dma_semaphore, #tpu.memory_space<semaphore_mem>>) src(%dma_wait3A_2201 : memref<10000x128xf32, #tpu.memory_space<hbm>>) dst(%arg9 : memref<125x128xf32, #tpu.memory_space<vmem>>)
      %dma_start3A_2202 = arith.constant 0 : i32
      %dma_start3A_2203 = arith.constant 0 : i32
      %dma_start3A_2204 = tpu.memref_slice %arg8[%dma_start3A_2202, %dma_start3A_2203] : memref<8x125xi32, #tpu.memory_space<vmem>> -> memref<1x125xi32, #tpu.memory_space<vmem>>
      %dma_start3A_2205 = tpu.memref_squeeze %dma_start3A_2204 : memref<1x125xi32, #tpu.memory_space<vmem>> -> memref<125xi32, #tpu.memory_space<vmem>>
      %dma_start3A_2206 = arith.constant 0 : i32
      %dma_start3A_2207 = arith.constant 0 : i32
      %dma_start3A_2208 = tpu.memref_slice %arg12[%dma_start3A_2206, %dma_start3A_2207] : memref<10112x128xf32, #tpu.memory_space<vmem_shared>> -> memref<10112x128xf32, #tpu.memory_space<vmem_shared>>
      tpu.enqueue_indirect_dma source(%arg9 : memref<125x128xf32, #tpu.memory_space<vmem>>) target(%dma_start3A_2208 : memref<10112x128xf32, #tpu.memory_space<vmem_shared>>) offsets(%dma_start3A_2205 : memref<125xi32, #tpu.memory_space<vmem>>) semaphore(%arg15 : memref<!tpu.dma_semaphore, #tpu.memory_space<semaphore_mem>>) {add = true}
      %dma_wait3A_2209 = arith.constant 0 : i32
      %dma_wait3A_2210 = arith.constant 0 : i32
      %dma_wait3A_2211 = tpu.memref_slice %arg8[%dma_wait3A_2209, %dma_wait3A_2210] : memref<8x125xi32, #tpu.memory_space<vmem>> -> memref<1x125xi32, #tpu.memory_space<vmem>>
      %dma_wait3A_2212 = tpu.memref_squeeze %dma_wait3A_2211 : memref<1x125xi32, #tpu.memory_space<vmem>> -> memref<125xi32, #tpu.memory_space<vmem>>
      %dma_wait3A_2213 = arith.constant 0 : i32
      %dma_wait3A_2214 = arith.constant 0 : i32
      %dma_wait3A_2215 = tpu.memref_slice %arg12[%dma_wait3A_2213, %dma_wait3A_2214] : memref<10112x128xf32, #tpu.memory_space<vmem_shared>> -> memref<10112x128xf32, #tpu.memory_space<vmem_shared>>
      tpu.wait_indirect_dma semaphore(%arg15 : memref<!tpu.dma_semaphore, #tpu.memory_space<semaphore_mem>>) src(%arg9 : memref<125x128xf32, #tpu.memory_space<vmem>>) dst(%dma_wait3A_2215 : memref<10112x128xf32, #tpu.memory_space<vmem_shared>>)
      %dma_start3A_2216 = arith.constant 2 : i32
      %dma_start3A_2217 = arith.constant 0 : i32
      %dma_start3A_2218 = tpu.memref_slice %arg6[%dma_start3A_2216, %dma_start3A_2217] : memref<8x125xi32, #tpu.memory_space<vmem>> -> memref<1x125xi32, #tpu.memory_space<vmem>>
      %dma_start3A_2219 = tpu.memref_squeeze %dma_start3A_2218 : memref<1x125xi32, #tpu.memory_space<vmem>> -> memref<125xi32, #tpu.memory_space<vmem>>
      %dma_start3A_2220 = arith.constant 0 : i32
      %dma_start3A_2221 = arith.constant 0 : i32
      %dma_start3A_2222 = tpu.memref_slice %arg2[%dma_start3A_2220, %dma_start3A_2221] : memref<10000x128xf32, #tpu.memory_space<hbm>> -> memref<10000x128xf32, #tpu.memory_space<hbm>>
      tpu.enqueue_indirect_dma source(%dma_start3A_2222 : memref<10000x128xf32, #tpu.memory_space<hbm>>) target(%arg9 : memref<125x128xf32, #tpu.memory_space<vmem>>) offsets(%dma_start3A_2219 : memref<125xi32, #tpu.memory_space<vmem>>) semaphore(%arg13 : memref<!tpu.dma_semaphore, #tpu.memory_space<semaphore_mem>>)
      %dma_wait3A_2223 = arith.constant 1 : i32
      %dma_wait3A_2224 = arith.constant 0 : i32
      %dma_wait3A_2225 = tpu.memref_slice %arg6[%dma_wait3A_2223, %dma_wait3A_2224] : memref<8x125xi32, #tpu.memory_space<vmem>> -> memref<1x125xi32, #tpu.memory_space<vmem>>
      %dma_wait3A_2226 = tpu.memref_squeeze %dma_wait3A_2225 : memref<1x125xi32, #tpu.memory_space<vmem>> -> memref<125xi32, #tpu.memory_space<vmem>>
      %dma_wait3A_2227 = arith.constant 0 : i32
      %dma_wait3A_2228 = arith.constant 0 : i32
      %dma_wait3A_2229 = tpu.memref_slice %arg2[%dma_wait3A_2227, %dma_wait3A_2228] : memref<10000x128xf32, #tpu.memory_space<hbm>> -> memref<10000x128xf32, #tpu.memory_space<hbm>>
      tpu.wait_indirect_dma semaphore(%arg14 : memref<!tpu.dma_semaphore, #tpu.memory_space<semaphore_mem>>) src(%dma_wait3A_2229 : memref<10000x128xf32, #tpu.memory_space<hbm>>) dst(%arg10 : memref<125x128xf32, #tpu.memory_space<vmem>>)
      %dma_start3A_2230 = arith.constant 1 : i32
      %dma_start3A_2231 = arith.constant 0 : i32
      %dma_start3A_2232 = tpu.memref_slice %arg8[%dma_start3A_2230, %dma_start3A_2231] : memref<8x125xi32, #tpu.memory_space<vmem>> -> memref<1x125xi32, #tpu.memory_space<vmem>>
      %dma_start3A_2233 = tpu.memref_squeeze %dma_start3A_2232 : memref<1x125xi32, #tpu.memory_space<vmem>> -> memref<125xi32, #tpu.memory_space<vmem>>
      %dma_start3A_2234 = arith.constant 0 : i32
      %dma_start3A_2235 = arith.constant 0 : i32
      %dma_start3A_2236 = tpu.memref_slice %arg12[%dma_start3A_2234, %dma_start3A_2235] : memref<10112x128xf32, #tpu.memory_space<vmem_shared>> -> memref<10112x128xf32, #tpu.memory_space<vmem_shared>>
      tpu.enqueue_indirect_dma source(%arg10 : memref<125x128xf32, #tpu.memory_space<vmem>>) target(%dma_start3A_2236 : memref<10112x128xf32, #tpu.memory_space<vmem_shared>>) offsets(%dma_start3A_2233 : memref<125xi32, #tpu.memory_space<vmem>>) semaphore(%arg16 : memref<!tpu.dma_semaphore, #tpu.memory_space<semaphore_mem>>) {add = true}
      %dma_wait3A_2237 = arith.constant 1 : i32
      %dma_wait3A_2238 = arith.constant 0 : i32
      %dma_wait3A_2239 = tpu.memref_slice %arg8[%dma_wait3A_2237, %dma_wait3A_2238] : memref<8x125xi32, #tpu.memory_space<vmem>> -> memref<1x125xi32, #tpu.memory_space<vmem>>
      %dma_wait3A_2240 = tpu.memref_squeeze %dma_wait3A_2239 : memref<1x125xi32, #tpu.memory_space<vmem>> -> memref<125xi32, #tpu.memory_space<vmem>>
      %dma_wait3A_2241 = arith.constant 0 : i32
      %dma_wait3A_2242 = arith.constant 0 : i32
      %dma_wait3A_2243 = tpu.memref_slice %arg12[%dma_wait3A_2241, %dma_wait3A_2242] : memref<10112x128xf32, #tpu.memory_space<vmem_shared>> -> memref<10112x128xf32, #tpu.memory_space<vmem_shared>>
      tpu.wait_indirect_dma semaphore(%arg16 : memref<!tpu.dma_semaphore, #tpu.memory_space<semaphore_mem>>) src(%arg10 : memref<125x128xf32, #tpu.memory_space<vmem>>) dst(%dma_wait3A_2243 : memref<10112x128xf32, #tpu.memory_space<vmem_shared>>)
      %dma_start3A_2244 = arith.constant 3 : i32
      %dma_start3A_2245 = arith.constant 0 : i32
      %dma_start3A_2246 = tpu.memref_slice %arg6[%dma_start3A_2244, %dma_start3A_2245] : memref<8x125xi32, #tpu.memory_space<vmem>> -> memref<1x125xi32, #tpu.memory_space<vmem>>
      %dma_start3A_2247 = tpu.memref_squeeze %dma_start3A_2246 : memref<1x125xi32, #tpu.memory_space<vmem>> -> memref<125xi32, #tpu.memory_space<vmem>>
      %dma_start3A_2248 = arith.constant 0 : i32
      %dma_start3A_2249 = arith.constant 0 : i32
      %dma_start3A_2250 = tpu.memref_slice %arg2[%dma_start3A_2248, %dma_start3A_2249] : memref<10000x128xf32, #tpu.memory_space<hbm>> -> memref<10000x128xf32, #tpu.memory_space<hbm>>
      tpu.enqueue_indirect_dma source(%dma_start3A_2250 : memref<10000x128xf32, #tpu.memory_space<hbm>>) target(%arg10 : memref<125x128xf32, #tpu.memory_space<vmem>>) offsets(%dma_start3A_2247 : memref<125xi32, #tpu.memory_space<vmem>>) semaphore(%arg14 : memref<!tpu.dma_semaphore, #tpu.memory_space<semaphore_mem>>)
      %dma_wait3A_2251 = arith.constant 2 : i32
      %dma_wait3A_2252 = arith.constant 0 : i32
      %dma_wait3A_2253 = tpu.memref_slice %arg6[%dma_wait3A_2251, %dma_wait3A_2252] : memref<8x125xi32, #tpu.memory_space<vmem>> -> memref<1x125xi32, #tpu.memory_space<vmem>>
      %dma_wait3A_2254 = tpu.memref_squeeze %dma_wait3A_2253 : memref<1x125xi32, #tpu.memory_space<vmem>> -> memref<125xi32, #tpu.memory_space<vmem>>
      %dma_wait3A_2255 = arith.constant 0 : i32
      %dma_wait3A_2256 = arith.constant 0 : i32
      %dma_wait3A_2257 = tpu.memref_slice %arg2[%dma_wait3A_2255, %dma_wait3A_2256] : memref<10000x128xf32, #tpu.memory_space<hbm>> -> memref<10000x128xf32, #tpu.memory_space<hbm>>
      tpu.wait_indirect_dma semaphore(%arg13 : memref<!tpu.dma_semaphore, #tpu.memory_space<semaphore_mem>>) src(%dma_wait3A_2257 : memref<10000x128xf32, #tpu.memory_space<hbm>>) dst(%arg9 : memref<125x128xf32, #tpu.memory_space<vmem>>)
      %dma_start3A_2258 = arith.constant 2 : i32
      %dma_start3A_2259 = arith.constant 0 : i32
      %dma_start3A_2260 = tpu.memref_slice %arg8[%dma_start3A_2258, %dma_start3A_2259] : memref<8x125xi32, #tpu.memory_space<vmem>> -> memref<1x125xi32, #tpu.memory_space<vmem>>
      %dma_start3A_2261 = tpu.memref_squeeze %dma_start3A_2260 : memref<1x125xi32, #tpu.memory_space<vmem>> -> memref<125xi32, #tpu.memory_space<vmem>>
      %dma_start3A_2262 = arith.constant 0 : i32
      %dma_start3A_2263 = arith.constant 0 : i32
      %dma_start3A_2264 = tpu.memref_slice %arg12[%dma_start3A_2262, %dma_start3A_2263] : memref<10112x128xf32, #tpu.memory_space<vmem_shared>> -> memref<10112x128xf32, #tpu.memory_space<vmem_shared>>
      tpu.enqueue_indirect_dma source(%arg9 : memref<125x128xf32, #tpu.memory_space<vmem>>) target(%dma_start3A_2264 : memref<10112x128xf32, #tpu.memory_space<vmem_shared>>) offsets(%dma_start3A_2261 : memref<125xi32, #tpu.memory_space<vmem>>) semaphore(%arg15 : memref<!tpu.dma_semaphore, #tpu.memory_space<semaphore_mem>>) {add = true}
      %dma_wait3A_2265 = arith.constant 2 : i32
      %dma_wait3A_2266 = arith.constant 0 : i32
      %dma_wait3A_2267 = tpu.memref_slice %arg8[%dma_wait3A_2265, %dma_wait3A_2266] : memref<8x125xi32, #tpu.memory_space<vmem>> -> memref<1x125xi32, #tpu.memory_space<vmem>>
      %dma_wait3A_2268 = tpu.memref_squeeze %dma_wait3A_2267 : memref<1x125xi32, #tpu.memory_space<vmem>> -> memref<125xi32, #tpu.memory_space<vmem>>
      %dma_wait3A_2269 = arith.constant 0 : i32
      %dma_wait3A_2270 = arith.constant 0 : i32
      %dma_wait3A_2271 = tpu.memref_slice %arg12[%dma_wait3A_2269, %dma_wait3A_2270] : memref<10112x128xf32, #tpu.memory_space<vmem_shared>> -> memref<10112x128xf32, #tpu.memory_space<vmem_shared>>
      tpu.wait_indirect_dma semaphore(%arg15 : memref<!tpu.dma_semaphore, #tpu.memory_space<semaphore_mem>>) src(%arg9 : memref<125x128xf32, #tpu.memory_space<vmem>>) dst(%dma_wait3A_2271 : memref<10112x128xf32, #tpu.memory_space<vmem_shared>>)
      %dma_start3A_2272 = arith.constant 4 : i32
      %dma_start3A_2273 = arith.constant 0 : i32
      %dma_start3A_2274 = tpu.memref_slice %arg6[%dma_start3A_2272, %dma_start3A_2273] : memref<8x125xi32, #tpu.memory_space<vmem>> -> memref<1x125xi32, #tpu.memory_space<vmem>>
      %dma_start3A_2275 = tpu.memref_squeeze %dma_start3A_2274 : memref<1x125xi32, #tpu.memory_space<vmem>> -> memref<125xi32, #tpu.memory_space<vmem>>
      %dma_start3A_2276 = arith.constant 0 : i32
      %dma_start3A_2277 = arith.constant 0 : i32
      %dma_start3A_2278 = tpu.memref_slice %arg2[%dma_start3A_2276, %dma_start3A_2277] : memref<10000x128xf32, #tpu.memory_space<hbm>> -> memref<10000x128xf32, #tpu.memory_space<hbm>>
      tpu.enqueue_indirect_dma source(%dma_start3A_2278 : memref<10000x128xf32, #tpu.memory_space<hbm>>) target(%arg9 : memref<125x128xf32, #tpu.memory_space<vmem>>) offsets(%dma_start3A_2275 : memref<125xi32, #tpu.memory_space<vmem>>) semaphore(%arg13 : memref<!tpu.dma_semaphore, #tpu.memory_space<semaphore_mem>>)
      %dma_wait3A_2279 = arith.constant 3 : i32
      %dma_wait3A_2280 = arith.constant 0 : i32
      %dma_wait3A_2281 = tpu.memref_slice %arg6[%dma_wait3A_2279, %dma_wait3A_2280] : memref<8x125xi32, #tpu.memory_space<vmem>> -> memref<1x125xi32, #tpu.memory_space<vmem>>
      %dma_wait3A_2282 = tpu.memref_squeeze %dma_wait3A_2281 : memref<1x125xi32, #tpu.memory_space<vmem>> -> memref<125xi32, #tpu.memory_space<vmem>>
      %dma_wait3A_2283 = arith.constant 0 : i32
      %dma_wait3A_2284 = arith.constant 0 : i32
      %dma_wait3A_2285 = tpu.memref_slice %arg2[%dma_wait3A_2283, %dma_wait3A_2284] : memref<10000x128xf32, #tpu.memory_space<hbm>> -> memref<10000x128xf32, #tpu.memory_space<hbm>>
      tpu.wait_indirect_dma semaphore(%arg14 : memref<!tpu.dma_semaphore, #tpu.memory_space<semaphore_mem>>) src(%dma_wait3A_2285 : memref<10000x128xf32, #tpu.memory_space<hbm>>) dst(%arg10 : memref<125x128xf32, #tpu.memory_space<vmem>>)
      %dma_start3A_2286 = arith.constant 3 : i32
      %dma_start3A_2287 = arith.constant 0 : i32
      %dma_start3A_2288 = tpu.memref_slice %arg8[%dma_start3A_2286, %dma_start3A_2287] : memref<8x125xi32, #tpu.memory_space<vmem>> -> memref<1x125xi32, #tpu.memory_space<vmem>>
      %dma_start3A_2289 = tpu.memref_squeeze %dma_start3A_2288 : memref<1x125xi32, #tpu.memory_space<vmem>> -> memref<125xi32, #tpu.memory_space<vmem>>
      %dma_start3A_2290 = arith.constant 0 : i32
      %dma_start3A_2291 = arith.constant 0 : i32
      %dma_start3A_2292 = tpu.memref_slice %arg12[%dma_start3A_2290, %dma_start3A_2291] : memref<10112x128xf32, #tpu.memory_space<vmem_shared>> -> memref<10112x128xf32, #tpu.memory_space<vmem_shared>>
      tpu.enqueue_indirect_dma source(%arg10 : memref<125x128xf32, #tpu.memory_space<vmem>>) target(%dma_start3A_2292 : memref<10112x128xf32, #tpu.memory_space<vmem_shared>>) offsets(%dma_start3A_2289 : memref<125xi32, #tpu.memory_space<vmem>>) semaphore(%arg16 : memref<!tpu.dma_semaphore, #tpu.memory_space<semaphore_mem>>) {add = true}
      %dma_wait3A_2293 = arith.constant 3 : i32
      %dma_wait3A_2294 = arith.constant 0 : i32
      %dma_wait3A_2295 = tpu.memref_slice %arg8[%dma_wait3A_2293, %dma_wait3A_2294] : memref<8x125xi32, #tpu.memory_space<vmem>> -> memref<1x125xi32, #tpu.memory_space<vmem>>
      %dma_wait3A_2296 = tpu.memref_squeeze %dma_wait3A_2295 : memref<1x125xi32, #tpu.memory_space<vmem>> -> memref<125xi32, #tpu.memory_space<vmem>>
      %dma_wait3A_2297 = arith.constant 0 : i32
      %dma_wait3A_2298 = arith.constant 0 : i32
      %dma_wait3A_2299 = tpu.memref_slice %arg12[%dma_wait3A_2297, %dma_wait3A_2298] : memref<10112x128xf32, #tpu.memory_space<vmem_shared>> -> memref<10112x128xf32, #tpu.memory_space<vmem_shared>>
      tpu.wait_indirect_dma semaphore(%arg16 : memref<!tpu.dma_semaphore, #tpu.memory_space<semaphore_mem>>) src(%arg10 : memref<125x128xf32, #tpu.memory_space<vmem>>) dst(%dma_wait3A_2299 : memref<10112x128xf32, #tpu.memory_space<vmem_shared>>)
      %dma_start3A_2300 = arith.constant 5 : i32
      %dma_start3A_2301 = arith.constant 0 : i32
      %dma_start3A_2302 = tpu.memref_slice %arg6[%dma_start3A_2300, %dma_start3A_2301] : memref<8x125xi32, #tpu.memory_space<vmem>> -> memref<1x125xi32, #tpu.memory_space<vmem>>
      %dma_start3A_2303 = tpu.memref_squeeze %dma_start3A_2302 : memref<1x125xi32, #tpu.memory_space<vmem>> -> memref<125xi32, #tpu.memory_space<vmem>>
      %dma_start3A_2304 = arith.constant 0 : i32
      %dma_start3A_2305 = arith.constant 0 : i32
      %dma_start3A_2306 = tpu.memref_slice %arg2[%dma_start3A_2304, %dma_start3A_2305] : memref<10000x128xf32, #tpu.memory_space<hbm>> -> memref<10000x128xf32, #tpu.memory_space<hbm>>
      tpu.enqueue_indirect_dma source(%dma_start3A_2306 : memref<10000x128xf32, #tpu.memory_space<hbm>>) target(%arg10 : memref<125x128xf32, #tpu.memory_space<vmem>>) offsets(%dma_start3A_2303 : memref<125xi32, #tpu.memory_space<vmem>>) semaphore(%arg14 : memref<!tpu.dma_semaphore, #tpu.memory_space<semaphore_mem>>)
      %dma_wait3A_2307 = arith.constant 4 : i32
      %dma_wait3A_2308 = arith.constant 0 : i32
      %dma_wait3A_2309 = tpu.memref_slice %arg6[%dma_wait3A_2307, %dma_wait3A_2308] : memref<8x125xi32, #tpu.memory_space<vmem>> -> memref<1x125xi32, #tpu.memory_space<vmem>>
      %dma_wait3A_2310 = tpu.memref_squeeze %dma_wait3A_2309 : memref<1x125xi32, #tpu.memory_space<vmem>> -> memref<125xi32, #tpu.memory_space<vmem>>
      %dma_wait3A_2311 = arith.constant 0 : i32
      %dma_wait3A_2312 = arith.constant 0 : i32
      %dma_wait3A_2313 = tpu.memref_slice %arg2[%dma_wait3A_2311, %dma_wait3A_2312] : memref<10000x128xf32, #tpu.memory_space<hbm>> -> memref<10000x128xf32, #tpu.memory_space<hbm>>
      tpu.wait_indirect_dma semaphore(%arg13 : memref<!tpu.dma_semaphore, #tpu.memory_space<semaphore_mem>>) src(%dma_wait3A_2313 : memref<10000x128xf32, #tpu.memory_space<hbm>>) dst(%arg9 : memref<125x128xf32, #tpu.memory_space<vmem>>)
      %dma_start3A_2314 = arith.constant 4 : i32
      %dma_start3A_2315 = arith.constant 0 : i32
      %dma_start3A_2316 = tpu.memref_slice %arg8[%dma_start3A_2314, %dma_start3A_2315] : memref<8x125xi32, #tpu.memory_space<vmem>> -> memref<1x125xi32, #tpu.memory_space<vmem>>
      %dma_start3A_2317 = tpu.memref_squeeze %dma_start3A_2316 : memref<1x125xi32, #tpu.memory_space<vmem>> -> memref<125xi32, #tpu.memory_space<vmem>>
      %dma_start3A_2318 = arith.constant 0 : i32
      %dma_start3A_2319 = arith.constant 0 : i32
      %dma_start3A_2320 = tpu.memref_slice %arg12[%dma_start3A_2318, %dma_start3A_2319] : memref<10112x128xf32, #tpu.memory_space<vmem_shared>> -> memref<10112x128xf32, #tpu.memory_space<vmem_shared>>
      tpu.enqueue_indirect_dma source(%arg9 : memref<125x128xf32, #tpu.memory_space<vmem>>) target(%dma_start3A_2320 : memref<10112x128xf32, #tpu.memory_space<vmem_shared>>) offsets(%dma_start3A_2317 : memref<125xi32, #tpu.memory_space<vmem>>) semaphore(%arg15 : memref<!tpu.dma_semaphore, #tpu.memory_space<semaphore_mem>>) {add = true}
      %dma_wait3A_2321 = arith.constant 4 : i32
      %dma_wait3A_2322 = arith.constant 0 : i32
      %dma_wait3A_2323 = tpu.memref_slice %arg8[%dma_wait3A_2321, %dma_wait3A_2322] : memref<8x125xi32, #tpu.memory_space<vmem>> -> memref<1x125xi32, #tpu.memory_space<vmem>>
      %dma_wait3A_2324 = tpu.memref_squeeze %dma_wait3A_2323 : memref<1x125xi32, #tpu.memory_space<vmem>> -> memref<125xi32, #tpu.memory_space<vmem>>
      %dma_wait3A_2325 = arith.constant 0 : i32
      %dma_wait3A_2326 = arith.constant 0 : i32
      %dma_wait3A_2327 = tpu.memref_slice %arg12[%dma_wait3A_2325, %dma_wait3A_2326] : memref<10112x128xf32, #tpu.memory_space<vmem_shared>> -> memref<10112x128xf32, #tpu.memory_space<vmem_shared>>
      tpu.wait_indirect_dma semaphore(%arg15 : memref<!tpu.dma_semaphore, #tpu.memory_space<semaphore_mem>>) src(%arg9 : memref<125x128xf32, #tpu.memory_space<vmem>>) dst(%dma_wait3A_2327 : memref<10112x128xf32, #tpu.memory_space<vmem_shared>>)
      %dma_start3A_2328 = arith.constant 6 : i32
      %dma_start3A_2329 = arith.constant 0 : i32
      %dma_start3A_2330 = tpu.memref_slice %arg6[%dma_start3A_2328, %dma_start3A_2329] : memref<8x125xi32, #tpu.memory_space<vmem>> -> memref<1x125xi32, #tpu.memory_space<vmem>>
      %dma_start3A_2331 = tpu.memref_squeeze %dma_start3A_2330 : memref<1x125xi32, #tpu.memory_space<vmem>> -> memref<125xi32, #tpu.memory_space<vmem>>
      %dma_start3A_2332 = arith.constant 0 : i32
      %dma_start3A_2333 = arith.constant 0 : i32
      %dma_start3A_2334 = tpu.memref_slice %arg2[%dma_start3A_2332, %dma_start3A_2333] : memref<10000x128xf32, #tpu.memory_space<hbm>> -> memref<10000x128xf32, #tpu.memory_space<hbm>>
      tpu.enqueue_indirect_dma source(%dma_start3A_2334 : memref<10000x128xf32, #tpu.memory_space<hbm>>) target(%arg9 : memref<125x128xf32, #tpu.memory_space<vmem>>) offsets(%dma_start3A_2331 : memref<125xi32, #tpu.memory_space<vmem>>) semaphore(%arg13 : memref<!tpu.dma_semaphore, #tpu.memory_space<semaphore_mem>>)
      %dma_wait3A_2335 = arith.constant 5 : i32
      %dma_wait3A_2336 = arith.constant 0 : i32
      %dma_wait3A_2337 = tpu.memref_slice %arg6[%dma_wait3A_2335, %dma_wait3A_2336] : memref<8x125xi32, #tpu.memory_space<vmem>> -> memref<1x125xi32, #tpu.memory_space<vmem>>
      %dma_wait3A_2338 = tpu.memref_squeeze %dma_wait3A_2337 : memref<1x125xi32, #tpu.memory_space<vmem>> -> memref<125xi32, #tpu.memory_space<vmem>>
      %dma_wait3A_2339 = arith.constant 0 : i32
      %dma_wait3A_2340 = arith.constant 0 : i32
      %dma_wait3A_2341 = tpu.memref_slice %arg2[%dma_wait3A_2339, %dma_wait3A_2340] : memref<10000x128xf32, #tpu.memory_space<hbm>> -> memref<10000x128xf32, #tpu.memory_space<hbm>>
      tpu.wait_indirect_dma semaphore(%arg14 : memref<!tpu.dma_semaphore, #tpu.memory_space<semaphore_mem>>) src(%dma_wait3A_2341 : memref<10000x128xf32, #tpu.memory_space<hbm>>) dst(%arg10 : memref<125x128xf32, #tpu.memory_space<vmem>>)
      %dma_start3A_2342 = arith.constant 5 : i32
      %dma_start3A_2343 = arith.constant 0 : i32
      %dma_start3A_2344 = tpu.memref_slice %arg8[%dma_start3A_2342, %dma_start3A_2343] : memref<8x125xi32, #tpu.memory_space<vmem>> -> memref<1x125xi32, #tpu.memory_space<vmem>>
      %dma_start3A_2345 = tpu.memref_squeeze %dma_start3A_2344 : memref<1x125xi32, #tpu.memory_space<vmem>> -> memref<125xi32, #tpu.memory_space<vmem>>
      %dma_start3A_2346 = arith.constant 0 : i32
      %dma_start3A_2347 = arith.constant 0 : i32
      %dma_start3A_2348 = tpu.memref_slice %arg12[%dma_start3A_2346, %dma_start3A_2347] : memref<10112x128xf32, #tpu.memory_space<vmem_shared>> -> memref<10112x128xf32, #tpu.memory_space<vmem_shared>>
      tpu.enqueue_indirect_dma source(%arg10 : memref<125x128xf32, #tpu.memory_space<vmem>>) target(%dma_start3A_2348 : memref<10112x128xf32, #tpu.memory_space<vmem_shared>>) offsets(%dma_start3A_2345 : memref<125xi32, #tpu.memory_space<vmem>>) semaphore(%arg16 : memref<!tpu.dma_semaphore, #tpu.memory_space<semaphore_mem>>) {add = true}
      %dma_wait3A_2349 = arith.constant 5 : i32
      %dma_wait3A_2350 = arith.constant 0 : i32
      %dma_wait3A_2351 = tpu.memref_slice %arg8[%dma_wait3A_2349, %dma_wait3A_2350] : memref<8x125xi32, #tpu.memory_space<vmem>> -> memref<1x125xi32, #tpu.memory_space<vmem>>
      %dma_wait3A_2352 = tpu.memref_squeeze %dma_wait3A_2351 : memref<1x125xi32, #tpu.memory_space<vmem>> -> memref<125xi32, #tpu.memory_space<vmem>>
      %dma_wait3A_2353 = arith.constant 0 : i32
      %dma_wait3A_2354 = arith.constant 0 : i32
      %dma_wait3A_2355 = tpu.memref_slice %arg12[%dma_wait3A_2353, %dma_wait3A_2354] : memref<10112x128xf32, #tpu.memory_space<vmem_shared>> -> memref<10112x128xf32, #tpu.memory_space<vmem_shared>>
      tpu.wait_indirect_dma semaphore(%arg16 : memref<!tpu.dma_semaphore, #tpu.memory_space<semaphore_mem>>) src(%arg10 : memref<125x128xf32, #tpu.memory_space<vmem>>) dst(%dma_wait3A_2355 : memref<10112x128xf32, #tpu.memory_space<vmem_shared>>)
      %dma_start3A_2356 = arith.constant 7 : i32
      %dma_start3A_2357 = arith.constant 0 : i32
      %dma_start3A_2358 = tpu.memref_slice %arg6[%dma_start3A_2356, %dma_start3A_2357] : memref<8x125xi32, #tpu.memory_space<vmem>> -> memref<1x125xi32, #tpu.memory_space<vmem>>
      %dma_start3A_2359 = tpu.memref_squeeze %dma_start3A_2358 : memref<1x125xi32, #tpu.memory_space<vmem>> -> memref<125xi32, #tpu.memory_space<vmem>>
      %dma_start3A_2360 = arith.constant 0 : i32
      %dma_start3A_2361 = arith.constant 0 : i32
      %dma_start3A_2362 = tpu.memref_slice %arg2[%dma_start3A_2360, %dma_start3A_2361] : memref<10000x128xf32, #tpu.memory_space<hbm>> -> memref<10000x128xf32, #tpu.memory_space<hbm>>
      tpu.enqueue_indirect_dma source(%dma_start3A_2362 : memref<10000x128xf32, #tpu.memory_space<hbm>>) target(%arg10 : memref<125x128xf32, #tpu.memory_space<vmem>>) offsets(%dma_start3A_2359 : memref<125xi32, #tpu.memory_space<vmem>>) semaphore(%arg14 : memref<!tpu.dma_semaphore, #tpu.memory_space<semaphore_mem>>)
      %dma_wait3A_2363 = arith.constant 6 : i32
      %dma_wait3A_2364 = arith.constant 0 : i32
      %dma_wait3A_2365 = tpu.memref_slice %arg6[%dma_wait3A_2363, %dma_wait3A_2364] : memref<8x125xi32, #tpu.memory_space<vmem>> -> memref<1x125xi32, #tpu.memory_space<vmem>>
      %dma_wait3A_2366 = tpu.memref_squeeze %dma_wait3A_2365 : memref<1x125xi32, #tpu.memory_space<vmem>> -> memref<125xi32, #tpu.memory_space<vmem>>
      %dma_wait3A_2367 = arith.constant 0 : i32
      %dma_wait3A_2368 = arith.constant 0 : i32
      %dma_wait3A_2369 = tpu.memref_slice %arg2[%dma_wait3A_2367, %dma_wait3A_2368] : memref<10000x128xf32, #tpu.memory_space<hbm>> -> memref<10000x128xf32, #tpu.memory_space<hbm>>
      tpu.wait_indirect_dma semaphore(%arg13 : memref<!tpu.dma_semaphore, #tpu.memory_space<semaphore_mem>>) src(%dma_wait3A_2369 : memref<10000x128xf32, #tpu.memory_space<hbm>>) dst(%arg9 : memref<125x128xf32, #tpu.memory_space<vmem>>)
      %dma_start3A_2370 = arith.constant 6 : i32
      %dma_start3A_2371 = arith.constant 0 : i32
      %dma_start3A_2372 = tpu.memref_slice %arg8[%dma_start3A_2370, %dma_start3A_2371] : memref<8x125xi32, #tpu.memory_space<vmem>> -> memref<1x125xi32, #tpu.memory_space<vmem>>
      %dma_start3A_2373 = tpu.memref_squeeze %dma_start3A_2372 : memref<1x125xi32, #tpu.memory_space<vmem>> -> memref<125xi32, #tpu.memory_space<vmem>>
      %dma_start3A_2374 = arith.constant 0 : i32
      %dma_start3A_2375 = arith.constant 0 : i32
      %dma_start3A_2376 = tpu.memref_slice %arg12[%dma_start3A_2374, %dma_start3A_2375] : memref<10112x128xf32, #tpu.memory_space<vmem_shared>> -> memref<10112x128xf32, #tpu.memory_space<vmem_shared>>
      tpu.enqueue_indirect_dma source(%arg9 : memref<125x128xf32, #tpu.memory_space<vmem>>) target(%dma_start3A_2376 : memref<10112x128xf32, #tpu.memory_space<vmem_shared>>) offsets(%dma_start3A_2373 : memref<125xi32, #tpu.memory_space<vmem>>) semaphore(%arg15 : memref<!tpu.dma_semaphore, #tpu.memory_space<semaphore_mem>>) {add = true}
      %dma_wait3A_2377 = arith.constant 6 : i32
      %dma_wait3A_2378 = arith.constant 0 : i32
      %dma_wait3A_2379 = tpu.memref_slice %arg8[%dma_wait3A_2377, %dma_wait3A_2378] : memref<8x125xi32, #tpu.memory_space<vmem>> -> memref<1x125xi32, #tpu.memory_space<vmem>>
      %dma_wait3A_2380 = tpu.memref_squeeze %dma_wait3A_2379 : memref<1x125xi32, #tpu.memory_space<vmem>> -> memref<125xi32, #tpu.memory_space<vmem>>
      %dma_wait3A_2381 = arith.constant 0 : i32
      %dma_wait3A_2382 = arith.constant 0 : i32
      %dma_wait3A_2383 = tpu.memref_slice %arg12[%dma_wait3A_2381, %dma_wait3A_2382] : memref<10112x128xf32, #tpu.memory_space<vmem_shared>> -> memref<10112x128xf32, #tpu.memory_space<vmem_shared>>
      tpu.wait_indirect_dma semaphore(%arg15 : memref<!tpu.dma_semaphore, #tpu.memory_space<semaphore_mem>>) src(%arg9 : memref<125x128xf32, #tpu.memory_space<vmem>>) dst(%dma_wait3A_2383 : memref<10112x128xf32, #tpu.memory_space<vmem_shared>>)
      %convert_element_type3A_2384 = arith.extui %lt3A_1947 : i1 to i32
      %cond3A_2385 = arith.constant 0 : i32
      %cond3A_2386 = arith.cmpi ne, %convert_element_type3A_2384, %cond3A_2385 : i32
      scf.if %cond3A_2386 {
        %mul3A_2414 = arith.constant 2 : i32
        %mul3A_2415 = arith.muli %mul3A_2414, %scan3A_1946 : i32
        %add3A_2416 = arith.constant 2 : i32
        %add3A_2417 = arith.addi %mul3A_2415, %add3A_2416 : i32
        %dma_wait3A_2418 = arith.constant 0 : i32
        %dma_wait3A_2419 = arith.constant 0 : i32
        %dma_wait3A_2420 = arith.constant 0 : i32
        %dma_wait3A_2421 = tpu.memref_slice %arg3[%dma_wait3A_2418, %add3A, %add3A_2417, %dma_wait3A_2419, %dma_wait3A_2420] : memref<2x32x10x8x125xi32, #tpu.memory_space<hbm>> -> memref<1x1x1x8x125xi32, #tpu.memory_space<hbm>>
        %dma_wait3A_2422 = tpu.memref_squeeze %dma_wait3A_2421 : memref<1x1x1x8x125xi32, #tpu.memory_space<hbm>> -> memref<8x125xi32, #tpu.memory_space<hbm>>
        %dma_wait3A_2423 = arith.constant 0 : i32
        %dma_wait3A_2424 = arith.constant 0 : i32
        %dma_wait3A_2425 = tpu.memref_slice %arg3[%dma_wait3A_2418, %add3A, %add3A_2417, %dma_wait3A_2423, %dma_wait3A_2424] : memref<2x32x10x8x125xi32, #tpu.memory_space<hbm>> -> memref<1x1x1x8x125xi32, #tpu.memory_space<hbm>>
        %dma_wait3A_2426 = tpu.memref_squeeze %dma_wait3A_2425 : memref<1x1x1x8x125xi32, #tpu.memory_space<hbm>> -> memref<8x125xi32, #tpu.memory_space<hbm>>
        tpu.wait_dma2 semaphore(%arg17 : memref<!tpu.dma_semaphore, #tpu.memory_space<semaphore_mem>>) src(%dma_wait3A_2426 : memref<8x125xi32, #tpu.memory_space<hbm>>) dst(%arg5 : memref<8x125xi32, #tpu.memory_space<vmem>>)
        %dma_wait3A_2427 = arith.constant 1 : i32
        %dma_wait3A_2428 = arith.constant 0 : i32
        %dma_wait3A_2429 = arith.constant 0 : i32
        %dma_wait3A_2430 = tpu.memref_slice %arg3[%dma_wait3A_2427, %add3A, %add3A_2417, %dma_wait3A_2428, %dma_wait3A_2429] : memref<2x32x10x8x125xi32, #tpu.memory_space<hbm>> -> memref<1x1x1x8x125xi32, #tpu.memory_space<hbm>>
        %dma_wait3A_2431 = tpu.memref_squeeze %dma_wait3A_2430 : memref<1x1x1x8x125xi32, #tpu.memory_space<hbm>> -> memref<8x125xi32, #tpu.memory_space<hbm>>
        %dma_wait3A_2432 = arith.constant 0 : i32
        %dma_wait3A_2433 = arith.constant 0 : i32
        %dma_wait3A_2434 = tpu.memref_slice %arg3[%dma_wait3A_2427, %add3A, %add3A_2417, %dma_wait3A_2432, %dma_wait3A_2433] : memref<2x32x10x8x125xi32, #tpu.memory_space<hbm>> -> memref<1x1x1x8x125xi32, #tpu.memory_space<hbm>>
        %dma_wait3A_2435 = tpu.memref_squeeze %dma_wait3A_2434 : memref<1x1x1x8x125xi32, #tpu.memory_space<hbm>> -> memref<8x125xi32, #tpu.memory_space<hbm>>
        tpu.wait_dma2 semaphore(%arg17 : memref<!tpu.dma_semaphore, #tpu.memory_space<semaphore_mem>>) src(%dma_wait3A_2435 : memref<8x125xi32, #tpu.memory_space<hbm>>) dst(%arg7 : memref<8x125xi32, #tpu.memory_space<vmem>>)
        %dma_start3A_2436 = arith.constant 0 : i32
        %dma_start3A_2437 = arith.constant 0 : i32
        %dma_start3A_2438 = tpu.memref_slice %arg5[%dma_start3A_2436, %dma_start3A_2437] : memref<8x125xi32, #tpu.memory_space<vmem>> -> memref<1x125xi32, #tpu.memory_space<vmem>>
        %dma_start3A_2439 = tpu.memref_squeeze %dma_start3A_2438 : memref<1x125xi32, #tpu.memory_space<vmem>> -> memref<125xi32, #tpu.memory_space<vmem>>
        %dma_start3A_2440 = arith.constant 0 : i32
        %dma_start3A_2441 = arith.constant 0 : i32
        %dma_start3A_2442 = tpu.memref_slice %arg2[%dma_start3A_2440, %dma_start3A_2441] : memref<10000x128xf32, #tpu.memory_space<hbm>> -> memref<10000x128xf32, #tpu.memory_space<hbm>>
        tpu.enqueue_indirect_dma source(%dma_start3A_2442 : memref<10000x128xf32, #tpu.memory_space<hbm>>) target(%arg9 : memref<125x128xf32, #tpu.memory_space<vmem>>) offsets(%dma_start3A_2439 : memref<125xi32, #tpu.memory_space<vmem>>) semaphore(%arg13 : memref<!tpu.dma_semaphore, #tpu.memory_space<semaphore_mem>>)
      } else {
      }
      %dma_wait3A_2387 = arith.constant 7 : i32
      %dma_wait3A_2388 = arith.constant 0 : i32
      %dma_wait3A_2389 = tpu.memref_slice %arg6[%dma_wait3A_2387, %dma_wait3A_2388] : memref<8x125xi32, #tpu.memory_space<vmem>> -> memref<1x125xi32, #tpu.memory_space<vmem>>
      %dma_wait3A_2390 = tpu.memref_squeeze %dma_wait3A_2389 : memref<1x125xi32, #tpu.memory_space<vmem>> -> memref<125xi32, #tpu.memory_space<vmem>>
      %dma_wait3A_2391 = arith.constant 0 : i32
      %dma_wait3A_2392 = arith.constant 0 : i32
      %dma_wait3A_2393 = tpu.memref_slice %arg2[%dma_wait3A_2391, %dma_wait3A_2392] : memref<10000x128xf32, #tpu.memory_space<hbm>> -> memref<10000x128xf32, #tpu.memory_space<hbm>>
      tpu.wait_indirect_dma semaphore(%arg14 : memref<!tpu.dma_semaphore, #tpu.memory_space<semaphore_mem>>) src(%dma_wait3A_2393 : memref<10000x128xf32, #tpu.memory_space<hbm>>) dst(%arg10 : memref<125x128xf32, #tpu.memory_space<vmem>>)
      %dma_start3A_2394 = arith.constant 7 : i32
      %dma_start3A_2395 = arith.constant 0 : i32
      %dma_start3A_2396 = tpu.memref_slice %arg8[%dma_start3A_2394, %dma_start3A_2395] : memref<8x125xi32, #tpu.memory_space<vmem>> -> memref<1x125xi32, #tpu.memory_space<vmem>>
      %dma_start3A_2397 = tpu.memref_squeeze %dma_start3A_2396 : memref<1x125xi32, #tpu.memory_space<vmem>> -> memref<125xi32, #tpu.memory_space<vmem>>
      %dma_start3A_2398 = arith.constant 0 : i32
      %dma_start3A_2399 = arith.constant 0 : i32
      %dma_start3A_2400 = tpu.memref_slice %arg12[%dma_start3A_2398, %dma_start3A_2399] : memref<10112x128xf32, #tpu.memory_space<vmem_shared>> -> memref<10112x128xf32, #tpu.memory_space<vmem_shared>>
      tpu.enqueue_indirect_dma source(%arg10 : memref<125x128xf32, #tpu.memory_space<vmem>>) target(%dma_start3A_2400 : memref<10112x128xf32, #tpu.memory_space<vmem_shared>>) offsets(%dma_start3A_2397 : memref<125xi32, #tpu.memory_space<vmem>>) semaphore(%arg16 : memref<!tpu.dma_semaphore, #tpu.memory_space<semaphore_mem>>) {add = true}
      %dma_wait3A_2401 = arith.constant 7 : i32
      %dma_wait3A_2402 = arith.constant 0 : i32
      %dma_wait3A_2403 = tpu.memref_slice %arg8[%dma_wait3A_2401, %dma_wait3A_2402] : memref<8x125xi32, #tpu.memory_space<vmem>> -> memref<1x125xi32, #tpu.memory_space<vmem>>
      %dma_wait3A_2404 = tpu.memref_squeeze %dma_wait3A_2403 : memref<1x125xi32, #tpu.memory_space<vmem>> -> memref<125xi32, #tpu.memory_space<vmem>>
      %dma_wait3A_2405 = arith.constant 0 : i32
      %dma_wait3A_2406 = arith.constant 0 : i32
      %dma_wait3A_2407 = tpu.memref_slice %arg12[%dma_wait3A_2405, %dma_wait3A_2406] : memref<10112x128xf32, #tpu.memory_space<vmem_shared>> -> memref<10112x128xf32, #tpu.memory_space<vmem_shared>>
      tpu.wait_indirect_dma semaphore(%arg16 : memref<!tpu.dma_semaphore, #tpu.memory_space<semaphore_mem>>) src(%arg10 : memref<125x128xf32, #tpu.memory_space<vmem>>) dst(%dma_wait3A_2407 : memref<10112x128xf32, #tpu.memory_space<vmem_shared>>)
      %convert_element_type3A_2408 = arith.extui %lt3A_1947 : i1 to i32
      %cond3A_2409 = arith.constant 0 : i32
      %cond3A_2410 = arith.cmpi ne, %convert_element_type3A_2408, %cond3A_2409 : i32
      scf.if %cond3A_2410 {
        %dma_start3A_2414 = arith.constant 1 : i32
        %dma_start3A_2415 = arith.constant 0 : i32
        %dma_start3A_2416 = tpu.memref_slice %arg5[%dma_start3A_2414, %dma_start3A_2415] : memref<8x125xi32, #tpu.memory_space<vmem>> -> memref<1x125xi32, #tpu.memory_space<vmem>>
        %dma_start3A_2417 = tpu.memref_squeeze %dma_start3A_2416 : memref<1x125xi32, #tpu.memory_space<vmem>> -> memref<125xi32, #tpu.memory_space<vmem>>
        %dma_start3A_2418 = arith.constant 0 : i32
        %dma_start3A_2419 = arith.constant 0 : i32
        %dma_start3A_2420 = tpu.memref_slice %arg2[%dma_start3A_2418, %dma_start3A_2419] : memref<10000x128xf32, #tpu.memory_space<hbm>> -> memref<10000x128xf32, #tpu.memory_space<hbm>>
        tpu.enqueue_indirect_dma source(%dma_start3A_2420 : memref<10000x128xf32, #tpu.memory_space<hbm>>) target(%arg10 : memref<125x128xf32, #tpu.memory_space<vmem>>) offsets(%dma_start3A_2417 : memref<125xi32, #tpu.memory_space<vmem>>) semaphore(%arg14 : memref<!tpu.dma_semaphore, #tpu.memory_space<semaphore_mem>>)
      } else {
      }
      %convert_element_type3A_2411 = arith.extui %lt3A_1947 : i1 to i32
      %cond3A_2412 = arith.constant 0 : i32
      %cond3A_2413 = arith.cmpi ne, %convert_element_type3A_2411, %cond3A_2412 : i32
      scf.if %cond3A_2413 {
        %mul3A_2414 = arith.constant 2 : i32
        %mul3A_2415 = arith.muli %mul3A_2414, %scan3A_1946 : i32
        %add3A_2416 = arith.constant 3 : i32
        %add3A_2417 = arith.addi %mul3A_2415, %add3A_2416 : i32
        %dma_start3A_2418 = arith.constant 0 : i32
        %dma_start3A_2419 = arith.constant 0 : i32
        %dma_start3A_2420 = arith.constant 0 : i32
        %dma_start3A_2421 = tpu.memref_slice %arg3[%dma_start3A_2418, %add3A, %add3A_2417, %dma_start3A_2419, %dma_start3A_2420] : memref<2x32x10x8x125xi32, #tpu.memory_space<hbm>> -> memref<1x1x1x8x125xi32, #tpu.memory_space<hbm>>
        %dma_start3A_2422 = tpu.memref_squeeze %dma_start3A_2421 : memref<1x1x1x8x125xi32, #tpu.memory_space<hbm>> -> memref<8x125xi32, #tpu.memory_space<hbm>>
        %dma_start3A_2423 = arith.constant 0 : i32
        %dma_start3A_2424 = arith.constant 0 : i32
        %dma_start3A_2425 = tpu.memref_slice %arg3[%dma_start3A_2418, %add3A, %add3A_2417, %dma_start3A_2423, %dma_start3A_2424] : memref<2x32x10x8x125xi32, #tpu.memory_space<hbm>> -> memref<1x1x1x8x125xi32, #tpu.memory_space<hbm>>
        %dma_start3A_2426 = tpu.memref_squeeze %dma_start3A_2425 : memref<1x1x1x8x125xi32, #tpu.memory_space<hbm>> -> memref<8x125xi32, #tpu.memory_space<hbm>>
        tpu.enqueue_dma source(%dma_start3A_2426 : memref<8x125xi32, #tpu.memory_space<hbm>>) target(%arg6 : memref<8x125xi32, #tpu.memory_space<vmem>>) target_semaphore(%arg18 : memref<!tpu.dma_semaphore, #tpu.memory_space<semaphore_mem>>)
        %dma_start3A_2427 = arith.constant 1 : i32
        %dma_start3A_2428 = arith.constant 0 : i32
        %dma_start3A_2429 = arith.constant 0 : i32
        %dma_start3A_2430 = tpu.memref_slice %arg3[%dma_start3A_2427, %add3A, %add3A_2417, %dma_start3A_2428, %dma_start3A_2429] : memref<2x32x10x8x125xi32, #tpu.memory_space<hbm>> -> memref<1x1x1x8x125xi32, #tpu.memory_space<hbm>>
        %dma_start3A_2431 = tpu.memref_squeeze %dma_start3A_2430 : memref<1x1x1x8x125xi32, #tpu.memory_space<hbm>> -> memref<8x125xi32, #tpu.memory_space<hbm>>
        %dma_start3A_2432 = arith.constant 0 : i32
        %dma_start3A_2433 = arith.constant 0 : i32
        %dma_start3A_2434 = tpu.memref_slice %arg3[%dma_start3A_2427, %add3A, %add3A_2417, %dma_start3A_2432, %dma_start3A_2433] : memref<2x32x10x8x125xi32, #tpu.memory_space<hbm>> -> memref<1x1x1x8x125xi32, #tpu.memory_space<hbm>>
        %dma_start3A_2435 = tpu.memref_squeeze %dma_start3A_2434 : memref<1x1x1x8x125xi32, #tpu.memory_space<hbm>> -> memref<8x125xi32, #tpu.memory_space<hbm>>
        tpu.enqueue_dma source(%dma_start3A_2435 : memref<8x125xi32, #tpu.memory_space<hbm>>) target(%arg8 : memref<8x125xi32, #tpu.memory_space<vmem>>) target_semaphore(%arg18 : memref<!tpu.dma_semaphore, #tpu.memory_space<semaphore_mem>>)
      } else {
      }
    }
    %scan3A_1814 = arith.constant 5 : i32
    %barrier3A_1815 = arith.constant 0 : index
    tpu.barrier barrier_id(%barrier3A_1815)
    %mul3A_1816 = arith.constant 632 : i32
    %mul3A_1817 = arith.muli %arg1, %mul3A_1816 : i32
    %add3A_1818 = arith.constant 0 : i32
    %add3A_1819 = arith.addi %mul3A_1817, %add3A_1818 : i32
    %mul3A_1820 = arith.constant 632 : i32
    %mul3A_1821 = arith.muli %arg1, %mul3A_1820 : i32
    %add3A_1822 = arith.constant 0 : i32
    %add3A_1823 = arith.addi %mul3A_1821, %add3A_1822 : i32
    %dma_start3A_1824 = arith.constant 0 : i32
    %dma_start3A_1825 = tpu.memref_slice %arg4[%arg0, %add3A_1823, %dma_start3A_1824] : memref<2x10240x128xf32, #tpu.memory_space<hbm>> -> memref<1x128x128xf32, #tpu.memory_space<hbm>>
    %dma_start3A_1826 = tpu.memref_squeeze %dma_start3A_1825 : memref<1x128x128xf32, #tpu.memory_space<hbm>> -> memref<128x128xf32, #tpu.memory_space<hbm>>
    %dma_start3A_1827 = arith.constant 0 : i32
    %dma_start3A_1828 = tpu.memref_slice %arg12[%add3A_1819, %dma_start3A_1827] : memref<10112x128xf32, #tpu.memory_space<vmem_shared>> -> memref<128x128xf32, #tpu.memory_space<vmem_shared>>
    tpu.enqueue_dma source(%dma_start3A_1828 : memref<128x128xf32, #tpu.memory_space<vmem_shared>>) target(%dma_start3A_1826 : memref<128x128xf32, #tpu.memory_space<hbm>>) target_semaphore(%arg19 : memref<!tpu.dma_semaphore, #tpu.memory_space<semaphore_mem>>)
    %mul3A_1829 = arith.constant 632 : i32
    %mul3A_1830 = arith.muli %arg1, %mul3A_1829 : i32
    %add3A_1831 = arith.constant 128 : i32
    %add3A_1832 = arith.addi %mul3A_1830, %add3A_1831 : i32
    %mul3A_1833 = arith.constant 632 : i32
    %mul3A_1834 = arith.muli %arg1, %mul3A_1833 : i32
    %add3A_1835 = arith.constant 128 : i32
    %add3A_1836 = arith.addi %mul3A_1834, %add3A_1835 : i32
    %dma_start3A_1837 = arith.constant 0 : i32
    %dma_start3A_1838 = tpu.memref_slice %arg4[%arg0, %add3A_1836, %dma_start3A_1837] : memref<2x10240x128xf32, #tpu.memory_space<hbm>> -> memref<1x128x128xf32, #tpu.memory_space<hbm>>
    %dma_start3A_1839 = tpu.memref_squeeze %dma_start3A_1838 : memref<1x128x128xf32, #tpu.memory_space<hbm>> -> memref<128x128xf32, #tpu.memory_space<hbm>>
    %dma_start3A_1840 = arith.constant 0 : i32
    %dma_start3A_1841 = tpu.memref_slice %arg12[%add3A_1832, %dma_start3A_1840] : memref<10112x128xf32, #tpu.memory_space<vmem_shared>> -> memref<128x128xf32, #tpu.memory_space<vmem_shared>>
    tpu.enqueue_dma source(%dma_start3A_1841 : memref<128x128xf32, #tpu.memory_space<vmem_shared>>) target(%dma_start3A_1839 : memref<128x128xf32, #tpu.memory_space<hbm>>) target_semaphore(%arg19 : memref<!tpu.dma_semaphore, #tpu.memory_space<semaphore_mem>>)
    %mul3A_1842 = arith.constant 632 : i32
    %mul3A_1843 = arith.muli %arg1, %mul3A_1842 : i32
    %add3A_1844 = arith.constant 256 : i32
    %add3A_1845 = arith.addi %mul3A_1843, %add3A_1844 : i32
    %mul3A_1846 = arith.constant 632 : i32
    %mul3A_1847 = arith.muli %arg1, %mul3A_1846 : i32
    %add3A_1848 = arith.constant 256 : i32
    %add3A_1849 = arith.addi %mul3A_1847, %add3A_1848 : i32
    %dma_start3A_1850 = arith.constant 0 : i32
    %dma_start3A_1851 = tpu.memref_slice %arg4[%arg0, %add3A_1849, %dma_start3A_1850] : memref<2x10240x128xf32, #tpu.memory_space<hbm>> -> memref<1x128x128xf32, #tpu.memory_space<hbm>>
    %dma_start3A_1852 = tpu.memref_squeeze %dma_start3A_1851 : memref<1x128x128xf32, #tpu.memory_space<hbm>> -> memref<128x128xf32, #tpu.memory_space<hbm>>
    %dma_start3A_1853 = arith.constant 0 : i32
    %dma_start3A_1854 = tpu.memref_slice %arg12[%add3A_1845, %dma_start3A_1853] : memref<10112x128xf32, #tpu.memory_space<vmem_shared>> -> memref<128x128xf32, #tpu.memory_space<vmem_shared>>
    tpu.enqueue_dma source(%dma_start3A_1854 : memref<128x128xf32, #tpu.memory_space<vmem_shared>>) target(%dma_start3A_1852 : memref<128x128xf32, #tpu.memory_space<hbm>>) target_semaphore(%arg19 : memref<!tpu.dma_semaphore, #tpu.memory_space<semaphore_mem>>)
    %mul3A_1855 = arith.constant 632 : i32
    %mul3A_1856 = arith.muli %arg1, %mul3A_1855 : i32
    %add3A_1857 = arith.constant 384 : i32
    %add3A_1858 = arith.addi %mul3A_1856, %add3A_1857 : i32
    %mul3A_1859 = arith.constant 632 : i32
    %mul3A_1860 = arith.muli %arg1, %mul3A_1859 : i32
    %add3A_1861 = arith.constant 384 : i32
    %add3A_1862 = arith.addi %mul3A_1860, %add3A_1861 : i32
    %dma_start3A_1863 = arith.constant 0 : i32
    %dma_start3A_1864 = tpu.memref_slice %arg4[%arg0, %add3A_1862, %dma_start3A_1863] : memref<2x10240x128xf32, #tpu.memory_space<hbm>> -> memref<1x128x128xf32, #tpu.memory_space<hbm>>
    %dma_start3A_1865 = tpu.memref_squeeze %dma_start3A_1864 : memref<1x128x128xf32, #tpu.memory_space<hbm>> -> memref<128x128xf32, #tpu.memory_space<hbm>>
    %dma_start3A_1866 = arith.constant 0 : i32
    %dma_start3A_1867 = tpu.memref_slice %arg12[%add3A_1858, %dma_start3A_1866] : memref<10112x128xf32, #tpu.memory_space<vmem_shared>> -> memref<128x128xf32, #tpu.memory_space<vmem_shared>>
    tpu.enqueue_dma source(%dma_start3A_1867 : memref<128x128xf32, #tpu.memory_space<vmem_shared>>) target(%dma_start3A_1865 : memref<128x128xf32, #tpu.memory_space<hbm>>) target_semaphore(%arg19 : memref<!tpu.dma_semaphore, #tpu.memory_space<semaphore_mem>>)
    %mul3A_1868 = arith.constant 632 : i32
    %mul3A_1869 = arith.muli %arg1, %mul3A_1868 : i32
    %add3A_1870 = arith.constant 512 : i32
    %add3A_1871 = arith.addi %mul3A_1869, %add3A_1870 : i32
    %mul3A_1872 = arith.constant 632 : i32
    %mul3A_1873 = arith.muli %arg1, %mul3A_1872 : i32
    %add3A_1874 = arith.constant 512 : i32
    %add3A_1875 = arith.addi %mul3A_1873, %add3A_1874 : i32
    %dma_start3A_1876 = arith.constant 0 : i32
    %dma_start3A_1877 = tpu.memref_slice %arg4[%arg0, %add3A_1875, %dma_start3A_1876] : memref<2x10240x128xf32, #tpu.memory_space<hbm>> -> memref<1x120x128xf32, #tpu.memory_space<hbm>>
    %dma_start3A_1878 = tpu.memref_squeeze %dma_start3A_1877 : memref<1x120x128xf32, #tpu.memory_space<hbm>> -> memref<120x128xf32, #tpu.memory_space<hbm>>
    %dma_start3A_1879 = arith.constant 0 : i32
    %dma_start3A_1880 = tpu.memref_slice %arg12[%add3A_1871, %dma_start3A_1879] : memref<10112x128xf32, #tpu.memory_space<vmem_shared>> -> memref<120x128xf32, #tpu.memory_space<vmem_shared>>
    tpu.enqueue_dma source(%dma_start3A_1880 : memref<120x128xf32, #tpu.memory_space<vmem_shared>>) target(%dma_start3A_1878 : memref<120x128xf32, #tpu.memory_space<hbm>>) target_semaphore(%arg19 : memref<!tpu.dma_semaphore, #tpu.memory_space<semaphore_mem>>)
    %mul3A_1881 = arith.constant 632 : i32
    %mul3A_1882 = arith.muli %arg1, %mul3A_1881 : i32
    %add3A_1883 = arith.constant 0 : i32
    %add3A_1884 = arith.addi %mul3A_1882, %add3A_1883 : i32
    %mul3A_1885 = arith.constant 632 : i32
    %mul3A_1886 = arith.muli %arg1, %mul3A_1885 : i32
    %add3A_1887 = arith.constant 0 : i32
    %add3A_1888 = arith.addi %mul3A_1886, %add3A_1887 : i32
    %dma_wait3A_1889 = arith.constant 0 : i32
    %dma_wait3A_1890 = tpu.memref_slice %arg4[%arg0, %add3A_1888, %dma_wait3A_1889] : memref<2x10240x128xf32, #tpu.memory_space<hbm>> -> memref<1x128x128xf32, #tpu.memory_space<hbm>>
    %dma_wait3A_1891 = tpu.memref_squeeze %dma_wait3A_1890 : memref<1x128x128xf32, #tpu.memory_space<hbm>> -> memref<128x128xf32, #tpu.memory_space<hbm>>
    %dma_wait3A_1892 = arith.constant 0 : i32
    %dma_wait3A_1893 = tpu.memref_slice %arg12[%add3A_1884, %dma_wait3A_1892] : memref<10112x128xf32, #tpu.memory_space<vmem_shared>> -> memref<128x128xf32, #tpu.memory_space<vmem_shared>>
    tpu.wait_dma2 semaphore(%arg19 : memref<!tpu.dma_semaphore, #tpu.memory_space<semaphore_mem>>) src(%dma_wait3A_1893 : memref<128x128xf32, #tpu.memory_space<vmem_shared>>) dst(%dma_wait3A_1891 : memref<128x128xf32, #tpu.memory_space<hbm>>)
    %mul3A_1894 = arith.constant 632 : i32
    %mul3A_1895 = arith.muli %arg1, %mul3A_1894 : i32
    %add3A_1896 = arith.constant 128 : i32
    %add3A_1897 = arith.addi %mul3A_1895, %add3A_1896 : i32
    %mul3A_1898 = arith.constant 632 : i32
    %mul3A_1899 = arith.muli %arg1, %mul3A_1898 : i32
    %add3A_1900 = arith.constant 128 : i32
    %add3A_1901 = arith.addi %mul3A_1899, %add3A_1900 : i32
    %dma_wait3A_1902 = arith.constant 0 : i32
    %dma_wait3A_1903 = tpu.memref_slice %arg4[%arg0, %add3A_1901, %dma_wait3A_1902] : memref<2x10240x128xf32, #tpu.memory_space<hbm>> -> memref<1x128x128xf32, #tpu.memory_space<hbm>>
    %dma_wait3A_1904 = tpu.memref_squeeze %dma_wait3A_1903 : memref<1x128x128xf32, #tpu.memory_space<hbm>> -> memref<128x128xf32, #tpu.memory_space<hbm>>
    %dma_wait3A_1905 = arith.constant 0 : i32
    %dma_wait3A_1906 = tpu.memref_slice %arg12[%add3A_1897, %dma_wait3A_1905] : memref<10112x128xf32, #tpu.memory_space<vmem_shared>> -> memref<128x128xf32, #tpu.memory_space<vmem_shared>>
    tpu.wait_dma2 semaphore(%arg19 : memref<!tpu.dma_semaphore, #tpu.memory_space<semaphore_mem>>) src(%dma_wait3A_1906 : memref<128x128xf32, #tpu.memory_space<vmem_shared>>) dst(%dma_wait3A_1904 : memref<128x128xf32, #tpu.memory_space<hbm>>)
    %mul3A_1907 = arith.constant 632 : i32
    %mul3A_1908 = arith.muli %arg1, %mul3A_1907 : i32
    %add3A_1909 = arith.constant 256 : i32
    %add3A_1910 = arith.addi %mul3A_1908, %add3A_1909 : i32
    %mul3A_1911 = arith.constant 632 : i32
    %mul3A_1912 = arith.muli %arg1, %mul3A_1911 : i32
    %add3A_1913 = arith.constant 256 : i32
    %add3A_1914 = arith.addi %mul3A_1912, %add3A_1913 : i32
    %dma_wait3A_1915 = arith.constant 0 : i32
    %dma_wait3A_1916 = tpu.memref_slice %arg4[%arg0, %add3A_1914, %dma_wait3A_1915] : memref<2x10240x128xf32, #tpu.memory_space<hbm>> -> memref<1x128x128xf32, #tpu.memory_space<hbm>>
    %dma_wait3A_1917 = tpu.memref_squeeze %dma_wait3A_1916 : memref<1x128x128xf32, #tpu.memory_space<hbm>> -> memref<128x128xf32, #tpu.memory_space<hbm>>
    %dma_wait3A_1918 = arith.constant 0 : i32
    %dma_wait3A_1919 = tpu.memref_slice %arg12[%add3A_1910, %dma_wait3A_1918] : memref<10112x128xf32, #tpu.memory_space<vmem_shared>> -> memref<128x128xf32, #tpu.memory_space<vmem_shared>>
    tpu.wait_dma2 semaphore(%arg19 : memref<!tpu.dma_semaphore, #tpu.memory_space<semaphore_mem>>) src(%dma_wait3A_1919 : memref<128x128xf32, #tpu.memory_space<vmem_shared>>) dst(%dma_wait3A_1917 : memref<128x128xf32, #tpu.memory_space<hbm>>)
    %mul3A_1920 = arith.constant 632 : i32
    %mul3A_1921 = arith.muli %arg1, %mul3A_1920 : i32
    %add3A_1922 = arith.constant 384 : i32
    %add3A_1923 = arith.addi %mul3A_1921, %add3A_1922 : i32
    %mul3A_1924 = arith.constant 632 : i32
    %mul3A_1925 = arith.muli %arg1, %mul3A_1924 : i32
    %add3A_1926 = arith.constant 384 : i32
    %add3A_1927 = arith.addi %mul3A_1925, %add3A_1926 : i32
    %dma_wait3A_1928 = arith.constant 0 : i32
    %dma_wait3A_1929 = tpu.memref_slice %arg4[%arg0, %add3A_1927, %dma_wait3A_1928] : memref<2x10240x128xf32, #tpu.memory_space<hbm>> -> memref<1x128x128xf32, #tpu.memory_space<hbm>>
    %dma_wait3A_1930 = tpu.memref_squeeze %dma_wait3A_1929 : memref<1x128x128xf32, #tpu.memory_space<hbm>> -> memref<128x128xf32, #tpu.memory_space<hbm>>
    %dma_wait3A_1931 = arith.constant 0 : i32
    %dma_wait3A_1932 = tpu.memref_slice %arg12[%add3A_1923, %dma_wait3A_1931] : memref<10112x128xf32, #tpu.memory_space<vmem_shared>> -> memref<128x128xf32, #tpu.memory_space<vmem_shared>>
    tpu.wait_dma2 semaphore(%arg19 : memref<!tpu.dma_semaphore, #tpu.memory_space<semaphore_mem>>) src(%dma_wait3A_1932 : memref<128x128xf32, #tpu.memory_space<vmem_shared>>) dst(%dma_wait3A_1930 : memref<128x128xf32, #tpu.memory_space<hbm>>)
    %mul3A_1933 = arith.constant 632 : i32
    %mul3A_1934 = arith.muli %arg1, %mul3A_1933 : i32
    %add3A_1935 = arith.constant 512 : i32
    %add3A_1936 = arith.addi %mul3A_1934, %add3A_1935 : i32
    %mul3A_1937 = arith.constant 632 : i32
    %mul3A_1938 = arith.muli %arg1, %mul3A_1937 : i32
    %add3A_1939 = arith.constant 512 : i32
    %add3A_1940 = arith.addi %mul3A_1938, %add3A_1939 : i32
    %dma_wait3A_1941 = arith.constant 0 : i32
    %dma_wait3A_1942 = tpu.memref_slice %arg4[%arg0, %add3A_1940, %dma_wait3A_1941] : memref<2x10240x128xf32, #tpu.memory_space<hbm>> -> memref<1x120x128xf32, #tpu.memory_space<hbm>>
    %dma_wait3A_1943 = tpu.memref_squeeze %dma_wait3A_1942 : memref<1x120x128xf32, #tpu.memory_space<hbm>> -> memref<120x128xf32, #tpu.memory_space<hbm>>
    %dma_wait3A_1944 = arith.constant 0 : i32
    %dma_wait3A_1945 = tpu.memref_slice %arg12[%add3A_1936, %dma_wait3A_1944] : memref<10112x128xf32, #tpu.memory_space<vmem_shared>> -> memref<120x128xf32, #tpu.memory_space<vmem_shared>>
    tpu.wait_dma2 semaphore(%arg19 : memref<!tpu.dma_semaphore, #tpu.memory_space<semaphore_mem>>) src(%dma_wait3A_1945 : memref<120x128xf32, #tpu.memory_space<vmem_shared>>) dst(%dma_wait3A_1943 : memref<120x128xf32, #tpu.memory_space<hbm>>)
    return
  }
}

module attributes {stable_mosaic.version = 14 : i64} {
  func.func @_prep_body(%arg0: i32, %arg1: memref<2000x2xf32, #tpu.memory_space<vmem>>, %arg2: memref<2000x128xf32, #tpu.memory_space<vmem>>, %arg3: memref<2000x1xf32, #tpu.memory_space<vmem>>, %arg4: memref<2000x128xf32, #tpu.memory_space<vmem>>) attributes {dimension_semantics = [#tpu.dimension_semantics<arbitrary>], iteration_bounds = array<i64: 5>, scalar_prefetch = 0 : i64, scratch_operands = 0 : i64, tpu.core_type = #tpu.core_type<tc>, window_params = [{transform_indices = @transform_0, window_bounds = array<i64: 2000, 2>}, {transform_indices = @transform_1, window_bounds = array<i64: 2000, 128>}, {transform_indices = @transform_2, window_bounds = array<i64: 2000, 1>}, {transform_indices = @transform_3, window_bounds = array<i64: 2000, 128>}]} {
    %get3A = arith.constant 0 : index
    %get3A_0 = arith.constant 0 : index
    %get3A_1 = vector.load %arg1[%get3A, %get3A_0] : memref<2000x2xf32, #tpu.memory_space<vmem>>, vector<2000x1xf32>
    %get3A_2 = arith.constant 0 : index
    %get3A_3 = arith.constant 1 : index
    %get3A_4 = vector.load %arg1[%get3A_2, %get3A_3] : memref<2000x2xf32, #tpu.memory_space<vmem>>, vector<2000x1xf32>
    %add3A = arith.addf %get3A_1, %get3A_4 : vector<2000x1xf32>
    %add3A_5 = arith.constant 1.000000e+00 : f32
    %add3A_6 = vector.broadcast %add3A_5 : f32 to vector<2000x1xf32>
    %add3A_7 = arith.addf %add3A, %add3A_6 : vector<2000x1xf32>
    %rsqrt3A = math.rsqrt %add3A_7 : vector<2000x1xf32>
    %swap3A = arith.constant 0 : index
    %swap3A_8 = arith.constant 0 : index
    %swap3A_9 = vector.load %arg3[%swap3A, %swap3A_8] : memref<2000x1xf32, #tpu.memory_space<vmem>>, vector<2000x1xf32>
    tpu.vector_store %arg3[%swap3A, %swap3A_8], %rsqrt3A {strides = array<i32>} : memref<2000x1xf32, #tpu.memory_space<vmem>>, vector<2000x1xf32>,
    %get3A_10 = arith.constant 0 : index
    %get3A_11 = arith.constant 0 : index
    %get3A_12 = vector.load %arg2[%get3A_10, %get3A_11] : memref<2000x128xf32, #tpu.memory_space<vmem>>, vector<2000x128xf32>
    %mul3A = vector.broadcast %rsqrt3A : vector<2000x1xf32> to vector<2000x128xf32>
    %mul3A_13 = arith.mulf %get3A_12, %mul3A : vector<2000x128xf32>
    %swap3A_14 = arith.constant 0 : index
    %swap3A_15 = arith.constant 0 : index
    %swap3A_16 = vector.load %arg4[%swap3A_14, %swap3A_15] : memref<2000x128xf32, #tpu.memory_space<vmem>>, vector<2000x128xf32>
    tpu.vector_store %arg4[%swap3A_14, %swap3A_15], %mul3A_13 {strides = array<i32>} : memref<2000x128xf32, #tpu.memory_space<vmem>>, vector<2000x128xf32>,
    return
  }
  func.func @transform_0(%arg0: i32) -> (i32, i32) {
    %c0_i32 = arith.constant 0 : i32
    %c0_i32_0 = arith.constant 0 : i32
    return %arg0, %c0_i32 : i32, i32
  }
  func.func @transform_1(%arg0: i32) -> (i32, i32) {
    %c0_i32 = arith.constant 0 : i32
    %c0_i32_0 = arith.constant 0 : i32
    return %arg0, %c0_i32 : i32, i32
  }
  func.func @transform_2(%arg0: i32) -> (i32, i32) {
    %c0_i32 = arith.constant 0 : i32
    %c0_i32_0 = arith.constant 0 : i32
    return %arg0, %c0_i32 : i32, i32
  }
  func.func @transform_3(%arg0: i32) -> (i32, i32) {
    %c0_i32 = arith.constant 0 : i32
    %c0_i32_0 = arith.constant 0 : i32
    return %arg0, %c0_i32 : i32, i32
  }
}

module attributes {stable_mosaic.version = 14 : i64} {
  func.func @_final_body(%arg0: i32, %arg1: memref<2x2000x128xf32, #tpu.memory_space<vmem>>, %arg2: memref<2000x1xf32, #tpu.memory_space<vmem>>, %arg3: memref<2000x128xf32, #tpu.memory_space<vmem>>, %arg4: memref<2000x128xf32, #tpu.memory_space<vmem>>, %arg5: memref<128x128xf32, #tpu.memory_space<vmem>>, %arg6: memref<2000x128xf32, #tpu.memory_space<vmem>>) attributes {dimension_semantics = [#tpu.dimension_semantics<arbitrary>], iteration_bounds = array<i64: 5>, scalar_prefetch = 0 : i64, scratch_operands = 0 : i64, tpu.core_type = #tpu.core_type<tc>, window_params = [{transform_indices = @transform_0, window_bounds = array<i64: 2, 2000, 128>}, {transform_indices = @transform_1, window_bounds = array<i64: 2000, 1>}, {transform_indices = @transform_2, window_bounds = array<i64: 2000, 128>}, {transform_indices = @transform_3, window_bounds = array<i64: 2000, 128>}, {pipeline_mode = #tpu.pipeline_mode<synchronous>, transform_indices = @transform_4, window_bounds = array<i64: 128, 128>}, {transform_indices = @transform_5, window_bounds = array<i64: 2000, 128>}]} {
    %get3A = arith.constant 0 : index
    %get3A_0 = arith.constant 0 : index
    %get3A_1 = vector.load %arg2[%get3A, %get3A_0] : memref<2000x1xf32, #tpu.memory_space<vmem>>, vector<2000x1xf32>
    %get3A_2 = arith.constant 0 : index
    %get3A_3 = arith.constant 0 : index
    %get3A_4 = vector.load %arg4[%get3A_2, %get3A_3] : memref<2000x128xf32, #tpu.memory_space<vmem>>, vector<2000x128xf32>
    %get3A_5 = arith.constant 0 : index
    %get3A_6 = arith.constant 0 : index
    %get3A_7 = arith.constant 0 : index
    %get3A_8 = vector.load %arg1[%get3A_5, %get3A_6, %get3A_7] : memref<2x2000x128xf32, #tpu.memory_space<vmem>>, vector<1x2000x128xf32>
    %get3A_9 = vector.shape_cast %get3A_8 : vector<1x2000x128xf32> to vector<2000x128xf32>
    %get3A_10 = arith.constant 1 : index
    %get3A_11 = arith.constant 0 : index
    %get3A_12 = arith.constant 0 : index
    %get3A_13 = vector.load %arg1[%get3A_10, %get3A_11, %get3A_12] : memref<2x2000x128xf32, #tpu.memory_space<vmem>>, vector<1x2000x128xf32>
    %get3A_14 = vector.shape_cast %get3A_13 : vector<1x2000x128xf32> to vector<2000x128xf32>
    %add3A = arith.addf %get3A_9, %get3A_14 : vector<2000x128xf32>
    %mul3A = vector.broadcast %get3A_1 : vector<2000x1xf32> to vector<2000x128xf32>
    %mul3A_15 = arith.mulf %add3A, %mul3A : vector<2000x128xf32>
    %mul3A_16 = arith.mulf %get3A_1, %get3A_1 : vector<2000x1xf32>
    %mul3A_17 = vector.broadcast %mul3A_16 : vector<2000x1xf32> to vector<2000x128xf32>
    %mul3A_18 = arith.mulf %get3A_4, %mul3A_17 : vector<2000x128xf32>
    %add3A_19 = arith.addf %mul3A_15, %mul3A_18 : vector<2000x128xf32>
    %mul3A_20 = arith.constant 8.000000e-01 : f32
    %mul3A_21 = vector.broadcast %mul3A_20 : f32 to vector<2000x128xf32>
    %mul3A_22 = arith.mulf %mul3A_21, %add3A_19 : vector<2000x128xf32>
    %get3A_23 = arith.constant 0 : index
    %get3A_24 = arith.constant 0 : index
    %get3A_25 = vector.load %arg3[%get3A_23, %get3A_24] : memref<2000x128xf32, #tpu.memory_space<vmem>>, vector<2000x128xf32>
    %mul3A_26 = arith.constant 2.000000e-01 : f32
    %mul3A_27 = vector.broadcast %mul3A_26 : f32 to vector<2000x128xf32>
    %mul3A_28 = arith.mulf %mul3A_27, %get3A_25 : vector<2000x128xf32>
    %add3A_29 = arith.addf %mul3A_22, %mul3A_28 : vector<2000x128xf32>
    %get3A_30 = arith.constant 0 : index
    %get3A_31 = arith.constant 0 : index
    %get3A_32 = vector.load %arg5[%get3A_30, %get3A_31] : memref<128x128xf32, #tpu.memory_space<vmem>>, vector<128x128xf32>
    %dot_general3A = arith.constant dense<0.000000e+00> : vector<2000x128xf32>
    %dot_general3A_33 = tpu.matmul %add3A_29, %get3A_32, %dot_general3A {dimension_numbers = #tpu.dot_dimension_numbers<[1], [0], [0], [1], [0, 0, 1, 1], [], []>, transpose_lhs_hint = false} : vector<2000x128xf32>, vector<128x128xf32>, vector<2000x128xf32> -> vector<2000x128xf32>
    %max3A = arith.constant 0.000000e+00 : f32
    %max3A_34 = vector.broadcast %max3A : f32 to vector<2000x128xf32>
    %max3A_35 = arith.maximumf %dot_general3A_33, %max3A_34 : vector<2000x128xf32>
    %add3A_36 = arith.addf %get3A_4, %max3A_35 : vector<2000x128xf32>
    %swap3A = arith.constant 0 : index
    %swap3A_37 = arith.constant 0 : index
    %swap3A_38 = vector.load %arg6[%swap3A, %swap3A_37] : memref<2000x128xf32, #tpu.memory_space<vmem>>, vector<2000x128xf32>
    tpu.vector_store %arg6[%swap3A, %swap3A_37], %add3A_36 {strides = array<i32>} : memref<2000x128xf32, #tpu.memory_space<vmem>>, vector<2000x128xf32>,
    return
  }
  func.func @transform_0(%arg0: i32) -> (i32, i32, i32) {
    %c0_i32 = arith.constant 0 : i32
    %c0_i32_0 = arith.constant 0 : i32
    %c0_i32_1 = arith.constant 0 : i32
    return %c0_i32, %arg0, %c0_i32_0 : i32, i32, i32
  }
  func.func @transform_1(%arg0: i32) -> (i32, i32) {
    %c0_i32 = arith.constant 0 : i32
    %c0_i32_0 = arith.constant 0 : i32
    return %arg0, %c0_i32 : i32, i32
  }
  func.func @transform_2(%arg0: i32) -> (i32, i32) {
    %c0_i32 = arith.constant 0 : i32
    %c0_i32_0 = arith.constant 0 : i32
    return %arg0, %c0_i32 : i32, i32
  }
  func.func @transform_3(%arg0: i32) -> (i32, i32) {
    %c0_i32 = arith.constant 0 : i32
    %c0_i32_0 = arith.constant 0 : i32
    return %arg0, %c0_i32 : i32, i32
  }
  func.func @transform_4(%arg0: i32) -> (i32, i32) {
    %c0_i32 = arith.constant 0 : i32
    %c0_i32_0 = arith.constant 0 : i32
    %c0_i32_1 = arith.constant 0 : i32
    return %c0_i32, %c0_i32_0 : i32, i32
  }
  func.func @transform_5(%arg0: i32) -> (i32, i32) {
    %c0_i32 = arith.constant 0 : i32
    %c0_i32_0 = arith.constant 0 : i32
    return %arg0, %c0_i32 : i32, i32
  }
}

</mosaic_0001>

<sc_bundles>
// kernel: kernel.6.cloned.1.call-start
scs
__scs_entry_jumppad:
0x0: {  	(pc) =	sbr.rel $0x88, $3  }
0x1: {  	(tag) =	ssettag $0x0;
	lr =	simm.s32 $0x1  }
0x2: {  	[smem:$0x3F9D] =	sst lr;
	_ =	strace $0xD0000000  }
0x3: {  	_ = 	snop  }
0x4: {  	_ = 	snop  }
0x5: {  	_ = 	snop  }
0x6: {  	_ = 	snop  }
0x7: {  	_ = 	snop  }
__scs_overlays_trampoline_lowered:
0x8: {  	[smem:$0x3FAC] =	sst s0  }
0x9: {  	[smem:$0x3FAD] =	sst s1  }
0xa: {  	[smem:$0x3FAE] =	sst s2  }
0xb: {  	[smem:$0x3FAF] =	sst s3  }
0xc: {  	[smem:$0x3FB0] =	sst s4  }
0xd: {  	[smem:$0x3FB1] =	sst s5  }
0xe: {  	[smem:$0x3FB2] =	sst s6  }
0xf: {  	[smem:$0x3FB3] =	sst s7  }
0x10: {  	[smem:$0x3FB4] =	sst s8  }
0x11: {  	[smem:$0x3FB5] =	sst s9;
	s0 =	simm.s32 @!p0 $0x0  }
0x12: {  	s1 =	sld [smem:$0x3F9B];
	s0 =	simm.s32 @p0 $0x1  }
0x13: {  	[smem:$0x3FB6] =	sst s0;
	s0 =	simm.s32 @!p1 $0x0  }
0x14: {  	s2 =	sld [smem:$0x3F9A];
	s0 =	simm.s32 @p1 $0x1  }
0x15: {  	[smem:$0x3FB7] =	sst s0;
	s0 =	simm.s32 @!p2 $0x0  }
0x16: {  	s3 =	sld [smem:$0x3FDB];
	s0 =	simm.s32 @p2 $0x1  }
0x17: {  	s4 =	simm.s32 $0x1BF5;
	[smem:$0x3FB9] =	sst s0  }
0x18: {  	s0 =	sld [smem:$0x3F9C];
	_ =	swait.ge [sflag:s4], $0x0  }
0x19: {  	s7 =	sld [smem:$0x3F9D]  }
0x1a: {  	s8 =	sadd.s32 $0xFFFFE003, lr  }
0x1b: {  	s9 =	sadd.s32 $0xFFFFFEF7, lr;
	s5 =	simm.s32 $0xFFFFFFFF;
	p2 =	slt.u32 s8, $0xFFFFF086  }
0x1c: {  	p1 =	slt.u32 s9, $0xF7A;
	s5 =	simm.s32 @!p2 $0x0  }
0x1d: {  	s5 =	simm.s32 @p1 $0x1;
	p0 =	seq.s32 s7, s2  }
0x1e: {  	s7 =	smul.u32 @!p0 $0xF7A, s2;
	p2 =	seq.s32 @!p0 s5, $0x0  }
0x1f: {  	s9 =	smul.u32 $0xF7A, s1;
	s8 =	simm.s32 @!p0 $0x1BF5;
	p2 =	por !p2, p0  }
0x20: {  	[sflag:s8] =	ssyncset.s32 @!p0 $0xFFFFF086;
	s6 =	sadd.s32 @!p0 s3, s7;
	s7 =	simm.s32 @!p0 $0x108  }
0x21: {  	s3 =	sadd.s32 s3, s9;
	s6 =	sadd.s32 @!p0 $0x88, s6;
	s7 =	simm.s32 @p2 $0x1082  }
0x22: {  	[simem:s7], [sflag:s8] =	dma.local @!p0 [hbm:s6], $0xF7A  }
0x23: {  	s9 =	sor.u32 $0xD0000000, s2;
	s6 =	simm.s32 $0x108;
	_ =	swait.ge @!p0 [sflag:s8], $0x0  }
0x24: {  	s3 =	sadd.s32 $0x88, s3;
	s6 =	simm.s32 @!p1 $0x1082;
	[sflag:s4] =	ssyncset.s32 $0xFFFFF086  }
0x25: {  	[simem:s6], [sflag:s4] =	dma.local [hbm:s3], $0xF7A  }
0x26: {  	[smem:$0x3F9D] =	sst s1;
	(tag) =	ssettag s2;
	_ =	strace s9  }
0x27: {  	s1 =	sld [smem:$0x3FAD]  }
0x28: {  	s2 =	sld [smem:$0x3FAE]  }
0x29: {  	s4 =	sld [smem:$0x3FB0]  }
0x2a: {  	p0 =	seq.s32 s5, $0x0;
	s5 =	sld [smem:$0x3FB1]  }
0x2b: {  	s6 =	sld [smem:$0x3FB2]  }
0x2c: {  	s7 =	sld [smem:$0x3FB3]  }
0x2d: {  	s3 =	simm.s32 $0x108;
	s8 =	sld [smem:$0x3FB4]  }
0x2e: {  	s3 =	simm.s32 @!p0 $0x1082;
	s9 =	sld [smem:$0x3FB5]  }
0x2f: {  	lr =	sadd.s32 s0, s3;
	s0 =	sld [smem:$0x3FAC]  }
0x30: {  	s3 =	sld [smem:$0x3FAF]  }
0x31: {  	[smem:$0x3FB8] =	sst s10  }
0x32: {  	s10 =	sld [smem:$0x3FB6];
	_ =	sdelay $0x3  }
0x33: {  	p0 =	seq.s32 s10, $0x1;
	s10 =	sld [smem:$0x3FB8];
	_ =	sdelay $0x3  }
0x34: {  	[smem:$0x3FB8] =	sst s10  }
0x35: {  	s10 =	sld [smem:$0x3FB7];
	_ =	sdelay $0x3  }
0x36: {  	p1 =	seq.s32 s10, $0x1;
	s10 =	sld [smem:$0x3FB8];
	_ =	sdelay $0x3  }
0x37: {  	[smem:$0x3FB8] =	sst s10  }
0x38: {  	s10 =	sld [smem:$0x3FB9]  }
0x39: {  	_ = 	snop;
	(pc) =	sbr.ind lr, $3  }
0x3a: {  	_ = 	snop  }
0x3b: {  	_ = 	snop  }
0x3c: {  	p2 =	seq.s32 s10, $0x1;
	s10 =	sld [smem:$0x3FB8]  }
0x3d: {  	_ =	shalt  }
0x3e: {  	_ =	shalt  }
0x3f: {  	_ =	shalt  }
0x40: {  	_ =	shalt  }
0x41: {  	_ =	shalt  }
0x42: {  	_ =	shalt  }
0x43: {  	_ =	shalt  }
0x44: {  	_ =	shalt  }
0x45: {  	_ =	shalt  }
0x46: {  	_ =	shalt  }
0x47: {  	_ =	shalt  }
0x48: {  	_ =	shalt  }
0x49: {  	_ =	shalt  }
0x4a: {  	_ =	shalt  }
0x4b: {  	_ =	shalt  }
0x4c: {  	_ =	shalt  }
0x4d: {  	_ =	shalt  }
0x4e: {  	_ =	shalt  }
0x4f: {  	_ =	shalt  }
0x50: {  	_ =	shalt  }
0x51: {  	_ =	shalt  }
0x52: {  	_ =	shalt  }
0x53: {  	_ =	shalt  }
0x54: {  	_ =	shalt  }
0x55: {  	_ =	shalt  }
0x56: {  	_ =	shalt  }
0x57: {  	_ =	shalt  }
0x58: {  	_ =	shalt  }
0x59: {  	_ =	shalt  }
0x5a: {  	_ =	shalt  }
0x5b: {  	_ =	shalt  }
0x5c: {  	_ =	shalt  }
0x5d: {  	_ =	shalt  }
0x5e: {  	_ =	shalt  }
0x5f: {  	_ =	shalt  }
0x60: {  	_ =	shalt  }
0x61: {  	_ =	shalt  }
0x62: {  	_ =	shalt  }
0x63: {  	_ =	shalt  }
0x64: {  	_ =	shalt  }
0x65: {  	_ =	shalt  }
0x66: {  	_ =	shalt  }
0x67: {  	_ =	shalt  }
0x68: {  	_ =	shalt  }
0x69: {  	_ =	shalt  }
0x6a: {  	_ =	shalt  }
0x6b: {  	_ =	shalt  }
0x6c: {  	_ =	shalt  }
0x6d: {  	_ =	shalt  }
0x6e: {  	_ =	shalt  }
0x6f: {  	_ =	shalt  }
0x70: {  	_ =	shalt  }
0x71: {  	_ =	shalt  }
0x72: {  	_ =	shalt  }
0x73: {  	_ =	shalt  }
0x74: {  	_ =	shalt  }
0x75: {  	_ =	shalt  }
0x76: {  	_ =	shalt  }
0x77: {  	_ =	shalt  }
0x78: {  	_ =	shalt  }
0x79: {  	_ =	shalt  }
0x7a: {  	_ =	shalt  }
0x7b: {  	_ =	shalt  }
0x7c: {  	_ =	shalt  }
0x7d: {  	_ =	shalt  }
0x7e: {  	_ =	shalt  }
0x7f: {  	_ =	shalt  }
0x80: {  	_ =	shalt  }
0x81: {  	_ =	shalt  }
0x82: {  	_ =	shalt  }
0x83: {  	_ =	shalt  }
0x84: {  	_ =	shalt  }
0x85: {  	_ =	shalt  }
0x86: {  	_ =	shalt  }
0x87: {  	_ =	shalt  }
.Lfunc_end0:
.L_simem_size_0:
called_computation_lowered:
.L_overlay_start_0:
0x88: {  	s2 =	sld [smem:$0x3FD9]  }
0x89: {  	s3 =	sld [smem:$0x3FFE];
	_ =	sdelay $0x1  }
0x8a: {  	s1 =	srdreg.scid  }
0x8b: {  	s0 =	sand.u32 $0x1, s1  }
0x8c: {  	s17 =	sshll.u32 s0, $0xA;
	s2 =	sadd.s32 s3, s2  }
0x8d: {  	s2 =	sadd.s32 s2, s17  }
0x8e: {  	[smem:$0x3FC4] =	sst s2  }
0x8f: {  	_ = 	snop  }
0x90: {  	s2 =	sld [smem:$0x3FD0];
	(tm) =	ssettm $0x1  }
0x91: {  	s18 =	sld [smem:$0x3FFB];
	_ =	sdelay $0x3  }
0x92: {  	_ =	strace s18  }
0x93: {  	s3 =	sld [smem:$0x3FFC];
	_ =	sdelay $0x3  }
0x94: {  	_ =	strace s3  }
0x95: {  	s3 =	sld [smem:$0x3FFD];
	_ =	sdelay $0x3  }
0x96: {  	_ =	strace s3  }
0x97: {  	_ =	strace $0x8FFFFFFF  }
0x98: {  	s19 =	sld [smem:$0x3FDB];
	_ =	sdelay $0x1  }
0x99: {  	s4 =	simm.s32 $_scs_section_size  }
0x9a: {  	s5 =	simm.s32 $_size__tile_overlayer_lowered;
	s6 =	simm.s32 $_tile_overlayer_lowered  }
0x9b: {  	s22 =	simm.s32 $0x1BFF;
	s21 =	sshll.u32 s6, $0x1;
	s3 =	sadd.s32 s4, s19  }
0x9c: {  	s7 =	simm.s32 $0x0;
	s20 =	sshll.u32 s5, $0x1;
	s5 =	sadd.s32 s21, s3  }
0x9d: {  	[timem:s7], [sflag:s22] =	dma.local [hbm:s5], s20  }
0x9e: {  	_ =	swait.ge [sflag:s22], s20  }
0x9f: {  	s4 =	ssub.s32 $0x0, s20;
	[sflag:s22] =	ssyncset.done $0x0  }
0xa0: {  	[sflag:s22] =	ssyncadd.s32 s4;
	_ =	sdelay $0x1  }
0xa1: {  	s23 =	simm.s32 $0x1B8B  }
0xa2: {  	_ =	swait.ge [sflag:s23], $0x1  }
0xa3: {  	[sflag:s23] =	ssyncset.done $0x0  }
0xa4: {  	s25 =	simm.s32 $0x1B8E;
	s24 =	sld [smem:$0x3FFE];
	[sflag:s23] =	ssyncadd.s32 $0xFFFFFFFF  }
0xa5: {  	s26 =	simm.s32 $execute0_lowered;
	[smem:$0x3FD2] =	sst s25  }
0xa6: {  	s5 =	sshll.u32 s26, $0x1;
	_ =	strace $0x80000046;
	[dreg:$0x1] =	wrdreg $0xFFFFFFFF  }
0xa7: {  	s28 =	simm.s32 $_size_execute0_lowered;
	s3 =	sadd.s32 s3, s5;
	[dreg:$0x0] =	wrdreg $0x0  }
0xa8: {  	s5 =	sshll.u32 s28, $0x1;
	[dreg:$0x2] =	wrdreg s3  }
0xa9: {  	[dreg:$0x3] =	wrdreg s5  }
0xaa: {  	[dreg:$0x4] =	wrdreg $0xC0  }
0xab: {  	_ =	task [dreg:s7], $0x5FFFF  }
0xac: {  	[dreg:$0x1] =	wrdreg $0xFFFFFFFF  }
0xad: {  	[dreg:$0x0] =	wrdreg $0x60  }
0xae: {  	[dreg:$0x2] =	wrdreg s24  }
0xaf: {  	[dreg:$0x3] =	wrdreg s2  }
0xb0: {  	[dreg:$0x4] =	wrdreg $0x2B000  }
0xb1: {  	[dreg:$0x5] =	wrdreg $0x9  }
0xb2: {  	_ =	task.clear_ibuf [dreg:s7], $0x6FFFF;
	_ =	strace $0x90000046  }
0xb3: {  	s29 =	simm.s32 $0x9;
	_ =	strace $0x80000048  }
0xb4: {  	_ =	swait.ge [sflag:s29], $0x1  }
0xb5: {  	[sflag:s29] =	ssyncadd.s32 $0xFFFFFFFF  }
0xb6: {  	_ =	strace $0x90000048  }
0xb7: {  	_ =	sfence  }
0xb8: {  	s30 =	sld [smem:$0x0];
	_ =	sdelay $0x2  }
0xb9: {  	s31 =	sshll.u32 s1, $0xD;
	s1 =	sshrl.u32 s1, $0x2  }
0xba: {  	s3 =	sand.u32 $0x4000, s31;
	s1 =	sadd.s32 s1, s30  }
0xbb: {  	s0 =	sor.u32 s3, s0;
	s1 =	sshll.u32 s1, $0x11  }
0xbc: {  	s0 =	sor.u32 s1, s0  }
0xbd: {  	s0 =	sadd.s32 $0x8F2B, s0  }
0xbe: {  	[sflag:s0] =	ssyncadd.remote.s32 $0x1  }
0xbf: {  	_ =	sfence.sel $0xFFFF  }
0xc0: {  	[dreg:$0x0] =	wrdreg $0xFFFFFFFF;
	(pc) =	sbr.abs _section_cstart, $3  }
0xc1: {  	[dreg:$0x1] =	wrdreg $0xFFFFFFFF  }
0xc2: {  	_ =	task.clear_ibuf [dreg:s7], $0x2FFFF;
	_ =	strace $0x9FFFFFFF  }
0xc3: {  	(tm) =	ssettm $0x7FFFFFFF  }
tec
execute0_lowered:
.L_overlay_start_1:
0x0: {  	(tag) =	ssettag $0x1  }
0x1: {  	s5 =	rddreg [dreg:$0x0]  }
0x2: {  	s6 =	rddreg [dreg:$0x1]  }
0x3: {  	s0 =	srdreg.scid;
	s2 =	rddreg [dreg:$0x2]  }
0x4: {  	s1 =	stileid.u32;
	s12 =	simm.s32 $0x2800;
	s13 =	simm.s32 $0x2  }
0x5: {  	s16 =	simm.s32 $0x20;
	s17 =	simm.s32 $0x10;
	s18 =	simm.s32 $0x0  }
0x6: {  	s4 =	sand.u32 $0x1, s0;
	s0 =	rddreg [dreg:$0x3];
	s7 =	smul.u32 $0xA00, s1  }
0x7: {  	s11 =	smul.u32 $0x500, s1;
	s14 =	sshll.u32 s1, $0x6;
	s3 =	sshll.u32 s4, $0x4  }
0x8: {  	s9 =	ssub.s32 $0x2, s4;
	s4 =	sshll.u32 s4, $0x7;
	s14 =	sor.u32 $0x1C03, s14  }
0x9: {  	s8 =	sor.u32 s1, s3;
	s3 =	simm.s32 $0x0;
	s10 =	sshrl.u32 s9, $0x1  }
0xa: {  	s7 =	sshrl.u32 s7, $0x2;
	s30 =	sor.u32 s4, s11;
	s11 =	simm.s32 $0x7D  }
0xb: {  	s8 =	smul.u32 $0x2800, s8;
	[smem:$0x7FF] =	sst s3;
	s9 =	ssub.s32 s9, s10  }
0xc: {  	s4 =	sadd.s32 s7, s2;
	s31 =	sshrl.u32 s30, $0x3;
	s10 =	simm.s32 $0x1  }
0xd: {  	_ =	strace $0x80000047;
	s6 =	sadd.s32 s6, s31;
	s8 =	sshrl.u32 s8, $0x3  }
0xe: {  	s7 =	smax.u32 s9, $0x1;
	s9 =	simm.s32 $0x3;
	s5 =	sadd.s32 s5, s8  }
0xf: {  	v0 =	vimm.f32 $1.000000000e+00;
	v1 =	vimm.f32 $0.0e+00;
	s15 =	sshrl.u32 s4, $0x3;
	s8 =	simm.s32 $0x2880;
	s5 =	sadd.s32 $0xBE00, s5  }
.LBB2_1:
0x10: {  	[tilespmem:$0x2800] =	vst v0  }
0x11: {  	[tilespmem:$0x2810] =	vst v0  }
0x12: {  	[tilespmem:$0x2820] =	vst v0  }
0x13: {  	[tilespmem:$0x2830] =	vst v0  }
0x14: {  	[tilespmem:$0x2840] =	vst v0  }
0x15: {  	[tilespmem:$0x2850] =	vst v0  }
0x16: {  	[tilespmem:$0x2860] =	vst v0  }
0x17: {  	[tilespmem:$0x2870] =	vst v0  }
0x18: {  	[tilespmem:$0x2880] =	vst v1  }
0x19: {  	[tilespmem:$0x2890] =	vst v1  }
0x1a: {  	[tilespmem:$0x28A0] =	vst v1  }
0x1b: {  	[tilespmem:$0x28B0] =	vst v1  }
0x1c: {  	[tilespmem:$0x28C0] =	vst v1  }
0x1d: {  	[tilespmem:$0x28D0] =	vst v1  }
0x1e: {  	[tilespmem:$0x28E0] =	vst v1  }
0x1f: {  	[tilespmem:$0x28F0] =	vst v1  }
0x20: {  	[tilespmem:$0x2900] =	vst v1  }
0x21: {  	[tilespmem:$0x2910] =	vst v1  }
0x22: {  	[tilespmem:$0x2920] =	vst v1  }
0x23: {  	[tilespmem:$0x2930] =	vst v1  }
0x24: {  	[tilespmem:$0x2940] =	vst v1  }
0x25: {  	[tilespmem:$0x2950] =	vst v1  }
0x26: {  	[tilespmem:$0x2960] =	vst v1  }
0x27: {  	[tilespmem:$0x2970] =	vst v1  }
0x28: {  	[tilespmem:$0x2980] =	vst v1  }
0x29: {  	[tilespmem:$0x2990] =	vst v1  }
0x2a: {  	[tilespmem:$0x29A0] =	vst v1  }
0x2b: {  	[tilespmem:$0x29B0] =	vst v1  }
0x2c: {  	[tilespmem:$0x29C0] =	vst v1  }
0x2d: {  	[tilespmem:$0x29D0] =	vst v1  }
0x2e: {  	[tilespmem:$0x29E0] =	vst v1  }
0x2f: {  	[tilespmem:$0x29F0] =	vst v1  }
0x30: {  	[tilespmem:$0x2A00] =	vst v1  }
0x31: {  	[tilespmem:$0x2A10] =	vst v1  }
0x32: {  	[tilespmem:$0x2A20] =	vst v1  }
0x33: {  	[tilespmem:$0x2A30] =	vst v1  }
0x34: {  	[tilespmem:$0x2A40] =	vst v1  }
0x35: {  	[tilespmem:$0x2A50] =	vst v1  }
0x36: {  	[tilespmem:$0x2A60] =	vst v1  }
0x37: {  	[tilespmem:$0x2A70] =	vst v1  }
0x38: {  	[tilespmem:$0x2A80] =	vst v1  }
0x39: {  	[tilespmem:$0x2A90] =	vst v1  }
0x3a: {  	[tilespmem:$0x2AA0] =	vst v1  }
0x3b: {  	[tilespmem:$0x2AB0] =	vst v1  }
0x3c: {  	[tilespmem:$0x2AC0] =	vst v1  }
0x3d: {  	[tilespmem:$0x2AD0] =	vst v1  }
0x3e: {  	[tilespmem:$0x2AE0] =	vst v1  }
0x3f: {  	[tilespmem:$0x2AF0] =	vst v1  }
0x40: {  	[spmem:s4] =	stream.linear.scatter [tilespmem:s8], [sflag:$0x3], $0x280, $0x38;
	[tilespmem:$0x2D80] =	vst v63  }
0x41: {  	_ =	swait.ge [sflag:s9], $0x280  }
0x42: {  	[sflag:s9] =	ssyncset.done $0x0  }
0x43: {  	[sflag:s9] =	ssyncadd.s32 $0xFFFFFD80  }
0x44: {  	[tilespmem:s3], [sflag:$0x1] =	stream.linear.gather [hbm4b:s5+s3], $0x2800, $0x38;
	[tilespmem:$0x2D80] =	vst v63  }
0x45: {  	_ =	swait.ge [sflag:s10], $0x2800  }
0x46: {  	[sflag:s10] =	ssyncset.done $0x0  }
0x47: {  	[sflag:s10] =	ssyncadd.s32 $0xFFFFD800  }
0x48: {  	s19 =	simm.s32 $0x0;
	[bflag:$0x0] =	sbarrier.arrive $0xFFFF  }
0x49: {  	[spmem:s2] =	stream.indirect.scatter.add.f32 [tilespmem:s12], [sflag:$0x1], $0x1, s19, s11, $0xb8;
	[tilespmem:$0x2D80] =	vst v63  }
0x4a: {  	s24 =	simm.s32 $0x80  }
0x4b: {  	[spmem:s2] =	stream.indirect.scatter.add.f32 [tilespmem:s12], [sflag:$0x2], $0x1, s24, s11, $0xb8;
	[tilespmem:$0x2D80] =	vst v63  }
0x4c: {  	s25 =	simm.s32 $0x100  }
0x4d: {  	[spmem:s2] =	stream.indirect.scatter.add.f32 [tilespmem:s12], [sflag:$0x1], $0x1, s25, s11, $0xb8;
	[tilespmem:$0x2D80] =	vst v63  }
0x4e: {  	_ =	swait.ge [sflag:s10], $0x7D  }
0x4f: {  	[sflag:s10] =	ssyncset.done $0x0  }
0x50: {  	s26 =	simm.s32 $0x180;
	[sflag:s10] =	ssyncadd.s32 $0xFFFFFF83  }
0x51: {  	[spmem:s2] =	stream.indirect.scatter.add.f32 [tilespmem:s12], [sflag:$0x2], $0x1, s26, s11, $0xb8;
	[tilespmem:$0x2D80] =	vst v63  }
0x52: {  	_ =	swait.ge [sflag:s13], $0x7D  }
0x53: {  	[sflag:s13] =	ssyncset.done $0x0  }
0x54: {  	s28 =	simm.s32 $0x200;
	[sflag:s13] =	ssyncadd.s32 $0xFFFFFF83  }
0x55: {  	[spmem:s2] =	stream.indirect.scatter.add.f32 [tilespmem:s12], [sflag:$0x1], $0x1, s28, s11, $0xb8;
	[tilespmem:$0x2D80] =	vst v63  }
0x56: {  	_ =	swait.ge [sflag:s10], $0x7D  }
0x57: {  	[sflag:s10] =	ssyncset.done $0x0  }
0x58: {  	s29 =	simm.s32 $0x280;
	[sflag:s10] =	ssyncadd.s32 $0xFFFFFF83  }
0x59: {  	[spmem:s2] =	stream.indirect.scatter.add.f32 [tilespmem:s12], [sflag:$0x2], $0x1, s29, s11, $0xb8;
	[tilespmem:$0x2D80] =	vst v63  }
0x5a: {  	_ =	swait.ge [sflag:s13], $0x7D  }
0x5b: {  	[sflag:s13] =	ssyncset.done $0x0  }
0x5c: {  	s30 =	simm.s32 $0x300;
	[sflag:s13] =	ssyncadd.s32 $0xFFFFFF83  }
0x5d: {  	[spmem:s2] =	stream.indirect.scatter.add.f32 [tilespmem:s12], [sflag:$0x1], $0x1, s30, s11, $0xb8;
	[tilespmem:$0x2D80] =	vst v63  }
0x5e: {  	_ =	swait.ge [sflag:s10], $0x7D  }
0x5f: {  	[sflag:s10] =	ssyncset.done $0x0  }
0x60: {  	s31 =	simm.s32 $0x380;
	[sflag:s10] =	ssyncadd.s32 $0xFFFFFF83  }
0x61: {  	[spmem:s2] =	stream.indirect.scatter.add.f32 [tilespmem:s12], [sflag:$0x2], $0x1, s31, s11, $0xb8;
	[tilespmem:$0x2D80] =	vst v63  }
0x62: {  	_ =	swait.ge [sflag:s13], $0x7D  }
0x63: {  	[sflag:s13] =	ssyncset.done $0x0  }
0x64: {  	[sflag:s13] =	ssyncadd.s32 $0xFFFFFF83  }
0x65: {  	_ =	swait.ge [sflag:s10], $0x7D  }
0x66: {  	[sflag:s10] =	ssyncset.done $0x0  }
0x67: {  	[sflag:s10] =	ssyncadd.s32 $0xFFFFFF83  }
0x68: {  	_ =	swait.ge [sflag:s13], $0x7D  }
0x69: {  	s21 =	simm.s32 $0x2000;
	s19 =	simm.s32 $0x1000;
	[sflag:s13] =	ssyncset.done $0x0  }
.LBB2_2:
0x6a: {  	s22 =	sshra.s32 s19, $0x2  }
0x6b: {  	[sflag:s13] =	ssyncadd.s32 $0xFFFFFF83;
	s19 =	smov.u32 s21;
	s20 =	sadd.s32 $0x1000, s21  }
0x6c: {  	[spmem:s2] =	stream.indirect.scatter.add.f32 [tilespmem:s12], [sflag:$0x1], $0x1, s22, s11, $0xb8;
	[tilespmem:$0x2D80] =	vst v63  }
0x6d: {  	p0 =	sne.s32 s21, $0x9000;
	s21 =	sadd.s32 $0x80, s22  }
0x6e: {  	[spmem:s2] =	stream.indirect.scatter.add.f32 [tilespmem:s12], [sflag:$0x2], $0x1, s21, s11, $0xb8;
	[tilespmem:$0x2D80] =	vst v63  }
0x6f: {  	s21 =	sadd.s32 $0x100, s22  }
0x70: {  	[spmem:s2] =	stream.indirect.scatter.add.f32 [tilespmem:s12], [sflag:$0x1], $0x1, s21, s11, $0xb8;
	[tilespmem:$0x2D80] =	vst v63  }
0x71: {  	_ =	swait.ge [sflag:s10], $0x7D  }
0x72: {  	[sflag:s10] =	ssyncset.done $0x0  }
0x73: {  	s21 =	sadd.s32 $0x180, s22;
	[sflag:s10] =	ssyncadd.s32 $0xFFFFFF83  }
0x74: {  	[spmem:s2] =	stream.indirect.scatter.add.f32 [tilespmem:s12], [sflag:$0x2], $0x1, s21, s11, $0xb8;
	[tilespmem:$0x2D80] =	vst v63  }
0x75: {  	_ =	swait.ge [sflag:s13], $0x7D  }
0x76: {  	[sflag:s13] =	ssyncset.done $0x0  }
0x77: {  	s21 =	sadd.s32 $0x200, s22;
	[sflag:s13] =	ssyncadd.s32 $0xFFFFFF83  }
0x78: {  	[spmem:s2] =	stream.indirect.scatter.add.f32 [tilespmem:s12], [sflag:$0x1], $0x1, s21, s11, $0xb8;
	[tilespmem:$0x2D80] =	vst v63  }
0x79: {  	_ =	swait.ge [sflag:s10], $0x7D  }
0x7a: {  	[sflag:s10] =	ssyncset.done $0x0  }
0x7b: {  	s21 =	sadd.s32 $0x280, s22;
	[sflag:s10] =	ssyncadd.s32 $0xFFFFFF83  }
0x7c: {  	[spmem:s2] =	stream.indirect.scatter.add.f32 [tilespmem:s12], [sflag:$0x2], $0x1, s21, s11, $0xb8;
	[tilespmem:$0x2D80] =	vst v63  }
0x7d: {  	_ =	swait.ge [sflag:s13], $0x7D  }
0x7e: {  	[sflag:s13] =	ssyncset.done $0x0  }
0x7f: {  	s21 =	sadd.s32 $0x300, s22;
	[sflag:s13] =	ssyncadd.s32 $0xFFFFFF83  }
0x80: {  	[spmem:s2] =	stream.indirect.scatter.add.f32 [tilespmem:s12], [sflag:$0x1], $0x1, s21, s11, $0xb8;
	[tilespmem:$0x2D80] =	vst v63  }
0x81: {  	_ =	swait.ge [sflag:s10], $0x7D  }
0x82: {  	[sflag:s10] =	ssyncset.done $0x0  }
0x83: {  	s21 =	sadd.s32 $0x380, s22;
	[sflag:s10] =	ssyncadd.s32 $0xFFFFFF83  }
0x84: {  	[spmem:s2] =	stream.indirect.scatter.add.f32 [tilespmem:s12], [sflag:$0x2], $0x1, s21, s11, $0xb8;
	[tilespmem:$0x2D80] =	vst v63  }
0x85: {  	_ =	swait.ge [sflag:s13], $0x7D  }
0x86: {  	[sflag:s13] =	ssyncset.done $0x0  }
0x87: {  	[sflag:s13] =	ssyncadd.s32 $0xFFFFFF83  }
.Ltmp0:
0x88: {  	_ =	swait.ge [sflag:s10], $0x7D;
	(pc) =	sbr.rel @p0 .LBB2_2-.Ltmp0, $4  }
0x89: {  	[sflag:s10] =	ssyncset.done $0x0  }
0x8a: {  	[sflag:s10] =	ssyncadd.s32 $0xFFFFFF83  }
0x8b: {  	_ =	swait.ge [sflag:s13], $0x7D  }
0x8c: {  	s21 =	smov.u32 s20;
	[sflag:s13] =	ssyncset.done $0x0  }
0x8d: {  	s19 =	sshra.s32 s19, $0x2;
	[sflag:s13] =	ssyncadd.s32 $0xFFFFFF83  }
0x8e: {  	[spmem:s2] =	stream.indirect.scatter.add.f32 [tilespmem:s12], [sflag:$0x1], $0x1, s19, s11, $0xb8;
	[tilespmem:$0x2D80] =	vst v63  }
0x8f: {  	s20 =	sadd.s32 $0x80, s19  }
0x90: {  	[spmem:s2] =	stream.indirect.scatter.add.f32 [tilespmem:s12], [sflag:$0x2], $0x1, s20, s11, $0xb8;
	[tilespmem:$0x2D80] =	vst v63  }
0x91: {  	s26 =	sadd.s32 $0x100, s19  }
0x92: {  	[spmem:s2] =	stream.indirect.scatter.add.f32 [tilespmem:s12], [sflag:$0x1], $0x1, s26, s11, $0xb8;
	[tilespmem:$0x2D80] =	vst v63  }
0x93: {  	_ =	swait.ge [sflag:s10], $0x7D  }
0x94: {  	[sflag:s10] =	ssyncset.done $0x0  }
0x95: {  	s28 =	sadd.s32 $0x180, s19;
	[sflag:s10] =	ssyncadd.s32 $0xFFFFFF83  }
0x96: {  	[spmem:s2] =	stream.indirect.scatter.add.f32 [tilespmem:s12], [sflag:$0x2], $0x1, s28, s11, $0xb8;
	[tilespmem:$0x2D80] =	vst v63  }
0x97: {  	_ =	swait.ge [sflag:s13], $0x7D  }
0x98: {  	[sflag:s13] =	ssyncset.done $0x0  }
0x99: {  	s29 =	sadd.s32 $0x200, s19;
	[sflag:s13] =	ssyncadd.s32 $0xFFFFFF83  }
0x9a: {  	[spmem:s2] =	stream.indirect.scatter.add.f32 [tilespmem:s12], [sflag:$0x1], $0x1, s29, s11, $0xb8;
	[tilespmem:$0x2D80] =	vst v63  }
0x9b: {  	_ =	swait.ge [sflag:s10], $0x7D  }
0x9c: {  	[sflag:s10] =	ssyncset.done $0x0  }
0x9d: {  	s30 =	sadd.s32 $0x280, s19;
	[sflag:s10] =	ssyncadd.s32 $0xFFFFFF83  }
0x9e: {  	[spmem:s2] =	stream.indirect.scatter.add.f32 [tilespmem:s12], [sflag:$0x2], $0x1, s30, s11, $0xb8;
	[tilespmem:$0x2D80] =	vst v63  }
0x9f: {  	_ =	swait.ge [sflag:s13], $0x7D  }
0xa0: {  	[sflag:s13] =	ssyncset.done $0x0  }
0xa1: {  	s31 =	sadd.s32 $0x300, s19;
	[sflag:s13] =	ssyncadd.s32 $0xFFFFFF83  }
0xa2: {  	[spmem:s2] =	stream.indirect.scatter.add.f32 [tilespmem:s12], [sflag:$0x1], $0x1, s31, s11, $0xb8;
	[tilespmem:$0x2D80] =	vst v63  }
0xa3: {  	_ =	swait.ge [sflag:s10], $0x7D  }
0xa4: {  	[sflag:s10] =	ssyncset.done $0x0  }
0xa5: {  	s19 =	sadd.s32 $0x380, s19;
	[sflag:s10] =	ssyncadd.s32 $0xFFFFFF83  }
0xa6: {  	[spmem:s2] =	stream.indirect.scatter.add.f32 [tilespmem:s12], [sflag:$0x2], $0x1, s19, s11, $0xb8;
	[tilespmem:$0x2D80] =	vst v63  }
0xa7: {  	_ =	swait.ge [sflag:s13], $0x7D  }
0xa8: {  	[sflag:s13] =	ssyncset.done $0x0  }
0xa9: {  	[sflag:s13] =	ssyncadd.s32 $0xFFFFFF83  }
0xaa: {  	_ =	swait.ge [sflag:s10], $0x7D  }
0xab: {  	[sflag:s10] =	ssyncset.done $0x0  }
0xac: {  	[sflag:s10] =	ssyncadd.s32 $0xFFFFFF83  }
0xad: {  	_ =	swait.ge [sflag:s13], $0x7D  }
0xae: {  	s18 =	sadd.s32 $0x1, s18;
	[sflag:s13] =	ssyncset.done $0x0  }
0xaf: {  	p0 =	sne.s32 s18, s7;
	[sflag:s13] =	ssyncadd.s32 $0xFFFFFF83  }
.Ltmp1:
0xb0: {  	[bflag:$0x0] =	sbarrier.arrive $0xFFFF;
	(pc) =	sbr.rel @p0 .LBB2_1-.Ltmp1, $4  }
0xb1: {  	[hbm:s6@s16], [sflag:s14] =	dma.strided [spmem:s15@s17], $0x50, s10, $0x10   }
0xb2: {  	_ =	swait.ge [sflag:s9], $0x50  }
0xb3: {  	[sflag:s9] =	ssyncset.done $0x0  }
0xb4: {  	[sflag:s9] =	ssyncadd.s32 $0xFFFFFFB0  }
0xb5: {  	_ =	sfence.sel $0x180000  }
0xb6: {  	[bflag:$0x0] =	sbarrier.arrive $0xFFFF  }
0xb7: {  	p0 =	sne.s32 s1, $0x0;
	_ =	strace $0x90000047  }
0xb8: {  	s0 =	sadd.s32 @!p0 $0x100000, s0;
	[bflag:$0x2] =	sbarrier.arrive $0xFFFF  }
0xb9: {  	[sflag:s0] =	ssyncadd.tile.s32 @!p0 $0x1;
	_ =	shalt  }
.Lfunc_end2:
_tile_overlayer_lowered:
.L_overlay_start_2:
0xba: {  	(tag) =	ssettag $0x2  }
0xbb: {  	s0 =	rddreg [dreg:$0x0];
	s2 =	stileid.u32  }
0xbc: {  	s1 =	rddreg [dreg:$0x1];
	p0 =	sne.s32 s2, $0x0  }
0xbd: {  	s3 =	rddreg [dreg:$0x2];
	[bflag:$0x3] =	sbarrier.arrive $0xFFFF;
	s2 =	simm.s32 @!p0 $0x1C03  }
0xbe: {  	[timem:s3], [sflag:s2] =	dma.local @!p0 [hbm:s0], s1  }
0xbf: {  	s0 =	simm.s32 @!p0 $0x3  }
0xc0: {  	_ =	swait.ge @!p0 [sflag:s0], s1  }
0xc1: {  	s1 =	ssub.s32 @!p0 $0x0, s1;
	[sflag:s0] =	ssyncset.done @!p0 $0x0  }
0xc2: {  	[sflag:s0] =	ssyncadd.s32 @!p0 s1  }
0xc3: {  	[bflag:$0x3] =	sbarrier.arrive $0xFFFF  }
0xc4: {  	_ =	shalt  }

// kernel: kernel.9.cloned.1.call-start
scs
__scs_entry_jumppad:
0x0: {  	(pc) =	sbr.rel $0x88, $3  }
0x1: {  	(tag) =	ssettag $0x0;
	lr =	simm.s32 $0x1  }
0x2: {  	[smem:$0x3F9D] =	sst lr;
	_ =	strace $0xD0000000  }
0x3: {  	_ = 	snop  }
0x4: {  	_ = 	snop  }
0x5: {  	_ = 	snop  }
0x6: {  	_ = 	snop  }
0x7: {  	_ = 	snop  }
__scs_overlays_trampoline_lowered:
0x8: {  	[smem:$0x3FAC] =	sst s0  }
0x9: {  	[smem:$0x3FAD] =	sst s1  }
0xa: {  	[smem:$0x3FAE] =	sst s2  }
0xb: {  	[smem:$0x3FAF] =	sst s3  }
0xc: {  	[smem:$0x3FB0] =	sst s4  }
0xd: {  	[smem:$0x3FB1] =	sst s5  }
0xe: {  	[smem:$0x3FB2] =	sst s6  }
0xf: {  	[smem:$0x3FB3] =	sst s7  }
0x10: {  	[smem:$0x3FB4] =	sst s8  }
0x11: {  	[smem:$0x3FB5] =	sst s9;
	s0 =	simm.s32 @!p0 $0x0  }
0x12: {  	s1 =	sld [smem:$0x3F9B];
	s0 =	simm.s32 @p0 $0x1  }
0x13: {  	[smem:$0x3FB6] =	sst s0;
	s0 =	simm.s32 @!p1 $0x0  }
0x14: {  	s2 =	sld [smem:$0x3F9A];
	s0 =	simm.s32 @p1 $0x1  }
0x15: {  	[smem:$0x3FB7] =	sst s0;
	s0 =	simm.s32 @!p2 $0x0  }
0x16: {  	s3 =	sld [smem:$0x3FDB];
	s0 =	simm.s32 @p2 $0x1  }
0x17: {  	s4 =	simm.s32 $0x1BF5;
	[smem:$0x3FB9] =	sst s0  }
0x18: {  	s0 =	sld [smem:$0x3F9C];
	_ =	swait.ge [sflag:s4], $0x0  }
0x19: {  	s7 =	sld [smem:$0x3F9D]  }
0x1a: {  	s8 =	sadd.s32 $0xFFFFE003, lr  }
0x1b: {  	s9 =	sadd.s32 $0xFFFFFEF7, lr;
	s5 =	simm.s32 $0xFFFFFFFF;
	p2 =	slt.u32 s8, $0xFFFFF086  }
0x1c: {  	p1 =	slt.u32 s9, $0xF7A;
	s5 =	simm.s32 @!p2 $0x0  }
0x1d: {  	s5 =	simm.s32 @p1 $0x1;
	p0 =	seq.s32 s7, s2  }
0x1e: {  	s7 =	smul.u32 @!p0 $0xF7A, s2;
	p2 =	seq.s32 @!p0 s5, $0x0  }
0x1f: {  	s9 =	smul.u32 $0xF7A, s1;
	s8 =	simm.s32 @!p0 $0x1BF5;
	p2 =	por !p2, p0  }
0x20: {  	[sflag:s8] =	ssyncset.s32 @!p0 $0xFFFFF086;
	s6 =	sadd.s32 @!p0 s3, s7;
	s7 =	simm.s32 @!p0 $0x108  }
0x21: {  	s3 =	sadd.s32 s3, s9;
	s6 =	sadd.s32 @!p0 $0x88, s6;
	s7 =	simm.s32 @p2 $0x1082  }
0x22: {  	[simem:s7], [sflag:s8] =	dma.local @!p0 [hbm:s6], $0xF7A  }
0x23: {  	s9 =	sor.u32 $0xD0000000, s2;
	s6 =	simm.s32 $0x108;
	_ =	swait.ge @!p0 [sflag:s8], $0x0  }
0x24: {  	s3 =	sadd.s32 $0x88, s3;
	s6 =	simm.s32 @!p1 $0x1082;
	[sflag:s4] =	ssyncset.s32 $0xFFFFF086  }
0x25: {  	[simem:s6], [sflag:s4] =	dma.local [hbm:s3], $0xF7A  }
0x26: {  	[smem:$0x3F9D] =	sst s1;
	(tag) =	ssettag s2;
	_ =	strace s9  }
0x27: {  	s1 =	sld [smem:$0x3FAD]  }
0x28: {  	s2 =	sld [smem:$0x3FAE]  }
0x29: {  	s4 =	sld [smem:$0x3FB0]  }
0x2a: {  	p0 =	seq.s32 s5, $0x0;
	s5 =	sld [smem:$0x3FB1]  }
0x2b: {  	s6 =	sld [smem:$0x3FB2]  }
0x2c: {  	s7 =	sld [smem:$0x3FB3]  }
0x2d: {  	s3 =	simm.s32 $0x108;
	s8 =	sld [smem:$0x3FB4]  }
0x2e: {  	s3 =	simm.s32 @!p0 $0x1082;
	s9 =	sld [smem:$0x3FB5]  }
0x2f: {  	lr =	sadd.s32 s0, s3;
	s0 =	sld [smem:$0x3FAC]  }
0x30: {  	s3 =	sld [smem:$0x3FAF]  }
0x31: {  	[smem:$0x3FB8] =	sst s10  }
0x32: {  	s10 =	sld [smem:$0x3FB6];
	_ =	sdelay $0x3  }
0x33: {  	p0 =	seq.s32 s10, $0x1;
	s10 =	sld [smem:$0x3FB8];
	_ =	sdelay $0x3  }
0x34: {  	[smem:$0x3FB8] =	sst s10  }
0x35: {  	s10 =	sld [smem:$0x3FB7];
	_ =	sdelay $0x3  }
0x36: {  	p1 =	seq.s32 s10, $0x1;
	s10 =	sld [smem:$0x3FB8];
	_ =	sdelay $0x3  }
0x37: {  	[smem:$0x3FB8] =	sst s10  }
0x38: {  	s10 =	sld [smem:$0x3FB9]  }
0x39: {  	_ = 	snop;
	(pc) =	sbr.ind lr, $3  }
0x3a: {  	_ = 	snop  }
0x3b: {  	_ = 	snop  }
0x3c: {  	p2 =	seq.s32 s10, $0x1;
	s10 =	sld [smem:$0x3FB8]  }
0x3d: {  	_ =	shalt  }
0x3e: {  	_ =	shalt  }
0x3f: {  	_ =	shalt  }
0x40: {  	_ =	shalt  }
0x41: {  	_ =	shalt  }
0x42: {  	_ =	shalt  }
0x43: {  	_ =	shalt  }
0x44: {  	_ =	shalt  }
0x45: {  	_ =	shalt  }
0x46: {  	_ =	shalt  }
0x47: {  	_ =	shalt  }
0x48: {  	_ =	shalt  }
0x49: {  	_ =	shalt  }
0x4a: {  	_ =	shalt  }
0x4b: {  	_ =	shalt  }
0x4c: {  	_ =	shalt  }
0x4d: {  	_ =	shalt  }
0x4e: {  	_ =	shalt  }
0x4f: {  	_ =	shalt  }
0x50: {  	_ =	shalt  }
0x51: {  	_ =	shalt  }
0x52: {  	_ =	shalt  }
0x53: {  	_ =	shalt  }
0x54: {  	_ =	shalt  }
0x55: {  	_ =	shalt  }
0x56: {  	_ =	shalt  }
0x57: {  	_ =	shalt  }
0x58: {  	_ =	shalt  }
0x59: {  	_ =	shalt  }
0x5a: {  	_ =	shalt  }
0x5b: {  	_ =	shalt  }
0x5c: {  	_ =	shalt  }
0x5d: {  	_ =	shalt  }
0x5e: {  	_ =	shalt  }
0x5f: {  	_ =	shalt  }
0x60: {  	_ =	shalt  }
0x61: {  	_ =	shalt  }
0x62: {  	_ =	shalt  }
0x63: {  	_ =	shalt  }
0x64: {  	_ =	shalt  }
0x65: {  	_ =	shalt  }
0x66: {  	_ =	shalt  }
0x67: {  	_ =	shalt  }
0x68: {  	_ =	shalt  }
0x69: {  	_ =	shalt  }
0x6a: {  	_ =	shalt  }
0x6b: {  	_ =	shalt  }
0x6c: {  	_ =	shalt  }
0x6d: {  	_ =	shalt  }
0x6e: {  	_ =	shalt  }
0x6f: {  	_ =	shalt  }
0x70: {  	_ =	shalt  }
0x71: {  	_ =	shalt  }
0x72: {  	_ =	shalt  }
0x73: {  	_ =	shalt  }
0x74: {  	_ =	shalt  }
0x75: {  	_ =	shalt  }
0x76: {  	_ =	shalt  }
0x77: {  	_ =	shalt  }
0x78: {  	_ =	shalt  }
0x79: {  	_ =	shalt  }
0x7a: {  	_ =	shalt  }
0x7b: {  	_ =	shalt  }
0x7c: {  	_ =	shalt  }
0x7d: {  	_ =	shalt  }
0x7e: {  	_ =	shalt  }
0x7f: {  	_ =	shalt  }
0x80: {  	_ =	shalt  }
0x81: {  	_ =	shalt  }
0x82: {  	_ =	shalt  }
0x83: {  	_ =	shalt  }
0x84: {  	_ =	shalt  }
0x85: {  	_ =	shalt  }
0x86: {  	_ =	shalt  }
0x87: {  	_ =	shalt  }
.Lfunc_end0:
.L_simem_size_0:
called_computation.1_lowered:
.L_overlay_start_0:
0x88: {  	s2 =	sld [smem:$0x3FD9]  }
0x89: {  	s3 =	sld [smem:$0x3FFE];
	_ =	sdelay $0x1  }
0x8a: {  	s1 =	srdreg.scid  }
0x8b: {  	s0 =	sand.u32 $0x1, s1  }
0x8c: {  	s17 =	sshll.u32 s0, $0xA;
	s2 =	sadd.s32 s3, s2  }
0x8d: {  	s2 =	sadd.s32 s2, s17  }
0x8e: {  	[smem:$0x3FC4] =	sst s2  }
0x8f: {  	_ = 	snop  }
0x90: {  	s2 =	sld [smem:$0x3FD0];
	(tm) =	ssettm $0x1  }
0x91: {  	s18 =	sld [smem:$0x3FFB];
	_ =	sdelay $0x3  }
0x92: {  	_ =	strace s18  }
0x93: {  	s3 =	sld [smem:$0x3FFC];
	_ =	sdelay $0x3  }
0x94: {  	_ =	strace s3  }
0x95: {  	s3 =	sld [smem:$0x3FFD];
	_ =	sdelay $0x3  }
0x96: {  	_ =	strace s3  }
0x97: {  	_ =	strace $0x8FFFFFFF  }
0x98: {  	s19 =	sld [smem:$0x3FDB];
	_ =	sdelay $0x1  }
0x99: {  	s4 =	simm.s32 $_scs_section_size  }
0x9a: {  	s5 =	simm.s32 $_size__tile_overlayer_lowered;
	s6 =	simm.s32 $_tile_overlayer_lowered  }
0x9b: {  	s22 =	simm.s32 $0x1BFF;
	s21 =	sshll.u32 s6, $0x1;
	s3 =	sadd.s32 s4, s19  }
0x9c: {  	s7 =	simm.s32 $0x0;
	s20 =	sshll.u32 s5, $0x1;
	s5 =	sadd.s32 s21, s3  }
0x9d: {  	[timem:s7], [sflag:s22] =	dma.local [hbm:s5], s20  }
0x9e: {  	_ =	swait.ge [sflag:s22], s20  }
0x9f: {  	s4 =	ssub.s32 $0x0, s20;
	[sflag:s22] =	ssyncset.done $0x0  }
0xa0: {  	[sflag:s22] =	ssyncadd.s32 s4;
	_ =	sdelay $0x1  }
0xa1: {  	s23 =	simm.s32 $0x1B8B  }
0xa2: {  	_ =	swait.ge [sflag:s23], $0x1  }
0xa3: {  	[sflag:s23] =	ssyncset.done $0x0  }
0xa4: {  	s25 =	simm.s32 $0x1B8E;
	s24 =	sld [smem:$0x3FFE];
	[sflag:s23] =	ssyncadd.s32 $0xFFFFFFFF  }
0xa5: {  	s26 =	simm.s32 $execute0_lowered;
	[smem:$0x3FD2] =	sst s25  }
0xa6: {  	s5 =	sshll.u32 s26, $0x1;
	_ =	strace $0x80000049;
	[dreg:$0x1] =	wrdreg $0xFFFFFFFF  }
0xa7: {  	s28 =	simm.s32 $_size_execute0_lowered;
	s3 =	sadd.s32 s3, s5;
	[dreg:$0x0] =	wrdreg $0x0  }
0xa8: {  	s5 =	sshll.u32 s28, $0x1;
	[dreg:$0x2] =	wrdreg s3  }
0xa9: {  	[dreg:$0x3] =	wrdreg s5  }
0xaa: {  	[dreg:$0x4] =	wrdreg $0xC0  }
0xab: {  	_ =	task [dreg:s7], $0x5FFFF  }
0xac: {  	[dreg:$0x1] =	wrdreg $0xFFFFFFFF  }
0xad: {  	[dreg:$0x0] =	wrdreg $0x60  }
0xae: {  	[dreg:$0x2] =	wrdreg s2  }
0xaf: {  	[dreg:$0x3] =	wrdreg s24  }
0xb0: {  	[dreg:$0x4] =	wrdreg $0x94000  }
0xb1: {  	[dreg:$0x5] =	wrdreg $0x9  }
0xb2: {  	_ =	task.clear_ibuf [dreg:s7], $0x6FFFF;
	_ =	strace $0x90000049  }
0xb3: {  	s29 =	simm.s32 $0x9;
	_ =	strace $0x8000004B  }
0xb4: {  	_ =	swait.ge [sflag:s29], $0x1  }
0xb5: {  	[sflag:s29] =	ssyncadd.s32 $0xFFFFFFFF  }
0xb6: {  	_ =	strace $0x9000004B  }
0xb7: {  	_ =	sfence  }
0xb8: {  	s30 =	sld [smem:$0x0];
	_ =	sdelay $0x2  }
0xb9: {  	s31 =	sshll.u32 s1, $0xD;
	s1 =	sshrl.u32 s1, $0x2  }
0xba: {  	s3 =	sand.u32 $0x4000, s31;
	s1 =	sadd.s32 s1, s30  }
0xbb: {  	s0 =	sor.u32 s3, s0;
	s1 =	sshll.u32 s1, $0x11  }
0xbc: {  	s0 =	sor.u32 s1, s0  }
0xbd: {  	s0 =	sadd.s32 $0x8F2B, s0  }
0xbe: {  	[sflag:s0] =	ssyncadd.remote.s32 $0x1  }
0xbf: {  	_ =	sfence.sel $0xFFFF  }
0xc0: {  	[dreg:$0x0] =	wrdreg $0xFFFFFFFF;
	(pc) =	sbr.abs _section_cstart, $3  }
0xc1: {  	[dreg:$0x1] =	wrdreg $0xFFFFFFFF  }
0xc2: {  	_ =	task.clear_ibuf [dreg:s7], $0x2FFFF;
	_ =	strace $0x9FFFFFFF  }
0xc3: {  	(tm) =	ssettm $0x7FFFFFFF  }
tec
execute0_lowered:
.L_overlay_start_1:
0x0: {  	(tag) =	ssettag $0x1  }
0x1: {  	s1 =	rddreg [dreg:$0x0]  }
0x2: {  	s0 =	rddreg [dreg:$0x1]  }
0x3: {  	s2 =	rddreg [dreg:$0x2]  }
0x4: {  	s4 =	simm.s32 $0x0;
	s3 =	srdreg.scid;
	s14 =	stileid.u32  }
0x5: {  	[smem:$0x7FF] =	sst s4;
	s3 =	sand.u32 $0x1, s3;
	s7 =	smul.u32 $0x4F000, s14  }
0x6: {  	s5 =	sadd.s32 $0x1E00, s0;
	s0 =	sadd.s32 $0x15E00, s0;
	s22 =	smul.u32 $0x13C00, s14  }
0x7: {  	_ =	strace $0x8000004A;
	s6 =	ssub.s32 $0x2, s3;
	s21 =	sshll.u32 s3, $0x4  }
0x8: {  	s18 =	smul.u32 $0x140000, s3;
	s8 =	sshrl.u32 s6, $0x1;
	s26 =	sadd.s32 $0x4000, s22  }
0x9: {  	s7 =	sshrl.u32 s7, $0x2;
	s12 =	sadd.s32 $0xC000, s22;
	s11 =	sadd.s32 s26, s2  }
0xa: {  	s10 =	sadd.s32 $0x8000, s22;
	s17 =	sadd.s32 s12, s2;
	[dreg:$0x9] =	wrdreg s11  }
0xb: {  	s13 =	sadd.s32 $0x10000, s22;
	s15 =	sadd.s32 s7, s2;
	[dreg:$0xb] =	wrdreg s17  }
0xc: {  	s6 =	ssub.s32 s6, s8;
	s29 =	sadd.s32 s13, s2;
	[dreg:$0x4] =	wrdreg s15  }
0xd: {  	s8 =	sor.u32 s14, s21;
	s9 =	sadd.s32 $0x400, s15;
	[dreg:$0xc] =	wrdreg s29  }
0xe: {  	s16 =	sadd.s32 s10, s2;
	s23 =	sadd.s32 $0x800, s15;
	[dreg:$0x5] =	wrdreg s9  }
0xf: {  	s7 =	sadd.s32 s22, s18;
	s24 =	sadd.s32 $0xC00, s15;
	[dreg:$0x6] =	wrdreg s23  }
0x10: {  	s21 =	sadd.s32 s18, s12;
	s25 =	sadd.s32 $0x1000, s15;
	[dreg:$0x7] =	wrdreg s24  }
0x11: {  	s22 =	smul.u32 $0x2800, s14;
	s12 =	sadd.s32 $0x1400, s15;
	[dreg:$0x8] =	wrdreg s25  }
0x12: {  	s7 =	sshrl.u32 s7, $0x3;
	s14 =	sadd.s32 $0x1800, s15;
	[dreg:$0x15] =	wrdreg s12  }
0x13: {  	s9 =	sadd.s32 s18, s26;
	s7 =	sadd.s32 s0, s7;
	[dreg:$0x16] =	wrdreg s14  }
0x14: {  	s24 =	sadd.s32 s18, s13;
	s26 =	smax.u32 s6, $0x1;
	[dreg:$0xe] =	wrdreg s7  }
0x15: {  	s13 =	smov.u32 s16;
	s16 =	sadd.s32 $0x1C00, s15;
	[dreg:$0x13] =	wrdreg s26  }
0x16: {  	s20 =	sadd.s32 s18, s10;
	s18 =	sadd.s32 $0x2000, s15;
	[dreg:$0x17] =	wrdreg s16  }
0x17: {  	s23 =	sshrl.u32 s21, $0x3;
	s21 =	sadd.s32 $0x2C00, s15;
	[dreg:$0x18] =	wrdreg s18  }
0x18: {  	s3 =	smul.u32 $0x28000, s3;
	s12 =	sadd.s32 $0x5800, s15;
	[dreg:$0x1b] =	wrdreg s21  }
0x19: {  	s14 =	sadd.s32 $0x5C00, s15;
	[smem:$0x7C5] =	sst s12  }
0x1a: {  	s3 =	sadd.s32 s22, s3;
	[smem:$0x7C6] =	sst s14  }
0x1b: {  	s11 =	sadd.s32 $0x800, s3;
	[dreg:$0xa] =	wrdreg s13  }
0x1c: {  	s26 =	sadd.s32 $0x3400, s15;
	[dreg:$0x14] =	wrdreg s11  }
0x1d: {  	s16 =	sadd.s32 $0x6000, s15;
	[dreg:$0x1d] =	wrdreg s26  }
0x1e: {  	s18 =	sadd.s32 $0x6400, s15;
	[smem:$0x7C7] =	sst s16  }
0x1f: {  	s21 =	sadd.s32 $0x7000, s15;
	[smem:$0x7C8] =	sst s18  }
0x20: {  	s12 =	sadd.s32 $0x9C00, s15;
	[smem:$0x7CB] =	sst s21  }
0x21: {  	s19 =	sshrl.u32 s9, $0x3;
	s14 =	sadd.s32 $0xA000, s15;
	[smem:$0x7D5] =	sst s12  }
0x22: {  	s7 =	sadd.s32 s0, s19;
	[smem:$0x7D6] =	sst s14  }
0x23: {  	s19 =	sadd.s32 $0x2400, s15;
	[dreg:$0xf] =	wrdreg s7  }
0x24: {  	s11 =	sadd.s32 $0x5400, s15;
	[dreg:$0x19] =	wrdreg s19  }
0x25: {  	s26 =	sadd.s32 $0x7800, s15;
	[smem:$0x7C4] =	sst s11  }
0x26: {  	s16 =	sadd.s32 $0xA400, s15;
	[smem:$0x7CD] =	sst s26  }
0x27: {  	s18 =	sadd.s32 $0xA800, s15;
	[smem:$0x7D7] =	sst s16  }
0x28: {  	s8 =	smul.u32 $0x2800, s8;
	s21 =	sadd.s32 $0xB400, s15;
	[smem:$0x7D8] =	sst s18  }
0x29: {  	s12 =	sadd.s32 $0xE000, s15;
	[smem:$0x7DB] =	sst s21  }
0x2a: {  	s8 =	sshrl.u32 s8, $0x3;
	s14 =	sadd.s32 $0xE400, s15;
	[smem:$0x7E5] =	sst s12  }
0x2b: {  	s17 =	sadd.s32 s5, s8;
	s8 =	sadd.s32 $0x50800, s3;
	[smem:$0x7E6] =	sst s14  }
0x2c: {  	s7 =	sshrl.u32 s20, $0x3;
	s20 =	sadd.s32 $0x2800, s15;
	[dreg:$0xd] =	wrdreg s17  }
0x2d: {  	s10 =	sshrl.u32 s8, $0x3;
	s8 =	sadd.s32 $0x4800, s15;
	[dreg:$0x1a] =	wrdreg s20  }
0x2e: {  	s19 =	sadd.s32 $0x6800, s15;
	[smem:$0x7C1] =	sst s8  }
0x2f: {  	s11 =	sadd.s32 $0x9800, s15;
	[smem:$0x7C9] =	sst s19  }
0x30: {  	s26 =	sadd.s32 $0xBC00, s15;
	[smem:$0x7D4] =	sst s11  }
0x31: {  	s16 =	sadd.s32 $0xE800, s15;
	[smem:$0x7DD] =	sst s26  }
0x32: {  	s18 =	sadd.s32 $0xEC00, s15;
	[smem:$0x7E7] =	sst s16  }
0x33: {  	s21 =	sadd.s32 $0xF800, s15;
	[smem:$0x7E8] =	sst s18  }
0x34: {  	s12 =	sadd.s32 $0x12400, s15;
	[smem:$0x7EB] =	sst s21  }
0x35: {  	s14 =	sadd.s32 $0x12800, s15;
	[smem:$0x7F5] =	sst s12  }
0x36: {  	s25 =	sshrl.u32 s24, $0x3;
	s7 =	sadd.s32 s0, s7;
	[smem:$0x7F6] =	sst s14  }
0x37: {  	s24 =	sadd.s32 s10, s5;
	s10 =	sadd.s32 $0x5000, s15;
	[dreg:$0x10] =	wrdreg s7  }
0x38: {  	s20 =	sadd.s32 $0x6C00, s15;
	[smem:$0x7C3] =	sst s10  }
0x39: {  	s8 =	sadd.s32 $0x8C00, s15;
	[smem:$0x7CA] =	sst s20  }
0x3a: {  	s19 =	sadd.s32 $0xAC00, s15;
	[smem:$0x7D1] =	sst s8  }
0x3b: {  	s11 =	sadd.s32 $0xDC00, s15;
	[smem:$0x7D9] =	sst s19  }
0x3c: {  	s26 =	sadd.s32 $0x10400, s15;
	[smem:$0x7E4] =	sst s11  }
0x3d: {  	s16 =	sadd.s32 $0x12C00, s15;
	[smem:$0x7ED] =	sst s26  }
0x3e: {  	s18 =	sadd.s32 $0x13000, s15;
	[smem:$0x7F7] =	sst s16  }
0x3f: {  	s21 =	sadd.s32 $0xA000, s17;
	[smem:$0x7F8] =	sst s18  }
0x40: {  	s7 =	sadd.s32 s0, s23;
	[smem:$0x7FB] =	sst s21  }
0x41: {  	s0 =	sadd.s32 s0, s25;
	[dreg:$0x11] =	wrdreg s7  }
0x42: {  	s25 =	sadd.s32 $0x3000, s15;
	[dreg:$0x12] =	wrdreg s0  }
0x43: {  	s10 =	sadd.s32 $0x9400, s15;
	[dreg:$0x1c] =	wrdreg s25  }
0x44: {  	s20 =	sadd.s32 $0xB000, s15;
	[smem:$0x7D3] =	sst s10  }
0x45: {  	s8 =	sadd.s32 $0xD000, s15;
	[smem:$0x7DA] =	sst s20  }
0x46: {  	s19 =	sadd.s32 $0xF000, s15;
	[smem:$0x7E1] =	sst s8  }
0x47: {  	s11 =	sadd.s32 $0x12000, s15;
	[smem:$0x7E9] =	sst s19  }
0x48: {  	s6 =	sadd.s32 $0x50C00, s3;
	s26 =	sadd.s32 $0xA080, s17;
	[smem:$0x7F4] =	sst s11  }
0x49: {  	s7 =	sadd.s32 $0xC00, s3;
	s3 =	sadd.s32 $0x3800, s15;
	[smem:$0x7FD] =	sst s26  }
0x4a: {  	s0 =	sshrl.u32 s6, $0x3;
	s6 =	sadd.s32 $0x3C00, s15;
	[dreg:$0x1e] =	wrdreg s3  }
0x4b: {  	s25 =	sadd.s32 $0x7400, s15;
	[dreg:$0x1f] =	wrdreg s6  }
0x4c: {  	s10 =	sadd.s32 $0xD800, s15;
	[smem:$0x7CC] =	sst s25  }
0x4d: {  	s28 =	simm.s32 $0x9000;
	s20 =	sadd.s32 $0xF400, s15;
	[smem:$0x7E3] =	sst s10  }
0x4e: {  	s30 =	simm.s32 $0x7;
	s8 =	sadd.s32 $0x11400, s15;
	[smem:$0x7EA] =	sst s20  }
0x4f: {  	s31 =	simm.s32 $0x400;
	s19 =	sadd.s32 $0x13400, s15;
	[smem:$0x7F1] =	sst s8  }
0x50: {  	s9 =	sshrl.u32 s7, $0x3;
	s7 =	sadd.s32 $0x4400, s15;
	[smem:$0x7F9] =	sst s19  }
0x51: {  	s14 =	simm.s32 $0x6;
	s3 =	sadd.s32 $0x7C00, s15;
	[smem:$0x7C0] =	sst s7  }
0x52: {  	s12 =	simm.s32 $0x0;
	s6 =	sadd.s32 $0x8400, s15;
	[smem:$0x7CE] =	sst s3  }
0x53: {  	s16 =	simm.s32 $0xE80;
	s25 =	sadd.s32 $0xB800, s15;
	[smem:$0x7CF] =	sst s6  }
0x54: {  	s18 =	simm.s32 $0x780;
	s10 =	sadd.s32 $0x11C00, s15;
	[smem:$0x7DC] =	sst s25  }
0x55: {  	s21 =	simm.s32 $0xF80;
	s20 =	sadd.s32 $0x13800, s15;
	[smem:$0x7F3] =	sst s10  }
0x56: {  	s23 =	sadd.s32 s9, s5;
	s9 =	sadd.s32 $0x4C00, s15;
	[smem:$0x7FA] =	sst s20  }
0x57: {  	s26 =	simm.s32 $0x5;
	s7 =	sadd.s32 $0x8800, s15;
	[smem:$0x7C2] =	sst s9  }
0x58: {  	s22 =	sadd.s32 s0, s5;
	s3 =	sadd.s32 $0xC400, s15;
	[smem:$0x7D0] =	sst s7  }
0x59: {  	s0 =	simm.s32 $0xC00;
	s6 =	sadd.s32 $0xC800, s15;
	[smem:$0x7DE] =	sst s3  }
0x5a: {  	s8 =	simm.s32 $0x5000;
	s25 =	sadd.s32 $0xFC00, s15;
	[smem:$0x7DF] =	sst s6  }
0x5b: {  	s19 =	simm.s32 $0x4;
	s9 =	sadd.s32 $0x9000, s15;
	[smem:$0x7EC] =	sst s25  }
0x5c: {  	s10 =	simm.s32 $0x3;
	s7 =	sadd.s32 $0xCC00, s15;
	[smem:$0x7D2] =	sst s9  }
0x5d: {  	s20 =	simm.s32 $0xF00;
	s3 =	sadd.s32 $0x10800, s15;
	[smem:$0x7E0] =	sst s7  }
0x5e: {  	s6 =	sadd.s32 $0x10C00, s15;
	s25 =	sadd.s32 $0x80, s17;
	[smem:$0x7EE] =	sst s3  }
.Ltmp0:
0x5f: {  	s17 =	simm.s32 $0x2;
	[smem:$0x7EF] =	sst s6;
	(pc) =	sbr.rel .LBB2_1-.Ltmp0, $4  }
0x60: {  	s9 =	sadd.s32 $0xD400, s15;
	s7 =	sadd.s32 $0x11000, s15;
	[smem:$0x7FC] =	sst s25  }
0x61: {  	s3 =	simm.s32 $0x7D;
	s25 =	simm.s32 $0x1000;
	[smem:$0x7E2] =	sst s9  }
0x62: {  	s6 =	simm.s32 $0xE00;
	[smem:$0x7F0] =	sst s7;
	s9 =	sadd.s32 $0x11800, s15  }
0x63: {  	v0 =	vimm.f32 $0.0e+00;
	s7 =	simm.s32 $0x700;
	[smem:$0x7F2] =	sst s9;
	s9 =	simm.s32 $0x1  }
.LBB2_4:
0x64: {  	_ =	swait.ge [sflag:s17], $0x3E80  }
0x65: {  	[sflag:s17] =	ssyncset.done $0x0  }
0x66: {  	[sflag:s17] =	ssyncadd.s32 $0xFFFFC180  }
0x67: {  	[spmem:s2] =	stream.indirect.scatter.add.f32 [tilespmem:s8], [sflag:$0x4], $0x80, s21, s3, $0xb8;
	[tilespmem:$0x1D000] =	vst v63  }
0x68: {  	_ =	swait.ge [sflag:s19], $0x3E80  }
0x69: {  	[sflag:s19] =	ssyncset.done $0x0  }
0x6a: {  	[sflag:s19] =	ssyncadd.s32 $0xFFFFC180  }
0x6b: {  	s11 =	stileid.u32;
	[bflag:$0x0] =	sbarrier.arrive $0xFFFF  }
0x6c: {  	s11 =	sshll.u32 s11, $0x6;
	s15 =	rddreg [dreg:$0x4]  }
0x6d: {  	s11 =	sor.u32 $0x1C07, s11;
	s13 =	rddreg [dreg:$0xe];
	s12 =	sshrl.u32 s15, $0x3  }
0x6e: {  	[hbm:s13], [sflag:s11] =	dma.local [spmem:s12], $0x800  }
0x6f: {  	s12 =	rddreg [dreg:$0x9]  }
0x70: {  	s13 =	rddreg [dreg:$0xf];
	s12 =	sshrl.u32 s12, $0x3  }
0x71: {  	[hbm:s13], [sflag:s11] =	dma.local [spmem:s12], $0x800  }
0x72: {  	s6 =	rddreg [dreg:$0xa]  }
0x73: {  	s29 =	rddreg [dreg:$0x10];
	s13 =	sshrl.u32 s6, $0x3  }
0x74: {  	[hbm:s29], [sflag:s11] =	dma.local [spmem:s13], $0x800  }
0x75: {  	s12 =	rddreg [dreg:$0xb]  }
0x76: {  	s29 =	rddreg [dreg:$0x11];
	s12 =	sshrl.u32 s12, $0x3  }
0x77: {  	[hbm:s29], [sflag:s11] =	dma.local [spmem:s12], $0x800  }
0x78: {  	s13 =	rddreg [dreg:$0xc]  }
0x79: {  	s29 =	rddreg [dreg:$0x12];
	s12 =	sshrl.u32 s13, $0x3  }
0x7a: {  	[hbm:s29], [sflag:s11] =	dma.local [spmem:s12], $0x780  }
0x7b: {  	_ =	swait.ge [sflag:s30], $0x800  }
0x7c: {  	[sflag:s30] =	ssyncset.done $0x0  }
0x7d: {  	[sflag:s30] =	ssyncadd.s32 $0xFFFFF800  }
0x7e: {  	_ =	swait.ge [sflag:s30], $0x800  }
0x7f: {  	[sflag:s30] =	ssyncset.done $0x0  }
0x80: {  	[sflag:s30] =	ssyncadd.s32 $0xFFFFF800  }
0x81: {  	_ =	swait.ge [sflag:s30], $0x800  }
0x82: {  	[sflag:s30] =	ssyncset.done $0x0  }
0x83: {  	[sflag:s30] =	ssyncadd.s32 $0xFFFFF800  }
0x84: {  	_ =	swait.ge [sflag:s30], $0x800  }
0x85: {  	[sflag:s30] =	ssyncset.done $0x0  }
0x86: {  	[sflag:s30] =	ssyncadd.s32 $0xFFFFF800  }
0x87: {  	_ =	swait.ge [sflag:s30], $0x780  }
0x88: {  	s11 =	sld [smem:$0x7BF];
	_ =	sdelay $0x2  }
0x89: {  	s12 =	sadd.s32 $0x1, s11;
	s11 =	rddreg [dreg:$0x13]  }
0x8a: {  	p0 =	sne.s32 s12, s11  }
.Ltmp1:
0x8b: {  	_ = 	snop;
	(pc) =	sbr.rel @!p0 .LBB2_5-.Ltmp1, $3  }
0x8c: {  	_ =	sdelay $0x1  }
0x8d: {  	s29 =	smov.u32 s13;
	[sflag:s30] =	ssyncset.done $0x0  }
0x8e: {  	s13 =	smov.u32 s6;
	s6 =	simm.s32 $0xE00;
	[sflag:s30] =	ssyncadd.s32 $0xFFFFF880  }
.LBB2_1:
0x8f: {  	[tilespmem:$0x9000] =	vst v0  }
0x90: {  	[tilespmem:$0x9010] =	vst v0  }
0x91: {  	[tilespmem:$0x9020] =	vst v0  }
0x92: {  	[tilespmem:$0x9030] =	vst v0  }
0x93: {  	[tilespmem:$0x9040] =	vst v0  }
0x94: {  	[tilespmem:$0x9050] =	vst v0  }
0x95: {  	[tilespmem:$0x9060] =	vst v0  }
0x96: {  	[tilespmem:$0x9070] =	vst v0  }
0x97: {  	[tilespmem:$0x9080] =	vst v0  }
0x98: {  	[tilespmem:$0x9090] =	vst v0  }
0x99: {  	[tilespmem:$0x90A0] =	vst v0  }
0x9a: {  	[tilespmem:$0x90B0] =	vst v0  }
0x9b: {  	[tilespmem:$0x90C0] =	vst v0  }
0x9c: {  	[tilespmem:$0x90D0] =	vst v0  }
0x9d: {  	[tilespmem:$0x90E0] =	vst v0  }
0x9e: {  	[tilespmem:$0x90F0] =	vst v0  }
0x9f: {  	[tilespmem:$0x9100] =	vst v0  }
0xa0: {  	[tilespmem:$0x9110] =	vst v0  }
0xa1: {  	[tilespmem:$0x9120] =	vst v0  }
0xa2: {  	[tilespmem:$0x9130] =	vst v0  }
0xa3: {  	[tilespmem:$0x9140] =	vst v0  }
0xa4: {  	[tilespmem:$0x9150] =	vst v0  }
0xa5: {  	[tilespmem:$0x9160] =	vst v0  }
0xa6: {  	[tilespmem:$0x9170] =	vst v0  }
0xa7: {  	[tilespmem:$0x9180] =	vst v0  }
0xa8: {  	[tilespmem:$0x9190] =	vst v0  }
0xa9: {  	[tilespmem:$0x91A0] =	vst v0  }
0xaa: {  	[tilespmem:$0x91B0] =	vst v0  }
0xab: {  	[tilespmem:$0x91C0] =	vst v0  }
0xac: {  	[tilespmem:$0x91D0] =	vst v0  }
0xad: {  	[tilespmem:$0x91E0] =	vst v0  }
0xae: {  	[tilespmem:$0x91F0] =	vst v0  }
0xaf: {  	[tilespmem:$0x9200] =	vst v0  }
0xb0: {  	[tilespmem:$0x9210] =	vst v0  }
0xb1: {  	[tilespmem:$0x9220] =	vst v0  }
0xb2: {  	[tilespmem:$0x9230] =	vst v0  }
0xb3: {  	[tilespmem:$0x9240] =	vst v0  }
0xb4: {  	[tilespmem:$0x9250] =	vst v0  }
0xb5: {  	[tilespmem:$0x9260] =	vst v0  }
0xb6: {  	[tilespmem:$0x9270] =	vst v0  }
0xb7: {  	[tilespmem:$0x9280] =	vst v0  }
0xb8: {  	[tilespmem:$0x9290] =	vst v0  }
0xb9: {  	[tilespmem:$0x92A0] =	vst v0  }
0xba: {  	[tilespmem:$0x92B0] =	vst v0  }
0xbb: {  	[tilespmem:$0x92C0] =	vst v0  }
0xbc: {  	[tilespmem:$0x92D0] =	vst v0  }
0xbd: {  	[tilespmem:$0x92E0] =	vst v0  }
0xbe: {  	[tilespmem:$0x92F0] =	vst v0  }
0xbf: {  	[tilespmem:$0x9300] =	vst v0  }
0xc0: {  	[tilespmem:$0x9310] =	vst v0  }
0xc1: {  	[tilespmem:$0x9320] =	vst v0  }
0xc2: {  	[tilespmem:$0x9330] =	vst v0  }
0xc3: {  	[tilespmem:$0x9340] =	vst v0  }
0xc4: {  	[tilespmem:$0x9350] =	vst v0  }
0xc5: {  	[tilespmem:$0x9360] =	vst v0  }
0xc6: {  	[tilespmem:$0x9370] =	vst v0  }
0xc7: {  	[tilespmem:$0x9380] =	vst v0  }
0xc8: {  	[tilespmem:$0x9390] =	vst v0  }
0xc9: {  	[tilespmem:$0x93A0] =	vst v0  }
0xca: {  	[tilespmem:$0x93B0] =	vst v0  }
0xcb: {  	[tilespmem:$0x93C0] =	vst v0  }
0xcc: {  	[tilespmem:$0x93D0] =	vst v0  }
0xcd: {  	[smem:$0x7BF] =	sst s12;
	[tilespmem:$0x93E0] =	vst v0  }
0xce: {  	[tilespmem:$0x93F0] =	vst v0;
	s11 =	rddreg [dreg:$0x5]  }
0xcf: {  	[spmem:s15] =	stream.linear.scatter [tilespmem:s28], [sflag:$0x7], $0x400, $0x38;
	[tilespmem:$0x1D000] =	vst v63  }
0xd0: {  	s12 =	rddreg [dreg:$0x7]  }
0xd1: {  	[spmem:s11] =	stream.linear.scatter [tilespmem:s28], [sflag:$0x7], $0x400, $0x38;
	[tilespmem:$0x1D000] =	vst v63  }
0xd2: {  	s15 =	rddreg [dreg:$0x6]  }
0xd3: {  	[spmem:s15] =	stream.linear.scatter [tilespmem:s28], [sflag:$0x7], $0x400, $0x38;
	[tilespmem:$0x1D000] =	vst v63  }
0xd4: {  	s15 =	rddreg [dreg:$0x8]  }
0xd5: {  	[spmem:s12] =	stream.linear.scatter [tilespmem:s28], [sflag:$0x7], $0x400, $0x38;
	[tilespmem:$0x1D000] =	vst v63  }
0xd6: {  	s12 =	rddreg [dreg:$0x15]  }
0xd7: {  	[spmem:s15] =	stream.linear.scatter [tilespmem:s28], [sflag:$0x7], $0x400, $0x38;
	[tilespmem:$0x1D000] =	vst v63  }
0xd8: {  	s15 =	rddreg [dreg:$0x16]  }
0xd9: {  	[spmem:s12] =	stream.linear.scatter [tilespmem:s28], [sflag:$0x7], $0x400, $0x38;
	[tilespmem:$0x1D000] =	vst v63  }
0xda: {  	s12 =	rddreg [dreg:$0x17]  }
0xdb: {  	[spmem:s15] =	stream.linear.scatter [tilespmem:s28], [sflag:$0x7], $0x400, $0x38;
	[tilespmem:$0x1D000] =	vst v63  }
0xdc: {  	s15 =	rddreg [dreg:$0x18]  }
0xdd: {  	[spmem:s12] =	stream.linear.scatter [tilespmem:s28], [sflag:$0x7], $0x400, $0x38;
	[tilespmem:$0x1D000] =	vst v63  }
0xde: {  	s12 =	rddreg [dreg:$0x19]  }
0xdf: {  	[spmem:s15] =	stream.linear.scatter [tilespmem:s28], [sflag:$0x7], $0x400, $0x38;
	[tilespmem:$0x1D000] =	vst v63  }
0xe0: {  	s15 =	rddreg [dreg:$0x1a]  }
0xe1: {  	[spmem:s12] =	stream.linear.scatter [tilespmem:s28], [sflag:$0x7], $0x400, $0x38;
	[tilespmem:$0x1D000] =	vst v63  }
0xe2: {  	s12 =	rddreg [dreg:$0x1b]  }
0xe3: {  	[spmem:s15] =	stream.linear.scatter [tilespmem:s28], [sflag:$0x7], $0x400, $0x38;
	[tilespmem:$0x1D000] =	vst v63  }
0xe4: {  	s15 =	rddreg [dreg:$0x1c]  }
0xe5: {  	[spmem:s12] =	stream.linear.scatter [tilespmem:s28], [sflag:$0x7], $0x400, $0x38;
	[tilespmem:$0x1D000] =	vst v63  }
0xe6: {  	s12 =	rddreg [dreg:$0x1d]  }
0xe7: {  	[spmem:s15] =	stream.linear.scatter [tilespmem:s28], [sflag:$0x7], $0x400, $0x38;
	[tilespmem:$0x1D000] =	vst v63  }
0xe8: {  	s15 =	rddreg [dreg:$0x1e]  }
0xe9: {  	[spmem:s12] =	stream.linear.scatter [tilespmem:s28], [sflag:$0x7], $0x400, $0x38;
	[tilespmem:$0x1D000] =	vst v63  }
0xea: {  	s12 =	rddreg [dreg:$0x1f]  }
0xeb: {  	[spmem:s15] =	stream.linear.scatter [tilespmem:s28], [sflag:$0x7], $0x400, $0x38;
	[tilespmem:$0x1D000] =	vst v63  }
0xec: {  	s15 =	rddreg [dreg:$0x9]  }
0xed: {  	[spmem:s12] =	stream.linear.scatter [tilespmem:s28], [sflag:$0x7], $0x400, $0x38;
	[tilespmem:$0x1D000] =	vst v63  }
0xee: {  	s12 =	sld [smem:$0x7C0]  }
0xef: {  	[spmem:s15] =	stream.linear.scatter [tilespmem:s28], [sflag:$0x7], $0x400, $0x38;
	[tilespmem:$0x1D000] =	vst v63  }
0xf0: {  	s15 =	sld [smem:$0x7C1]  }
0xf1: {  	[spmem:s12] =	stream.linear.scatter [tilespmem:s28], [sflag:$0x7], $0x400, $0x38;
	[tilespmem:$0x1D000] =	vst v63  }
0xf2: {  	s12 =	sld [smem:$0x7C2]  }
0xf3: {  	[spmem:s15] =	stream.linear.scatter [tilespmem:s28], [sflag:$0x7], $0x400, $0x38;
	[tilespmem:$0x1D000] =	vst v63  }
0xf4: {  	s15 =	sld [smem:$0x7C3]  }
0xf5: {  	[spmem:s12] =	stream.linear.scatter [tilespmem:s28], [sflag:$0x7], $0x400, $0x38;
	[tilespmem:$0x1D000] =	vst v63  }
0xf6: {  	s12 =	sld [smem:$0x7C4]  }
0xf7: {  	[spmem:s15] =	stream.linear.scatter [tilespmem:s28], [sflag:$0x7], $0x400, $0x38;
	[tilespmem:$0x1D000] =	vst v63  }
0xf8: {  	s15 =	sld [smem:$0x7C5]  }
0xf9: {  	[spmem:s12] =	stream.linear.scatter [tilespmem:s28], [sflag:$0x7], $0x400, $0x38;
	[tilespmem:$0x1D000] =	vst v63  }
0xfa: {  	s12 =	sld [smem:$0x7C6]  }
0xfb: {  	[spmem:s15] =	stream.linear.scatter [tilespmem:s28], [sflag:$0x7], $0x400, $0x38;
	[tilespmem:$0x1D000] =	vst v63  }
0xfc: {  	s15 =	sld [smem:$0x7C7]  }
0xfd: {  	[spmem:s12] =	stream.linear.scatter [tilespmem:s28], [sflag:$0x7], $0x400, $0x38;
	[tilespmem:$0x1D000] =	vst v63  }
0xfe: {  	s12 =	sld [smem:$0x7C8]  }
0xff: {  	[spmem:s15] =	stream.linear.scatter [tilespmem:s28], [sflag:$0x7], $0x400, $0x38;
	[tilespmem:$0x1D000] =	vst v63  }
0x100: {  	s15 =	sld [smem:$0x7C9]  }
0x101: {  	[spmem:s12] =	stream.linear.scatter [tilespmem:s28], [sflag:$0x7], $0x400, $0x38;
	[tilespmem:$0x1D000] =	vst v63  }
0x102: {  	s12 =	sld [smem:$0x7CA]  }
0x103: {  	[spmem:s15] =	stream.linear.scatter [tilespmem:s28], [sflag:$0x7], $0x400, $0x38;
	[tilespmem:$0x1D000] =	vst v63  }
0x104: {  	s15 =	sld [smem:$0x7CB]  }
0x105: {  	[spmem:s12] =	stream.linear.scatter [tilespmem:s28], [sflag:$0x7], $0x400, $0x38;
	[tilespmem:$0x1D000] =	vst v63  }
0x106: {  	s12 =	sld [smem:$0x7CC]  }
0x107: {  	[spmem:s15] =	stream.linear.scatter [tilespmem:s28], [sflag:$0x7], $0x400, $0x38;
	[tilespmem:$0x1D000] =	vst v63  }
0x108: {  	s15 =	sld [smem:$0x7CD]  }
0x109: {  	[spmem:s12] =	stream.linear.scatter [tilespmem:s28], [sflag:$0x7], $0x400, $0x38;
	[tilespmem:$0x1D000] =	vst v63  }
0x10a: {  	s12 =	sld [smem:$0x7CE]  }
0x10b: {  	[spmem:s15] =	stream.linear.scatter [tilespmem:s28], [sflag:$0x7], $0x400, $0x38;
	[tilespmem:$0x1D000] =	vst v63  }
0x10c: {  	_ = 	snop  }
0x10d: {  	[spmem:s12] =	stream.linear.scatter [tilespmem:s28], [sflag:$0x7], $0x400, $0x38;
	[tilespmem:$0x1D000] =	vst v63  }
0x10e: {  	s15 =	sld [smem:$0x7CF]  }
0x10f: {  	[spmem:s13] =	stream.linear.scatter [tilespmem:s28], [sflag:$0x7], $0x400, $0x38;
	[tilespmem:$0x1D000] =	vst v63  }
0x110: {  	s12 =	sld [smem:$0x7D0]  }
0x111: {  	[spmem:s15] =	stream.linear.scatter [tilespmem:s28], [sflag:$0x7], $0x400, $0x38;
	[tilespmem:$0x1D000] =	vst v63  }
0x112: {  	s13 =	sld [smem:$0x7D1]  }
0x113: {  	[spmem:s12] =	stream.linear.scatter [tilespmem:s28], [sflag:$0x7], $0x400, $0x38;
	[tilespmem:$0x1D000] =	vst v63  }
0x114: {  	s15 =	sld [smem:$0x7D2]  }
0x115: {  	[spmem:s13] =	stream.linear.scatter [tilespmem:s28], [sflag:$0x7], $0x400, $0x38;
	[tilespmem:$0x1D000] =	vst v63  }
0x116: {  	s12 =	sld [smem:$0x7D3]  }
0x117: {  	[spmem:s15] =	stream.linear.scatter [tilespmem:s28], [sflag:$0x7], $0x400, $0x38;
	[tilespmem:$0x1D000] =	vst v63  }
0x118: {  	s13 =	sld [smem:$0x7D4]  }
0x119: {  	[spmem:s12] =	stream.linear.scatter [tilespmem:s28], [sflag:$0x7], $0x400, $0x38;
	[tilespmem:$0x1D000] =	vst v63  }
0x11a: {  	s15 =	sld [smem:$0x7D5]  }
0x11b: {  	[spmem:s13] =	stream.linear.scatter [tilespmem:s28], [sflag:$0x7], $0x400, $0x38;
	[tilespmem:$0x1D000] =	vst v63  }
0x11c: {  	s12 =	sld [smem:$0x7D6]  }
0x11d: {  	[spmem:s15] =	stream.linear.scatter [tilespmem:s28], [sflag:$0x7], $0x400, $0x38;
	[tilespmem:$0x1D000] =	vst v63  }
0x11e: {  	s13 =	sld [smem:$0x7D7]  }
0x11f: {  	[spmem:s12] =	stream.linear.scatter [tilespmem:s28], [sflag:$0x7], $0x400, $0x38;
	[tilespmem:$0x1D000] =	vst v63  }
0x120: {  	s15 =	sld [smem:$0x7D8]  }
0x121: {  	[spmem:s13] =	stream.linear.scatter [tilespmem:s28], [sflag:$0x7], $0x400, $0x38;
	[tilespmem:$0x1D000] =	vst v63  }
0x122: {  	s12 =	sld [smem:$0x7D9]  }
0x123: {  	[spmem:s15] =	stream.linear.scatter [tilespmem:s28], [sflag:$0x7], $0x400, $0x38;
	[tilespmem:$0x1D000] =	vst v63  }
0x124: {  	s13 =	sld [smem:$0x7DA]  }
0x125: {  	[spmem:s12] =	stream.linear.scatter [tilespmem:s28], [sflag:$0x7], $0x400, $0x38;
	[tilespmem:$0x1D000] =	vst v63  }
0x126: {  	s15 =	sld [smem:$0x7DB]  }
0x127: {  	[spmem:s13] =	stream.linear.scatter [tilespmem:s28], [sflag:$0x7], $0x400, $0x38;
	[tilespmem:$0x1D000] =	vst v63  }
0x128: {  	s12 =	sld [smem:$0x7DC]  }
0x129: {  	[spmem:s15] =	stream.linear.scatter [tilespmem:s28], [sflag:$0x7], $0x400, $0x38;
	[tilespmem:$0x1D000] =	vst v63  }
0x12a: {  	s13 =	sld [smem:$0x7DD]  }
0x12b: {  	[spmem:s12] =	stream.linear.scatter [tilespmem:s28], [sflag:$0x7], $0x400, $0x38;
	[tilespmem:$0x1D000] =	vst v63  }
0x12c: {  	s15 =	rddreg [dreg:$0xb]  }
0x12d: {  	[spmem:s13] =	stream.linear.scatter [tilespmem:s28], [sflag:$0x7], $0x400, $0x38;
	[tilespmem:$0x1D000] =	vst v63  }
0x12e: {  	s12 =	sld [smem:$0x7DE]  }
0x12f: {  	[spmem:s15] =	stream.linear.scatter [tilespmem:s28], [sflag:$0x7], $0x400, $0x38;
	[tilespmem:$0x1D000] =	vst v63  }
0x130: {  	s13 =	sld [smem:$0x7DF]  }
0x131: {  	[spmem:s12] =	stream.linear.scatter [tilespmem:s28], [sflag:$0x7], $0x400, $0x38;
	[tilespmem:$0x1D000] =	vst v63  }
0x132: {  	s15 =	sld [smem:$0x7E0]  }
0x133: {  	[spmem:s13] =	stream.linear.scatter [tilespmem:s28], [sflag:$0x7], $0x400, $0x38;
	[tilespmem:$0x1D000] =	vst v63  }
0x134: {  	s12 =	sld [smem:$0x7E1]  }
0x135: {  	[spmem:s15] =	stream.linear.scatter [tilespmem:s28], [sflag:$0x7], $0x400, $0x38;
	[tilespmem:$0x1D000] =	vst v63  }
0x136: {  	s13 =	sld [smem:$0x7E2]  }
0x137: {  	[spmem:s12] =	stream.linear.scatter [tilespmem:s28], [sflag:$0x7], $0x400, $0x38;
	[tilespmem:$0x1D000] =	vst v63  }
0x138: {  	s15 =	sld [smem:$0x7E3]  }
0x139: {  	[spmem:s13] =	stream.linear.scatter [tilespmem:s28], [sflag:$0x7], $0x400, $0x38;
	[tilespmem:$0x1D000] =	vst v63  }
0x13a: {  	s12 =	sld [smem:$0x7E4]  }
0x13b: {  	[spmem:s15] =	stream.linear.scatter [tilespmem:s28], [sflag:$0x7], $0x400, $0x38;
	[tilespmem:$0x1D000] =	vst v63  }
0x13c: {  	s13 =	sld [smem:$0x7E5]  }
0x13d: {  	[spmem:s12] =	stream.linear.scatter [tilespmem:s28], [sflag:$0x7], $0x400, $0x38;
	[tilespmem:$0x1D000] =	vst v63  }
0x13e: {  	s15 =	sld [smem:$0x7E6]  }
0x13f: {  	[spmem:s13] =	stream.linear.scatter [tilespmem:s28], [sflag:$0x7], $0x400, $0x38;
	[tilespmem:$0x1D000] =	vst v63  }
0x140: {  	s12 =	sld [smem:$0x7E7]  }
0x141: {  	[spmem:s15] =	stream.linear.scatter [tilespmem:s28], [sflag:$0x7], $0x400, $0x38;
	[tilespmem:$0x1D000] =	vst v63  }
0x142: {  	s13 =	sld [smem:$0x7E8]  }
0x143: {  	[spmem:s12] =	stream.linear.scatter [tilespmem:s28], [sflag:$0x7], $0x400, $0x38;
	[tilespmem:$0x1D000] =	vst v63  }
0x144: {  	s15 =	sld [smem:$0x7E9]  }
0x145: {  	[spmem:s13] =	stream.linear.scatter [tilespmem:s28], [sflag:$0x7], $0x400, $0x38;
	[tilespmem:$0x1D000] =	vst v63  }
0x146: {  	s12 =	sld [smem:$0x7EA]  }
0x147: {  	[spmem:s15] =	stream.linear.scatter [tilespmem:s28], [sflag:$0x7], $0x400, $0x38;
	[tilespmem:$0x1D000] =	vst v63  }
0x148: {  	s13 =	sld [smem:$0x7EB]  }
0x149: {  	[spmem:s12] =	stream.linear.scatter [tilespmem:s28], [sflag:$0x7], $0x400, $0x38;
	[tilespmem:$0x1D000] =	vst v63  }
0x14a: {  	s15 =	sld [smem:$0x7EC]  }
0x14b: {  	[spmem:s13] =	stream.linear.scatter [tilespmem:s28], [sflag:$0x7], $0x400, $0x38;
	[tilespmem:$0x1D000] =	vst v63  }
0x14c: {  	_ = 	snop  }
0x14d: {  	[spmem:s15] =	stream.linear.scatter [tilespmem:s28], [sflag:$0x7], $0x400, $0x38;
	[tilespmem:$0x1D000] =	vst v63  }
0x14e: {  	_ = 	snop  }
0x14f: {  	[spmem:s29] =	stream.linear.scatter [tilespmem:s28], [sflag:$0x7], $0x400, $0x38;
	[tilespmem:$0x1D000] =	vst v63  }
0x150: {  	s29 =	sld [smem:$0x7ED];
	_ =	sdelay $0x1  }
0x151: {  	s12 =	sld [smem:$0x7EE]  }
0x152: {  	[spmem:s29] =	stream.linear.scatter [tilespmem:s28], [sflag:$0x7], $0x400, $0x38;
	[tilespmem:$0x1D000] =	vst v63  }
0x153: {  	s13 =	sld [smem:$0x7EF]  }
0x154: {  	[spmem:s12] =	stream.linear.scatter [tilespmem:s28], [sflag:$0x7], $0x400, $0x38;
	[tilespmem:$0x1D000] =	vst v63  }
0x155: {  	s15 =	sld [smem:$0x7F0]  }
0x156: {  	[spmem:s13] =	stream.linear.scatter [tilespmem:s28], [sflag:$0x7], $0x400, $0x38;
	[tilespmem:$0x1D000] =	vst v63  }
0x157: {  	s29 =	sld [smem:$0x7F1]  }
0x158: {  	[spmem:s15] =	stream.linear.scatter [tilespmem:s28], [sflag:$0x7], $0x400, $0x38;
	[tilespmem:$0x1D000] =	vst v63  }
0x159: {  	s12 =	sld [smem:$0x7F2]  }
0x15a: {  	[spmem:s29] =	stream.linear.scatter [tilespmem:s28], [sflag:$0x7], $0x400, $0x38;
	[tilespmem:$0x1D000] =	vst v63  }
0x15b: {  	s13 =	sld [smem:$0x7F3]  }
0x15c: {  	[spmem:s12] =	stream.linear.scatter [tilespmem:s28], [sflag:$0x7], $0x400, $0x38;
	[tilespmem:$0x1D000] =	vst v63  }
0x15d: {  	s15 =	sld [smem:$0x7F4]  }
0x15e: {  	[spmem:s13] =	stream.linear.scatter [tilespmem:s28], [sflag:$0x7], $0x400, $0x38;
	[tilespmem:$0x1D000] =	vst v63  }
0x15f: {  	s29 =	sld [smem:$0x7F5]  }
0x160: {  	[spmem:s15] =	stream.linear.scatter [tilespmem:s28], [sflag:$0x7], $0x400, $0x38;
	[tilespmem:$0x1D000] =	vst v63  }
0x161: {  	s12 =	sld [smem:$0x7F6]  }
0x162: {  	[spmem:s29] =	stream.linear.scatter [tilespmem:s28], [sflag:$0x7], $0x400, $0x38;
	[tilespmem:$0x1D000] =	vst v63  }
0x163: {  	s13 =	sld [smem:$0x7F7]  }
0x164: {  	[spmem:s12] =	stream.linear.scatter [tilespmem:s28], [sflag:$0x7], $0x400, $0x38;
	[tilespmem:$0x1D000] =	vst v63  }
0x165: {  	s15 =	sld [smem:$0x7F8]  }
0x166: {  	[spmem:s13] =	stream.linear.scatter [tilespmem:s28], [sflag:$0x7], $0x400, $0x38;
	[tilespmem:$0x1D000] =	vst v63  }
0x167: {  	s29 =	sld [smem:$0x7F9]  }
0x168: {  	[spmem:s15] =	stream.linear.scatter [tilespmem:s28], [sflag:$0x7], $0x400, $0x38;
	[tilespmem:$0x1D000] =	vst v63  }
0x169: {  	s12 =	sld [smem:$0x7FA]  }
0x16a: {  	[spmem:s29] =	stream.linear.scatter [tilespmem:s28], [sflag:$0x7], $0x400, $0x38;
	[tilespmem:$0x1D000] =	vst v63  }
0x16b: {  	_ = 	snop  }
0x16c: {  	[spmem:s12] =	stream.linear.scatter [tilespmem:s28], [sflag:$0x7], $0x400, $0x38;
	[tilespmem:$0x1D000] =	vst v63  }
0x16d: {  	s13 =	rddreg [dreg:$0xd];
	s12 =	simm.s32 $0x8  }
0x16e: {  	[tilespmem:s4], [sflag:$0x8] =	stream.linear.gather [hbm4b:s13+s4], $0x400, $0x38;
	[tilespmem:$0x1D000] =	vst v63  }
0x16f: {  	_ =	swait.ge [sflag:s12], $0x400  }
0x170: {  	s15 =	sld [smem:$0x7FB]  }
0x171: {  	[sflag:s12] =	ssyncset.done $0x0  }
0x172: {  	s29 =	simm.s32 $0x800;
	[sflag:s12] =	ssyncadd.s32 $0xFFFFFC00  }
0x173: {  	[tilespmem:s29], [sflag:$0x8] =	stream.linear.gather [hbm4b:s15+s4], $0x400, $0x38;
	[tilespmem:$0x1D000] =	vst v63  }
0x174: {  	_ =	swait.ge [sflag:s12], $0x400  }
0x175: {  	[sflag:s12] =	ssyncset.done $0x0  }
0x176: {  	[sflag:s12] =	ssyncadd.s32 $0xFFFFFC00  }
0x177: {  	_ =	swait.ge [sflag:s30], $0x400  }
0x178: {  	[sflag:s30] =	ssyncset.done $0x0  }
0x179: {  	[sflag:s30] =	ssyncadd.s32 $0xFFFFFC00  }
0x17a: {  	_ =	swait.ge [sflag:s30], $0x400  }
0x17b: {  	[sflag:s30] =	ssyncset.done $0x0  }
0x17c: {  	[sflag:s30] =	ssyncadd.s32 $0xFFFFFC00  }
0x17d: {  	_ =	swait.ge [sflag:s30], $0x400  }
0x17e: {  	[sflag:s30] =	ssyncset.done $0x0  }
0x17f: {  	[sflag:s30] =	ssyncadd.s32 $0xFFFFFC00  }
0x180: {  	_ =	swait.ge [sflag:s30], $0x400  }
0x181: {  	[sflag:s30] =	ssyncset.done $0x0  }
0x182: {  	[sflag:s30] =	ssyncadd.s32 $0xFFFFFC00  }
0x183: {  	_ =	swait.ge [sflag:s30], $0x400  }
0x184: {  	[sflag:s30] =	ssyncset.done $0x0  }
0x185: {  	[sflag:s30] =	ssyncadd.s32 $0xFFFFFC00  }
0x186: {  	_ =	swait.ge [sflag:s30], $0x400  }
0x187: {  	[sflag:s30] =	ssyncset.done $0x0  }
0x188: {  	[sflag:s30] =	ssyncadd.s32 $0xFFFFFC00  }
0x189: {  	_ =	swait.ge [sflag:s30], $0x400  }
0x18a: {  	[sflag:s30] =	ssyncset.done $0x0  }
0x18b: {  	[sflag:s30] =	ssyncadd.s32 $0xFFFFFC00  }
0x18c: {  	_ =	swait.ge [sflag:s30], $0x400  }
0x18d: {  	[sflag:s30] =	ssyncset.done $0x0  }
0x18e: {  	[sflag:s30] =	ssyncadd.s32 $0xFFFFFC00  }
0x18f: {  	_ =	swait.ge [sflag:s30], $0x400  }
0x190: {  	[sflag:s30] =	ssyncset.done $0x0  }
0x191: {  	[sflag:s30] =	ssyncadd.s32 $0xFFFFFC00  }
0x192: {  	_ =	swait.ge [sflag:s30], $0x400  }
0x193: {  	[sflag:s30] =	ssyncset.done $0x0  }
0x194: {  	[sflag:s30] =	ssyncadd.s32 $0xFFFFFC00  }
0x195: {  	_ =	swait.ge [sflag:s30], $0x400  }
0x196: {  	[sflag:s30] =	ssyncset.done $0x0  }
0x197: {  	[sflag:s30] =	ssyncadd.s32 $0xFFFFFC00  }
0x198: {  	_ =	swait.ge [sflag:s30], $0x400  }
0x199: {  	[sflag:s30] =	ssyncset.done $0x0  }
0x19a: {  	[sflag:s30] =	ssyncadd.s32 $0xFFFFFC00  }
0x19b: {  	_ =	swait.ge [sflag:s30], $0x400  }
0x19c: {  	[sflag:s30] =	ssyncset.done $0x0  }
0x19d: {  	[sflag:s30] =	ssyncadd.s32 $0xFFFFFC00  }
0x19e: {  	_ =	swait.ge [sflag:s30], $0x400  }
0x19f: {  	[sflag:s30] =	ssyncset.done $0x0  }
0x1a0: {  	[sflag:s30] =	ssyncadd.s32 $0xFFFFFC00  }
0x1a1: {  	_ =	swait.ge [sflag:s30], $0x400  }
0x1a2: {  	[sflag:s30] =	ssyncset.done $0x0  }
0x1a3: {  	[sflag:s30] =	ssyncadd.s32 $0xFFFFFC00  }
0x1a4: {  	_ =	swait.ge [sflag:s30], $0x400  }
0x1a5: {  	[sflag:s30] =	ssyncset.done $0x0  }
0x1a6: {  	[sflag:s30] =	ssyncadd.s32 $0xFFFFFC00  }
0x1a7: {  	_ =	swait.ge [sflag:s30], $0x400  }
0x1a8: {  	[sflag:s30] =	ssyncset.done $0x0  }
0x1a9: {  	[sflag:s30] =	ssyncadd.s32 $0xFFFFFC00  }
0x1aa: {  	_ =	swait.ge [sflag:s30], $0x400  }
0x1ab: {  	[sflag:s30] =	ssyncset.done $0x0  }
0x1ac: {  	[sflag:s30] =	ssyncadd.s32 $0xFFFFFC00  }
0x1ad: {  	_ =	swait.ge [sflag:s30], $0x400  }
0x1ae: {  	[sflag:s30] =	ssyncset.done $0x0  }
0x1af: {  	[sflag:s30] =	ssyncadd.s32 $0xFFFFFC00  }
0x1b0: {  	_ =	swait.ge [sflag:s30], $0x400  }
0x1b1: {  	[sflag:s30] =	ssyncset.done $0x0  }
0x1b2: {  	[sflag:s30] =	ssyncadd.s32 $0xFFFFFC00  }
0x1b3: {  	_ =	swait.ge [sflag:s30], $0x400  }
0x1b4: {  	[sflag:s30] =	ssyncset.done $0x0  }
0x1b5: {  	[sflag:s30] =	ssyncadd.s32 $0xFFFFFC00  }
0x1b6: {  	_ =	swait.ge [sflag:s30], $0x400  }
0x1b7: {  	[sflag:s30] =	ssyncset.done $0x0  }
0x1b8: {  	[sflag:s30] =	ssyncadd.s32 $0xFFFFFC00  }
0x1b9: {  	_ =	swait.ge [sflag:s30], $0x400  }
0x1ba: {  	[sflag:s30] =	ssyncset.done $0x0  }
0x1bb: {  	[sflag:s30] =	ssyncadd.s32 $0xFFFFFC00  }
0x1bc: {  	_ =	swait.ge [sflag:s30], $0x400  }
0x1bd: {  	[sflag:s30] =	ssyncset.done $0x0  }
0x1be: {  	[sflag:s30] =	ssyncadd.s32 $0xFFFFFC00  }
0x1bf: {  	_ =	swait.ge [sflag:s30], $0x400  }
0x1c0: {  	[sflag:s30] =	ssyncset.done $0x0  }
0x1c1: {  	[sflag:s30] =	ssyncadd.s32 $0xFFFFFC00  }
0x1c2: {  	_ =	swait.ge [sflag:s30], $0x400  }
0x1c3: {  	[sflag:s30] =	ssyncset.done $0x0  }
0x1c4: {  	[sflag:s30] =	ssyncadd.s32 $0xFFFFFC00  }
0x1c5: {  	_ =	swait.ge [sflag:s30], $0x400  }
0x1c6: {  	[sflag:s30] =	ssyncset.done $0x0  }
0x1c7: {  	[sflag:s30] =	ssyncadd.s32 $0xFFFFFC00  }
0x1c8: {  	_ =	swait.ge [sflag:s30], $0x400  }
0x1c9: {  	[sflag:s30] =	ssyncset.done $0x0  }
0x1ca: {  	[sflag:s30] =	ssyncadd.s32 $0xFFFFFC00  }
0x1cb: {  	_ =	swait.ge [sflag:s30], $0x400  }
0x1cc: {  	[sflag:s30] =	ssyncset.done $0x0  }
0x1cd: {  	[sflag:s30] =	ssyncadd.s32 $0xFFFFFC00  }
0x1ce: {  	_ =	swait.ge [sflag:s30], $0x400  }
0x1cf: {  	[sflag:s30] =	ssyncset.done $0x0  }
0x1d0: {  	[sflag:s30] =	ssyncadd.s32 $0xFFFFFC00  }
0x1d1: {  	_ =	swait.ge [sflag:s30], $0x400  }
0x1d2: {  	[sflag:s30] =	ssyncset.done $0x0  }
0x1d3: {  	[sflag:s30] =	ssyncadd.s32 $0xFFFFFC00  }
0x1d4: {  	_ =	swait.ge [sflag:s30], $0x400  }
0x1d5: {  	[sflag:s30] =	ssyncset.done $0x0  }
0x1d6: {  	[sflag:s30] =	ssyncadd.s32 $0xFFFFFC00  }
0x1d7: {  	_ =	swait.ge [sflag:s30], $0x400  }
0x1d8: {  	[sflag:s30] =	ssyncset.done $0x0  }
0x1d9: {  	[sflag:s30] =	ssyncadd.s32 $0xFFFFFC00  }
0x1da: {  	_ =	swait.ge [sflag:s30], $0x400  }
0x1db: {  	[sflag:s30] =	ssyncset.done $0x0  }
0x1dc: {  	[sflag:s30] =	ssyncadd.s32 $0xFFFFFC00  }
0x1dd: {  	_ =	swait.ge [sflag:s30], $0x400  }
0x1de: {  	[sflag:s30] =	ssyncset.done $0x0  }
0x1df: {  	[sflag:s30] =	ssyncadd.s32 $0xFFFFFC00  }
0x1e0: {  	_ =	swait.ge [sflag:s30], $0x400  }
0x1e1: {  	[sflag:s30] =	ssyncset.done $0x0  }
0x1e2: {  	[sflag:s30] =	ssyncadd.s32 $0xFFFFFC00  }
0x1e3: {  	_ =	swait.ge [sflag:s30], $0x400  }
0x1e4: {  	[sflag:s30] =	ssyncset.done $0x0  }
0x1e5: {  	[sflag:s30] =	ssyncadd.s32 $0xFFFFFC00  }
0x1e6: {  	_ =	swait.ge [sflag:s30], $0x400  }
0x1e7: {  	[sflag:s30] =	ssyncset.done $0x0  }
0x1e8: {  	[sflag:s30] =	ssyncadd.s32 $0xFFFFFC00  }
0x1e9: {  	_ =	swait.ge [sflag:s30], $0x400  }
0x1ea: {  	[sflag:s30] =	ssyncset.done $0x0  }
0x1eb: {  	[sflag:s30] =	ssyncadd.s32 $0xFFFFFC00  }
0x1ec: {  	_ =	swait.ge [sflag:s30], $0x400  }
0x1ed: {  	[sflag:s30] =	ssyncset.done $0x0  }
0x1ee: {  	[sflag:s30] =	ssyncadd.s32 $0xFFFFFC00  }
0x1ef: {  	_ =	swait.ge [sflag:s30], $0x400  }
0x1f0: {  	[sflag:s30] =	ssyncset.done $0x0  }
0x1f1: {  	[sflag:s30] =	ssyncadd.s32 $0xFFFFFC00  }
0x1f2: {  	_ =	swait.ge [sflag:s30], $0x400  }
0x1f3: {  	[sflag:s30] =	ssyncset.done $0x0  }
0x1f4: {  	[sflag:s30] =	ssyncadd.s32 $0xFFFFFC00  }
0x1f5: {  	_ =	swait.ge [sflag:s30], $0x400  }
0x1f6: {  	[sflag:s30] =	ssyncset.done $0x0  }
0x1f7: {  	[sflag:s30] =	ssyncadd.s32 $0xFFFFFC00  }
0x1f8: {  	_ =	swait.ge [sflag:s30], $0x400  }
0x1f9: {  	[sflag:s30] =	ssyncset.done $0x0  }
0x1fa: {  	[sflag:s30] =	ssyncadd.s32 $0xFFFFFC00  }
0x1fb: {  	_ =	swait.ge [sflag:s30], $0x400  }
0x1fc: {  	[sflag:s30] =	ssyncset.done $0x0  }
0x1fd: {  	[sflag:s30] =	ssyncadd.s32 $0xFFFFFC00  }
0x1fe: {  	_ =	swait.ge [sflag:s30], $0x400  }
0x1ff: {  	[sflag:s30] =	ssyncset.done $0x0  }
0x200: {  	[sflag:s30] =	ssyncadd.s32 $0xFFFFFC00  }
0x201: {  	_ =	swait.ge [sflag:s30], $0x400  }
0x202: {  	[sflag:s30] =	ssyncset.done $0x0  }
0x203: {  	[sflag:s30] =	ssyncadd.s32 $0xFFFFFC00  }
0x204: {  	_ =	swait.ge [sflag:s30], $0x400  }
0x205: {  	[sflag:s30] =	ssyncset.done $0x0  }
0x206: {  	[sflag:s30] =	ssyncadd.s32 $0xFFFFFC00  }
0x207: {  	_ =	swait.ge [sflag:s30], $0x400  }
0x208: {  	[sflag:s30] =	ssyncset.done $0x0  }
0x209: {  	[sflag:s30] =	ssyncadd.s32 $0xFFFFFC00  }
0x20a: {  	_ =	swait.ge [sflag:s30], $0x400  }
0x20b: {  	[sflag:s30] =	ssyncset.done $0x0  }
0x20c: {  	[sflag:s30] =	ssyncadd.s32 $0xFFFFFC00  }
0x20d: {  	_ =	swait.ge [sflag:s30], $0x400  }
0x20e: {  	[sflag:s30] =	ssyncset.done $0x0  }
0x20f: {  	[sflag:s30] =	ssyncadd.s32 $0xFFFFFC00  }
0x210: {  	_ =	swait.ge [sflag:s30], $0x400  }
0x211: {  	[sflag:s30] =	ssyncset.done $0x0  }
0x212: {  	[sflag:s30] =	ssyncadd.s32 $0xFFFFFC00  }
0x213: {  	_ =	swait.ge [sflag:s30], $0x400  }
0x214: {  	[sflag:s30] =	ssyncset.done $0x0  }
0x215: {  	[sflag:s30] =	ssyncadd.s32 $0xFFFFFC00  }
0x216: {  	_ =	swait.ge [sflag:s30], $0x400  }
0x217: {  	[sflag:s30] =	ssyncset.done $0x0  }
0x218: {  	[sflag:s30] =	ssyncadd.s32 $0xFFFFFC00  }
0x219: {  	_ =	swait.ge [sflag:s30], $0x400  }
0x21a: {  	[sflag:s30] =	ssyncset.done $0x0  }
0x21b: {  	[sflag:s30] =	ssyncadd.s32 $0xFFFFFC00  }
0x21c: {  	_ =	swait.ge [sflag:s30], $0x400  }
0x21d: {  	[sflag:s30] =	ssyncset.done $0x0  }
0x21e: {  	[sflag:s30] =	ssyncadd.s32 $0xFFFFFC00  }
0x21f: {  	_ =	swait.ge [sflag:s30], $0x400  }
0x220: {  	[sflag:s30] =	ssyncset.done $0x0  }
0x221: {  	[sflag:s30] =	ssyncadd.s32 $0xFFFFFC00  }
0x222: {  	_ =	swait.ge [sflag:s30], $0x400  }
0x223: {  	[sflag:s30] =	ssyncset.done $0x0  }
0x224: {  	[sflag:s30] =	ssyncadd.s32 $0xFFFFFC00  }
0x225: {  	_ =	swait.ge [sflag:s30], $0x400  }
0x226: {  	[sflag:s30] =	ssyncset.done $0x0  }
0x227: {  	[sflag:s30] =	ssyncadd.s32 $0xFFFFFC00  }
0x228: {  	_ =	swait.ge [sflag:s30], $0x400  }
0x229: {  	[sflag:s30] =	ssyncset.done $0x0  }
0x22a: {  	[sflag:s30] =	ssyncadd.s32 $0xFFFFFC00  }
0x22b: {  	_ =	swait.ge [sflag:s30], $0x400  }
0x22c: {  	[sflag:s30] =	ssyncset.done $0x0  }
0x22d: {  	[sflag:s30] =	ssyncadd.s32 $0xFFFFFC00  }
0x22e: {  	_ =	swait.ge [sflag:s30], $0x400  }
0x22f: {  	[sflag:s30] =	ssyncset.done $0x0  }
0x230: {  	[sflag:s30] =	ssyncadd.s32 $0xFFFFFC00  }
0x231: {  	_ =	swait.ge [sflag:s30], $0x400  }
0x232: {  	[sflag:s30] =	ssyncset.done $0x0  }
0x233: {  	[sflag:s30] =	ssyncadd.s32 $0xFFFFFC00  }
0x234: {  	_ =	swait.ge [sflag:s30], $0x400  }
0x235: {  	[sflag:s30] =	ssyncset.done $0x0  }
0x236: {  	[sflag:s30] =	ssyncadd.s32 $0xFFFFFC00  }
0x237: {  	_ =	swait.ge [sflag:s30], $0x400  }
0x238: {  	[sflag:s30] =	ssyncset.done $0x0  }
0x239: {  	[sflag:s30] =	ssyncadd.s32 $0xFFFFFC00  }
0x23a: {  	_ =	swait.ge [sflag:s30], $0x400  }
0x23b: {  	[sflag:s30] =	ssyncset.done $0x0  }
0x23c: {  	[sflag:s30] =	ssyncadd.s32 $0xFFFFFC00  }
0x23d: {  	_ =	swait.ge [sflag:s30], $0x400  }
0x23e: {  	[sflag:s30] =	ssyncset.done $0x0  }
0x23f: {  	[sflag:s30] =	ssyncadd.s32 $0xFFFFFC00  }
0x240: {  	_ =	swait.ge [sflag:s30], $0x400  }
0x241: {  	[sflag:s30] =	ssyncset.done $0x0  }
0x242: {  	[sflag:s30] =	ssyncadd.s32 $0xFFFFFC00  }
0x243: {  	_ =	swait.ge [sflag:s30], $0x400  }
0x244: {  	[sflag:s30] =	ssyncset.done $0x0  }
0x245: {  	[sflag:s30] =	ssyncadd.s32 $0xFFFFFC00  }
0x246: {  	_ =	swait.ge [sflag:s30], $0x400  }
0x247: {  	[sflag:s30] =	ssyncset.done $0x0  }
0x248: {  	[sflag:s30] =	ssyncadd.s32 $0xFFFFFC00  }
0x249: {  	_ =	swait.ge [sflag:s30], $0x400  }
0x24a: {  	[sflag:s30] =	ssyncset.done $0x0  }
0x24b: {  	[sflag:s30] =	ssyncadd.s32 $0xFFFFFC00  }
0x24c: {  	_ =	swait.ge [sflag:s30], $0x400  }
0x24d: {  	[sflag:s30] =	ssyncset.done $0x0  }
0x24e: {  	[sflag:s30] =	ssyncadd.s32 $0xFFFFFC00  }
0x24f: {  	_ =	swait.ge [sflag:s30], $0x400  }
0x250: {  	[sflag:s30] =	ssyncset.done $0x0  }
0x251: {  	[sflag:s30] =	ssyncadd.s32 $0xFFFFFC00  }
0x252: {  	_ =	swait.ge [sflag:s30], $0x400  }
0x253: {  	[sflag:s30] =	ssyncset.done $0x0  }
0x254: {  	[sflag:s30] =	ssyncadd.s32 $0xFFFFFC00  }
0x255: {  	_ =	swait.ge [sflag:s30], $0x400  }
0x256: {  	[sflag:s30] =	ssyncset.done $0x0  }
0x257: {  	[sflag:s30] =	ssyncadd.s32 $0xFFFFFC00  }
0x258: {  	_ =	swait.ge [sflag:s30], $0x400  }
0x259: {  	[sflag:s30] =	ssyncset.done $0x0  }
0x25a: {  	[sflag:s30] =	ssyncadd.s32 $0xFFFFFC00  }
0x25b: {  	_ =	swait.ge [sflag:s30], $0x400  }
0x25c: {  	[sflag:s30] =	ssyncset.done $0x0  }
0x25d: {  	[sflag:s30] =	ssyncadd.s32 $0xFFFFFC00  }
0x25e: {  	_ =	swait.ge [sflag:s30], $0x400  }
0x25f: {  	[sflag:s30] =	ssyncset.done $0x0  }
0x260: {  	[sflag:s30] =	ssyncadd.s32 $0xFFFFFC00  }
0x261: {  	_ =	swait.ge [sflag:s30], $0x400  }
0x262: {  	[sflag:s30] =	ssyncset.done $0x0  }
0x263: {  	[sflag:s30] =	ssyncadd.s32 $0xFFFFFC00  }
0x264: {  	[bflag:$0x0] =	sbarrier.arrive $0xFFFF  }
0x265: {  	s13 =	sld [smem:$0x7FC];
	_ =	sdelay $0x1  }
0x266: {  	s15 =	sld [smem:$0x7FD]  }
0x267: {  	[tilespmem:s31], [sflag:$0x6] =	stream.linear.gather [hbm4b:s13+s4], $0x400, $0x38;
	[tilespmem:$0x1D000] =	vst v63  }
0x268: {  	_ = 	snop  }
0x269: {  	[tilespmem:s0], [sflag:$0x6] =	stream.linear.gather [hbm4b:s15+s4], $0x400, $0x38;
	[tilespmem:$0x1D000] =	vst v63  }
0x26a: {  	_ = 	snop  }
0x26b: {  	[tilespmem:s25], [sflag:$0x1] =	stream.indirect.gather [hbm4b:s1+s3], $0x80, s4, s3, $0xb8;
	[tilespmem:$0x1D000] =	vst v63  }
0x26c: {  	s29 =	simm.s32 $0x80;
	s12 =	simm.s32 $0x0;
	s11 =	rddreg [dreg:$0x14]  }
0x26d: {  	[tilespmem:s8], [sflag:$0x2] =	stream.indirect.gather [hbm4b:s1+s3], $0x80, s29, s3, $0xb8;
	[tilespmem:$0x1D000] =	vst v63  }
.LBB2_2:
0x26e: {  	_ =	swait.ge [sflag:s9], $0x3E80  }
0x26f: {  	[sflag:s9] =	ssyncset.done $0x0  }
0x270: {  	s13 =	simm.s32 $0x800;
	[sflag:s9] =	ssyncadd.s32 $0xFFFFC180  }
0x271: {  	[spmem:s2] =	stream.indirect.scatter.add.f32 [tilespmem:s25], [sflag:$0x3], $0x80, s13, s3, $0xb8;
	[tilespmem:$0x1D000] =	vst v63  }
0x272: {  	_ =	swait.ge [sflag:s10], $0x3E80  }
0x273: {  	[sflag:s10] =	ssyncset.done $0x0  }
0x274: {  	s29 =	simm.s32 $0x100;
	[sflag:s10] =	ssyncadd.s32 $0xFFFFC180  }
0x275: {  	[tilespmem:s25], [sflag:$0x1] =	stream.indirect.gather [hbm4b:s1+s3], $0x80, s29, s3, $0xb8;
	[tilespmem:$0x1D000] =	vst v63  }
0x276: {  	_ =	swait.ge [sflag:s17], $0x3E80  }
0x277: {  	[sflag:s17] =	ssyncset.done $0x0  }
0x278: {  	s15 =	simm.s32 $0x880;
	[sflag:s17] =	ssyncadd.s32 $0xFFFFC180  }
0x279: {  	[spmem:s2] =	stream.indirect.scatter.add.f32 [tilespmem:s8], [sflag:$0x4], $0x80, s15, s3, $0xb8;
	[tilespmem:$0x1D000] =	vst v63  }
0x27a: {  	_ =	swait.ge [sflag:s19], $0x3E80  }
0x27b: {  	[sflag:s19] =	ssyncset.done $0x0  }
0x27c: {  	s29 =	simm.s32 $0x180;
	[sflag:s19] =	ssyncadd.s32 $0xFFFFC180  }
0x27d: {  	[tilespmem:s8], [sflag:$0x2] =	stream.indirect.gather [hbm4b:s1+s3], $0x80, s29, s3, $0xb8;
	[tilespmem:$0x1D000] =	vst v63  }
0x27e: {  	_ =	swait.ge [sflag:s9], $0x3E80  }
0x27f: {  	[sflag:s9] =	ssyncset.done $0x0  }
0x280: {  	s15 =	simm.s32 $0x900;
	[sflag:s9] =	ssyncadd.s32 $0xFFFFC180  }
0x281: {  	[spmem:s2] =	stream.indirect.scatter.add.f32 [tilespmem:s25], [sflag:$0x3], $0x80, s15, s3, $0xb8;
	[tilespmem:$0x1D000] =	vst v63  }
0x282: {  	_ =	swait.ge [sflag:s10], $0x3E80  }
0x283: {  	[sflag:s10] =	ssyncset.done $0x0  }
0x284: {  	s29 =	simm.s32 $0x200;
	[sflag:s10] =	ssyncadd.s32 $0xFFFFC180  }
0x285: {  	[tilespmem:s25], [sflag:$0x1] =	stream.indirect.gather [hbm4b:s1+s3], $0x80, s29, s3, $0xb8;
	[tilespmem:$0x1D000] =	vst v63  }
0x286: {  	_ =	swait.ge [sflag:s17], $0x3E80  }
0x287: {  	[sflag:s17] =	ssyncset.done $0x0  }
0x288: {  	s15 =	simm.s32 $0x980;
	[sflag:s17] =	ssyncadd.s32 $0xFFFFC180  }
0x289: {  	[spmem:s2] =	stream.indirect.scatter.add.f32 [tilespmem:s8], [sflag:$0x4], $0x80, s15, s3, $0xb8;
	[tilespmem:$0x1D000] =	vst v63  }
0x28a: {  	_ =	swait.ge [sflag:s19], $0x3E80  }
0x28b: {  	[sflag:s19] =	ssyncset.done $0x0  }
0x28c: {  	s29 =	simm.s32 $0x280;
	[sflag:s19] =	ssyncadd.s32 $0xFFFFC180  }
0x28d: {  	[tilespmem:s8], [sflag:$0x2] =	stream.indirect.gather [hbm4b:s1+s3], $0x80, s29, s3, $0xb8;
	[tilespmem:$0x1D000] =	vst v63  }
0x28e: {  	_ =	swait.ge [sflag:s9], $0x3E80  }
0x28f: {  	[sflag:s9] =	ssyncset.done $0x0  }
0x290: {  	s15 =	simm.s32 $0xA00;
	[sflag:s9] =	ssyncadd.s32 $0xFFFFC180  }
0x291: {  	[spmem:s2] =	stream.indirect.scatter.add.f32 [tilespmem:s25], [sflag:$0x3], $0x80, s15, s3, $0xb8;
	[tilespmem:$0x1D000] =	vst v63  }
0x292: {  	_ =	swait.ge [sflag:s10], $0x3E80  }
0x293: {  	[sflag:s10] =	ssyncset.done $0x0  }
0x294: {  	[sflag:s10] =	ssyncadd.s32 $0xFFFFC180  }
0x295: {  	_ =	swait.ge [sflag:s14], $0x400  }
0x296: {  	[sflag:s14] =	ssyncset.done $0x0  }
0x297: {  	[sflag:s14] =	ssyncadd.s32 $0xFFFFFC00  }
0x298: {  	_ =	swait.ge [sflag:s14], $0x400  }
0x299: {  	[sflag:s14] =	ssyncset.done $0x0  }
0x29a: {  	s29 =	simm.s32 $0x300;
	[sflag:s14] =	ssyncadd.s32 $0xFFFFFC00  }
0x29b: {  	[tilespmem:s25], [sflag:$0x1] =	stream.indirect.gather [hbm4b:s1+s3], $0x80, s29, s3, $0xb8;
	[tilespmem:$0x1D000] =	vst v63  }
0x29c: {  	_ =	swait.ge [sflag:s17], $0x3E80  }
0x29d: {  	[sflag:s17] =	ssyncset.done $0x0  }
0x29e: {  	s15 =	simm.s32 $0xA80;
	[sflag:s17] =	ssyncadd.s32 $0xFFFFC180  }
0x29f: {  	[spmem:s2] =	stream.indirect.scatter.add.f32 [tilespmem:s8], [sflag:$0x4], $0x80, s15, s3, $0xb8;
	[tilespmem:$0x1D000] =	vst v63  }
0x2a0: {  	_ =	swait.ge [sflag:s19], $0x3E80  }
0x2a1: {  	[sflag:s19] =	ssyncset.done $0x0  }
0x2a2: {  	s29 =	simm.s32 $0x380;
	[sflag:s19] =	ssyncadd.s32 $0xFFFFC180  }
0x2a3: {  	[tilespmem:s8], [sflag:$0x2] =	stream.indirect.gather [hbm4b:s1+s3], $0x80, s29, s3, $0xb8;
	[tilespmem:$0x1D000] =	vst v63  }
0x2a4: {  	_ =	swait.ge [sflag:s9], $0x3E80  }
0x2a5: {  	[sflag:s9] =	ssyncset.done $0x0  }
0x2a6: {  	s15 =	simm.s32 $0xB00;
	[sflag:s9] =	ssyncadd.s32 $0xFFFFC180  }
0x2a7: {  	[spmem:s2] =	stream.indirect.scatter.add.f32 [tilespmem:s25], [sflag:$0x3], $0x80, s15, s3, $0xb8;
	[tilespmem:$0x1D000] =	vst v63  }
0x2a8: {  	_ =	swait.ge [sflag:s10], $0x3E80  }
0x2a9: {  	[sflag:s10] =	ssyncset.done $0x0  }
0x2aa: {  	[sflag:s10] =	ssyncadd.s32 $0xFFFFC180  }
0x2ab: {  	[tilespmem:s25], [sflag:$0x1] =	stream.indirect.gather [hbm4b:s1+s3], $0x80, s31, s3, $0xb8;
	[tilespmem:$0x1D000] =	vst v63  }
0x2ac: {  	_ =	swait.ge [sflag:s17], $0x3E80  }
0x2ad: {  	[sflag:s17] =	ssyncset.done $0x0  }
0x2ae: {  	s29 =	simm.s32 $0xB80;
	[sflag:s17] =	ssyncadd.s32 $0xFFFFC180  }
0x2af: {  	[spmem:s2] =	stream.indirect.scatter.add.f32 [tilespmem:s8], [sflag:$0x4], $0x80, s29, s3, $0xb8;
	[tilespmem:$0x1D000] =	vst v63  }
0x2b0: {  	_ =	swait.ge [sflag:s19], $0x3E80  }
0x2b1: {  	p0 =	seq.s32 s12, $0x400;
	[sflag:s19] =	ssyncset.done $0x0  }
0x2b2: {  	s13 =	sshrl.u32 @!p0 s11, $0x3;
	s15 =	simm.s32 $0x480;
	[sflag:s19] =	ssyncadd.s32 $0xFFFFC180  }
0x2b3: {  	[tilespmem:s8], [sflag:$0x2] =	stream.indirect.gather [hbm4b:s1+s3], $0x80, s15, s3, $0xb8;
	[tilespmem:$0x1D000] =	vst v63  }
0x2b4: {  	s13 =	sadd.s32 @!p0 s5, s13;
	s29 =	simm.s32 @!p0 $0x0  }
0x2b5: {  	[tilespmem:s29], [sflag:$0x5] =	stream.linear.gather @!p0 [hbm4b:s13+s29], $0x400, $0x38;
	[tilespmem:$0x1D000] =	vst v63  }
0x2b6: {  	s15 =	simm.s32 @!p0 $0x800;
	s13 =	sadd.s32 @!p0 s12, s24  }
0x2b7: {  	[tilespmem:s15], [sflag:$0x5] =	stream.linear.gather @!p0 [hbm4b:s13+s29], $0x400, $0x38;
	[tilespmem:$0x1D000] =	vst v63  }
0x2b8: {  	_ =	swait.ge [sflag:s9], $0x3E80  }
0x2b9: {  	[sflag:s9] =	ssyncset.done $0x0  }
0x2ba: {  	[sflag:s9] =	ssyncadd.s32 $0xFFFFC180  }
0x2bb: {  	[spmem:s2] =	stream.indirect.scatter.add.f32 [tilespmem:s25], [sflag:$0x3], $0x80, s0, s3, $0xb8;
	[tilespmem:$0x1D000] =	vst v63  }
0x2bc: {  	_ =	swait.ge [sflag:s10], $0x3E80  }
0x2bd: {  	[sflag:s10] =	ssyncset.done $0x0  }
0x2be: {  	s29 =	simm.s32 $0x500;
	[sflag:s10] =	ssyncadd.s32 $0xFFFFC180  }
0x2bf: {  	[tilespmem:s25], [sflag:$0x1] =	stream.indirect.gather [hbm4b:s1+s3], $0x80, s29, s3, $0xb8;
	[tilespmem:$0x1D000] =	vst v63  }
0x2c0: {  	_ =	swait.ge [sflag:s17], $0x3E80  }
0x2c1: {  	[sflag:s17] =	ssyncset.done $0x0  }
0x2c2: {  	s15 =	simm.s32 $0xC80;
	[sflag:s17] =	ssyncadd.s32 $0xFFFFC180  }
0x2c3: {  	[spmem:s2] =	stream.indirect.scatter.add.f32 [tilespmem:s8], [sflag:$0x4], $0x80, s15, s3, $0xb8;
	[tilespmem:$0x1D000] =	vst v63  }
0x2c4: {  	_ =	swait.ge [sflag:s19], $0x3E80  }
0x2c5: {  	[sflag:s19] =	ssyncset.done $0x0  }
0x2c6: {  	s29 =	simm.s32 $0x580;
	[sflag:s19] =	ssyncadd.s32 $0xFFFFC180  }
0x2c7: {  	[tilespmem:s8], [sflag:$0x2] =	stream.indirect.gather [hbm4b:s1+s3], $0x80, s29, s3, $0xb8;
	[tilespmem:$0x1D000] =	vst v63  }
0x2c8: {  	_ =	swait.ge [sflag:s9], $0x3E80  }
0x2c9: {  	[sflag:s9] =	ssyncset.done $0x0  }
0x2ca: {  	s15 =	simm.s32 $0xD00;
	[sflag:s9] =	ssyncadd.s32 $0xFFFFC180  }
0x2cb: {  	[spmem:s2] =	stream.indirect.scatter.add.f32 [tilespmem:s25], [sflag:$0x3], $0x80, s15, s3, $0xb8;
	[tilespmem:$0x1D000] =	vst v63  }
0x2cc: {  	_ =	swait.ge [sflag:s10], $0x3E80  }
0x2cd: {  	[sflag:s10] =	ssyncset.done $0x0  }
0x2ce: {  	s29 =	simm.s32 $0x600;
	[sflag:s10] =	ssyncadd.s32 $0xFFFFC180  }
0x2cf: {  	[tilespmem:s25], [sflag:$0x1] =	stream.indirect.gather [hbm4b:s1+s3], $0x80, s29, s3, $0xb8;
	[tilespmem:$0x1D000] =	vst v63  }
0x2d0: {  	_ =	swait.ge [sflag:s17], $0x3E80  }
0x2d1: {  	[sflag:s17] =	ssyncset.done $0x0  }
0x2d2: {  	s15 =	simm.s32 $0xD80;
	[sflag:s17] =	ssyncadd.s32 $0xFFFFC180  }
0x2d3: {  	[spmem:s2] =	stream.indirect.scatter.add.f32 [tilespmem:s8], [sflag:$0x4], $0x80, s15, s3, $0xb8;
	[tilespmem:$0x1D000] =	vst v63  }
0x2d4: {  	_ =	swait.ge [sflag:s19], $0x3E80  }
0x2d5: {  	[sflag:s19] =	ssyncset.done $0x0  }
0x2d6: {  	s29 =	simm.s32 $0x680;
	[sflag:s19] =	ssyncadd.s32 $0xFFFFC180  }
0x2d7: {  	[tilespmem:s8], [sflag:$0x2] =	stream.indirect.gather [hbm4b:s1+s3], $0x80, s29, s3, $0xb8;
	[tilespmem:$0x1D000] =	vst v63  }
0x2d8: {  	_ =	swait.ge [sflag:s9], $0x3E80  }
0x2d9: {  	[sflag:s9] =	ssyncset.done $0x0  }
0x2da: {  	[sflag:s9] =	ssyncadd.s32 $0xFFFFC180  }
0x2db: {  	[spmem:s2] =	stream.indirect.scatter.add.f32 [tilespmem:s25], [sflag:$0x3], $0x80, s6, s3, $0xb8;
	[tilespmem:$0x1D000] =	vst v63  }
0x2dc: {  	_ =	swait.ge [sflag:s10], $0x3E80  }
0x2dd: {  	[sflag:s10] =	ssyncset.done $0x0  }
0x2de: {  	[sflag:s10] =	ssyncadd.s32 $0xFFFFC180  }
0x2df: {  	[tilespmem:s25], [sflag:$0x1] =	stream.indirect.gather [hbm4b:s1+s3], $0x80, s7, s3, $0xb8;
	[tilespmem:$0x1D000] =	vst v63  }
0x2e0: {  	_ =	swait.ge [sflag:s17], $0x3E80  }
0x2e1: {  	[sflag:s17] =	ssyncset.done $0x0  }
0x2e2: {  	[sflag:s17] =	ssyncadd.s32 $0xFFFFC180  }
0x2e3: {  	[spmem:s2] =	stream.indirect.scatter.add.f32 [tilespmem:s8], [sflag:$0x4], $0x80, s16, s3, $0xb8;
	[tilespmem:$0x1D000] =	vst v63  }
0x2e4: {  	_ =	swait.ge [sflag:s19], $0x3E80  }
0x2e5: {  	[sflag:s19] =	ssyncset.done $0x0  }
0x2e6: {  	[sflag:s19] =	ssyncadd.s32 $0xFFFFC180  }
0x2e7: {  	[tilespmem:s8], [sflag:$0x2] =	stream.indirect.gather [hbm4b:s1+s3], $0x80, s18, s3, $0xb8;
	[tilespmem:$0x1D000] =	vst v63  }
0x2e8: {  	_ =	swait.ge [sflag:s9], $0x3E80  }
0x2e9: {  	[sflag:s9] =	ssyncset.done $0x0  }
.Ltmp2:
0x2ea: {  	[sflag:s9] =	ssyncadd.s32 $0xFFFFC180;
	(pc) =	sbr.rel @p0 .LBB2_4-.Ltmp2, $4  }
0x2eb: {  	[spmem:s2] =	stream.indirect.scatter.add.f32 [tilespmem:s25], [sflag:$0x3], $0x80, s20, s3, $0xb8;
	[tilespmem:$0x1D000] =	vst v63  }
0x2ec: {  	_ =	swait.ge [sflag:s10], $0x3E80  }
0x2ed: {  	[sflag:s10] =	ssyncset.done $0x0  }
0x2ee: {  	[sflag:s10] =	ssyncadd.s32 $0xFFFFC180  }
0x2ef: {  	_ =	swait.ge [sflag:s26], $0x400  }
0x2f0: {  	[sflag:s26] =	ssyncset.done $0x0  }
0x2f1: {  	[sflag:s26] =	ssyncadd.s32 $0xFFFFFC00  }
0x2f2: {  	_ =	swait.ge [sflag:s26], $0x400  }
0x2f3: {  	[sflag:s26] =	ssyncset.done $0x0  }
0x2f4: {  	[sflag:s26] =	ssyncadd.s32 $0xFFFFFC00  }
0x2f5: {  	[tilespmem:s25], [sflag:$0x1] =	stream.indirect.gather [hbm4b:s1+s3], $0x80, s4, s3, $0xb8;
	[tilespmem:$0x1D000] =	vst v63  }
0x2f6: {  	_ =	swait.ge [sflag:s17], $0x3E80  }
0x2f7: {  	[sflag:s17] =	ssyncset.done $0x0  }
0x2f8: {  	[sflag:s17] =	ssyncadd.s32 $0xFFFFC180  }
0x2f9: {  	[spmem:s2] =	stream.indirect.scatter.add.f32 [tilespmem:s8], [sflag:$0x4], $0x80, s21, s3, $0xb8;
	[tilespmem:$0x1D000] =	vst v63  }
0x2fa: {  	_ =	swait.ge [sflag:s19], $0x3E80  }
0x2fb: {  	[sflag:s19] =	ssyncset.done $0x0  }
0x2fc: {  	s13 =	simm.s32 $0x80;
	[sflag:s19] =	ssyncadd.s32 $0xFFFFC180  }
0x2fd: {  	[tilespmem:s8], [sflag:$0x2] =	stream.indirect.gather [hbm4b:s1+s3], $0x80, s13, s3, $0xb8;
	[tilespmem:$0x1D000] =	vst v63  }
.Ltmp3:
0x2fe: {  	_ = 	snop;
	(pc) =	sbr.rel .LBB2_2-.Ltmp3, $4  }
0x2ff: {  	s15 =	sadd.s32 s12, s23  }
0x300: {  	[tilespmem:s31], [sflag:$0x6] =	stream.linear.gather [hbm4b:s15+s4], $0x400, $0x38;
	[tilespmem:$0x1D000] =	vst v63  }
0x301: {  	s29 =	sadd.s32 s12, s22;
	s12 =	sadd.s32 $0x100, s12;
	s11 =	sadd.s32 $0x800, s11  }
0x302: {  	[tilespmem:s0], [sflag:$0x6] =	stream.linear.gather [hbm4b:s29+s4], $0x400, $0x38;
	[tilespmem:$0x1D000] =	vst v63  }
.LBB2_5:
0x303: {  	_ =	sfence.sel $0x180000  }
0x304: {  	[bflag:$0x0] =	sbarrier.arrive $0xFFFF  }
0x305: {  	_ =	strace $0x9000004A  }
0x306: {  	s0 =	stileid.u32;
	[bflag:$0x2] =	sbarrier.arrive $0xFFFF  }
0x307: {  	p0 =	sne.s32 s0, $0x0;
	s0 =	rddreg [dreg:$0x3]  }
0x308: {  	s0 =	sadd.s32 @!p0 $0x100000, s0  }
0x309: {  	[sflag:s0] =	ssyncadd.tile.s32 @!p0 $0x1;
	_ =	shalt  }
.Lfunc_end2:
_tile_overlayer_lowered:
.L_overlay_start_2:
0x30a: {  	(tag) =	ssettag $0x2  }
0x30b: {  	s0 =	rddreg [dreg:$0x0];
	s2 =	stileid.u32  }
0x30c: {  	s1 =	rddreg [dreg:$0x1];
	p0 =	sne.s32 s2, $0x0  }
0x30d: {  	s3 =	rddreg [dreg:$0x2];
	[bflag:$0x3] =	sbarrier.arrive $0xFFFF;
	s2 =	simm.s32 @!p0 $0x1C08  }
0x30e: {  	[timem:s3], [sflag:s2] =	dma.local @!p0 [hbm:s0], s1  }
0x30f: {  	s0 =	simm.s32 @!p0 $0x8  }
0x310: {  	_ =	swait.ge @!p0 [sflag:s0], s1  }
0x311: {  	s1 =	ssub.s32 @!p0 $0x0, s1;
	[sflag:s0] =	ssyncset.done @!p0 $0x0  }
0x312: {  	[sflag:s0] =	ssyncadd.s32 @!p0 s1  }
0x313: {  	[bflag:$0x3] =	sbarrier.arrive $0xFFFF  }
0x314: {  	_ =	shalt  }

</sc_bundles>
